<compile_context>
chip_gen: v7x
topology: tpu7x:2x2x1
jax: 0.10.2.dev20260603
libtpu: 0.0.44.dev20260713+nightly
codegen_flags: <defaults>
</compile_context>

<pallas_src>
import functools

import jax
import jax.numpy as jnp
from jax import lax
from jax.experimental import pallas as pl
from jax.experimental.pallas import tpu as pltpu
from jax.experimental.pallas import tpu_sc as plsc

N_NODES = 10000
D_FEAT = 128
N_CLS = 64
N_EDGES = 320000

NC = 2
NS = 16
NW = NC * NS
NP = 10240
RPS = NP // NS
CHUNK = 128
NCH = 79
TOT_CH = NW * NCH
EPAD = TOT_CH * CHUNK
K_C0 = 152
K_C1 = 2 * NCH - K_C0

_mesh = plsc.VectorSubcoreMesh(core_axis_name="c", subcore_axis_name="s")
_sc_params = pltpu.CompilerParams(use_tc_tiling_on_sc=False)



@functools.partial(
    pl.kernel,
    mesh=_mesh,
    out_type=jax.ShapeDtypeStruct((NC, NP, 16), jnp.float32),
    compiler_params=_sc_params,
    scratch_types=[
        pltpu.VMEM((NCH, CHUNK), jnp.int32),
        pltpu.VMEM((CHUNK, 16), jnp.float32),
        pltpu.VMEM_SHARED((NP, 16), jnp.float32),
    ],
)
def _sc_degree(dst_hbm, ones_hbm, zeros_hbm, out_hbm, idx_v, ones_v, cnt_sh):
    cid = lax.axis_index("c")
    sid = lax.axis_index("s")
    wid = cid * NS + sid
    pltpu.sync_copy(zeros_hbm, cnt_sh.at[pl.ds(sid * RPS, RPS)])
    pltpu.sync_copy(ones_hbm, ones_v)
    pltpu.sync_copy(dst_hbm.at[pl.ds(wid * NCH, NCH)], idx_v)
    plsc.subcore_barrier()

    @pl.loop(0, NCH)
    def _(g):
        pltpu.sync_copy(ones_v, cnt_sh.at[idx_v.at[g]], add=True)

    plsc.subcore_barrier()
    pltpu.sync_copy(cnt_sh.at[pl.ds(sid * RPS, RPS)],
                    out_hbm.at[cid, pl.ds(sid * RPS, RPS)])


PAGE = 64
NBUF = 4


@functools.partial(
    pl.kernel,
    mesh=_mesh,
    out_type=jax.ShapeDtypeStruct((NC, NP, N_CLS), jnp.float32),
    compiler_params=_sc_params,
    scratch_types=[
        pltpu.VMEM((PAGE, CHUNK), jnp.int32),
        pltpu.VMEM((PAGE, CHUNK), jnp.int32),
        pltpu.VMEM((NBUF, CHUNK, N_CLS), jnp.float32),
        pltpu.VMEM_SHARED((NP, N_CLS), jnp.float32),
        pltpu.SemaphoreType.DMA,
        pltpu.SemaphoreType.DMA,
        pltpu.SemaphoreType.DMA,
        pltpu.SemaphoreType.DMA,
    ],
)
def _sc_hop(z_hbm, src_hbm, dst_hbm, zeros_hbm, out_hbm,
            src_v, dst_v, ring, acc_sh, s0, s1, s2, s3):
    cid = lax.axis_index("c")
    sid = lax.axis_index("s")
    sems = (s0, s1, s2, s3)
    pltpu.sync_copy(zeros_hbm, acc_sh.at[pl.ds(sid * RPS, RPS)])

    def page_loop(kp, base):
        pltpu.sync_copy(src_hbm.at[pl.ds(base, kp)], src_v.at[pl.ds(0, kp)])
        pltpu.sync_copy(dst_hbm.at[pl.ds(base, kp)], dst_v.at[pl.ds(0, kp)])
        for j in range(min(NBUF, kp)):
            pltpu.async_copy(z_hbm.at[src_v.at[j]], ring.at[j], sems[j])
        grp = kp // NBUF
        rem = kp % NBUF
        if grp:
            @pl.loop(0, NBUF * grp, step=NBUF)
            def _(g):
                for j in range(NBUF):
                    pltpu.make_async_copy(
                        z_hbm.at[src_v.at[g + j]], ring.at[j], sems[j]).wait()
                    pltpu.sync_copy(ring.at[j], acc_sh.at[dst_v.at[g + j]],
                                    add=True)

                    @pl.when(g + j + NBUF < kp)
                    def _():
                        pltpu.async_copy(z_hbm.at[src_v.at[g + j + NBUF]],
                                         ring.at[j], sems[j])
        for j in range(rem):
            i = NBUF * grp + j
            pltpu.make_async_copy(z_hbm.at[src_v.at[i]], ring.at[j],
                                  sems[j]).wait()
            pltpu.sync_copy(ring.at[j], acc_sh.at[dst_v.at[i]], add=True)

    def edge_loop(k, base):
        off = 0
        while off < k:
            kp = min(PAGE, k - off)
            page_loop(kp, base + off)
            off += kp

    @pl.when(cid == 0)
    def _():
        edge_loop(K_C0, sid * K_C0)

    @pl.when(cid == 1)
    def _():
        edge_loop(K_C1, NS * K_C0 + sid * K_C1)

    plsc.subcore_barrier()
    pltpu.sync_copy(acc_sh.at[pl.ds(sid * RPS, RPS)],
                    out_hbm.at[cid, pl.ds(sid * RPS, RPS)])



NR = NP // 2
NCR = NP * 16 // 128


def _tc_project(x2, B2):
    blk = 1024

    def body(x_ref, w_ref, o_ref):
        o_ref[...] = lax.dot_general(
            x_ref[...], w_ref[...], (((1,), (0,)), ((), ())),
            preferred_element_type=jnp.float32)

    return pl.pallas_call(
        body,
        grid=(NR // blk,),
        in_specs=[pl.BlockSpec((blk, 2 * D_FEAT), lambda i: (i, 0)),
                  pl.BlockSpec((2 * D_FEAT, 128), lambda i: (0, 0))],
        out_specs=pl.BlockSpec((blk, 128), lambda i: (i, 0)),
        out_shape=jax.ShapeDtypeStruct((NR, 128), jnp.float32),
    )(x2, B2)


def _tc_prep(d128, y):
    blk = 1024

    def body(d_ref, y_ref, z_ref):
        z_ref[...] = lax.rsqrt(d_ref[...]) * y_ref[...]

    return pl.pallas_call(
        body,
        grid=(NR // blk,),
        in_specs=[pl.BlockSpec((blk, 128), lambda i: (i, 0)),
                  pl.BlockSpec((blk, 128), lambda i: (i, 0))],
        out_specs=pl.BlockSpec((blk, 128), lambda i: (i, 0)),
        out_shape=jax.ShapeDtypeStruct((NR, 128), jnp.float32),
    )(d128, y)


def _tc_combine(s_r, z1, d128):
    blk = 1024

    def body(s_ref, z_ref, d_ref, o_ref):
        o_ref[...] = (s_ref[0] + s_ref[1] + z_ref[...]) / d_ref[...]

    return pl.pallas_call(
        body,
        grid=(NR // blk,),
        in_specs=[pl.BlockSpec((NC, blk, 128), lambda i: (0, i, 0)),
                  pl.BlockSpec((blk, 128), lambda i: (i, 0)),
                  pl.BlockSpec((blk, 128), lambda i: (i, 0))],
        out_specs=pl.BlockSpec((blk, 128), lambda i: (i, 0)),
        out_shape=jax.ShapeDtypeStruct((NR, 128), jnp.float32),
    )(s_r, z1, d128)


def _tc_final(s_r, z2, d128, b128):
    blk = 1000

    def body(s_ref, z_ref, d_ref, b_ref, o_ref):
        u = lax.rsqrt(d_ref[...]) * (s_ref[0] + s_ref[1] + z_ref[...]) + b_ref[...]
        for h in (0, 1):
            v = u[:, h * 64:(h + 1) * 64]
            m = jnp.max(v, axis=1, keepdims=True)
            e = jnp.exp(v - m)
            lse = jnp.log(jnp.sum(e, axis=1, keepdims=True))
            o_ref[:, h * 64:(h + 1) * 64] = v - m - lse

    return pl.pallas_call(
        body,
        grid=(N_NODES // (2 * blk),),
        in_specs=[pl.BlockSpec((NC, blk, 128), lambda i: (0, i, 0)),
                  pl.BlockSpec((blk, 128), lambda i: (i, 0)),
                  pl.BlockSpec((blk, 128), lambda i: (i, 0)),
                  pl.BlockSpec((1, 128), lambda i: (0, 0))],
        out_specs=pl.BlockSpec((blk, 128), lambda i: (i, 0)),
        out_shape=jax.ShapeDtypeStruct((N_NODES // 2, 128), jnp.float32),
    )(s_r, z2, d128, b128)



def kernel(x, edge_index, W, b):
    src = edge_index[0].astype(jnp.int32)
    dst = edge_index[1].astype(jnp.int32)
    pad = jnp.full((EPAD - N_EDGES,), N_NODES, jnp.int32)
    src3 = jnp.concatenate([src, pad]).reshape(TOT_CH, CHUNK)
    dst3 = jnp.concatenate([dst, pad]).reshape(TOT_CH, CHUNK)
    x2 = jnp.pad(x, ((0, NP - N_NODES), (0, 0))).reshape(NR, 2 * D_FEAT)
    wt = W.T
    B2 = jnp.concatenate(
        [jnp.concatenate([wt, jnp.zeros_like(wt)], axis=1),
         jnp.concatenate([jnp.zeros_like(wt), wt], axis=1)], axis=0)
    b128 = jnp.concatenate([b, b]).reshape(1, 128)

    ones16 = jnp.ones((CHUNK, 16), jnp.float32)
    zeros16 = jnp.zeros((RPS, 16), jnp.float32)
    zeros64 = jnp.zeros((RPS, N_CLS), jnp.float32)

    cnt = _sc_degree(dst3, ones16, zeros16)
    deg = cnt[0, :, 0] + cnt[1, :, 0] + 1.0
    d128 = jnp.broadcast_to(deg.reshape(NR, 2, 1), (NR, 2, 64)).reshape(NR, 128)
    y = _tc_project(x2, B2)
    z1 = _tc_prep(d128, y)
    s1 = _sc_hop(z1.reshape(NP, N_CLS), src3, dst3, zeros64)
    z2 = _tc_combine(s1.reshape(NC, NR, 128), z1, d128)
    s2 = _sc_hop(z2.reshape(NP, N_CLS), src3, dst3, zeros64)
    o128 = _tc_final(s2.reshape(NC, NR, 128), z2, d128, b128)
    return o128.reshape(N_NODES, N_CLS)

# --- scband reference (transcript-rebuilt; emitter-appended) ---
"""Pipeline reference for scband-sgc-62663572848806 (READ-ONLY COPY).

The authoritative reference and input builder live on the scoring server;
editing this copy changes nothing except your own understanding.
"""

import jax, jax.numpy as jnp
import numpy as np

N_NODES = 10000
N_EDGES = 320000
D_FEAT = 128
NUM_CLASSES = 64
K_HOPS = 2


def setup_inputs(seed: int = 0) -> dict:
    key = jax.random.key(seed)
    k_x, k_ei, k_w, k_b = jax.random.split(key, 4)
    x = jax.random.normal(k_x, (N_NODES, D_FEAT), dtype=jnp.float32)
    edge_index = jax.random.randint(k_ei, (2, N_EDGES), 0, N_NODES, dtype=jnp.int64)
    # Linear layer params (PyG SGConv lin: Linear(input_dim, num_classes, bias=True))
    bound = 1.0 / np.sqrt(D_FEAT)
    W = jax.random.uniform(k_w, (NUM_CLASSES, D_FEAT), minval=-bound, maxval=bound, dtype=jnp.float32)
    b = jax.random.uniform(k_b, (NUM_CLASSES,), minval=-bound, maxval=bound, dtype=jnp.float32)
    return {"x": x, "edge_index": edge_index, "W": W, "b": b}


def reference(x, edge_index, W, b):
    N = x.shape[0]
    src = edge_index[0]
    dst = edge_index[1]
    # add self loops
    loop = jnp.arange(N, dtype=edge_index.dtype)
    src = jnp.concatenate([src, loop])
    dst = jnp.concatenate([dst, loop])
    # GCN normalization: deg computed on dst with unit edge weights
    deg = jnp.zeros((N,), dtype=x.dtype).at[dst].add(1.0)
    deg_inv_sqrt = jnp.where(deg > 0, deg ** -0.5, 0.0)
    norm = deg_inv_sqrt[src] * deg_inv_sqrt[dst]
    # K-hop propagation: x <- A_hat x, repeated K times
    h = x
    for _ in range(K_HOPS):
        msgs = norm[:, None] * h[src]
        h = jax.ops.segment_sum(msgs, dst, num_segments=N)
    out = h @ W.T + b
    return jax.nn.log_softmax(out, axis=1)

if __name__ == "__main__":
    import jax
    _d = setup_inputs()
    print(jax.jit(kernel)(*tuple(_d.values())))

</pallas_src>

<mosaic_0001>
#map = affine_map<(d0, d1) -> (0, 0)>
#map1 = affine_map<(d0, d1) -> (0, 0, 0)>
module attributes {stable_mosaic.version = 14 : i64} {
  func.func @_sc_degree(%arg0: i32, %arg1: i32, %arg2: memref<2528x128xi32, #tpu.memory_space<hbm>>, %arg3: memref<128x16xf32, #tpu.memory_space<hbm>>, %arg4: memref<640x16xf32, #tpu.memory_space<hbm>>, %arg5: memref<2x10240x16xf32, #tpu.memory_space<hbm>>, %arg6: memref<79x128xi32, #tpu.memory_space<vmem>>, %arg7: memref<128x16xf32, #tpu.memory_space<vmem>>, %arg8: memref<10240x16xf32, #tpu.memory_space<vmem_shared>>) attributes {dimension_semantics = [#tpu.dimension_semantics<core_parallel>, #tpu.dimension_semantics<subcore_parallel>], iteration_bounds = array<i64: 2, 16>, scalar_prefetch = 0 : i64, scratch_operands = 3 : i64, tpu.core_type = #tpu.core_type<sc_vector_subcore>, window_params = [{transform_indices = #map}, {transform_indices = #map}, {transform_indices = #map}, {transform_indices = #map1}]} {
    %mul3A = arith.constant 16 : i32
    %mul3A_0 = arith.muli %arg0, %mul3A : i32
    %add3A = arith.addi %mul3A_0, %arg1 : i32
    %mul3A_1 = arith.constant 640 : i32
    %mul3A_2 = arith.muli %arg1, %mul3A_1 : i32
    "tpu.region"() ({
      %run_scoped3A = tpu.sem_alloc : memref<!tpu.dma_semaphore, #tpu.memory_space<semaphore_mem>>
      %dma_start3A = arith.constant 0 : i32
      %dma_start3A_14 = tpu.memref_slice %arg8[%mul3A_2, %dma_start3A] : memref<10240x16xf32, #tpu.memory_space<vmem_shared>> -> memref<640x16xf32, #tpu.memory_space<vmem_shared>>
      tpu.enqueue_dma source(%arg4 : memref<640x16xf32, #tpu.memory_space<hbm>>) target(%dma_start3A_14 : memref<640x16xf32, #tpu.memory_space<vmem_shared>>) target_semaphore(%run_scoped3A : memref<!tpu.dma_semaphore, #tpu.memory_space<semaphore_mem>>)
      %dma_wait3A = arith.constant 0 : i32
      %dma_wait3A_15 = tpu.memref_slice %arg8[%mul3A_2, %dma_wait3A] : memref<10240x16xf32, #tpu.memory_space<vmem_shared>> -> memref<640x16xf32, #tpu.memory_space<vmem_shared>>
      tpu.wait_dma2 semaphore(%run_scoped3A : memref<!tpu.dma_semaphore, #tpu.memory_space<semaphore_mem>>) src(%arg4 : memref<640x16xf32, #tpu.memory_space<hbm>>) dst(%dma_wait3A_15 : memref<640x16xf32, #tpu.memory_space<vmem_shared>>)
      tpu.yield
    }) : () -> ()
    "tpu.region"() ({
      %run_scoped3A = tpu.sem_alloc : memref<!tpu.dma_semaphore, #tpu.memory_space<semaphore_mem>>
      tpu.enqueue_dma source(%arg3 : memref<128x16xf32, #tpu.memory_space<hbm>>) target(%arg7 : memref<128x16xf32, #tpu.memory_space<vmem>>) target_semaphore(%run_scoped3A : memref<!tpu.dma_semaphore, #tpu.memory_space<semaphore_mem>>)
      tpu.wait_dma2 semaphore(%run_scoped3A : memref<!tpu.dma_semaphore, #tpu.memory_space<semaphore_mem>>) src(%arg3 : memref<128x16xf32, #tpu.memory_space<hbm>>) dst(%arg7 : memref<128x16xf32, #tpu.memory_space<vmem>>)
      tpu.yield
    }) : () -> ()
    %mul3A_3 = arith.constant 79 : i32
    %mul3A_4 = arith.muli %add3A, %mul3A_3 : i32
    "tpu.region"() ({
      %run_scoped3A = tpu.sem_alloc : memref<!tpu.dma_semaphore, #tpu.memory_space<semaphore_mem>>
      %dma_start3A = arith.constant 0 : i32
      %dma_start3A_14 = tpu.memref_slice %arg2[%mul3A_4, %dma_start3A] : memref<2528x128xi32, #tpu.memory_space<hbm>> -> memref<79x128xi32, #tpu.memory_space<hbm>>
      %dma_start3A_15 = arith.constant 0 : i32
      %dma_start3A_16 = tpu.memref_slice %arg2[%mul3A_4, %dma_start3A_15] : memref<2528x128xi32, #tpu.memory_space<hbm>> -> memref<79x128xi32, #tpu.memory_space<hbm>>
      tpu.enqueue_dma source(%dma_start3A_16 : memref<79x128xi32, #tpu.memory_space<hbm>>) target(%arg6 : memref<79x128xi32, #tpu.memory_space<vmem>>) target_semaphore(%run_scoped3A : memref<!tpu.dma_semaphore, #tpu.memory_space<semaphore_mem>>)
      %dma_wait3A = arith.constant 0 : i32
      %dma_wait3A_17 = tpu.memref_slice %arg2[%mul3A_4, %dma_wait3A] : memref<2528x128xi32, #tpu.memory_space<hbm>> -> memref<79x128xi32, #tpu.memory_space<hbm>>
      %dma_wait3A_18 = arith.constant 0 : i32
      %dma_wait3A_19 = tpu.memref_slice %arg2[%mul3A_4, %dma_wait3A_18] : memref<2528x128xi32, #tpu.memory_space<hbm>> -> memref<79x128xi32, #tpu.memory_space<hbm>>
      tpu.wait_dma2 semaphore(%run_scoped3A : memref<!tpu.dma_semaphore, #tpu.memory_space<semaphore_mem>>) src(%dma_wait3A_19 : memref<79x128xi32, #tpu.memory_space<hbm>>) dst(%arg6 : memref<79x128xi32, #tpu.memory_space<vmem>>)
      tpu.yield
    }) : () -> ()
    %barrier3A = arith.constant 0 : index
    tpu.barrier barrier_id(%barrier3A)
    %scan3A = arith.constant 0 : i32
    %scan3A_5 = arith.constant 79 : i32
    %scan3A_6 = arith.addi %scan3A, %scan3A_5 : i32
    %scan3A_7 = arith.constant 1 : i32
    scf.for %scan3A_14 = %scan3A to %scan3A_6 step %scan3A_7  : i32 {
      %mul3A_15 = arith.constant 1 : i32
      %mul3A_16 = arith.muli %scan3A_14, %mul3A_15 : i32
      %add3A_17 = arith.constant 0 : i32
      %add3A_18 = arith.addi %add3A_17, %mul3A_16 : i32
      "tpu.region"() ({
        %run_scoped3A = tpu.sem_alloc : memref<!tpu.dma_semaphore, #tpu.memory_space<semaphore_mem>>
        %dma_start3A = arith.constant 0 : i32
        %dma_start3A_19 = tpu.memref_slice %arg6[%add3A_18, %dma_start3A] : memref<79x128xi32, #tpu.memory_space<vmem>> -> memref<1x128xi32, #tpu.memory_space<vmem>>
        %dma_start3A_20 = tpu.memref_squeeze %dma_start3A_19 : memref<1x128xi32, #tpu.memory_space<vmem>> -> memref<128xi32, #tpu.memory_space<vmem>>
        %dma_start3A_21 = arith.constant 0 : i32
        %dma_start3A_22 = arith.constant 0 : i32
        %dma_start3A_23 = tpu.memref_slice %arg8[%dma_start3A_21, %dma_start3A_22] : memref<10240x16xf32, #tpu.memory_space<vmem_shared>> -> memref<10240x16xf32, #tpu.memory_space<vmem_shared>>
        tpu.enqueue_indirect_dma source(%arg7 : memref<128x16xf32, #tpu.memory_space<vmem>>) target(%dma_start3A_23 : memref<10240x16xf32, #tpu.memory_space<vmem_shared>>) offsets(%dma_start3A_20 : memref<128xi32, #tpu.memory_space<vmem>>) semaphore(%run_scoped3A : memref<!tpu.dma_semaphore, #tpu.memory_space<semaphore_mem>>) {add = true}
        %dma_wait3A = arith.constant 0 : i32
        %dma_wait3A_24 = tpu.memref_slice %arg6[%add3A_18, %dma_wait3A] : memref<79x128xi32, #tpu.memory_space<vmem>> -> memref<1x128xi32, #tpu.memory_space<vmem>>
        %dma_wait3A_25 = tpu.memref_squeeze %dma_wait3A_24 : memref<1x128xi32, #tpu.memory_space<vmem>> -> memref<128xi32, #tpu.memory_space<vmem>>
        %dma_wait3A_26 = arith.constant 0 : i32
        %dma_wait3A_27 = arith.constant 0 : i32
        %dma_wait3A_28 = tpu.memref_slice %arg8[%dma_wait3A_26, %dma_wait3A_27] : memref<10240x16xf32, #tpu.memory_space<vmem_shared>> -> memref<10240x16xf32, #tpu.memory_space<vmem_shared>>
        tpu.wait_indirect_dma semaphore(%run_scoped3A : memref<!tpu.dma_semaphore, #tpu.memory_space<semaphore_mem>>) src(%arg7 : memref<128x16xf32, #tpu.memory_space<vmem>>) dst(%dma_wait3A_28 : memref<10240x16xf32, #tpu.memory_space<vmem_shared>>)
        tpu.yield
      }) : () -> ()
    }
    %scan3A_8 = arith.constant 79 : i32
    %barrier3A_9 = arith.constant 0 : index
    tpu.barrier barrier_id(%barrier3A_9)
    %mul3A_10 = arith.constant 640 : i32
    %mul3A_11 = arith.muli %arg1, %mul3A_10 : i32
    %mul3A_12 = arith.constant 640 : i32
    %mul3A_13 = arith.muli %arg1, %mul3A_12 : i32
    "tpu.region"() ({
      %run_scoped3A = tpu.sem_alloc : memref<!tpu.dma_semaphore, #tpu.memory_space<semaphore_mem>>
      %dma_start3A = arith.constant 0 : i32
      %dma_start3A_14 = tpu.memref_slice %arg5[%arg0, %mul3A_13, %dma_start3A] : memref<2x10240x16xf32, #tpu.memory_space<hbm>> -> memref<1x640x16xf32, #tpu.memory_space<hbm>>
      %dma_start3A_15 = tpu.memref_squeeze %dma_start3A_14 : memref<1x640x16xf32, #tpu.memory_space<hbm>> -> memref<640x16xf32, #tpu.memory_space<hbm>>
      %dma_start3A_16 = arith.constant 0 : i32
      %dma_start3A_17 = tpu.memref_slice %arg8[%mul3A_11, %dma_start3A_16] : memref<10240x16xf32, #tpu.memory_space<vmem_shared>> -> memref<640x16xf32, #tpu.memory_space<vmem_shared>>
      tpu.enqueue_dma source(%dma_start3A_17 : memref<640x16xf32, #tpu.memory_space<vmem_shared>>) target(%dma_start3A_15 : memref<640x16xf32, #tpu.memory_space<hbm>>) target_semaphore(%run_scoped3A : memref<!tpu.dma_semaphore, #tpu.memory_space<semaphore_mem>>)
      %dma_wait3A = arith.constant 0 : i32
      %dma_wait3A_18 = tpu.memref_slice %arg5[%arg0, %mul3A_13, %dma_wait3A] : memref<2x10240x16xf32, #tpu.memory_space<hbm>> -> memref<1x640x16xf32, #tpu.memory_space<hbm>>
      %dma_wait3A_19 = tpu.memref_squeeze %dma_wait3A_18 : memref<1x640x16xf32, #tpu.memory_space<hbm>> -> memref<640x16xf32, #tpu.memory_space<hbm>>
      %dma_wait3A_20 = arith.constant 0 : i32
      %dma_wait3A_21 = tpu.memref_slice %arg8[%mul3A_11, %dma_wait3A_20] : memref<10240x16xf32, #tpu.memory_space<vmem_shared>> -> memref<640x16xf32, #tpu.memory_space<vmem_shared>>
      tpu.wait_dma2 semaphore(%run_scoped3A : memref<!tpu.dma_semaphore, #tpu.memory_space<semaphore_mem>>) src(%dma_wait3A_21 : memref<640x16xf32, #tpu.memory_space<vmem_shared>>) dst(%dma_wait3A_19 : memref<640x16xf32, #tpu.memory_space<hbm>>)
      tpu.yield
    }) : () -> ()
    return
  }
}

#map = affine_map<(d0, d1) -> (0, 0)>
#map1 = affine_map<(d0, d1) -> (0, 0, 0)>
module attributes {stable_mosaic.version = 14 : i64} {
  func.func @_sc_hop(%arg0: i32, %arg1: i32, %arg2: memref<10240x64xf32, #tpu.memory_space<hbm>>, %arg3: memref<2528x128xi32, #tpu.memory_space<hbm>>, %arg4: memref<2528x128xi32, #tpu.memory_space<hbm>>, %arg5: memref<640x64xf32, #tpu.memory_space<hbm>>, %arg6: memref<2x10240x64xf32, #tpu.memory_space<hbm>>, %arg7: memref<64x128xi32, #tpu.memory_space<vmem>>, %arg8: memref<64x128xi32, #tpu.memory_space<vmem>>, %arg9: memref<4x128x64xf32, #tpu.memory_space<vmem>>, %arg10: memref<10240x64xf32, #tpu.memory_space<vmem_shared>>, %arg11: memref<!tpu.dma_semaphore, #tpu.memory_space<semaphore_mem>>, %arg12: memref<!tpu.dma_semaphore, #tpu.memory_space<semaphore_mem>>, %arg13: memref<!tpu.dma_semaphore, #tpu.memory_space<semaphore_mem>>, %arg14: memref<!tpu.dma_semaphore, #tpu.memory_space<semaphore_mem>>) attributes {dimension_semantics = [#tpu.dimension_semantics<core_parallel>, #tpu.dimension_semantics<subcore_parallel>], iteration_bounds = array<i64: 2, 16>, scalar_prefetch = 0 : i64, scratch_operands = 8 : i64, tpu.core_type = #tpu.core_type<sc_vector_subcore>, window_params = [{transform_indices = #map}, {transform_indices = #map}, {transform_indices = #map}, {transform_indices = #map}, {transform_indices = #map1}]} {
    %mul3A = arith.constant 640 : i32
    %mul3A_0 = arith.muli %arg1, %mul3A : i32
    "tpu.region"() ({
      %run_scoped3A = tpu.sem_alloc : memref<!tpu.dma_semaphore, #tpu.memory_space<semaphore_mem>>
      %dma_start3A = arith.constant 0 : i32
      %dma_start3A_12 = tpu.memref_slice %arg10[%mul3A_0, %dma_start3A] : memref<10240x64xf32, #tpu.memory_space<vmem_shared>> -> memref<640x64xf32, #tpu.memory_space<vmem_shared>>
      tpu.enqueue_dma source(%arg5 : memref<640x64xf32, #tpu.memory_space<hbm>>) target(%dma_start3A_12 : memref<640x64xf32, #tpu.memory_space<vmem_shared>>) target_semaphore(%run_scoped3A : memref<!tpu.dma_semaphore, #tpu.memory_space<semaphore_mem>>)
      %dma_wait3A = arith.constant 0 : i32
      %dma_wait3A_13 = tpu.memref_slice %arg10[%mul3A_0, %dma_wait3A] : memref<10240x64xf32, #tpu.memory_space<vmem_shared>> -> memref<640x64xf32, #tpu.memory_space<vmem_shared>>
      tpu.wait_dma2 semaphore(%run_scoped3A : memref<!tpu.dma_semaphore, #tpu.memory_space<semaphore_mem>>) src(%arg5 : memref<640x64xf32, #tpu.memory_space<hbm>>) dst(%dma_wait3A_13 : memref<640x64xf32, #tpu.memory_space<vmem_shared>>)
      tpu.yield
    }) : () -> ()
    %eq3A = arith.constant 0 : i32
    %eq3A_1 = arith.cmpi eq, %arg0, %eq3A : i32
    %convert_element_type3A = arith.extui %eq3A_1 : i1 to i32
    %cond3A = arith.constant 0 : i32
    %cond3A_2 = arith.cmpi ne, %convert_element_type3A, %cond3A : i32
    scf.if %cond3A_2 {
      %mul3A_12 = arith.constant 152 : i32
      %mul3A_13 = arith.muli %arg1, %mul3A_12 : i32
      %add3A = arith.constant 0 : i32
      %add3A_14 = arith.addi %mul3A_13, %add3A : i32
      "tpu.region"() ({
        %run_scoped3A = tpu.sem_alloc : memref<!tpu.dma_semaphore, #tpu.memory_space<semaphore_mem>>
        %dma_start3A_176 = arith.constant 0 : i32
        %dma_start3A_177 = arith.constant 0 : i32
        %dma_start3A_178 = tpu.memref_slice %arg7[%dma_start3A_176, %dma_start3A_177] : memref<64x128xi32, #tpu.memory_space<vmem>> -> memref<64x128xi32, #tpu.memory_space<vmem>>
        %dma_start3A_179 = arith.constant 0 : i32
        %dma_start3A_180 = tpu.memref_slice %arg3[%add3A_14, %dma_start3A_179] : memref<2528x128xi32, #tpu.memory_space<hbm>> -> memref<64x128xi32, #tpu.memory_space<hbm>>
        %dma_start3A_181 = arith.constant 0 : i32
        %dma_start3A_182 = arith.constant 0 : i32
        %dma_start3A_183 = tpu.memref_slice %arg7[%dma_start3A_181, %dma_start3A_182] : memref<64x128xi32, #tpu.memory_space<vmem>> -> memref<64x128xi32, #tpu.memory_space<vmem>>
        %dma_start3A_184 = arith.constant 0 : i32
        %dma_start3A_185 = tpu.memref_slice %arg3[%add3A_14, %dma_start3A_184] : memref<2528x128xi32, #tpu.memory_space<hbm>> -> memref<64x128xi32, #tpu.memory_space<hbm>>
        tpu.enqueue_dma source(%dma_start3A_185 : memref<64x128xi32, #tpu.memory_space<hbm>>) target(%dma_start3A_183 : memref<64x128xi32, #tpu.memory_space<vmem>>) target_semaphore(%run_scoped3A : memref<!tpu.dma_semaphore, #tpu.memory_space<semaphore_mem>>)
        %dma_wait3A = arith.constant 0 : i32
        %dma_wait3A_186 = arith.constant 0 : i32
        %dma_wait3A_187 = tpu.memref_slice %arg7[%dma_wait3A, %dma_wait3A_186] : memref<64x128xi32, #tpu.memory_space<vmem>> -> memref<64x128xi32, #tpu.memory_space<vmem>>
        %dma_wait3A_188 = arith.constant 0 : i32
        %dma_wait3A_189 = tpu.memref_slice %arg3[%add3A_14, %dma_wait3A_188] : memref<2528x128xi32, #tpu.memory_space<hbm>> -> memref<64x128xi32, #tpu.memory_space<hbm>>
        %dma_wait3A_190 = arith.constant 0 : i32
        %dma_wait3A_191 = arith.constant 0 : i32
        %dma_wait3A_192 = tpu.memref_slice %arg7[%dma_wait3A_190, %dma_wait3A_191] : memref<64x128xi32, #tpu.memory_space<vmem>> -> memref<64x128xi32, #tpu.memory_space<vmem>>
        %dma_wait3A_193 = arith.constant 0 : i32
        %dma_wait3A_194 = tpu.memref_slice %arg3[%add3A_14, %dma_wait3A_193] : memref<2528x128xi32, #tpu.memory_space<hbm>> -> memref<64x128xi32, #tpu.memory_space<hbm>>
        tpu.wait_dma2 semaphore(%run_scoped3A : memref<!tpu.dma_semaphore, #tpu.memory_space<semaphore_mem>>) src(%dma_wait3A_194 : memref<64x128xi32, #tpu.memory_space<hbm>>) dst(%dma_wait3A_192 : memref<64x128xi32, #tpu.memory_space<vmem>>)
        tpu.yield
      }) : () -> ()
      "tpu.region"() ({
        %run_scoped3A = tpu.sem_alloc : memref<!tpu.dma_semaphore, #tpu.memory_space<semaphore_mem>>
        %dma_start3A_176 = arith.constant 0 : i32
        %dma_start3A_177 = arith.constant 0 : i32
        %dma_start3A_178 = tpu.memref_slice %arg8[%dma_start3A_176, %dma_start3A_177] : memref<64x128xi32, #tpu.memory_space<vmem>> -> memref<64x128xi32, #tpu.memory_space<vmem>>
        %dma_start3A_179 = arith.constant 0 : i32
        %dma_start3A_180 = tpu.memref_slice %arg4[%add3A_14, %dma_start3A_179] : memref<2528x128xi32, #tpu.memory_space<hbm>> -> memref<64x128xi32, #tpu.memory_space<hbm>>
        %dma_start3A_181 = arith.constant 0 : i32
        %dma_start3A_182 = arith.constant 0 : i32
        %dma_start3A_183 = tpu.memref_slice %arg8[%dma_start3A_181, %dma_start3A_182] : memref<64x128xi32, #tpu.memory_space<vmem>> -> memref<64x128xi32, #tpu.memory_space<vmem>>
        %dma_start3A_184 = arith.constant 0 : i32
        %dma_start3A_185 = tpu.memref_slice %arg4[%add3A_14, %dma_start3A_184] : memref<2528x128xi32, #tpu.memory_space<hbm>> -> memref<64x128xi32, #tpu.memory_space<hbm>>
        tpu.enqueue_dma source(%dma_start3A_185 : memref<64x128xi32, #tpu.memory_space<hbm>>) target(%dma_start3A_183 : memref<64x128xi32, #tpu.memory_space<vmem>>) target_semaphore(%run_scoped3A : memref<!tpu.dma_semaphore, #tpu.memory_space<semaphore_mem>>)
        %dma_wait3A = arith.constant 0 : i32
        %dma_wait3A_186 = arith.constant 0 : i32
        %dma_wait3A_187 = tpu.memref_slice %arg8[%dma_wait3A, %dma_wait3A_186] : memref<64x128xi32, #tpu.memory_space<vmem>> -> memref<64x128xi32, #tpu.memory_space<vmem>>
        %dma_wait3A_188 = arith.constant 0 : i32
        %dma_wait3A_189 = tpu.memref_slice %arg4[%add3A_14, %dma_wait3A_188] : memref<2528x128xi32, #tpu.memory_space<hbm>> -> memref<64x128xi32, #tpu.memory_space<hbm>>
        %dma_wait3A_190 = arith.constant 0 : i32
        %dma_wait3A_191 = arith.constant 0 : i32
        %dma_wait3A_192 = tpu.memref_slice %arg8[%dma_wait3A_190, %dma_wait3A_191] : memref<64x128xi32, #tpu.memory_space<vmem>> -> memref<64x128xi32, #tpu.memory_space<vmem>>
        %dma_wait3A_193 = arith.constant 0 : i32
        %dma_wait3A_194 = tpu.memref_slice %arg4[%add3A_14, %dma_wait3A_193] : memref<2528x128xi32, #tpu.memory_space<hbm>> -> memref<64x128xi32, #tpu.memory_space<hbm>>
        tpu.wait_dma2 semaphore(%run_scoped3A : memref<!tpu.dma_semaphore, #tpu.memory_space<semaphore_mem>>) src(%dma_wait3A_194 : memref<64x128xi32, #tpu.memory_space<hbm>>) dst(%dma_wait3A_192 : memref<64x128xi32, #tpu.memory_space<vmem>>)
        tpu.yield
      }) : () -> ()
      %dma_start3A = arith.constant 0 : i32
      %dma_start3A_15 = arith.constant 0 : i32
      %dma_start3A_16 = arith.constant 0 : i32
      %dma_start3A_17 = arith.constant 0 : i32
      %dma_start3A_18 = tpu.memref_slice %arg9[%dma_start3A_15, %dma_start3A_16, %dma_start3A_17] : memref<4x128x64xf32, #tpu.memory_space<vmem>> -> memref<1x128x64xf32, #tpu.memory_space<vmem>>
      %dma_start3A_19 = tpu.memref_squeeze %dma_start3A_18 : memref<1x128x64xf32, #tpu.memory_space<vmem>> -> memref<128x64xf32, #tpu.memory_space<vmem>>
      %dma_start3A_20 = arith.constant 0 : i32
      %dma_start3A_21 = tpu.memref_slice %arg7[%dma_start3A, %dma_start3A_20] : memref<64x128xi32, #tpu.memory_space<vmem>> -> memref<1x128xi32, #tpu.memory_space<vmem>>
      %dma_start3A_22 = tpu.memref_squeeze %dma_start3A_21 : memref<1x128xi32, #tpu.memory_space<vmem>> -> memref<128xi32, #tpu.memory_space<vmem>>
      %dma_start3A_23 = arith.constant 0 : i32
      %dma_start3A_24 = arith.constant 0 : i32
      %dma_start3A_25 = tpu.memref_slice %arg2[%dma_start3A_23, %dma_start3A_24] : memref<10240x64xf32, #tpu.memory_space<hbm>> -> memref<10240x64xf32, #tpu.memory_space<hbm>>
      tpu.enqueue_indirect_dma source(%dma_start3A_25 : memref<10240x64xf32, #tpu.memory_space<hbm>>) target(%dma_start3A_19 : memref<128x64xf32, #tpu.memory_space<vmem>>) offsets(%dma_start3A_22 : memref<128xi32, #tpu.memory_space<vmem>>) semaphore(%arg11 : memref<!tpu.dma_semaphore, #tpu.memory_space<semaphore_mem>>)
      %dma_start3A_26 = arith.constant 1 : i32
      %dma_start3A_27 = arith.constant 1 : i32
      %dma_start3A_28 = arith.constant 0 : i32
      %dma_start3A_29 = arith.constant 0 : i32
      %dma_start3A_30 = tpu.memref_slice %arg9[%dma_start3A_27, %dma_start3A_28, %dma_start3A_29] : memref<4x128x64xf32, #tpu.memory_space<vmem>> -> memref<1x128x64xf32, #tpu.memory_space<vmem>>
      %dma_start3A_31 = tpu.memref_squeeze %dma_start3A_30 : memref<1x128x64xf32, #tpu.memory_space<vmem>> -> memref<128x64xf32, #tpu.memory_space<vmem>>
      %dma_start3A_32 = arith.constant 0 : i32
      %dma_start3A_33 = tpu.memref_slice %arg7[%dma_start3A_26, %dma_start3A_32] : memref<64x128xi32, #tpu.memory_space<vmem>> -> memref<1x128xi32, #tpu.memory_space<vmem>>
      %dma_start3A_34 = tpu.memref_squeeze %dma_start3A_33 : memref<1x128xi32, #tpu.memory_space<vmem>> -> memref<128xi32, #tpu.memory_space<vmem>>
      %dma_start3A_35 = arith.constant 0 : i32
      %dma_start3A_36 = arith.constant 0 : i32
      %dma_start3A_37 = tpu.memref_slice %arg2[%dma_start3A_35, %dma_start3A_36] : memref<10240x64xf32, #tpu.memory_space<hbm>> -> memref<10240x64xf32, #tpu.memory_space<hbm>>
      tpu.enqueue_indirect_dma source(%dma_start3A_37 : memref<10240x64xf32, #tpu.memory_space<hbm>>) target(%dma_start3A_31 : memref<128x64xf32, #tpu.memory_space<vmem>>) offsets(%dma_start3A_34 : memref<128xi32, #tpu.memory_space<vmem>>) semaphore(%arg12 : memref<!tpu.dma_semaphore, #tpu.memory_space<semaphore_mem>>)
      %dma_start3A_38 = arith.constant 2 : i32
      %dma_start3A_39 = arith.constant 2 : i32
      %dma_start3A_40 = arith.constant 0 : i32
      %dma_start3A_41 = arith.constant 0 : i32
      %dma_start3A_42 = tpu.memref_slice %arg9[%dma_start3A_39, %dma_start3A_40, %dma_start3A_41] : memref<4x128x64xf32, #tpu.memory_space<vmem>> -> memref<1x128x64xf32, #tpu.memory_space<vmem>>
      %dma_start3A_43 = tpu.memref_squeeze %dma_start3A_42 : memref<1x128x64xf32, #tpu.memory_space<vmem>> -> memref<128x64xf32, #tpu.memory_space<vmem>>
      %dma_start3A_44 = arith.constant 0 : i32
      %dma_start3A_45 = tpu.memref_slice %arg7[%dma_start3A_38, %dma_start3A_44] : memref<64x128xi32, #tpu.memory_space<vmem>> -> memref<1x128xi32, #tpu.memory_space<vmem>>
      %dma_start3A_46 = tpu.memref_squeeze %dma_start3A_45 : memref<1x128xi32, #tpu.memory_space<vmem>> -> memref<128xi32, #tpu.memory_space<vmem>>
      %dma_start3A_47 = arith.constant 0 : i32
      %dma_start3A_48 = arith.constant 0 : i32
      %dma_start3A_49 = tpu.memref_slice %arg2[%dma_start3A_47, %dma_start3A_48] : memref<10240x64xf32, #tpu.memory_space<hbm>> -> memref<10240x64xf32, #tpu.memory_space<hbm>>
      tpu.enqueue_indirect_dma source(%dma_start3A_49 : memref<10240x64xf32, #tpu.memory_space<hbm>>) target(%dma_start3A_43 : memref<128x64xf32, #tpu.memory_space<vmem>>) offsets(%dma_start3A_46 : memref<128xi32, #tpu.memory_space<vmem>>) semaphore(%arg13 : memref<!tpu.dma_semaphore, #tpu.memory_space<semaphore_mem>>)
      %dma_start3A_50 = arith.constant 3 : i32
      %dma_start3A_51 = arith.constant 3 : i32
      %dma_start3A_52 = arith.constant 0 : i32
      %dma_start3A_53 = arith.constant 0 : i32
      %dma_start3A_54 = tpu.memref_slice %arg9[%dma_start3A_51, %dma_start3A_52, %dma_start3A_53] : memref<4x128x64xf32, #tpu.memory_space<vmem>> -> memref<1x128x64xf32, #tpu.memory_space<vmem>>
      %dma_start3A_55 = tpu.memref_squeeze %dma_start3A_54 : memref<1x128x64xf32, #tpu.memory_space<vmem>> -> memref<128x64xf32, #tpu.memory_space<vmem>>
      %dma_start3A_56 = arith.constant 0 : i32
      %dma_start3A_57 = tpu.memref_slice %arg7[%dma_start3A_50, %dma_start3A_56] : memref<64x128xi32, #tpu.memory_space<vmem>> -> memref<1x128xi32, #tpu.memory_space<vmem>>
      %dma_start3A_58 = tpu.memref_squeeze %dma_start3A_57 : memref<1x128xi32, #tpu.memory_space<vmem>> -> memref<128xi32, #tpu.memory_space<vmem>>
      %dma_start3A_59 = arith.constant 0 : i32
      %dma_start3A_60 = arith.constant 0 : i32
      %dma_start3A_61 = tpu.memref_slice %arg2[%dma_start3A_59, %dma_start3A_60] : memref<10240x64xf32, #tpu.memory_space<hbm>> -> memref<10240x64xf32, #tpu.memory_space<hbm>>
      tpu.enqueue_indirect_dma source(%dma_start3A_61 : memref<10240x64xf32, #tpu.memory_space<hbm>>) target(%dma_start3A_55 : memref<128x64xf32, #tpu.memory_space<vmem>>) offsets(%dma_start3A_58 : memref<128xi32, #tpu.memory_space<vmem>>) semaphore(%arg14 : memref<!tpu.dma_semaphore, #tpu.memory_space<semaphore_mem>>)
      %scan3A = arith.constant 0 : i32
      %scan3A_62 = arith.constant 16 : i32
      %scan3A_63 = arith.addi %scan3A, %scan3A_62 : i32
      %scan3A_64 = arith.constant 1 : i32
      scf.for %scan3A_176 = %scan3A to %scan3A_63 step %scan3A_64  : i32 {
        %mul3A_177 = arith.constant 4 : i32
        %mul3A_178 = arith.muli %scan3A_176, %mul3A_177 : i32
        %add3A_179 = arith.constant 0 : i32
        %add3A_180 = arith.addi %add3A_179, %mul3A_178 : i32
        %add3A_181 = arith.constant 0 : i32
        %add3A_182 = arith.addi %add3A_180, %add3A_181 : i32
        %dma_wait3A = arith.constant 0 : i32
        %dma_wait3A_183 = arith.constant 0 : i32
        %dma_wait3A_184 = arith.constant 0 : i32
        %dma_wait3A_185 = tpu.memref_slice %arg9[%dma_wait3A, %dma_wait3A_183, %dma_wait3A_184] : memref<4x128x64xf32, #tpu.memory_space<vmem>> -> memref<1x128x64xf32, #tpu.memory_space<vmem>>
        %dma_wait3A_186 = tpu.memref_squeeze %dma_wait3A_185 : memref<1x128x64xf32, #tpu.memory_space<vmem>> -> memref<128x64xf32, #tpu.memory_space<vmem>>
        %dma_wait3A_187 = arith.constant 0 : i32
        %dma_wait3A_188 = tpu.memref_slice %arg7[%add3A_182, %dma_wait3A_187] : memref<64x128xi32, #tpu.memory_space<vmem>> -> memref<1x128xi32, #tpu.memory_space<vmem>>
        %dma_wait3A_189 = tpu.memref_squeeze %dma_wait3A_188 : memref<1x128xi32, #tpu.memory_space<vmem>> -> memref<128xi32, #tpu.memory_space<vmem>>
        %dma_wait3A_190 = arith.constant 0 : i32
        %dma_wait3A_191 = arith.constant 0 : i32
        %dma_wait3A_192 = tpu.memref_slice %arg2[%dma_wait3A_190, %dma_wait3A_191] : memref<10240x64xf32, #tpu.memory_space<hbm>> -> memref<10240x64xf32, #tpu.memory_space<hbm>>
        tpu.wait_indirect_dma semaphore(%arg11 : memref<!tpu.dma_semaphore, #tpu.memory_space<semaphore_mem>>) src(%dma_wait3A_192 : memref<10240x64xf32, #tpu.memory_space<hbm>>) dst(%dma_wait3A_186 : memref<128x64xf32, #tpu.memory_space<vmem>>)
        %add3A_193 = arith.constant 0 : i32
        %add3A_194 = arith.addi %add3A_180, %add3A_193 : i32
        %run_scoped3A = arith.constant 0 : i32
        "tpu.region"() ({
          %run_scoped3A_278 = tpu.sem_alloc : memref<!tpu.dma_semaphore, #tpu.memory_space<semaphore_mem>>
          %dma_start3A_279 = arith.constant 0 : i32
          %dma_start3A_280 = arith.constant 0 : i32
          %dma_start3A_281 = tpu.memref_slice %arg9[%run_scoped3A, %dma_start3A_279, %dma_start3A_280] : memref<4x128x64xf32, #tpu.memory_space<vmem>> -> memref<1x128x64xf32, #tpu.memory_space<vmem>>
          %dma_start3A_282 = tpu.memref_squeeze %dma_start3A_281 : memref<1x128x64xf32, #tpu.memory_space<vmem>> -> memref<128x64xf32, #tpu.memory_space<vmem>>
          %dma_start3A_283 = arith.constant 0 : i32
          %dma_start3A_284 = tpu.memref_slice %arg8[%add3A_194, %dma_start3A_283] : memref<64x128xi32, #tpu.memory_space<vmem>> -> memref<1x128xi32, #tpu.memory_space<vmem>>
          %dma_start3A_285 = tpu.memref_squeeze %dma_start3A_284 : memref<1x128xi32, #tpu.memory_space<vmem>> -> memref<128xi32, #tpu.memory_space<vmem>>
          %dma_start3A_286 = arith.constant 0 : i32
          %dma_start3A_287 = arith.constant 0 : i32
          %dma_start3A_288 = tpu.memref_slice %arg10[%dma_start3A_286, %dma_start3A_287] : memref<10240x64xf32, #tpu.memory_space<vmem_shared>> -> memref<10240x64xf32, #tpu.memory_space<vmem_shared>>
          tpu.enqueue_indirect_dma source(%dma_start3A_282 : memref<128x64xf32, #tpu.memory_space<vmem>>) target(%dma_start3A_288 : memref<10240x64xf32, #tpu.memory_space<vmem_shared>>) offsets(%dma_start3A_285 : memref<128xi32, #tpu.memory_space<vmem>>) semaphore(%run_scoped3A_278 : memref<!tpu.dma_semaphore, #tpu.memory_space<semaphore_mem>>) {add = true}
          %dma_wait3A_289 = arith.constant 0 : i32
          %dma_wait3A_290 = arith.constant 0 : i32
          %dma_wait3A_291 = tpu.memref_slice %arg9[%run_scoped3A, %dma_wait3A_289, %dma_wait3A_290] : memref<4x128x64xf32, #tpu.memory_space<vmem>> -> memref<1x128x64xf32, #tpu.memory_space<vmem>>
          %dma_wait3A_292 = tpu.memref_squeeze %dma_wait3A_291 : memref<1x128x64xf32, #tpu.memory_space<vmem>> -> memref<128x64xf32, #tpu.memory_space<vmem>>
          %dma_wait3A_293 = arith.constant 0 : i32
          %dma_wait3A_294 = tpu.memref_slice %arg8[%add3A_194, %dma_wait3A_293] : memref<64x128xi32, #tpu.memory_space<vmem>> -> memref<1x128xi32, #tpu.memory_space<vmem>>
          %dma_wait3A_295 = tpu.memref_squeeze %dma_wait3A_294 : memref<1x128xi32, #tpu.memory_space<vmem>> -> memref<128xi32, #tpu.memory_space<vmem>>
          %dma_wait3A_296 = arith.constant 0 : i32
          %dma_wait3A_297 = arith.constant 0 : i32
          %dma_wait3A_298 = tpu.memref_slice %arg10[%dma_wait3A_296, %dma_wait3A_297] : memref<10240x64xf32, #tpu.memory_space<vmem_shared>> -> memref<10240x64xf32, #tpu.memory_space<vmem_shared>>
          tpu.wait_indirect_dma semaphore(%run_scoped3A_278 : memref<!tpu.dma_semaphore, #tpu.memory_space<semaphore_mem>>) src(%dma_wait3A_292 : memref<128x64xf32, #tpu.memory_space<vmem>>) dst(%dma_wait3A_298 : memref<10240x64xf32, #tpu.memory_space<vmem_shared>>)
          tpu.yield
        }) : () -> ()
        %add3A_195 = arith.constant 0 : i32
        %add3A_196 = arith.addi %add3A_180, %add3A_195 : i32
        %add3A_197 = arith.constant 4 : i32
        %add3A_198 = arith.addi %add3A_196, %add3A_197 : i32
        %lt3A = arith.constant 64 : i32
        %lt3A_199 = arith.cmpi slt, %add3A_198, %lt3A : i32
        %convert_element_type3A_200 = arith.extui %lt3A_199 : i1 to i32
        %cond3A_201 = arith.constant 0 : i32
        %cond3A_202 = arith.cmpi ne, %convert_element_type3A_200, %cond3A_201 : i32
        scf.if %cond3A_202 {
          %add3A_278 = arith.constant 0 : i32
          %add3A_279 = arith.addi %add3A_180, %add3A_278 : i32
          %add3A_280 = arith.constant 4 : i32
          %add3A_281 = arith.addi %add3A_279, %add3A_280 : i32
          %dma_start3A_282 = arith.constant 0 : i32
          %dma_start3A_283 = arith.constant 0 : i32
          %dma_start3A_284 = arith.constant 0 : i32
          %dma_start3A_285 = tpu.memref_slice %arg9[%dma_start3A_282, %dma_start3A_283, %dma_start3A_284] : memref<4x128x64xf32, #tpu.memory_space<vmem>> -> memref<1x128x64xf32, #tpu.memory_space<vmem>>
          %dma_start3A_286 = tpu.memref_squeeze %dma_start3A_285 : memref<1x128x64xf32, #tpu.memory_space<vmem>> -> memref<128x64xf32, #tpu.memory_space<vmem>>
          %dma_start3A_287 = arith.constant 0 : i32
          %dma_start3A_288 = tpu.memref_slice %arg7[%add3A_281, %dma_start3A_287] : memref<64x128xi32, #tpu.memory_space<vmem>> -> memref<1x128xi32, #tpu.memory_space<vmem>>
          %dma_start3A_289 = tpu.memref_squeeze %dma_start3A_288 : memref<1x128xi32, #tpu.memory_space<vmem>> -> memref<128xi32, #tpu.memory_space<vmem>>
          %dma_start3A_290 = arith.constant 0 : i32
          %dma_start3A_291 = arith.constant 0 : i32
          %dma_start3A_292 = tpu.memref_slice %arg2[%dma_start3A_290, %dma_start3A_291] : memref<10240x64xf32, #tpu.memory_space<hbm>> -> memref<10240x64xf32, #tpu.memory_space<hbm>>
          tpu.enqueue_indirect_dma source(%dma_start3A_292 : memref<10240x64xf32, #tpu.memory_space<hbm>>) target(%dma_start3A_286 : memref<128x64xf32, #tpu.memory_space<vmem>>) offsets(%dma_start3A_289 : memref<128xi32, #tpu.memory_space<vmem>>) semaphore(%arg11 : memref<!tpu.dma_semaphore, #tpu.memory_space<semaphore_mem>>)
        } else {
        }
        %add3A_203 = arith.constant 1 : i32
        %add3A_204 = arith.addi %add3A_180, %add3A_203 : i32
        %dma_wait3A_205 = arith.constant 1 : i32
        %dma_wait3A_206 = arith.constant 0 : i32
        %dma_wait3A_207 = arith.constant 0 : i32
        %dma_wait3A_208 = tpu.memref_slice %arg9[%dma_wait3A_205, %dma_wait3A_206, %dma_wait3A_207] : memref<4x128x64xf32, #tpu.memory_space<vmem>> -> memref<1x128x64xf32, #tpu.memory_space<vmem>>
        %dma_wait3A_209 = tpu.memref_squeeze %dma_wait3A_208 : memref<1x128x64xf32, #tpu.memory_space<vmem>> -> memref<128x64xf32, #tpu.memory_space<vmem>>
        %dma_wait3A_210 = arith.constant 0 : i32
        %dma_wait3A_211 = tpu.memref_slice %arg7[%add3A_204, %dma_wait3A_210] : memref<64x128xi32, #tpu.memory_space<vmem>> -> memref<1x128xi32, #tpu.memory_space<vmem>>
        %dma_wait3A_212 = tpu.memref_squeeze %dma_wait3A_211 : memref<1x128xi32, #tpu.memory_space<vmem>> -> memref<128xi32, #tpu.memory_space<vmem>>
        %dma_wait3A_213 = arith.constant 0 : i32
        %dma_wait3A_214 = arith.constant 0 : i32
        %dma_wait3A_215 = tpu.memref_slice %arg2[%dma_wait3A_213, %dma_wait3A_214] : memref<10240x64xf32, #tpu.memory_space<hbm>> -> memref<10240x64xf32, #tpu.memory_space<hbm>>
        tpu.wait_indirect_dma semaphore(%arg12 : memref<!tpu.dma_semaphore, #tpu.memory_space<semaphore_mem>>) src(%dma_wait3A_215 : memref<10240x64xf32, #tpu.memory_space<hbm>>) dst(%dma_wait3A_209 : memref<128x64xf32, #tpu.memory_space<vmem>>)
        %add3A_216 = arith.constant 1 : i32
        %add3A_217 = arith.addi %add3A_180, %add3A_216 : i32
        %run_scoped3A_218 = arith.constant 1 : i32
        "tpu.region"() ({
          %run_scoped3A_278 = tpu.sem_alloc : memref<!tpu.dma_semaphore, #tpu.memory_space<semaphore_mem>>
          %dma_start3A_279 = arith.constant 0 : i32
          %dma_start3A_280 = arith.constant 0 : i32
          %dma_start3A_281 = tpu.memref_slice %arg9[%run_scoped3A_218, %dma_start3A_279, %dma_start3A_280] : memref<4x128x64xf32, #tpu.memory_space<vmem>> -> memref<1x128x64xf32, #tpu.memory_space<vmem>>
          %dma_start3A_282 = tpu.memref_squeeze %dma_start3A_281 : memref<1x128x64xf32, #tpu.memory_space<vmem>> -> memref<128x64xf32, #tpu.memory_space<vmem>>
          %dma_start3A_283 = arith.constant 0 : i32
          %dma_start3A_284 = tpu.memref_slice %arg8[%add3A_217, %dma_start3A_283] : memref<64x128xi32, #tpu.memory_space<vmem>> -> memref<1x128xi32, #tpu.memory_space<vmem>>
          %dma_start3A_285 = tpu.memref_squeeze %dma_start3A_284 : memref<1x128xi32, #tpu.memory_space<vmem>> -> memref<128xi32, #tpu.memory_space<vmem>>
          %dma_start3A_286 = arith.constant 0 : i32
          %dma_start3A_287 = arith.constant 0 : i32
          %dma_start3A_288 = tpu.memref_slice %arg10[%dma_start3A_286, %dma_start3A_287] : memref<10240x64xf32, #tpu.memory_space<vmem_shared>> -> memref<10240x64xf32, #tpu.memory_space<vmem_shared>>
          tpu.enqueue_indirect_dma source(%dma_start3A_282 : memref<128x64xf32, #tpu.memory_space<vmem>>) target(%dma_start3A_288 : memref<10240x64xf32, #tpu.memory_space<vmem_shared>>) offsets(%dma_start3A_285 : memref<128xi32, #tpu.memory_space<vmem>>) semaphore(%run_scoped3A_278 : memref<!tpu.dma_semaphore, #tpu.memory_space<semaphore_mem>>) {add = true}
          %dma_wait3A_289 = arith.constant 0 : i32
          %dma_wait3A_290 = arith.constant 0 : i32
          %dma_wait3A_291 = tpu.memref_slice %arg9[%run_scoped3A_218, %dma_wait3A_289, %dma_wait3A_290] : memref<4x128x64xf32, #tpu.memory_space<vmem>> -> memref<1x128x64xf32, #tpu.memory_space<vmem>>
          %dma_wait3A_292 = tpu.memref_squeeze %dma_wait3A_291 : memref<1x128x64xf32, #tpu.memory_space<vmem>> -> memref<128x64xf32, #tpu.memory_space<vmem>>
          %dma_wait3A_293 = arith.constant 0 : i32
          %dma_wait3A_294 = tpu.memref_slice %arg8[%add3A_217, %dma_wait3A_293] : memref<64x128xi32, #tpu.memory_space<vmem>> -> memref<1x128xi32, #tpu.memory_space<vmem>>
          %dma_wait3A_295 = tpu.memref_squeeze %dma_wait3A_294 : memref<1x128xi32, #tpu.memory_space<vmem>> -> memref<128xi32, #tpu.memory_space<vmem>>
          %dma_wait3A_296 = arith.constant 0 : i32
          %dma_wait3A_297 = arith.constant 0 : i32
          %dma_wait3A_298 = tpu.memref_slice %arg10[%dma_wait3A_296, %dma_wait3A_297] : memref<10240x64xf32, #tpu.memory_space<vmem_shared>> -> memref<10240x64xf32, #tpu.memory_space<vmem_shared>>
          tpu.wait_indirect_dma semaphore(%run_scoped3A_278 : memref<!tpu.dma_semaphore, #tpu.memory_space<semaphore_mem>>) src(%dma_wait3A_292 : memref<128x64xf32, #tpu.memory_space<vmem>>) dst(%dma_wait3A_298 : memref<10240x64xf32, #tpu.memory_space<vmem_shared>>)
          tpu.yield
        }) : () -> ()
        %add3A_219 = arith.constant 1 : i32
        %add3A_220 = arith.addi %add3A_180, %add3A_219 : i32
        %add3A_221 = arith.constant 4 : i32
        %add3A_222 = arith.addi %add3A_220, %add3A_221 : i32
        %lt3A_223 = arith.constant 64 : i32
        %lt3A_224 = arith.cmpi slt, %add3A_222, %lt3A_223 : i32
        %convert_element_type3A_225 = arith.extui %lt3A_224 : i1 to i32
        %cond3A_226 = arith.constant 0 : i32
        %cond3A_227 = arith.cmpi ne, %convert_element_type3A_225, %cond3A_226 : i32
        scf.if %cond3A_227 {
          %add3A_278 = arith.constant 1 : i32
          %add3A_279 = arith.addi %add3A_180, %add3A_278 : i32
          %add3A_280 = arith.constant 4 : i32
          %add3A_281 = arith.addi %add3A_279, %add3A_280 : i32
          %dma_start3A_282 = arith.constant 1 : i32
          %dma_start3A_283 = arith.constant 0 : i32
          %dma_start3A_284 = arith.constant 0 : i32
          %dma_start3A_285 = tpu.memref_slice %arg9[%dma_start3A_282, %dma_start3A_283, %dma_start3A_284] : memref<4x128x64xf32, #tpu.memory_space<vmem>> -> memref<1x128x64xf32, #tpu.memory_space<vmem>>
          %dma_start3A_286 = tpu.memref_squeeze %dma_start3A_285 : memref<1x128x64xf32, #tpu.memory_space<vmem>> -> memref<128x64xf32, #tpu.memory_space<vmem>>
          %dma_start3A_287 = arith.constant 0 : i32
          %dma_start3A_288 = tpu.memref_slice %arg7[%add3A_281, %dma_start3A_287] : memref<64x128xi32, #tpu.memory_space<vmem>> -> memref<1x128xi32, #tpu.memory_space<vmem>>
          %dma_start3A_289 = tpu.memref_squeeze %dma_start3A_288 : memref<1x128xi32, #tpu.memory_space<vmem>> -> memref<128xi32, #tpu.memory_space<vmem>>
          %dma_start3A_290 = arith.constant 0 : i32
          %dma_start3A_291 = arith.constant 0 : i32
          %dma_start3A_292 = tpu.memref_slice %arg2[%dma_start3A_290, %dma_start3A_291] : memref<10240x64xf32, #tpu.memory_space<hbm>> -> memref<10240x64xf32, #tpu.memory_space<hbm>>
          tpu.enqueue_indirect_dma source(%dma_start3A_292 : memref<10240x64xf32, #tpu.memory_space<hbm>>) target(%dma_start3A_286 : memref<128x64xf32, #tpu.memory_space<vmem>>) offsets(%dma_start3A_289 : memref<128xi32, #tpu.memory_space<vmem>>) semaphore(%arg12 : memref<!tpu.dma_semaphore, #tpu.memory_space<semaphore_mem>>)
        } else {
        }
        %add3A_228 = arith.constant 2 : i32
        %add3A_229 = arith.addi %add3A_180, %add3A_228 : i32
        %dma_wait3A_230 = arith.constant 2 : i32
        %dma_wait3A_231 = arith.constant 0 : i32
        %dma_wait3A_232 = arith.constant 0 : i32
        %dma_wait3A_233 = tpu.memref_slice %arg9[%dma_wait3A_230, %dma_wait3A_231, %dma_wait3A_232] : memref<4x128x64xf32, #tpu.memory_space<vmem>> -> memref<1x128x64xf32, #tpu.memory_space<vmem>>
        %dma_wait3A_234 = tpu.memref_squeeze %dma_wait3A_233 : memref<1x128x64xf32, #tpu.memory_space<vmem>> -> memref<128x64xf32, #tpu.memory_space<vmem>>
        %dma_wait3A_235 = arith.constant 0 : i32
        %dma_wait3A_236 = tpu.memref_slice %arg7[%add3A_229, %dma_wait3A_235] : memref<64x128xi32, #tpu.memory_space<vmem>> -> memref<1x128xi32, #tpu.memory_space<vmem>>
        %dma_wait3A_237 = tpu.memref_squeeze %dma_wait3A_236 : memref<1x128xi32, #tpu.memory_space<vmem>> -> memref<128xi32, #tpu.memory_space<vmem>>
        %dma_wait3A_238 = arith.constant 0 : i32
        %dma_wait3A_239 = arith.constant 0 : i32
        %dma_wait3A_240 = tpu.memref_slice %arg2[%dma_wait3A_238, %dma_wait3A_239] : memref<10240x64xf32, #tpu.memory_space<hbm>> -> memref<10240x64xf32, #tpu.memory_space<hbm>>
        tpu.wait_indirect_dma semaphore(%arg13 : memref<!tpu.dma_semaphore, #tpu.memory_space<semaphore_mem>>) src(%dma_wait3A_240 : memref<10240x64xf32, #tpu.memory_space<hbm>>) dst(%dma_wait3A_234 : memref<128x64xf32, #tpu.memory_space<vmem>>)
        %add3A_241 = arith.constant 2 : i32
        %add3A_242 = arith.addi %add3A_180, %add3A_241 : i32
        %run_scoped3A_243 = arith.constant 2 : i32
        "tpu.region"() ({
          %run_scoped3A_278 = tpu.sem_alloc : memref<!tpu.dma_semaphore, #tpu.memory_space<semaphore_mem>>
          %dma_start3A_279 = arith.constant 0 : i32
          %dma_start3A_280 = arith.constant 0 : i32
          %dma_start3A_281 = tpu.memref_slice %arg9[%run_scoped3A_243, %dma_start3A_279, %dma_start3A_280] : memref<4x128x64xf32, #tpu.memory_space<vmem>> -> memref<1x128x64xf32, #tpu.memory_space<vmem>>
          %dma_start3A_282 = tpu.memref_squeeze %dma_start3A_281 : memref<1x128x64xf32, #tpu.memory_space<vmem>> -> memref<128x64xf32, #tpu.memory_space<vmem>>
          %dma_start3A_283 = arith.constant 0 : i32
          %dma_start3A_284 = tpu.memref_slice %arg8[%add3A_242, %dma_start3A_283] : memref<64x128xi32, #tpu.memory_space<vmem>> -> memref<1x128xi32, #tpu.memory_space<vmem>>
          %dma_start3A_285 = tpu.memref_squeeze %dma_start3A_284 : memref<1x128xi32, #tpu.memory_space<vmem>> -> memref<128xi32, #tpu.memory_space<vmem>>
          %dma_start3A_286 = arith.constant 0 : i32
          %dma_start3A_287 = arith.constant 0 : i32
          %dma_start3A_288 = tpu.memref_slice %arg10[%dma_start3A_286, %dma_start3A_287] : memref<10240x64xf32, #tpu.memory_space<vmem_shared>> -> memref<10240x64xf32, #tpu.memory_space<vmem_shared>>
          tpu.enqueue_indirect_dma source(%dma_start3A_282 : memref<128x64xf32, #tpu.memory_space<vmem>>) target(%dma_start3A_288 : memref<10240x64xf32, #tpu.memory_space<vmem_shared>>) offsets(%dma_start3A_285 : memref<128xi32, #tpu.memory_space<vmem>>) semaphore(%run_scoped3A_278 : memref<!tpu.dma_semaphore, #tpu.memory_space<semaphore_mem>>) {add = true}
          %dma_wait3A_289 = arith.constant 0 : i32
          %dma_wait3A_290 = arith.constant 0 : i32
          %dma_wait3A_291 = tpu.memref_slice %arg9[%run_scoped3A_243, %dma_wait3A_289, %dma_wait3A_290] : memref<4x128x64xf32, #tpu.memory_space<vmem>> -> memref<1x128x64xf32, #tpu.memory_space<vmem>>
          %dma_wait3A_292 = tpu.memref_squeeze %dma_wait3A_291 : memref<1x128x64xf32, #tpu.memory_space<vmem>> -> memref<128x64xf32, #tpu.memory_space<vmem>>
          %dma_wait3A_293 = arith.constant 0 : i32
          %dma_wait3A_294 = tpu.memref_slice %arg8[%add3A_242, %dma_wait3A_293] : memref<64x128xi32, #tpu.memory_space<vmem>> -> memref<1x128xi32, #tpu.memory_space<vmem>>
          %dma_wait3A_295 = tpu.memref_squeeze %dma_wait3A_294 : memref<1x128xi32, #tpu.memory_space<vmem>> -> memref<128xi32, #tpu.memory_space<vmem>>
          %dma_wait3A_296 = arith.constant 0 : i32
          %dma_wait3A_297 = arith.constant 0 : i32
          %dma_wait3A_298 = tpu.memref_slice %arg10[%dma_wait3A_296, %dma_wait3A_297] : memref<10240x64xf32, #tpu.memory_space<vmem_shared>> -> memref<10240x64xf32, #tpu.memory_space<vmem_shared>>
          tpu.wait_indirect_dma semaphore(%run_scoped3A_278 : memref<!tpu.dma_semaphore, #tpu.memory_space<semaphore_mem>>) src(%dma_wait3A_292 : memref<128x64xf32, #tpu.memory_space<vmem>>) dst(%dma_wait3A_298 : memref<10240x64xf32, #tpu.memory_space<vmem_shared>>)
          tpu.yield
        }) : () -> ()
        %add3A_244 = arith.constant 2 : i32
        %add3A_245 = arith.addi %add3A_180, %add3A_244 : i32
        %add3A_246 = arith.constant 4 : i32
        %add3A_247 = arith.addi %add3A_245, %add3A_246 : i32
        %lt3A_248 = arith.constant 64 : i32
        %lt3A_249 = arith.cmpi slt, %add3A_247, %lt3A_248 : i32
        %convert_element_type3A_250 = arith.extui %lt3A_249 : i1 to i32
        %cond3A_251 = arith.constant 0 : i32
        %cond3A_252 = arith.cmpi ne, %convert_element_type3A_250, %cond3A_251 : i32
        scf.if %cond3A_252 {
          %add3A_278 = arith.constant 2 : i32
          %add3A_279 = arith.addi %add3A_180, %add3A_278 : i32
          %add3A_280 = arith.constant 4 : i32
          %add3A_281 = arith.addi %add3A_279, %add3A_280 : i32
          %dma_start3A_282 = arith.constant 2 : i32
          %dma_start3A_283 = arith.constant 0 : i32
          %dma_start3A_284 = arith.constant 0 : i32
          %dma_start3A_285 = tpu.memref_slice %arg9[%dma_start3A_282, %dma_start3A_283, %dma_start3A_284] : memref<4x128x64xf32, #tpu.memory_space<vmem>> -> memref<1x128x64xf32, #tpu.memory_space<vmem>>
          %dma_start3A_286 = tpu.memref_squeeze %dma_start3A_285 : memref<1x128x64xf32, #tpu.memory_space<vmem>> -> memref<128x64xf32, #tpu.memory_space<vmem>>
          %dma_start3A_287 = arith.constant 0 : i32
          %dma_start3A_288 = tpu.memref_slice %arg7[%add3A_281, %dma_start3A_287] : memref<64x128xi32, #tpu.memory_space<vmem>> -> memref<1x128xi32, #tpu.memory_space<vmem>>
          %dma_start3A_289 = tpu.memref_squeeze %dma_start3A_288 : memref<1x128xi32, #tpu.memory_space<vmem>> -> memref<128xi32, #tpu.memory_space<vmem>>
          %dma_start3A_290 = arith.constant 0 : i32
          %dma_start3A_291 = arith.constant 0 : i32
          %dma_start3A_292 = tpu.memref_slice %arg2[%dma_start3A_290, %dma_start3A_291] : memref<10240x64xf32, #tpu.memory_space<hbm>> -> memref<10240x64xf32, #tpu.memory_space<hbm>>
          tpu.enqueue_indirect_dma source(%dma_start3A_292 : memref<10240x64xf32, #tpu.memory_space<hbm>>) target(%dma_start3A_286 : memref<128x64xf32, #tpu.memory_space<vmem>>) offsets(%dma_start3A_289 : memref<128xi32, #tpu.memory_space<vmem>>) semaphore(%arg13 : memref<!tpu.dma_semaphore, #tpu.memory_space<semaphore_mem>>)
        } else {
        }
        %add3A_253 = arith.constant 3 : i32
        %add3A_254 = arith.addi %add3A_180, %add3A_253 : i32
        %dma_wait3A_255 = arith.constant 3 : i32
        %dma_wait3A_256 = arith.constant 0 : i32
        %dma_wait3A_257 = arith.constant 0 : i32
        %dma_wait3A_258 = tpu.memref_slice %arg9[%dma_wait3A_255, %dma_wait3A_256, %dma_wait3A_257] : memref<4x128x64xf32, #tpu.memory_space<vmem>> -> memref<1x128x64xf32, #tpu.memory_space<vmem>>
        %dma_wait3A_259 = tpu.memref_squeeze %dma_wait3A_258 : memref<1x128x64xf32, #tpu.memory_space<vmem>> -> memref<128x64xf32, #tpu.memory_space<vmem>>
        %dma_wait3A_260 = arith.constant 0 : i32
        %dma_wait3A_261 = tpu.memref_slice %arg7[%add3A_254, %dma_wait3A_260] : memref<64x128xi32, #tpu.memory_space<vmem>> -> memref<1x128xi32, #tpu.memory_space<vmem>>
        %dma_wait3A_262 = tpu.memref_squeeze %dma_wait3A_261 : memref<1x128xi32, #tpu.memory_space<vmem>> -> memref<128xi32, #tpu.memory_space<vmem>>
        %dma_wait3A_263 = arith.constant 0 : i32
        %dma_wait3A_264 = arith.constant 0 : i32
        %dma_wait3A_265 = tpu.memref_slice %arg2[%dma_wait3A_263, %dma_wait3A_264] : memref<10240x64xf32, #tpu.memory_space<hbm>> -> memref<10240x64xf32, #tpu.memory_space<hbm>>
        tpu.wait_indirect_dma semaphore(%arg14 : memref<!tpu.dma_semaphore, #tpu.memory_space<semaphore_mem>>) src(%dma_wait3A_265 : memref<10240x64xf32, #tpu.memory_space<hbm>>) dst(%dma_wait3A_259 : memref<128x64xf32, #tpu.memory_space<vmem>>)
        %add3A_266 = arith.constant 3 : i32
        %add3A_267 = arith.addi %add3A_180, %add3A_266 : i32
        %run_scoped3A_268 = arith.constant 3 : i32
        "tpu.region"() ({
          %run_scoped3A_278 = tpu.sem_alloc : memref<!tpu.dma_semaphore, #tpu.memory_space<semaphore_mem>>
          %dma_start3A_279 = arith.constant 0 : i32
          %dma_start3A_280 = arith.constant 0 : i32
          %dma_start3A_281 = tpu.memref_slice %arg9[%run_scoped3A_268, %dma_start3A_279, %dma_start3A_280] : memref<4x128x64xf32, #tpu.memory_space<vmem>> -> memref<1x128x64xf32, #tpu.memory_space<vmem>>
          %dma_start3A_282 = tpu.memref_squeeze %dma_start3A_281 : memref<1x128x64xf32, #tpu.memory_space<vmem>> -> memref<128x64xf32, #tpu.memory_space<vmem>>
          %dma_start3A_283 = arith.constant 0 : i32
          %dma_start3A_284 = tpu.memref_slice %arg8[%add3A_267, %dma_start3A_283] : memref<64x128xi32, #tpu.memory_space<vmem>> -> memref<1x128xi32, #tpu.memory_space<vmem>>
          %dma_start3A_285 = tpu.memref_squeeze %dma_start3A_284 : memref<1x128xi32, #tpu.memory_space<vmem>> -> memref<128xi32, #tpu.memory_space<vmem>>
          %dma_start3A_286 = arith.constant 0 : i32
          %dma_start3A_287 = arith.constant 0 : i32
          %dma_start3A_288 = tpu.memref_slice %arg10[%dma_start3A_286, %dma_start3A_287] : memref<10240x64xf32, #tpu.memory_space<vmem_shared>> -> memref<10240x64xf32, #tpu.memory_space<vmem_shared>>
          tpu.enqueue_indirect_dma source(%dma_start3A_282 : memref<128x64xf32, #tpu.memory_space<vmem>>) target(%dma_start3A_288 : memref<10240x64xf32, #tpu.memory_space<vmem_shared>>) offsets(%dma_start3A_285 : memref<128xi32, #tpu.memory_space<vmem>>) semaphore(%run_scoped3A_278 : memref<!tpu.dma_semaphore, #tpu.memory_space<semaphore_mem>>) {add = true}
          %dma_wait3A_289 = arith.constant 0 : i32
          %dma_wait3A_290 = arith.constant 0 : i32
          %dma_wait3A_291 = tpu.memref_slice %arg9[%run_scoped3A_268, %dma_wait3A_289, %dma_wait3A_290] : memref<4x128x64xf32, #tpu.memory_space<vmem>> -> memref<1x128x64xf32, #tpu.memory_space<vmem>>
          %dma_wait3A_292 = tpu.memref_squeeze %dma_wait3A_291 : memref<1x128x64xf32, #tpu.memory_space<vmem>> -> memref<128x64xf32, #tpu.memory_space<vmem>>
          %dma_wait3A_293 = arith.constant 0 : i32
          %dma_wait3A_294 = tpu.memref_slice %arg8[%add3A_267, %dma_wait3A_293] : memref<64x128xi32, #tpu.memory_space<vmem>> -> memref<1x128xi32, #tpu.memory_space<vmem>>
          %dma_wait3A_295 = tpu.memref_squeeze %dma_wait3A_294 : memref<1x128xi32, #tpu.memory_space<vmem>> -> memref<128xi32, #tpu.memory_space<vmem>>
          %dma_wait3A_296 = arith.constant 0 : i32
          %dma_wait3A_297 = arith.constant 0 : i32
          %dma_wait3A_298 = tpu.memref_slice %arg10[%dma_wait3A_296, %dma_wait3A_297] : memref<10240x64xf32, #tpu.memory_space<vmem_shared>> -> memref<10240x64xf32, #tpu.memory_space<vmem_shared>>
          tpu.wait_indirect_dma semaphore(%run_scoped3A_278 : memref<!tpu.dma_semaphore, #tpu.memory_space<semaphore_mem>>) src(%dma_wait3A_292 : memref<128x64xf32, #tpu.memory_space<vmem>>) dst(%dma_wait3A_298 : memref<10240x64xf32, #tpu.memory_space<vmem_shared>>)
          tpu.yield
        }) : () -> ()
        %add3A_269 = arith.constant 3 : i32
        %add3A_270 = arith.addi %add3A_180, %add3A_269 : i32
        %add3A_271 = arith.constant 4 : i32
        %add3A_272 = arith.addi %add3A_270, %add3A_271 : i32
        %lt3A_273 = arith.constant 64 : i32
        %lt3A_274 = arith.cmpi slt, %add3A_272, %lt3A_273 : i32
        %convert_element_type3A_275 = arith.extui %lt3A_274 : i1 to i32
        %cond3A_276 = arith.constant 0 : i32
        %cond3A_277 = arith.cmpi ne, %convert_element_type3A_275, %cond3A_276 : i32
        scf.if %cond3A_277 {
          %add3A_278 = arith.constant 3 : i32
          %add3A_279 = arith.addi %add3A_180, %add3A_278 : i32
          %add3A_280 = arith.constant 4 : i32
          %add3A_281 = arith.addi %add3A_279, %add3A_280 : i32
          %dma_start3A_282 = arith.constant 3 : i32
          %dma_start3A_283 = arith.constant 0 : i32
          %dma_start3A_284 = arith.constant 0 : i32
          %dma_start3A_285 = tpu.memref_slice %arg9[%dma_start3A_282, %dma_start3A_283, %dma_start3A_284] : memref<4x128x64xf32, #tpu.memory_space<vmem>> -> memref<1x128x64xf32, #tpu.memory_space<vmem>>
          %dma_start3A_286 = tpu.memref_squeeze %dma_start3A_285 : memref<1x128x64xf32, #tpu.memory_space<vmem>> -> memref<128x64xf32, #tpu.memory_space<vmem>>
          %dma_start3A_287 = arith.constant 0 : i32
          %dma_start3A_288 = tpu.memref_slice %arg7[%add3A_281, %dma_start3A_287] : memref<64x128xi32, #tpu.memory_space<vmem>> -> memref<1x128xi32, #tpu.memory_space<vmem>>
          %dma_start3A_289 = tpu.memref_squeeze %dma_start3A_288 : memref<1x128xi32, #tpu.memory_space<vmem>> -> memref<128xi32, #tpu.memory_space<vmem>>
          %dma_start3A_290 = arith.constant 0 : i32
          %dma_start3A_291 = arith.constant 0 : i32
          %dma_start3A_292 = tpu.memref_slice %arg2[%dma_start3A_290, %dma_start3A_291] : memref<10240x64xf32, #tpu.memory_space<hbm>> -> memref<10240x64xf32, #tpu.memory_space<hbm>>
          tpu.enqueue_indirect_dma source(%dma_start3A_292 : memref<10240x64xf32, #tpu.memory_space<hbm>>) target(%dma_start3A_286 : memref<128x64xf32, #tpu.memory_space<vmem>>) offsets(%dma_start3A_289 : memref<128xi32, #tpu.memory_space<vmem>>) semaphore(%arg14 : memref<!tpu.dma_semaphore, #tpu.memory_space<semaphore_mem>>)
        } else {
        }
      }
      %scan3A_65 = arith.constant 16 : i32
      %add3A_66 = arith.constant 64 : i32
      %add3A_67 = arith.addi %mul3A_13, %add3A_66 : i32
      "tpu.region"() ({
        %run_scoped3A = tpu.sem_alloc : memref<!tpu.dma_semaphore, #tpu.memory_space<semaphore_mem>>
        %dma_start3A_176 = arith.constant 0 : i32
        %dma_start3A_177 = arith.constant 0 : i32
        %dma_start3A_178 = tpu.memref_slice %arg7[%dma_start3A_176, %dma_start3A_177] : memref<64x128xi32, #tpu.memory_space<vmem>> -> memref<64x128xi32, #tpu.memory_space<vmem>>
        %dma_start3A_179 = arith.constant 0 : i32
        %dma_start3A_180 = tpu.memref_slice %arg3[%add3A_67, %dma_start3A_179] : memref<2528x128xi32, #tpu.memory_space<hbm>> -> memref<64x128xi32, #tpu.memory_space<hbm>>
        %dma_start3A_181 = arith.constant 0 : i32
        %dma_start3A_182 = arith.constant 0 : i32
        %dma_start3A_183 = tpu.memref_slice %arg7[%dma_start3A_181, %dma_start3A_182] : memref<64x128xi32, #tpu.memory_space<vmem>> -> memref<64x128xi32, #tpu.memory_space<vmem>>
        %dma_start3A_184 = arith.constant 0 : i32
        %dma_start3A_185 = tpu.memref_slice %arg3[%add3A_67, %dma_start3A_184] : memref<2528x128xi32, #tpu.memory_space<hbm>> -> memref<64x128xi32, #tpu.memory_space<hbm>>
        tpu.enqueue_dma source(%dma_start3A_185 : memref<64x128xi32, #tpu.memory_space<hbm>>) target(%dma_start3A_183 : memref<64x128xi32, #tpu.memory_space<vmem>>) target_semaphore(%run_scoped3A : memref<!tpu.dma_semaphore, #tpu.memory_space<semaphore_mem>>)
        %dma_wait3A = arith.constant 0 : i32
        %dma_wait3A_186 = arith.constant 0 : i32
        %dma_wait3A_187 = tpu.memref_slice %arg7[%dma_wait3A, %dma_wait3A_186] : memref<64x128xi32, #tpu.memory_space<vmem>> -> memref<64x128xi32, #tpu.memory_space<vmem>>
        %dma_wait3A_188 = arith.constant 0 : i32
        %dma_wait3A_189 = tpu.memref_slice %arg3[%add3A_67, %dma_wait3A_188] : memref<2528x128xi32, #tpu.memory_space<hbm>> -> memref<64x128xi32, #tpu.memory_space<hbm>>
        %dma_wait3A_190 = arith.constant 0 : i32
        %dma_wait3A_191 = arith.constant 0 : i32
        %dma_wait3A_192 = tpu.memref_slice %arg7[%dma_wait3A_190, %dma_wait3A_191] : memref<64x128xi32, #tpu.memory_space<vmem>> -> memref<64x128xi32, #tpu.memory_space<vmem>>
        %dma_wait3A_193 = arith.constant 0 : i32
        %dma_wait3A_194 = tpu.memref_slice %arg3[%add3A_67, %dma_wait3A_193] : memref<2528x128xi32, #tpu.memory_space<hbm>> -> memref<64x128xi32, #tpu.memory_space<hbm>>
        tpu.wait_dma2 semaphore(%run_scoped3A : memref<!tpu.dma_semaphore, #tpu.memory_space<semaphore_mem>>) src(%dma_wait3A_194 : memref<64x128xi32, #tpu.memory_space<hbm>>) dst(%dma_wait3A_192 : memref<64x128xi32, #tpu.memory_space<vmem>>)
        tpu.yield
      }) : () -> ()
      "tpu.region"() ({
        %run_scoped3A = tpu.sem_alloc : memref<!tpu.dma_semaphore, #tpu.memory_space<semaphore_mem>>
        %dma_start3A_176 = arith.constant 0 : i32
        %dma_start3A_177 = arith.constant 0 : i32
        %dma_start3A_178 = tpu.memref_slice %arg8[%dma_start3A_176, %dma_start3A_177] : memref<64x128xi32, #tpu.memory_space<vmem>> -> memref<64x128xi32, #tpu.memory_space<vmem>>
        %dma_start3A_179 = arith.constant 0 : i32
        %dma_start3A_180 = tpu.memref_slice %arg4[%add3A_67, %dma_start3A_179] : memref<2528x128xi32, #tpu.memory_space<hbm>> -> memref<64x128xi32, #tpu.memory_space<hbm>>
        %dma_start3A_181 = arith.constant 0 : i32
        %dma_start3A_182 = arith.constant 0 : i32
        %dma_start3A_183 = tpu.memref_slice %arg8[%dma_start3A_181, %dma_start3A_182] : memref<64x128xi32, #tpu.memory_space<vmem>> -> memref<64x128xi32, #tpu.memory_space<vmem>>
        %dma_start3A_184 = arith.constant 0 : i32
        %dma_start3A_185 = tpu.memref_slice %arg4[%add3A_67, %dma_start3A_184] : memref<2528x128xi32, #tpu.memory_space<hbm>> -> memref<64x128xi32, #tpu.memory_space<hbm>>
        tpu.enqueue_dma source(%dma_start3A_185 : memref<64x128xi32, #tpu.memory_space<hbm>>) target(%dma_start3A_183 : memref<64x128xi32, #tpu.memory_space<vmem>>) target_semaphore(%run_scoped3A : memref<!tpu.dma_semaphore, #tpu.memory_space<semaphore_mem>>)
        %dma_wait3A = arith.constant 0 : i32
        %dma_wait3A_186 = arith.constant 0 : i32
        %dma_wait3A_187 = tpu.memref_slice %arg8[%dma_wait3A, %dma_wait3A_186] : memref<64x128xi32, #tpu.memory_space<vmem>> -> memref<64x128xi32, #tpu.memory_space<vmem>>
        %dma_wait3A_188 = arith.constant 0 : i32
        %dma_wait3A_189 = tpu.memref_slice %arg4[%add3A_67, %dma_wait3A_188] : memref<2528x128xi32, #tpu.memory_space<hbm>> -> memref<64x128xi32, #tpu.memory_space<hbm>>
        %dma_wait3A_190 = arith.constant 0 : i32
        %dma_wait3A_191 = arith.constant 0 : i32
        %dma_wait3A_192 = tpu.memref_slice %arg8[%dma_wait3A_190, %dma_wait3A_191] : memref<64x128xi32, #tpu.memory_space<vmem>> -> memref<64x128xi32, #tpu.memory_space<vmem>>
        %dma_wait3A_193 = arith.constant 0 : i32
        %dma_wait3A_194 = tpu.memref_slice %arg4[%add3A_67, %dma_wait3A_193] : memref<2528x128xi32, #tpu.memory_space<hbm>> -> memref<64x128xi32, #tpu.memory_space<hbm>>
        tpu.wait_dma2 semaphore(%run_scoped3A : memref<!tpu.dma_semaphore, #tpu.memory_space<semaphore_mem>>) src(%dma_wait3A_194 : memref<64x128xi32, #tpu.memory_space<hbm>>) dst(%dma_wait3A_192 : memref<64x128xi32, #tpu.memory_space<vmem>>)
        tpu.yield
      }) : () -> ()
      %dma_start3A_68 = arith.constant 0 : i32
      %dma_start3A_69 = arith.constant 0 : i32
      %dma_start3A_70 = arith.constant 0 : i32
      %dma_start3A_71 = arith.constant 0 : i32
      %dma_start3A_72 = tpu.memref_slice %arg9[%dma_start3A_69, %dma_start3A_70, %dma_start3A_71] : memref<4x128x64xf32, #tpu.memory_space<vmem>> -> memref<1x128x64xf32, #tpu.memory_space<vmem>>
      %dma_start3A_73 = tpu.memref_squeeze %dma_start3A_72 : memref<1x128x64xf32, #tpu.memory_space<vmem>> -> memref<128x64xf32, #tpu.memory_space<vmem>>
      %dma_start3A_74 = arith.constant 0 : i32
      %dma_start3A_75 = tpu.memref_slice %arg7[%dma_start3A_68, %dma_start3A_74] : memref<64x128xi32, #tpu.memory_space<vmem>> -> memref<1x128xi32, #tpu.memory_space<vmem>>
      %dma_start3A_76 = tpu.memref_squeeze %dma_start3A_75 : memref<1x128xi32, #tpu.memory_space<vmem>> -> memref<128xi32, #tpu.memory_space<vmem>>
      %dma_start3A_77 = arith.constant 0 : i32
      %dma_start3A_78 = arith.constant 0 : i32
      %dma_start3A_79 = tpu.memref_slice %arg2[%dma_start3A_77, %dma_start3A_78] : memref<10240x64xf32, #tpu.memory_space<hbm>> -> memref<10240x64xf32, #tpu.memory_space<hbm>>
      tpu.enqueue_indirect_dma source(%dma_start3A_79 : memref<10240x64xf32, #tpu.memory_space<hbm>>) target(%dma_start3A_73 : memref<128x64xf32, #tpu.memory_space<vmem>>) offsets(%dma_start3A_76 : memref<128xi32, #tpu.memory_space<vmem>>) semaphore(%arg11 : memref<!tpu.dma_semaphore, #tpu.memory_space<semaphore_mem>>)
      %dma_start3A_80 = arith.constant 1 : i32
      %dma_start3A_81 = arith.constant 1 : i32
      %dma_start3A_82 = arith.constant 0 : i32
      %dma_start3A_83 = arith.constant 0 : i32
      %dma_start3A_84 = tpu.memref_slice %arg9[%dma_start3A_81, %dma_start3A_82, %dma_start3A_83] : memref<4x128x64xf32, #tpu.memory_space<vmem>> -> memref<1x128x64xf32, #tpu.memory_space<vmem>>
      %dma_start3A_85 = tpu.memref_squeeze %dma_start3A_84 : memref<1x128x64xf32, #tpu.memory_space<vmem>> -> memref<128x64xf32, #tpu.memory_space<vmem>>
      %dma_start3A_86 = arith.constant 0 : i32
      %dma_start3A_87 = tpu.memref_slice %arg7[%dma_start3A_80, %dma_start3A_86] : memref<64x128xi32, #tpu.memory_space<vmem>> -> memref<1x128xi32, #tpu.memory_space<vmem>>
      %dma_start3A_88 = tpu.memref_squeeze %dma_start3A_87 : memref<1x128xi32, #tpu.memory_space<vmem>> -> memref<128xi32, #tpu.memory_space<vmem>>
      %dma_start3A_89 = arith.constant 0 : i32
      %dma_start3A_90 = arith.constant 0 : i32
      %dma_start3A_91 = tpu.memref_slice %arg2[%dma_start3A_89, %dma_start3A_90] : memref<10240x64xf32, #tpu.memory_space<hbm>> -> memref<10240x64xf32, #tpu.memory_space<hbm>>
      tpu.enqueue_indirect_dma source(%dma_start3A_91 : memref<10240x64xf32, #tpu.memory_space<hbm>>) target(%dma_start3A_85 : memref<128x64xf32, #tpu.memory_space<vmem>>) offsets(%dma_start3A_88 : memref<128xi32, #tpu.memory_space<vmem>>) semaphore(%arg12 : memref<!tpu.dma_semaphore, #tpu.memory_space<semaphore_mem>>)
      %dma_start3A_92 = arith.constant 2 : i32
      %dma_start3A_93 = arith.constant 2 : i32
      %dma_start3A_94 = arith.constant 0 : i32
      %dma_start3A_95 = arith.constant 0 : i32
      %dma_start3A_96 = tpu.memref_slice %arg9[%dma_start3A_93, %dma_start3A_94, %dma_start3A_95] : memref<4x128x64xf32, #tpu.memory_space<vmem>> -> memref<1x128x64xf32, #tpu.memory_space<vmem>>
      %dma_start3A_97 = tpu.memref_squeeze %dma_start3A_96 : memref<1x128x64xf32, #tpu.memory_space<vmem>> -> memref<128x64xf32, #tpu.memory_space<vmem>>
      %dma_start3A_98 = arith.constant 0 : i32
      %dma_start3A_99 = tpu.memref_slice %arg7[%dma_start3A_92, %dma_start3A_98] : memref<64x128xi32, #tpu.memory_space<vmem>> -> memref<1x128xi32, #tpu.memory_space<vmem>>
      %dma_start3A_100 = tpu.memref_squeeze %dma_start3A_99 : memref<1x128xi32, #tpu.memory_space<vmem>> -> memref<128xi32, #tpu.memory_space<vmem>>
      %dma_start3A_101 = arith.constant 0 : i32
      %dma_start3A_102 = arith.constant 0 : i32
      %dma_start3A_103 = tpu.memref_slice %arg2[%dma_start3A_101, %dma_start3A_102] : memref<10240x64xf32, #tpu.memory_space<hbm>> -> memref<10240x64xf32, #tpu.memory_space<hbm>>
      tpu.enqueue_indirect_dma source(%dma_start3A_103 : memref<10240x64xf32, #tpu.memory_space<hbm>>) target(%dma_start3A_97 : memref<128x64xf32, #tpu.memory_space<vmem>>) offsets(%dma_start3A_100 : memref<128xi32, #tpu.memory_space<vmem>>) semaphore(%arg13 : memref<!tpu.dma_semaphore, #tpu.memory_space<semaphore_mem>>)
      %dma_start3A_104 = arith.constant 3 : i32
      %dma_start3A_105 = arith.constant 3 : i32
      %dma_start3A_106 = arith.constant 0 : i32
      %dma_start3A_107 = arith.constant 0 : i32
      %dma_start3A_108 = tpu.memref_slice %arg9[%dma_start3A_105, %dma_start3A_106, %dma_start3A_107] : memref<4x128x64xf32, #tpu.memory_space<vmem>> -> memref<1x128x64xf32, #tpu.memory_space<vmem>>
      %dma_start3A_109 = tpu.memref_squeeze %dma_start3A_108 : memref<1x128x64xf32, #tpu.memory_space<vmem>> -> memref<128x64xf32, #tpu.memory_space<vmem>>
      %dma_start3A_110 = arith.constant 0 : i32
      %dma_start3A_111 = tpu.memref_slice %arg7[%dma_start3A_104, %dma_start3A_110] : memref<64x128xi32, #tpu.memory_space<vmem>> -> memref<1x128xi32, #tpu.memory_space<vmem>>
      %dma_start3A_112 = tpu.memref_squeeze %dma_start3A_111 : memref<1x128xi32, #tpu.memory_space<vmem>> -> memref<128xi32, #tpu.memory_space<vmem>>
      %dma_start3A_113 = arith.constant 0 : i32
      %dma_start3A_114 = arith.constant 0 : i32
      %dma_start3A_115 = tpu.memref_slice %arg2[%dma_start3A_113, %dma_start3A_114] : memref<10240x64xf32, #tpu.memory_space<hbm>> -> memref<10240x64xf32, #tpu.memory_space<hbm>>
      tpu.enqueue_indirect_dma source(%dma_start3A_115 : memref<10240x64xf32, #tpu.memory_space<hbm>>) target(%dma_start3A_109 : memref<128x64xf32, #tpu.memory_space<vmem>>) offsets(%dma_start3A_112 : memref<128xi32, #tpu.memory_space<vmem>>) semaphore(%arg14 : memref<!tpu.dma_semaphore, #tpu.memory_space<semaphore_mem>>)
      %scan3A_116 = arith.constant 0 : i32
      %scan3A_117 = arith.constant 16 : i32
      %scan3A_118 = arith.addi %scan3A_116, %scan3A_117 : i32
      %scan3A_119 = arith.constant 1 : i32
      scf.for %scan3A_176 = %scan3A_116 to %scan3A_118 step %scan3A_119  : i32 {
        %mul3A_177 = arith.constant 4 : i32
        %mul3A_178 = arith.muli %scan3A_176, %mul3A_177 : i32
        %add3A_179 = arith.constant 0 : i32
        %add3A_180 = arith.addi %add3A_179, %mul3A_178 : i32
        %add3A_181 = arith.constant 0 : i32
        %add3A_182 = arith.addi %add3A_180, %add3A_181 : i32
        %dma_wait3A = arith.constant 0 : i32
        %dma_wait3A_183 = arith.constant 0 : i32
        %dma_wait3A_184 = arith.constant 0 : i32
        %dma_wait3A_185 = tpu.memref_slice %arg9[%dma_wait3A, %dma_wait3A_183, %dma_wait3A_184] : memref<4x128x64xf32, #tpu.memory_space<vmem>> -> memref<1x128x64xf32, #tpu.memory_space<vmem>>
        %dma_wait3A_186 = tpu.memref_squeeze %dma_wait3A_185 : memref<1x128x64xf32, #tpu.memory_space<vmem>> -> memref<128x64xf32, #tpu.memory_space<vmem>>
        %dma_wait3A_187 = arith.constant 0 : i32
        %dma_wait3A_188 = tpu.memref_slice %arg7[%add3A_182, %dma_wait3A_187] : memref<64x128xi32, #tpu.memory_space<vmem>> -> memref<1x128xi32, #tpu.memory_space<vmem>>
        %dma_wait3A_189 = tpu.memref_squeeze %dma_wait3A_188 : memref<1x128xi32, #tpu.memory_space<vmem>> -> memref<128xi32, #tpu.memory_space<vmem>>
        %dma_wait3A_190 = arith.constant 0 : i32
        %dma_wait3A_191 = arith.constant 0 : i32
        %dma_wait3A_192 = tpu.memref_slice %arg2[%dma_wait3A_190, %dma_wait3A_191] : memref<10240x64xf32, #tpu.memory_space<hbm>> -> memref<10240x64xf32, #tpu.memory_space<hbm>>
        tpu.wait_indirect_dma semaphore(%arg11 : memref<!tpu.dma_semaphore, #tpu.memory_space<semaphore_mem>>) src(%dma_wait3A_192 : memref<10240x64xf32, #tpu.memory_space<hbm>>) dst(%dma_wait3A_186 : memref<128x64xf32, #tpu.memory_space<vmem>>)
        %add3A_193 = arith.constant 0 : i32
        %add3A_194 = arith.addi %add3A_180, %add3A_193 : i32
        %run_scoped3A = arith.constant 0 : i32
        "tpu.region"() ({
          %run_scoped3A_278 = tpu.sem_alloc : memref<!tpu.dma_semaphore, #tpu.memory_space<semaphore_mem>>
          %dma_start3A_279 = arith.constant 0 : i32
          %dma_start3A_280 = arith.constant 0 : i32
          %dma_start3A_281 = tpu.memref_slice %arg9[%run_scoped3A, %dma_start3A_279, %dma_start3A_280] : memref<4x128x64xf32, #tpu.memory_space<vmem>> -> memref<1x128x64xf32, #tpu.memory_space<vmem>>
          %dma_start3A_282 = tpu.memref_squeeze %dma_start3A_281 : memref<1x128x64xf32, #tpu.memory_space<vmem>> -> memref<128x64xf32, #tpu.memory_space<vmem>>
          %dma_start3A_283 = arith.constant 0 : i32
          %dma_start3A_284 = tpu.memref_slice %arg8[%add3A_194, %dma_start3A_283] : memref<64x128xi32, #tpu.memory_space<vmem>> -> memref<1x128xi32, #tpu.memory_space<vmem>>
          %dma_start3A_285 = tpu.memref_squeeze %dma_start3A_284 : memref<1x128xi32, #tpu.memory_space<vmem>> -> memref<128xi32, #tpu.memory_space<vmem>>
          %dma_start3A_286 = arith.constant 0 : i32
          %dma_start3A_287 = arith.constant 0 : i32
          %dma_start3A_288 = tpu.memref_slice %arg10[%dma_start3A_286, %dma_start3A_287] : memref<10240x64xf32, #tpu.memory_space<vmem_shared>> -> memref<10240x64xf32, #tpu.memory_space<vmem_shared>>
          tpu.enqueue_indirect_dma source(%dma_start3A_282 : memref<128x64xf32, #tpu.memory_space<vmem>>) target(%dma_start3A_288 : memref<10240x64xf32, #tpu.memory_space<vmem_shared>>) offsets(%dma_start3A_285 : memref<128xi32, #tpu.memory_space<vmem>>) semaphore(%run_scoped3A_278 : memref<!tpu.dma_semaphore, #tpu.memory_space<semaphore_mem>>) {add = true}
          %dma_wait3A_289 = arith.constant 0 : i32
          %dma_wait3A_290 = arith.constant 0 : i32
          %dma_wait3A_291 = tpu.memref_slice %arg9[%run_scoped3A, %dma_wait3A_289, %dma_wait3A_290] : memref<4x128x64xf32, #tpu.memory_space<vmem>> -> memref<1x128x64xf32, #tpu.memory_space<vmem>>
          %dma_wait3A_292 = tpu.memref_squeeze %dma_wait3A_291 : memref<1x128x64xf32, #tpu.memory_space<vmem>> -> memref<128x64xf32, #tpu.memory_space<vmem>>
          %dma_wait3A_293 = arith.constant 0 : i32
          %dma_wait3A_294 = tpu.memref_slice %arg8[%add3A_194, %dma_wait3A_293] : memref<64x128xi32, #tpu.memory_space<vmem>> -> memref<1x128xi32, #tpu.memory_space<vmem>>
          %dma_wait3A_295 = tpu.memref_squeeze %dma_wait3A_294 : memref<1x128xi32, #tpu.memory_space<vmem>> -> memref<128xi32, #tpu.memory_space<vmem>>
          %dma_wait3A_296 = arith.constant 0 : i32
          %dma_wait3A_297 = arith.constant 0 : i32
          %dma_wait3A_298 = tpu.memref_slice %arg10[%dma_wait3A_296, %dma_wait3A_297] : memref<10240x64xf32, #tpu.memory_space<vmem_shared>> -> memref<10240x64xf32, #tpu.memory_space<vmem_shared>>
          tpu.wait_indirect_dma semaphore(%run_scoped3A_278 : memref<!tpu.dma_semaphore, #tpu.memory_space<semaphore_mem>>) src(%dma_wait3A_292 : memref<128x64xf32, #tpu.memory_space<vmem>>) dst(%dma_wait3A_298 : memref<10240x64xf32, #tpu.memory_space<vmem_shared>>)
          tpu.yield
        }) : () -> ()
        %add3A_195 = arith.constant 0 : i32
        %add3A_196 = arith.addi %add3A_180, %add3A_195 : i32
        %add3A_197 = arith.constant 4 : i32
        %add3A_198 = arith.addi %add3A_196, %add3A_197 : i32
        %lt3A = arith.constant 64 : i32
        %lt3A_199 = arith.cmpi slt, %add3A_198, %lt3A : i32
        %convert_element_type3A_200 = arith.extui %lt3A_199 : i1 to i32
        %cond3A_201 = arith.constant 0 : i32
        %cond3A_202 = arith.cmpi ne, %convert_element_type3A_200, %cond3A_201 : i32
        scf.if %cond3A_202 {
          %add3A_278 = arith.constant 0 : i32
          %add3A_279 = arith.addi %add3A_180, %add3A_278 : i32
          %add3A_280 = arith.constant 4 : i32
          %add3A_281 = arith.addi %add3A_279, %add3A_280 : i32
          %dma_start3A_282 = arith.constant 0 : i32
          %dma_start3A_283 = arith.constant 0 : i32
          %dma_start3A_284 = arith.constant 0 : i32
          %dma_start3A_285 = tpu.memref_slice %arg9[%dma_start3A_282, %dma_start3A_283, %dma_start3A_284] : memref<4x128x64xf32, #tpu.memory_space<vmem>> -> memref<1x128x64xf32, #tpu.memory_space<vmem>>
          %dma_start3A_286 = tpu.memref_squeeze %dma_start3A_285 : memref<1x128x64xf32, #tpu.memory_space<vmem>> -> memref<128x64xf32, #tpu.memory_space<vmem>>
          %dma_start3A_287 = arith.constant 0 : i32
          %dma_start3A_288 = tpu.memref_slice %arg7[%add3A_281, %dma_start3A_287] : memref<64x128xi32, #tpu.memory_space<vmem>> -> memref<1x128xi32, #tpu.memory_space<vmem>>
          %dma_start3A_289 = tpu.memref_squeeze %dma_start3A_288 : memref<1x128xi32, #tpu.memory_space<vmem>> -> memref<128xi32, #tpu.memory_space<vmem>>
          %dma_start3A_290 = arith.constant 0 : i32
          %dma_start3A_291 = arith.constant 0 : i32
          %dma_start3A_292 = tpu.memref_slice %arg2[%dma_start3A_290, %dma_start3A_291] : memref<10240x64xf32, #tpu.memory_space<hbm>> -> memref<10240x64xf32, #tpu.memory_space<hbm>>
          tpu.enqueue_indirect_dma source(%dma_start3A_292 : memref<10240x64xf32, #tpu.memory_space<hbm>>) target(%dma_start3A_286 : memref<128x64xf32, #tpu.memory_space<vmem>>) offsets(%dma_start3A_289 : memref<128xi32, #tpu.memory_space<vmem>>) semaphore(%arg11 : memref<!tpu.dma_semaphore, #tpu.memory_space<semaphore_mem>>)
        } else {
        }
        %add3A_203 = arith.constant 1 : i32
        %add3A_204 = arith.addi %add3A_180, %add3A_203 : i32
        %dma_wait3A_205 = arith.constant 1 : i32
        %dma_wait3A_206 = arith.constant 0 : i32
        %dma_wait3A_207 = arith.constant 0 : i32
        %dma_wait3A_208 = tpu.memref_slice %arg9[%dma_wait3A_205, %dma_wait3A_206, %dma_wait3A_207] : memref<4x128x64xf32, #tpu.memory_space<vmem>> -> memref<1x128x64xf32, #tpu.memory_space<vmem>>
        %dma_wait3A_209 = tpu.memref_squeeze %dma_wait3A_208 : memref<1x128x64xf32, #tpu.memory_space<vmem>> -> memref<128x64xf32, #tpu.memory_space<vmem>>
        %dma_wait3A_210 = arith.constant 0 : i32
        %dma_wait3A_211 = tpu.memref_slice %arg7[%add3A_204, %dma_wait3A_210] : memref<64x128xi32, #tpu.memory_space<vmem>> -> memref<1x128xi32, #tpu.memory_space<vmem>>
        %dma_wait3A_212 = tpu.memref_squeeze %dma_wait3A_211 : memref<1x128xi32, #tpu.memory_space<vmem>> -> memref<128xi32, #tpu.memory_space<vmem>>
        %dma_wait3A_213 = arith.constant 0 : i32
        %dma_wait3A_214 = arith.constant 0 : i32
        %dma_wait3A_215 = tpu.memref_slice %arg2[%dma_wait3A_213, %dma_wait3A_214] : memref<10240x64xf32, #tpu.memory_space<hbm>> -> memref<10240x64xf32, #tpu.memory_space<hbm>>
        tpu.wait_indirect_dma semaphore(%arg12 : memref<!tpu.dma_semaphore, #tpu.memory_space<semaphore_mem>>) src(%dma_wait3A_215 : memref<10240x64xf32, #tpu.memory_space<hbm>>) dst(%dma_wait3A_209 : memref<128x64xf32, #tpu.memory_space<vmem>>)
        %add3A_216 = arith.constant 1 : i32
        %add3A_217 = arith.addi %add3A_180, %add3A_216 : i32
        %run_scoped3A_218 = arith.constant 1 : i32
        "tpu.region"() ({
          %run_scoped3A_278 = tpu.sem_alloc : memref<!tpu.dma_semaphore, #tpu.memory_space<semaphore_mem>>
          %dma_start3A_279 = arith.constant 0 : i32
          %dma_start3A_280 = arith.constant 0 : i32
          %dma_start3A_281 = tpu.memref_slice %arg9[%run_scoped3A_218, %dma_start3A_279, %dma_start3A_280] : memref<4x128x64xf32, #tpu.memory_space<vmem>> -> memref<1x128x64xf32, #tpu.memory_space<vmem>>
          %dma_start3A_282 = tpu.memref_squeeze %dma_start3A_281 : memref<1x128x64xf32, #tpu.memory_space<vmem>> -> memref<128x64xf32, #tpu.memory_space<vmem>>
          %dma_start3A_283 = arith.constant 0 : i32
          %dma_start3A_284 = tpu.memref_slice %arg8[%add3A_217, %dma_start3A_283] : memref<64x128xi32, #tpu.memory_space<vmem>> -> memref<1x128xi32, #tpu.memory_space<vmem>>
          %dma_start3A_285 = tpu.memref_squeeze %dma_start3A_284 : memref<1x128xi32, #tpu.memory_space<vmem>> -> memref<128xi32, #tpu.memory_space<vmem>>
          %dma_start3A_286 = arith.constant 0 : i32
          %dma_start3A_287 = arith.constant 0 : i32
          %dma_start3A_288 = tpu.memref_slice %arg10[%dma_start3A_286, %dma_start3A_287] : memref<10240x64xf32, #tpu.memory_space<vmem_shared>> -> memref<10240x64xf32, #tpu.memory_space<vmem_shared>>
          tpu.enqueue_indirect_dma source(%dma_start3A_282 : memref<128x64xf32, #tpu.memory_space<vmem>>) target(%dma_start3A_288 : memref<10240x64xf32, #tpu.memory_space<vmem_shared>>) offsets(%dma_start3A_285 : memref<128xi32, #tpu.memory_space<vmem>>) semaphore(%run_scoped3A_278 : memref<!tpu.dma_semaphore, #tpu.memory_space<semaphore_mem>>) {add = true}
          %dma_wait3A_289 = arith.constant 0 : i32
          %dma_wait3A_290 = arith.constant 0 : i32
          %dma_wait3A_291 = tpu.memref_slice %arg9[%run_scoped3A_218, %dma_wait3A_289, %dma_wait3A_290] : memref<4x128x64xf32, #tpu.memory_space<vmem>> -> memref<1x128x64xf32, #tpu.memory_space<vmem>>
          %dma_wait3A_292 = tpu.memref_squeeze %dma_wait3A_291 : memref<1x128x64xf32, #tpu.memory_space<vmem>> -> memref<128x64xf32, #tpu.memory_space<vmem>>
          %dma_wait3A_293 = arith.constant 0 : i32
          %dma_wait3A_294 = tpu.memref_slice %arg8[%add3A_217, %dma_wait3A_293] : memref<64x128xi32, #tpu.memory_space<vmem>> -> memref<1x128xi32, #tpu.memory_space<vmem>>
          %dma_wait3A_295 = tpu.memref_squeeze %dma_wait3A_294 : memref<1x128xi32, #tpu.memory_space<vmem>> -> memref<128xi32, #tpu.memory_space<vmem>>
          %dma_wait3A_296 = arith.constant 0 : i32
          %dma_wait3A_297 = arith.constant 0 : i32
          %dma_wait3A_298 = tpu.memref_slice %arg10[%dma_wait3A_296, %dma_wait3A_297] : memref<10240x64xf32, #tpu.memory_space<vmem_shared>> -> memref<10240x64xf32, #tpu.memory_space<vmem_shared>>
          tpu.wait_indirect_dma semaphore(%run_scoped3A_278 : memref<!tpu.dma_semaphore, #tpu.memory_space<semaphore_mem>>) src(%dma_wait3A_292 : memref<128x64xf32, #tpu.memory_space<vmem>>) dst(%dma_wait3A_298 : memref<10240x64xf32, #tpu.memory_space<vmem_shared>>)
          tpu.yield
        }) : () -> ()
        %add3A_219 = arith.constant 1 : i32
        %add3A_220 = arith.addi %add3A_180, %add3A_219 : i32
        %add3A_221 = arith.constant 4 : i32
        %add3A_222 = arith.addi %add3A_220, %add3A_221 : i32
        %lt3A_223 = arith.constant 64 : i32
        %lt3A_224 = arith.cmpi slt, %add3A_222, %lt3A_223 : i32
        %convert_element_type3A_225 = arith.extui %lt3A_224 : i1 to i32
        %cond3A_226 = arith.constant 0 : i32
        %cond3A_227 = arith.cmpi ne, %convert_element_type3A_225, %cond3A_226 : i32
        scf.if %cond3A_227 {
          %add3A_278 = arith.constant 1 : i32
          %add3A_279 = arith.addi %add3A_180, %add3A_278 : i32
          %add3A_280 = arith.constant 4 : i32
          %add3A_281 = arith.addi %add3A_279, %add3A_280 : i32
          %dma_start3A_282 = arith.constant 1 : i32
          %dma_start3A_283 = arith.constant 0 : i32
          %dma_start3A_284 = arith.constant 0 : i32
          %dma_start3A_285 = tpu.memref_slice %arg9[%dma_start3A_282, %dma_start3A_283, %dma_start3A_284] : memref<4x128x64xf32, #tpu.memory_space<vmem>> -> memref<1x128x64xf32, #tpu.memory_space<vmem>>
          %dma_start3A_286 = tpu.memref_squeeze %dma_start3A_285 : memref<1x128x64xf32, #tpu.memory_space<vmem>> -> memref<128x64xf32, #tpu.memory_space<vmem>>
          %dma_start3A_287 = arith.constant 0 : i32
          %dma_start3A_288 = tpu.memref_slice %arg7[%add3A_281, %dma_start3A_287] : memref<64x128xi32, #tpu.memory_space<vmem>> -> memref<1x128xi32, #tpu.memory_space<vmem>>
          %dma_start3A_289 = tpu.memref_squeeze %dma_start3A_288 : memref<1x128xi32, #tpu.memory_space<vmem>> -> memref<128xi32, #tpu.memory_space<vmem>>
          %dma_start3A_290 = arith.constant 0 : i32
          %dma_start3A_291 = arith.constant 0 : i32
          %dma_start3A_292 = tpu.memref_slice %arg2[%dma_start3A_290, %dma_start3A_291] : memref<10240x64xf32, #tpu.memory_space<hbm>> -> memref<10240x64xf32, #tpu.memory_space<hbm>>
          tpu.enqueue_indirect_dma source(%dma_start3A_292 : memref<10240x64xf32, #tpu.memory_space<hbm>>) target(%dma_start3A_286 : memref<128x64xf32, #tpu.memory_space<vmem>>) offsets(%dma_start3A_289 : memref<128xi32, #tpu.memory_space<vmem>>) semaphore(%arg12 : memref<!tpu.dma_semaphore, #tpu.memory_space<semaphore_mem>>)
        } else {
        }
        %add3A_228 = arith.constant 2 : i32
        %add3A_229 = arith.addi %add3A_180, %add3A_228 : i32
        %dma_wait3A_230 = arith.constant 2 : i32
        %dma_wait3A_231 = arith.constant 0 : i32
        %dma_wait3A_232 = arith.constant 0 : i32
        %dma_wait3A_233 = tpu.memref_slice %arg9[%dma_wait3A_230, %dma_wait3A_231, %dma_wait3A_232] : memref<4x128x64xf32, #tpu.memory_space<vmem>> -> memref<1x128x64xf32, #tpu.memory_space<vmem>>
        %dma_wait3A_234 = tpu.memref_squeeze %dma_wait3A_233 : memref<1x128x64xf32, #tpu.memory_space<vmem>> -> memref<128x64xf32, #tpu.memory_space<vmem>>
        %dma_wait3A_235 = arith.constant 0 : i32
        %dma_wait3A_236 = tpu.memref_slice %arg7[%add3A_229, %dma_wait3A_235] : memref<64x128xi32, #tpu.memory_space<vmem>> -> memref<1x128xi32, #tpu.memory_space<vmem>>
        %dma_wait3A_237 = tpu.memref_squeeze %dma_wait3A_236 : memref<1x128xi32, #tpu.memory_space<vmem>> -> memref<128xi32, #tpu.memory_space<vmem>>
        %dma_wait3A_238 = arith.constant 0 : i32
        %dma_wait3A_239 = arith.constant 0 : i32
        %dma_wait3A_240 = tpu.memref_slice %arg2[%dma_wait3A_238, %dma_wait3A_239] : memref<10240x64xf32, #tpu.memory_space<hbm>> -> memref<10240x64xf32, #tpu.memory_space<hbm>>
        tpu.wait_indirect_dma semaphore(%arg13 : memref<!tpu.dma_semaphore, #tpu.memory_space<semaphore_mem>>) src(%dma_wait3A_240 : memref<10240x64xf32, #tpu.memory_space<hbm>>) dst(%dma_wait3A_234 : memref<128x64xf32, #tpu.memory_space<vmem>>)
        %add3A_241 = arith.constant 2 : i32
        %add3A_242 = arith.addi %add3A_180, %add3A_241 : i32
        %run_scoped3A_243 = arith.constant 2 : i32
        "tpu.region"() ({
          %run_scoped3A_278 = tpu.sem_alloc : memref<!tpu.dma_semaphore, #tpu.memory_space<semaphore_mem>>
          %dma_start3A_279 = arith.constant 0 : i32
          %dma_start3A_280 = arith.constant 0 : i32
          %dma_start3A_281 = tpu.memref_slice %arg9[%run_scoped3A_243, %dma_start3A_279, %dma_start3A_280] : memref<4x128x64xf32, #tpu.memory_space<vmem>> -> memref<1x128x64xf32, #tpu.memory_space<vmem>>
          %dma_start3A_282 = tpu.memref_squeeze %dma_start3A_281 : memref<1x128x64xf32, #tpu.memory_space<vmem>> -> memref<128x64xf32, #tpu.memory_space<vmem>>
          %dma_start3A_283 = arith.constant 0 : i32
          %dma_start3A_284 = tpu.memref_slice %arg8[%add3A_242, %dma_start3A_283] : memref<64x128xi32, #tpu.memory_space<vmem>> -> memref<1x128xi32, #tpu.memory_space<vmem>>
          %dma_start3A_285 = tpu.memref_squeeze %dma_start3A_284 : memref<1x128xi32, #tpu.memory_space<vmem>> -> memref<128xi32, #tpu.memory_space<vmem>>
          %dma_start3A_286 = arith.constant 0 : i32
          %dma_start3A_287 = arith.constant 0 : i32
          %dma_start3A_288 = tpu.memref_slice %arg10[%dma_start3A_286, %dma_start3A_287] : memref<10240x64xf32, #tpu.memory_space<vmem_shared>> -> memref<10240x64xf32, #tpu.memory_space<vmem_shared>>
          tpu.enqueue_indirect_dma source(%dma_start3A_282 : memref<128x64xf32, #tpu.memory_space<vmem>>) target(%dma_start3A_288 : memref<10240x64xf32, #tpu.memory_space<vmem_shared>>) offsets(%dma_start3A_285 : memref<128xi32, #tpu.memory_space<vmem>>) semaphore(%run_scoped3A_278 : memref<!tpu.dma_semaphore, #tpu.memory_space<semaphore_mem>>) {add = true}
          %dma_wait3A_289 = arith.constant 0 : i32
          %dma_wait3A_290 = arith.constant 0 : i32
          %dma_wait3A_291 = tpu.memref_slice %arg9[%run_scoped3A_243, %dma_wait3A_289, %dma_wait3A_290] : memref<4x128x64xf32, #tpu.memory_space<vmem>> -> memref<1x128x64xf32, #tpu.memory_space<vmem>>
          %dma_wait3A_292 = tpu.memref_squeeze %dma_wait3A_291 : memref<1x128x64xf32, #tpu.memory_space<vmem>> -> memref<128x64xf32, #tpu.memory_space<vmem>>
          %dma_wait3A_293 = arith.constant 0 : i32
          %dma_wait3A_294 = tpu.memref_slice %arg8[%add3A_242, %dma_wait3A_293] : memref<64x128xi32, #tpu.memory_space<vmem>> -> memref<1x128xi32, #tpu.memory_space<vmem>>
          %dma_wait3A_295 = tpu.memref_squeeze %dma_wait3A_294 : memref<1x128xi32, #tpu.memory_space<vmem>> -> memref<128xi32, #tpu.memory_space<vmem>>
          %dma_wait3A_296 = arith.constant 0 : i32
          %dma_wait3A_297 = arith.constant 0 : i32
          %dma_wait3A_298 = tpu.memref_slice %arg10[%dma_wait3A_296, %dma_wait3A_297] : memref<10240x64xf32, #tpu.memory_space<vmem_shared>> -> memref<10240x64xf32, #tpu.memory_space<vmem_shared>>
          tpu.wait_indirect_dma semaphore(%run_scoped3A_278 : memref<!tpu.dma_semaphore, #tpu.memory_space<semaphore_mem>>) src(%dma_wait3A_292 : memref<128x64xf32, #tpu.memory_space<vmem>>) dst(%dma_wait3A_298 : memref<10240x64xf32, #tpu.memory_space<vmem_shared>>)
          tpu.yield
        }) : () -> ()
        %add3A_244 = arith.constant 2 : i32
        %add3A_245 = arith.addi %add3A_180, %add3A_244 : i32
        %add3A_246 = arith.constant 4 : i32
        %add3A_247 = arith.addi %add3A_245, %add3A_246 : i32
        %lt3A_248 = arith.constant 64 : i32
        %lt3A_249 = arith.cmpi slt, %add3A_247, %lt3A_248 : i32
        %convert_element_type3A_250 = arith.extui %lt3A_249 : i1 to i32
        %cond3A_251 = arith.constant 0 : i32
        %cond3A_252 = arith.cmpi ne, %convert_element_type3A_250, %cond3A_251 : i32
        scf.if %cond3A_252 {
          %add3A_278 = arith.constant 2 : i32
          %add3A_279 = arith.addi %add3A_180, %add3A_278 : i32
          %add3A_280 = arith.constant 4 : i32
          %add3A_281 = arith.addi %add3A_279, %add3A_280 : i32
          %dma_start3A_282 = arith.constant 2 : i32
          %dma_start3A_283 = arith.constant 0 : i32
          %dma_start3A_284 = arith.constant 0 : i32
          %dma_start3A_285 = tpu.memref_slice %arg9[%dma_start3A_282, %dma_start3A_283, %dma_start3A_284] : memref<4x128x64xf32, #tpu.memory_space<vmem>> -> memref<1x128x64xf32, #tpu.memory_space<vmem>>
          %dma_start3A_286 = tpu.memref_squeeze %dma_start3A_285 : memref<1x128x64xf32, #tpu.memory_space<vmem>> -> memref<128x64xf32, #tpu.memory_space<vmem>>
          %dma_start3A_287 = arith.constant 0 : i32
          %dma_start3A_288 = tpu.memref_slice %arg7[%add3A_281, %dma_start3A_287] : memref<64x128xi32, #tpu.memory_space<vmem>> -> memref<1x128xi32, #tpu.memory_space<vmem>>
          %dma_start3A_289 = tpu.memref_squeeze %dma_start3A_288 : memref<1x128xi32, #tpu.memory_space<vmem>> -> memref<128xi32, #tpu.memory_space<vmem>>
          %dma_start3A_290 = arith.constant 0 : i32
          %dma_start3A_291 = arith.constant 0 : i32
          %dma_start3A_292 = tpu.memref_slice %arg2[%dma_start3A_290, %dma_start3A_291] : memref<10240x64xf32, #tpu.memory_space<hbm>> -> memref<10240x64xf32, #tpu.memory_space<hbm>>
          tpu.enqueue_indirect_dma source(%dma_start3A_292 : memref<10240x64xf32, #tpu.memory_space<hbm>>) target(%dma_start3A_286 : memref<128x64xf32, #tpu.memory_space<vmem>>) offsets(%dma_start3A_289 : memref<128xi32, #tpu.memory_space<vmem>>) semaphore(%arg13 : memref<!tpu.dma_semaphore, #tpu.memory_space<semaphore_mem>>)
        } else {
        }
        %add3A_253 = arith.constant 3 : i32
        %add3A_254 = arith.addi %add3A_180, %add3A_253 : i32
        %dma_wait3A_255 = arith.constant 3 : i32
        %dma_wait3A_256 = arith.constant 0 : i32
        %dma_wait3A_257 = arith.constant 0 : i32
        %dma_wait3A_258 = tpu.memref_slice %arg9[%dma_wait3A_255, %dma_wait3A_256, %dma_wait3A_257] : memref<4x128x64xf32, #tpu.memory_space<vmem>> -> memref<1x128x64xf32, #tpu.memory_space<vmem>>
        %dma_wait3A_259 = tpu.memref_squeeze %dma_wait3A_258 : memref<1x128x64xf32, #tpu.memory_space<vmem>> -> memref<128x64xf32, #tpu.memory_space<vmem>>
        %dma_wait3A_260 = arith.constant 0 : i32
        %dma_wait3A_261 = tpu.memref_slice %arg7[%add3A_254, %dma_wait3A_260] : memref<64x128xi32, #tpu.memory_space<vmem>> -> memref<1x128xi32, #tpu.memory_space<vmem>>
        %dma_wait3A_262 = tpu.memref_squeeze %dma_wait3A_261 : memref<1x128xi32, #tpu.memory_space<vmem>> -> memref<128xi32, #tpu.memory_space<vmem>>
        %dma_wait3A_263 = arith.constant 0 : i32
        %dma_wait3A_264 = arith.constant 0 : i32
        %dma_wait3A_265 = tpu.memref_slice %arg2[%dma_wait3A_263, %dma_wait3A_264] : memref<10240x64xf32, #tpu.memory_space<hbm>> -> memref<10240x64xf32, #tpu.memory_space<hbm>>
        tpu.wait_indirect_dma semaphore(%arg14 : memref<!tpu.dma_semaphore, #tpu.memory_space<semaphore_mem>>) src(%dma_wait3A_265 : memref<10240x64xf32, #tpu.memory_space<hbm>>) dst(%dma_wait3A_259 : memref<128x64xf32, #tpu.memory_space<vmem>>)
        %add3A_266 = arith.constant 3 : i32
        %add3A_267 = arith.addi %add3A_180, %add3A_266 : i32
        %run_scoped3A_268 = arith.constant 3 : i32
        "tpu.region"() ({
          %run_scoped3A_278 = tpu.sem_alloc : memref<!tpu.dma_semaphore, #tpu.memory_space<semaphore_mem>>
          %dma_start3A_279 = arith.constant 0 : i32
          %dma_start3A_280 = arith.constant 0 : i32
          %dma_start3A_281 = tpu.memref_slice %arg9[%run_scoped3A_268, %dma_start3A_279, %dma_start3A_280] : memref<4x128x64xf32, #tpu.memory_space<vmem>> -> memref<1x128x64xf32, #tpu.memory_space<vmem>>
          %dma_start3A_282 = tpu.memref_squeeze %dma_start3A_281 : memref<1x128x64xf32, #tpu.memory_space<vmem>> -> memref<128x64xf32, #tpu.memory_space<vmem>>
          %dma_start3A_283 = arith.constant 0 : i32
          %dma_start3A_284 = tpu.memref_slice %arg8[%add3A_267, %dma_start3A_283] : memref<64x128xi32, #tpu.memory_space<vmem>> -> memref<1x128xi32, #tpu.memory_space<vmem>>
          %dma_start3A_285 = tpu.memref_squeeze %dma_start3A_284 : memref<1x128xi32, #tpu.memory_space<vmem>> -> memref<128xi32, #tpu.memory_space<vmem>>
          %dma_start3A_286 = arith.constant 0 : i32
          %dma_start3A_287 = arith.constant 0 : i32
          %dma_start3A_288 = tpu.memref_slice %arg10[%dma_start3A_286, %dma_start3A_287] : memref<10240x64xf32, #tpu.memory_space<vmem_shared>> -> memref<10240x64xf32, #tpu.memory_space<vmem_shared>>
          tpu.enqueue_indirect_dma source(%dma_start3A_282 : memref<128x64xf32, #tpu.memory_space<vmem>>) target(%dma_start3A_288 : memref<10240x64xf32, #tpu.memory_space<vmem_shared>>) offsets(%dma_start3A_285 : memref<128xi32, #tpu.memory_space<vmem>>) semaphore(%run_scoped3A_278 : memref<!tpu.dma_semaphore, #tpu.memory_space<semaphore_mem>>) {add = true}
          %dma_wait3A_289 = arith.constant 0 : i32
          %dma_wait3A_290 = arith.constant 0 : i32
          %dma_wait3A_291 = tpu.memref_slice %arg9[%run_scoped3A_268, %dma_wait3A_289, %dma_wait3A_290] : memref<4x128x64xf32, #tpu.memory_space<vmem>> -> memref<1x128x64xf32, #tpu.memory_space<vmem>>
          %dma_wait3A_292 = tpu.memref_squeeze %dma_wait3A_291 : memref<1x128x64xf32, #tpu.memory_space<vmem>> -> memref<128x64xf32, #tpu.memory_space<vmem>>
          %dma_wait3A_293 = arith.constant 0 : i32
          %dma_wait3A_294 = tpu.memref_slice %arg8[%add3A_267, %dma_wait3A_293] : memref<64x128xi32, #tpu.memory_space<vmem>> -> memref<1x128xi32, #tpu.memory_space<vmem>>
          %dma_wait3A_295 = tpu.memref_squeeze %dma_wait3A_294 : memref<1x128xi32, #tpu.memory_space<vmem>> -> memref<128xi32, #tpu.memory_space<vmem>>
          %dma_wait3A_296 = arith.constant 0 : i32
          %dma_wait3A_297 = arith.constant 0 : i32
          %dma_wait3A_298 = tpu.memref_slice %arg10[%dma_wait3A_296, %dma_wait3A_297] : memref<10240x64xf32, #tpu.memory_space<vmem_shared>> -> memref<10240x64xf32, #tpu.memory_space<vmem_shared>>
          tpu.wait_indirect_dma semaphore(%run_scoped3A_278 : memref<!tpu.dma_semaphore, #tpu.memory_space<semaphore_mem>>) src(%dma_wait3A_292 : memref<128x64xf32, #tpu.memory_space<vmem>>) dst(%dma_wait3A_298 : memref<10240x64xf32, #tpu.memory_space<vmem_shared>>)
          tpu.yield
        }) : () -> ()
        %add3A_269 = arith.constant 3 : i32
        %add3A_270 = arith.addi %add3A_180, %add3A_269 : i32
        %add3A_271 = arith.constant 4 : i32
        %add3A_272 = arith.addi %add3A_270, %add3A_271 : i32
        %lt3A_273 = arith.constant 64 : i32
        %lt3A_274 = arith.cmpi slt, %add3A_272, %lt3A_273 : i32
        %convert_element_type3A_275 = arith.extui %lt3A_274 : i1 to i32
        %cond3A_276 = arith.constant 0 : i32
        %cond3A_277 = arith.cmpi ne, %convert_element_type3A_275, %cond3A_276 : i32
        scf.if %cond3A_277 {
          %add3A_278 = arith.constant 3 : i32
          %add3A_279 = arith.addi %add3A_180, %add3A_278 : i32
          %add3A_280 = arith.constant 4 : i32
          %add3A_281 = arith.addi %add3A_279, %add3A_280 : i32
          %dma_start3A_282 = arith.constant 3 : i32
          %dma_start3A_283 = arith.constant 0 : i32
          %dma_start3A_284 = arith.constant 0 : i32
          %dma_start3A_285 = tpu.memref_slice %arg9[%dma_start3A_282, %dma_start3A_283, %dma_start3A_284] : memref<4x128x64xf32, #tpu.memory_space<vmem>> -> memref<1x128x64xf32, #tpu.memory_space<vmem>>
          %dma_start3A_286 = tpu.memref_squeeze %dma_start3A_285 : memref<1x128x64xf32, #tpu.memory_space<vmem>> -> memref<128x64xf32, #tpu.memory_space<vmem>>
          %dma_start3A_287 = arith.constant 0 : i32
          %dma_start3A_288 = tpu.memref_slice %arg7[%add3A_281, %dma_start3A_287] : memref<64x128xi32, #tpu.memory_space<vmem>> -> memref<1x128xi32, #tpu.memory_space<vmem>>
          %dma_start3A_289 = tpu.memref_squeeze %dma_start3A_288 : memref<1x128xi32, #tpu.memory_space<vmem>> -> memref<128xi32, #tpu.memory_space<vmem>>
          %dma_start3A_290 = arith.constant 0 : i32
          %dma_start3A_291 = arith.constant 0 : i32
          %dma_start3A_292 = tpu.memref_slice %arg2[%dma_start3A_290, %dma_start3A_291] : memref<10240x64xf32, #tpu.memory_space<hbm>> -> memref<10240x64xf32, #tpu.memory_space<hbm>>
          tpu.enqueue_indirect_dma source(%dma_start3A_292 : memref<10240x64xf32, #tpu.memory_space<hbm>>) target(%dma_start3A_286 : memref<128x64xf32, #tpu.memory_space<vmem>>) offsets(%dma_start3A_289 : memref<128xi32, #tpu.memory_space<vmem>>) semaphore(%arg14 : memref<!tpu.dma_semaphore, #tpu.memory_space<semaphore_mem>>)
        } else {
        }
      }
      %scan3A_120 = arith.constant 16 : i32
      %add3A_121 = arith.constant 128 : i32
      %add3A_122 = arith.addi %mul3A_13, %add3A_121 : i32
      "tpu.region"() ({
        %run_scoped3A = tpu.sem_alloc : memref<!tpu.dma_semaphore, #tpu.memory_space<semaphore_mem>>
        %dma_start3A_176 = arith.constant 0 : i32
        %dma_start3A_177 = arith.constant 0 : i32
        %dma_start3A_178 = tpu.memref_slice %arg7[%dma_start3A_176, %dma_start3A_177] : memref<64x128xi32, #tpu.memory_space<vmem>> -> memref<24x128xi32, #tpu.memory_space<vmem>>
        %dma_start3A_179 = arith.constant 0 : i32
        %dma_start3A_180 = tpu.memref_slice %arg3[%add3A_122, %dma_start3A_179] : memref<2528x128xi32, #tpu.memory_space<hbm>> -> memref<24x128xi32, #tpu.memory_space<hbm>>
        %dma_start3A_181 = arith.constant 0 : i32
        %dma_start3A_182 = arith.constant 0 : i32
        %dma_start3A_183 = tpu.memref_slice %arg7[%dma_start3A_181, %dma_start3A_182] : memref<64x128xi32, #tpu.memory_space<vmem>> -> memref<24x128xi32, #tpu.memory_space<vmem>>
        %dma_start3A_184 = arith.constant 0 : i32
        %dma_start3A_185 = tpu.memref_slice %arg3[%add3A_122, %dma_start3A_184] : memref<2528x128xi32, #tpu.memory_space<hbm>> -> memref<24x128xi32, #tpu.memory_space<hbm>>
        tpu.enqueue_dma source(%dma_start3A_185 : memref<24x128xi32, #tpu.memory_space<hbm>>) target(%dma_start3A_183 : memref<24x128xi32, #tpu.memory_space<vmem>>) target_semaphore(%run_scoped3A : memref<!tpu.dma_semaphore, #tpu.memory_space<semaphore_mem>>)
        %dma_wait3A = arith.constant 0 : i32
        %dma_wait3A_186 = arith.constant 0 : i32
        %dma_wait3A_187 = tpu.memref_slice %arg7[%dma_wait3A, %dma_wait3A_186] : memref<64x128xi32, #tpu.memory_space<vmem>> -> memref<24x128xi32, #tpu.memory_space<vmem>>
        %dma_wait3A_188 = arith.constant 0 : i32
        %dma_wait3A_189 = tpu.memref_slice %arg3[%add3A_122, %dma_wait3A_188] : memref<2528x128xi32, #tpu.memory_space<hbm>> -> memref<24x128xi32, #tpu.memory_space<hbm>>
        %dma_wait3A_190 = arith.constant 0 : i32
        %dma_wait3A_191 = arith.constant 0 : i32
        %dma_wait3A_192 = tpu.memref_slice %arg7[%dma_wait3A_190, %dma_wait3A_191] : memref<64x128xi32, #tpu.memory_space<vmem>> -> memref<24x128xi32, #tpu.memory_space<vmem>>
        %dma_wait3A_193 = arith.constant 0 : i32
        %dma_wait3A_194 = tpu.memref_slice %arg3[%add3A_122, %dma_wait3A_193] : memref<2528x128xi32, #tpu.memory_space<hbm>> -> memref<24x128xi32, #tpu.memory_space<hbm>>
        tpu.wait_dma2 semaphore(%run_scoped3A : memref<!tpu.dma_semaphore, #tpu.memory_space<semaphore_mem>>) src(%dma_wait3A_194 : memref<24x128xi32, #tpu.memory_space<hbm>>) dst(%dma_wait3A_192 : memref<24x128xi32, #tpu.memory_space<vmem>>)
        tpu.yield
      }) : () -> ()
      "tpu.region"() ({
        %run_scoped3A = tpu.sem_alloc : memref<!tpu.dma_semaphore, #tpu.memory_space<semaphore_mem>>
        %dma_start3A_176 = arith.constant 0 : i32
        %dma_start3A_177 = arith.constant 0 : i32
        %dma_start3A_178 = tpu.memref_slice %arg8[%dma_start3A_176, %dma_start3A_177] : memref<64x128xi32, #tpu.memory_space<vmem>> -> memref<24x128xi32, #tpu.memory_space<vmem>>
        %dma_start3A_179 = arith.constant 0 : i32
        %dma_start3A_180 = tpu.memref_slice %arg4[%add3A_122, %dma_start3A_179] : memref<2528x128xi32, #tpu.memory_space<hbm>> -> memref<24x128xi32, #tpu.memory_space<hbm>>
        %dma_start3A_181 = arith.constant 0 : i32
        %dma_start3A_182 = arith.constant 0 : i32
        %dma_start3A_183 = tpu.memref_slice %arg8[%dma_start3A_181, %dma_start3A_182] : memref<64x128xi32, #tpu.memory_space<vmem>> -> memref<24x128xi32, #tpu.memory_space<vmem>>
        %dma_start3A_184 = arith.constant 0 : i32
        %dma_start3A_185 = tpu.memref_slice %arg4[%add3A_122, %dma_start3A_184] : memref<2528x128xi32, #tpu.memory_space<hbm>> -> memref<24x128xi32, #tpu.memory_space<hbm>>
        tpu.enqueue_dma source(%dma_start3A_185 : memref<24x128xi32, #tpu.memory_space<hbm>>) target(%dma_start3A_183 : memref<24x128xi32, #tpu.memory_space<vmem>>) target_semaphore(%run_scoped3A : memref<!tpu.dma_semaphore, #tpu.memory_space<semaphore_mem>>)
        %dma_wait3A = arith.constant 0 : i32
        %dma_wait3A_186 = arith.constant 0 : i32
        %dma_wait3A_187 = tpu.memref_slice %arg8[%dma_wait3A, %dma_wait3A_186] : memref<64x128xi32, #tpu.memory_space<vmem>> -> memref<24x128xi32, #tpu.memory_space<vmem>>
        %dma_wait3A_188 = arith.constant 0 : i32
        %dma_wait3A_189 = tpu.memref_slice %arg4[%add3A_122, %dma_wait3A_188] : memref<2528x128xi32, #tpu.memory_space<hbm>> -> memref<24x128xi32, #tpu.memory_space<hbm>>
        %dma_wait3A_190 = arith.constant 0 : i32
        %dma_wait3A_191 = arith.constant 0 : i32
        %dma_wait3A_192 = tpu.memref_slice %arg8[%dma_wait3A_190, %dma_wait3A_191] : memref<64x128xi32, #tpu.memory_space<vmem>> -> memref<24x128xi32, #tpu.memory_space<vmem>>
        %dma_wait3A_193 = arith.constant 0 : i32
        %dma_wait3A_194 = tpu.memref_slice %arg4[%add3A_122, %dma_wait3A_193] : memref<2528x128xi32, #tpu.memory_space<hbm>> -> memref<24x128xi32, #tpu.memory_space<hbm>>
        tpu.wait_dma2 semaphore(%run_scoped3A : memref<!tpu.dma_semaphore, #tpu.memory_space<semaphore_mem>>) src(%dma_wait3A_194 : memref<24x128xi32, #tpu.memory_space<hbm>>) dst(%dma_wait3A_192 : memref<24x128xi32, #tpu.memory_space<vmem>>)
        tpu.yield
      }) : () -> ()
      %dma_start3A_123 = arith.constant 0 : i32
      %dma_start3A_124 = arith.constant 0 : i32
      %dma_start3A_125 = arith.constant 0 : i32
      %dma_start3A_126 = arith.constant 0 : i32
      %dma_start3A_127 = tpu.memref_slice %arg9[%dma_start3A_124, %dma_start3A_125, %dma_start3A_126] : memref<4x128x64xf32, #tpu.memory_space<vmem>> -> memref<1x128x64xf32, #tpu.memory_space<vmem>>
      %dma_start3A_128 = tpu.memref_squeeze %dma_start3A_127 : memref<1x128x64xf32, #tpu.memory_space<vmem>> -> memref<128x64xf32, #tpu.memory_space<vmem>>
      %dma_start3A_129 = arith.constant 0 : i32
      %dma_start3A_130 = tpu.memref_slice %arg7[%dma_start3A_123, %dma_start3A_129] : memref<64x128xi32, #tpu.memory_space<vmem>> -> memref<1x128xi32, #tpu.memory_space<vmem>>
      %dma_start3A_131 = tpu.memref_squeeze %dma_start3A_130 : memref<1x128xi32, #tpu.memory_space<vmem>> -> memref<128xi32, #tpu.memory_space<vmem>>
      %dma_start3A_132 = arith.constant 0 : i32
      %dma_start3A_133 = arith.constant 0 : i32
      %dma_start3A_134 = tpu.memref_slice %arg2[%dma_start3A_132, %dma_start3A_133] : memref<10240x64xf32, #tpu.memory_space<hbm>> -> memref<10240x64xf32, #tpu.memory_space<hbm>>
      tpu.enqueue_indirect_dma source(%dma_start3A_134 : memref<10240x64xf32, #tpu.memory_space<hbm>>) target(%dma_start3A_128 : memref<128x64xf32, #tpu.memory_space<vmem>>) offsets(%dma_start3A_131 : memref<128xi32, #tpu.memory_space<vmem>>) semaphore(%arg11 : memref<!tpu.dma_semaphore, #tpu.memory_space<semaphore_mem>>)
      %dma_start3A_135 = arith.constant 1 : i32
      %dma_start3A_136 = arith.constant 1 : i32
      %dma_start3A_137 = arith.constant 0 : i32
      %dma_start3A_138 = arith.constant 0 : i32
      %dma_start3A_139 = tpu.memref_slice %arg9[%dma_start3A_136, %dma_start3A_137, %dma_start3A_138] : memref<4x128x64xf32, #tpu.memory_space<vmem>> -> memref<1x128x64xf32, #tpu.memory_space<vmem>>
      %dma_start3A_140 = tpu.memref_squeeze %dma_start3A_139 : memref<1x128x64xf32, #tpu.memory_space<vmem>> -> memref<128x64xf32, #tpu.memory_space<vmem>>
      %dma_start3A_141 = arith.constant 0 : i32
      %dma_start3A_142 = tpu.memref_slice %arg7[%dma_start3A_135, %dma_start3A_141] : memref<64x128xi32, #tpu.memory_space<vmem>> -> memref<1x128xi32, #tpu.memory_space<vmem>>
      %dma_start3A_143 = tpu.memref_squeeze %dma_start3A_142 : memref<1x128xi32, #tpu.memory_space<vmem>> -> memref<128xi32, #tpu.memory_space<vmem>>
      %dma_start3A_144 = arith.constant 0 : i32
      %dma_start3A_145 = arith.constant 0 : i32
      %dma_start3A_146 = tpu.memref_slice %arg2[%dma_start3A_144, %dma_start3A_145] : memref<10240x64xf32, #tpu.memory_space<hbm>> -> memref<10240x64xf32, #tpu.memory_space<hbm>>
      tpu.enqueue_indirect_dma source(%dma_start3A_146 : memref<10240x64xf32, #tpu.memory_space<hbm>>) target(%dma_start3A_140 : memref<128x64xf32, #tpu.memory_space<vmem>>) offsets(%dma_start3A_143 : memref<128xi32, #tpu.memory_space<vmem>>) semaphore(%arg12 : memref<!tpu.dma_semaphore, #tpu.memory_space<semaphore_mem>>)
      %dma_start3A_147 = arith.constant 2 : i32
      %dma_start3A_148 = arith.constant 2 : i32
      %dma_start3A_149 = arith.constant 0 : i32
      %dma_start3A_150 = arith.constant 0 : i32
      %dma_start3A_151 = tpu.memref_slice %arg9[%dma_start3A_148, %dma_start3A_149, %dma_start3A_150] : memref<4x128x64xf32, #tpu.memory_space<vmem>> -> memref<1x128x64xf32, #tpu.memory_space<vmem>>
      %dma_start3A_152 = tpu.memref_squeeze %dma_start3A_151 : memref<1x128x64xf32, #tpu.memory_space<vmem>> -> memref<128x64xf32, #tpu.memory_space<vmem>>
      %dma_start3A_153 = arith.constant 0 : i32
      %dma_start3A_154 = tpu.memref_slice %arg7[%dma_start3A_147, %dma_start3A_153] : memref<64x128xi32, #tpu.memory_space<vmem>> -> memref<1x128xi32, #tpu.memory_space<vmem>>
      %dma_start3A_155 = tpu.memref_squeeze %dma_start3A_154 : memref<1x128xi32, #tpu.memory_space<vmem>> -> memref<128xi32, #tpu.memory_space<vmem>>
      %dma_start3A_156 = arith.constant 0 : i32
      %dma_start3A_157 = arith.constant 0 : i32
      %dma_start3A_158 = tpu.memref_slice %arg2[%dma_start3A_156, %dma_start3A_157] : memref<10240x64xf32, #tpu.memory_space<hbm>> -> memref<10240x64xf32, #tpu.memory_space<hbm>>
      tpu.enqueue_indirect_dma source(%dma_start3A_158 : memref<10240x64xf32, #tpu.memory_space<hbm>>) target(%dma_start3A_152 : memref<128x64xf32, #tpu.memory_space<vmem>>) offsets(%dma_start3A_155 : memref<128xi32, #tpu.memory_space<vmem>>) semaphore(%arg13 : memref<!tpu.dma_semaphore, #tpu.memory_space<semaphore_mem>>)
      %dma_start3A_159 = arith.constant 3 : i32
      %dma_start3A_160 = arith.constant 3 : i32
      %dma_start3A_161 = arith.constant 0 : i32
      %dma_start3A_162 = arith.constant 0 : i32
      %dma_start3A_163 = tpu.memref_slice %arg9[%dma_start3A_160, %dma_start3A_161, %dma_start3A_162] : memref<4x128x64xf32, #tpu.memory_space<vmem>> -> memref<1x128x64xf32, #tpu.memory_space<vmem>>
      %dma_start3A_164 = tpu.memref_squeeze %dma_start3A_163 : memref<1x128x64xf32, #tpu.memory_space<vmem>> -> memref<128x64xf32, #tpu.memory_space<vmem>>
      %dma_start3A_165 = arith.constant 0 : i32
      %dma_start3A_166 = tpu.memref_slice %arg7[%dma_start3A_159, %dma_start3A_165] : memref<64x128xi32, #tpu.memory_space<vmem>> -> memref<1x128xi32, #tpu.memory_space<vmem>>
      %dma_start3A_167 = tpu.memref_squeeze %dma_start3A_166 : memref<1x128xi32, #tpu.memory_space<vmem>> -> memref<128xi32, #tpu.memory_space<vmem>>
      %dma_start3A_168 = arith.constant 0 : i32
      %dma_start3A_169 = arith.constant 0 : i32
      %dma_start3A_170 = tpu.memref_slice %arg2[%dma_start3A_168, %dma_start3A_169] : memref<10240x64xf32, #tpu.memory_space<hbm>> -> memref<10240x64xf32, #tpu.memory_space<hbm>>
      tpu.enqueue_indirect_dma source(%dma_start3A_170 : memref<10240x64xf32, #tpu.memory_space<hbm>>) target(%dma_start3A_164 : memref<128x64xf32, #tpu.memory_space<vmem>>) offsets(%dma_start3A_167 : memref<128xi32, #tpu.memory_space<vmem>>) semaphore(%arg14 : memref<!tpu.dma_semaphore, #tpu.memory_space<semaphore_mem>>)
      %scan3A_171 = arith.constant 0 : i32
      %scan3A_172 = arith.constant 6 : i32
      %scan3A_173 = arith.addi %scan3A_171, %scan3A_172 : i32
      %scan3A_174 = arith.constant 1 : i32
      scf.for %scan3A_176 = %scan3A_171 to %scan3A_173 step %scan3A_174  : i32 {
        %mul3A_177 = arith.constant 4 : i32
        %mul3A_178 = arith.muli %scan3A_176, %mul3A_177 : i32
        %add3A_179 = arith.constant 0 : i32
        %add3A_180 = arith.addi %add3A_179, %mul3A_178 : i32
        %add3A_181 = arith.constant 0 : i32
        %add3A_182 = arith.addi %add3A_180, %add3A_181 : i32
        %dma_wait3A = arith.constant 0 : i32
        %dma_wait3A_183 = arith.constant 0 : i32
        %dma_wait3A_184 = arith.constant 0 : i32
        %dma_wait3A_185 = tpu.memref_slice %arg9[%dma_wait3A, %dma_wait3A_183, %dma_wait3A_184] : memref<4x128x64xf32, #tpu.memory_space<vmem>> -> memref<1x128x64xf32, #tpu.memory_space<vmem>>
        %dma_wait3A_186 = tpu.memref_squeeze %dma_wait3A_185 : memref<1x128x64xf32, #tpu.memory_space<vmem>> -> memref<128x64xf32, #tpu.memory_space<vmem>>
        %dma_wait3A_187 = arith.constant 0 : i32
        %dma_wait3A_188 = tpu.memref_slice %arg7[%add3A_182, %dma_wait3A_187] : memref<64x128xi32, #tpu.memory_space<vmem>> -> memref<1x128xi32, #tpu.memory_space<vmem>>
        %dma_wait3A_189 = tpu.memref_squeeze %dma_wait3A_188 : memref<1x128xi32, #tpu.memory_space<vmem>> -> memref<128xi32, #tpu.memory_space<vmem>>
        %dma_wait3A_190 = arith.constant 0 : i32
        %dma_wait3A_191 = arith.constant 0 : i32
        %dma_wait3A_192 = tpu.memref_slice %arg2[%dma_wait3A_190, %dma_wait3A_191] : memref<10240x64xf32, #tpu.memory_space<hbm>> -> memref<10240x64xf32, #tpu.memory_space<hbm>>
        tpu.wait_indirect_dma semaphore(%arg11 : memref<!tpu.dma_semaphore, #tpu.memory_space<semaphore_mem>>) src(%dma_wait3A_192 : memref<10240x64xf32, #tpu.memory_space<hbm>>) dst(%dma_wait3A_186 : memref<128x64xf32, #tpu.memory_space<vmem>>)
        %add3A_193 = arith.constant 0 : i32
        %add3A_194 = arith.addi %add3A_180, %add3A_193 : i32
        %run_scoped3A = arith.constant 0 : i32
        "tpu.region"() ({
          %run_scoped3A_278 = tpu.sem_alloc : memref<!tpu.dma_semaphore, #tpu.memory_space<semaphore_mem>>
          %dma_start3A_279 = arith.constant 0 : i32
          %dma_start3A_280 = arith.constant 0 : i32
          %dma_start3A_281 = tpu.memref_slice %arg9[%run_scoped3A, %dma_start3A_279, %dma_start3A_280] : memref<4x128x64xf32, #tpu.memory_space<vmem>> -> memref<1x128x64xf32, #tpu.memory_space<vmem>>
          %dma_start3A_282 = tpu.memref_squeeze %dma_start3A_281 : memref<1x128x64xf32, #tpu.memory_space<vmem>> -> memref<128x64xf32, #tpu.memory_space<vmem>>
          %dma_start3A_283 = arith.constant 0 : i32
          %dma_start3A_284 = tpu.memref_slice %arg8[%add3A_194, %dma_start3A_283] : memref<64x128xi32, #tpu.memory_space<vmem>> -> memref<1x128xi32, #tpu.memory_space<vmem>>
          %dma_start3A_285 = tpu.memref_squeeze %dma_start3A_284 : memref<1x128xi32, #tpu.memory_space<vmem>> -> memref<128xi32, #tpu.memory_space<vmem>>
          %dma_start3A_286 = arith.constant 0 : i32
          %dma_start3A_287 = arith.constant 0 : i32
          %dma_start3A_288 = tpu.memref_slice %arg10[%dma_start3A_286, %dma_start3A_287] : memref<10240x64xf32, #tpu.memory_space<vmem_shared>> -> memref<10240x64xf32, #tpu.memory_space<vmem_shared>>
          tpu.enqueue_indirect_dma source(%dma_start3A_282 : memref<128x64xf32, #tpu.memory_space<vmem>>) target(%dma_start3A_288 : memref<10240x64xf32, #tpu.memory_space<vmem_shared>>) offsets(%dma_start3A_285 : memref<128xi32, #tpu.memory_space<vmem>>) semaphore(%run_scoped3A_278 : memref<!tpu.dma_semaphore, #tpu.memory_space<semaphore_mem>>) {add = true}
          %dma_wait3A_289 = arith.constant 0 : i32
          %dma_wait3A_290 = arith.constant 0 : i32
          %dma_wait3A_291 = tpu.memref_slice %arg9[%run_scoped3A, %dma_wait3A_289, %dma_wait3A_290] : memref<4x128x64xf32, #tpu.memory_space<vmem>> -> memref<1x128x64xf32, #tpu.memory_space<vmem>>
          %dma_wait3A_292 = tpu.memref_squeeze %dma_wait3A_291 : memref<1x128x64xf32, #tpu.memory_space<vmem>> -> memref<128x64xf32, #tpu.memory_space<vmem>>
          %dma_wait3A_293 = arith.constant 0 : i32
          %dma_wait3A_294 = tpu.memref_slice %arg8[%add3A_194, %dma_wait3A_293] : memref<64x128xi32, #tpu.memory_space<vmem>> -> memref<1x128xi32, #tpu.memory_space<vmem>>
          %dma_wait3A_295 = tpu.memref_squeeze %dma_wait3A_294 : memref<1x128xi32, #tpu.memory_space<vmem>> -> memref<128xi32, #tpu.memory_space<vmem>>
          %dma_wait3A_296 = arith.constant 0 : i32
          %dma_wait3A_297 = arith.constant 0 : i32
          %dma_wait3A_298 = tpu.memref_slice %arg10[%dma_wait3A_296, %dma_wait3A_297] : memref<10240x64xf32, #tpu.memory_space<vmem_shared>> -> memref<10240x64xf32, #tpu.memory_space<vmem_shared>>
          tpu.wait_indirect_dma semaphore(%run_scoped3A_278 : memref<!tpu.dma_semaphore, #tpu.memory_space<semaphore_mem>>) src(%dma_wait3A_292 : memref<128x64xf32, #tpu.memory_space<vmem>>) dst(%dma_wait3A_298 : memref<10240x64xf32, #tpu.memory_space<vmem_shared>>)
          tpu.yield
        }) : () -> ()
        %add3A_195 = arith.constant 0 : i32
        %add3A_196 = arith.addi %add3A_180, %add3A_195 : i32
        %add3A_197 = arith.constant 4 : i32
        %add3A_198 = arith.addi %add3A_196, %add3A_197 : i32
        %lt3A = arith.constant 24 : i32
        %lt3A_199 = arith.cmpi slt, %add3A_198, %lt3A : i32
        %convert_element_type3A_200 = arith.extui %lt3A_199 : i1 to i32
        %cond3A_201 = arith.constant 0 : i32
        %cond3A_202 = arith.cmpi ne, %convert_element_type3A_200, %cond3A_201 : i32
        scf.if %cond3A_202 {
          %add3A_278 = arith.constant 0 : i32
          %add3A_279 = arith.addi %add3A_180, %add3A_278 : i32
          %add3A_280 = arith.constant 4 : i32
          %add3A_281 = arith.addi %add3A_279, %add3A_280 : i32
          %dma_start3A_282 = arith.constant 0 : i32
          %dma_start3A_283 = arith.constant 0 : i32
          %dma_start3A_284 = arith.constant 0 : i32
          %dma_start3A_285 = tpu.memref_slice %arg9[%dma_start3A_282, %dma_start3A_283, %dma_start3A_284] : memref<4x128x64xf32, #tpu.memory_space<vmem>> -> memref<1x128x64xf32, #tpu.memory_space<vmem>>
          %dma_start3A_286 = tpu.memref_squeeze %dma_start3A_285 : memref<1x128x64xf32, #tpu.memory_space<vmem>> -> memref<128x64xf32, #tpu.memory_space<vmem>>
          %dma_start3A_287 = arith.constant 0 : i32
          %dma_start3A_288 = tpu.memref_slice %arg7[%add3A_281, %dma_start3A_287] : memref<64x128xi32, #tpu.memory_space<vmem>> -> memref<1x128xi32, #tpu.memory_space<vmem>>
          %dma_start3A_289 = tpu.memref_squeeze %dma_start3A_288 : memref<1x128xi32, #tpu.memory_space<vmem>> -> memref<128xi32, #tpu.memory_space<vmem>>
          %dma_start3A_290 = arith.constant 0 : i32
          %dma_start3A_291 = arith.constant 0 : i32
          %dma_start3A_292 = tpu.memref_slice %arg2[%dma_start3A_290, %dma_start3A_291] : memref<10240x64xf32, #tpu.memory_space<hbm>> -> memref<10240x64xf32, #tpu.memory_space<hbm>>
          tpu.enqueue_indirect_dma source(%dma_start3A_292 : memref<10240x64xf32, #tpu.memory_space<hbm>>) target(%dma_start3A_286 : memref<128x64xf32, #tpu.memory_space<vmem>>) offsets(%dma_start3A_289 : memref<128xi32, #tpu.memory_space<vmem>>) semaphore(%arg11 : memref<!tpu.dma_semaphore, #tpu.memory_space<semaphore_mem>>)
        } else {
        }
        %add3A_203 = arith.constant 1 : i32
        %add3A_204 = arith.addi %add3A_180, %add3A_203 : i32
        %dma_wait3A_205 = arith.constant 1 : i32
        %dma_wait3A_206 = arith.constant 0 : i32
        %dma_wait3A_207 = arith.constant 0 : i32
        %dma_wait3A_208 = tpu.memref_slice %arg9[%dma_wait3A_205, %dma_wait3A_206, %dma_wait3A_207] : memref<4x128x64xf32, #tpu.memory_space<vmem>> -> memref<1x128x64xf32, #tpu.memory_space<vmem>>
        %dma_wait3A_209 = tpu.memref_squeeze %dma_wait3A_208 : memref<1x128x64xf32, #tpu.memory_space<vmem>> -> memref<128x64xf32, #tpu.memory_space<vmem>>
        %dma_wait3A_210 = arith.constant 0 : i32
        %dma_wait3A_211 = tpu.memref_slice %arg7[%add3A_204, %dma_wait3A_210] : memref<64x128xi32, #tpu.memory_space<vmem>> -> memref<1x128xi32, #tpu.memory_space<vmem>>
        %dma_wait3A_212 = tpu.memref_squeeze %dma_wait3A_211 : memref<1x128xi32, #tpu.memory_space<vmem>> -> memref<128xi32, #tpu.memory_space<vmem>>
        %dma_wait3A_213 = arith.constant 0 : i32
        %dma_wait3A_214 = arith.constant 0 : i32
        %dma_wait3A_215 = tpu.memref_slice %arg2[%dma_wait3A_213, %dma_wait3A_214] : memref<10240x64xf32, #tpu.memory_space<hbm>> -> memref<10240x64xf32, #tpu.memory_space<hbm>>
        tpu.wait_indirect_dma semaphore(%arg12 : memref<!tpu.dma_semaphore, #tpu.memory_space<semaphore_mem>>) src(%dma_wait3A_215 : memref<10240x64xf32, #tpu.memory_space<hbm>>) dst(%dma_wait3A_209 : memref<128x64xf32, #tpu.memory_space<vmem>>)
        %add3A_216 = arith.constant 1 : i32
        %add3A_217 = arith.addi %add3A_180, %add3A_216 : i32
        %run_scoped3A_218 = arith.constant 1 : i32
        "tpu.region"() ({
          %run_scoped3A_278 = tpu.sem_alloc : memref<!tpu.dma_semaphore, #tpu.memory_space<semaphore_mem>>
          %dma_start3A_279 = arith.constant 0 : i32
          %dma_start3A_280 = arith.constant 0 : i32
          %dma_start3A_281 = tpu.memref_slice %arg9[%run_scoped3A_218, %dma_start3A_279, %dma_start3A_280] : memref<4x128x64xf32, #tpu.memory_space<vmem>> -> memref<1x128x64xf32, #tpu.memory_space<vmem>>
          %dma_start3A_282 = tpu.memref_squeeze %dma_start3A_281 : memref<1x128x64xf32, #tpu.memory_space<vmem>> -> memref<128x64xf32, #tpu.memory_space<vmem>>
          %dma_start3A_283 = arith.constant 0 : i32
          %dma_start3A_284 = tpu.memref_slice %arg8[%add3A_217, %dma_start3A_283] : memref<64x128xi32, #tpu.memory_space<vmem>> -> memref<1x128xi32, #tpu.memory_space<vmem>>
          %dma_start3A_285 = tpu.memref_squeeze %dma_start3A_284 : memref<1x128xi32, #tpu.memory_space<vmem>> -> memref<128xi32, #tpu.memory_space<vmem>>
          %dma_start3A_286 = arith.constant 0 : i32
          %dma_start3A_287 = arith.constant 0 : i32
          %dma_start3A_288 = tpu.memref_slice %arg10[%dma_start3A_286, %dma_start3A_287] : memref<10240x64xf32, #tpu.memory_space<vmem_shared>> -> memref<10240x64xf32, #tpu.memory_space<vmem_shared>>
          tpu.enqueue_indirect_dma source(%dma_start3A_282 : memref<128x64xf32, #tpu.memory_space<vmem>>) target(%dma_start3A_288 : memref<10240x64xf32, #tpu.memory_space<vmem_shared>>) offsets(%dma_start3A_285 : memref<128xi32, #tpu.memory_space<vmem>>) semaphore(%run_scoped3A_278 : memref<!tpu.dma_semaphore, #tpu.memory_space<semaphore_mem>>) {add = true}
          %dma_wait3A_289 = arith.constant 0 : i32
          %dma_wait3A_290 = arith.constant 0 : i32
          %dma_wait3A_291 = tpu.memref_slice %arg9[%run_scoped3A_218, %dma_wait3A_289, %dma_wait3A_290] : memref<4x128x64xf32, #tpu.memory_space<vmem>> -> memref<1x128x64xf32, #tpu.memory_space<vmem>>
          %dma_wait3A_292 = tpu.memref_squeeze %dma_wait3A_291 : memref<1x128x64xf32, #tpu.memory_space<vmem>> -> memref<128x64xf32, #tpu.memory_space<vmem>>
          %dma_wait3A_293 = arith.constant 0 : i32
          %dma_wait3A_294 = tpu.memref_slice %arg8[%add3A_217, %dma_wait3A_293] : memref<64x128xi32, #tpu.memory_space<vmem>> -> memref<1x128xi32, #tpu.memory_space<vmem>>
          %dma_wait3A_295 = tpu.memref_squeeze %dma_wait3A_294 : memref<1x128xi32, #tpu.memory_space<vmem>> -> memref<128xi32, #tpu.memory_space<vmem>>
          %dma_wait3A_296 = arith.constant 0 : i32
          %dma_wait3A_297 = arith.constant 0 : i32
          %dma_wait3A_298 = tpu.memref_slice %arg10[%dma_wait3A_296, %dma_wait3A_297] : memref<10240x64xf32, #tpu.memory_space<vmem_shared>> -> memref<10240x64xf32, #tpu.memory_space<vmem_shared>>
          tpu.wait_indirect_dma semaphore(%run_scoped3A_278 : memref<!tpu.dma_semaphore, #tpu.memory_space<semaphore_mem>>) src(%dma_wait3A_292 : memref<128x64xf32, #tpu.memory_space<vmem>>) dst(%dma_wait3A_298 : memref<10240x64xf32, #tpu.memory_space<vmem_shared>>)
          tpu.yield
        }) : () -> ()
        %add3A_219 = arith.constant 1 : i32
        %add3A_220 = arith.addi %add3A_180, %add3A_219 : i32
        %add3A_221 = arith.constant 4 : i32
        %add3A_222 = arith.addi %add3A_220, %add3A_221 : i32
        %lt3A_223 = arith.constant 24 : i32
        %lt3A_224 = arith.cmpi slt, %add3A_222, %lt3A_223 : i32
        %convert_element_type3A_225 = arith.extui %lt3A_224 : i1 to i32
        %cond3A_226 = arith.constant 0 : i32
        %cond3A_227 = arith.cmpi ne, %convert_element_type3A_225, %cond3A_226 : i32
        scf.if %cond3A_227 {
          %add3A_278 = arith.constant 1 : i32
          %add3A_279 = arith.addi %add3A_180, %add3A_278 : i32
          %add3A_280 = arith.constant 4 : i32
          %add3A_281 = arith.addi %add3A_279, %add3A_280 : i32
          %dma_start3A_282 = arith.constant 1 : i32
          %dma_start3A_283 = arith.constant 0 : i32
          %dma_start3A_284 = arith.constant 0 : i32
          %dma_start3A_285 = tpu.memref_slice %arg9[%dma_start3A_282, %dma_start3A_283, %dma_start3A_284] : memref<4x128x64xf32, #tpu.memory_space<vmem>> -> memref<1x128x64xf32, #tpu.memory_space<vmem>>
          %dma_start3A_286 = tpu.memref_squeeze %dma_start3A_285 : memref<1x128x64xf32, #tpu.memory_space<vmem>> -> memref<128x64xf32, #tpu.memory_space<vmem>>
          %dma_start3A_287 = arith.constant 0 : i32
          %dma_start3A_288 = tpu.memref_slice %arg7[%add3A_281, %dma_start3A_287] : memref<64x128xi32, #tpu.memory_space<vmem>> -> memref<1x128xi32, #tpu.memory_space<vmem>>
          %dma_start3A_289 = tpu.memref_squeeze %dma_start3A_288 : memref<1x128xi32, #tpu.memory_space<vmem>> -> memref<128xi32, #tpu.memory_space<vmem>>
          %dma_start3A_290 = arith.constant 0 : i32
          %dma_start3A_291 = arith.constant 0 : i32
          %dma_start3A_292 = tpu.memref_slice %arg2[%dma_start3A_290, %dma_start3A_291] : memref<10240x64xf32, #tpu.memory_space<hbm>> -> memref<10240x64xf32, #tpu.memory_space<hbm>>
          tpu.enqueue_indirect_dma source(%dma_start3A_292 : memref<10240x64xf32, #tpu.memory_space<hbm>>) target(%dma_start3A_286 : memref<128x64xf32, #tpu.memory_space<vmem>>) offsets(%dma_start3A_289 : memref<128xi32, #tpu.memory_space<vmem>>) semaphore(%arg12 : memref<!tpu.dma_semaphore, #tpu.memory_space<semaphore_mem>>)
        } else {
        }
        %add3A_228 = arith.constant 2 : i32
        %add3A_229 = arith.addi %add3A_180, %add3A_228 : i32
        %dma_wait3A_230 = arith.constant 2 : i32
        %dma_wait3A_231 = arith.constant 0 : i32
        %dma_wait3A_232 = arith.constant 0 : i32
        %dma_wait3A_233 = tpu.memref_slice %arg9[%dma_wait3A_230, %dma_wait3A_231, %dma_wait3A_232] : memref<4x128x64xf32, #tpu.memory_space<vmem>> -> memref<1x128x64xf32, #tpu.memory_space<vmem>>
        %dma_wait3A_234 = tpu.memref_squeeze %dma_wait3A_233 : memref<1x128x64xf32, #tpu.memory_space<vmem>> -> memref<128x64xf32, #tpu.memory_space<vmem>>
        %dma_wait3A_235 = arith.constant 0 : i32
        %dma_wait3A_236 = tpu.memref_slice %arg7[%add3A_229, %dma_wait3A_235] : memref<64x128xi32, #tpu.memory_space<vmem>> -> memref<1x128xi32, #tpu.memory_space<vmem>>
        %dma_wait3A_237 = tpu.memref_squeeze %dma_wait3A_236 : memref<1x128xi32, #tpu.memory_space<vmem>> -> memref<128xi32, #tpu.memory_space<vmem>>
        %dma_wait3A_238 = arith.constant 0 : i32
        %dma_wait3A_239 = arith.constant 0 : i32
        %dma_wait3A_240 = tpu.memref_slice %arg2[%dma_wait3A_238, %dma_wait3A_239] : memref<10240x64xf32, #tpu.memory_space<hbm>> -> memref<10240x64xf32, #tpu.memory_space<hbm>>
        tpu.wait_indirect_dma semaphore(%arg13 : memref<!tpu.dma_semaphore, #tpu.memory_space<semaphore_mem>>) src(%dma_wait3A_240 : memref<10240x64xf32, #tpu.memory_space<hbm>>) dst(%dma_wait3A_234 : memref<128x64xf32, #tpu.memory_space<vmem>>)
        %add3A_241 = arith.constant 2 : i32
        %add3A_242 = arith.addi %add3A_180, %add3A_241 : i32
        %run_scoped3A_243 = arith.constant 2 : i32
        "tpu.region"() ({
          %run_scoped3A_278 = tpu.sem_alloc : memref<!tpu.dma_semaphore, #tpu.memory_space<semaphore_mem>>
          %dma_start3A_279 = arith.constant 0 : i32
          %dma_start3A_280 = arith.constant 0 : i32
          %dma_start3A_281 = tpu.memref_slice %arg9[%run_scoped3A_243, %dma_start3A_279, %dma_start3A_280] : memref<4x128x64xf32, #tpu.memory_space<vmem>> -> memref<1x128x64xf32, #tpu.memory_space<vmem>>
          %dma_start3A_282 = tpu.memref_squeeze %dma_start3A_281 : memref<1x128x64xf32, #tpu.memory_space<vmem>> -> memref<128x64xf32, #tpu.memory_space<vmem>>
          %dma_start3A_283 = arith.constant 0 : i32
          %dma_start3A_284 = tpu.memref_slice %arg8[%add3A_242, %dma_start3A_283] : memref<64x128xi32, #tpu.memory_space<vmem>> -> memref<1x128xi32, #tpu.memory_space<vmem>>
          %dma_start3A_285 = tpu.memref_squeeze %dma_start3A_284 : memref<1x128xi32, #tpu.memory_space<vmem>> -> memref<128xi32, #tpu.memory_space<vmem>>
          %dma_start3A_286 = arith.constant 0 : i32
          %dma_start3A_287 = arith.constant 0 : i32
          %dma_start3A_288 = tpu.memref_slice %arg10[%dma_start3A_286, %dma_start3A_287] : memref<10240x64xf32, #tpu.memory_space<vmem_shared>> -> memref<10240x64xf32, #tpu.memory_space<vmem_shared>>
          tpu.enqueue_indirect_dma source(%dma_start3A_282 : memref<128x64xf32, #tpu.memory_space<vmem>>) target(%dma_start3A_288 : memref<10240x64xf32, #tpu.memory_space<vmem_shared>>) offsets(%dma_start3A_285 : memref<128xi32, #tpu.memory_space<vmem>>) semaphore(%run_scoped3A_278 : memref<!tpu.dma_semaphore, #tpu.memory_space<semaphore_mem>>) {add = true}
          %dma_wait3A_289 = arith.constant 0 : i32
          %dma_wait3A_290 = arith.constant 0 : i32
          %dma_wait3A_291 = tpu.memref_slice %arg9[%run_scoped3A_243, %dma_wait3A_289, %dma_wait3A_290] : memref<4x128x64xf32, #tpu.memory_space<vmem>> -> memref<1x128x64xf32, #tpu.memory_space<vmem>>
          %dma_wait3A_292 = tpu.memref_squeeze %dma_wait3A_291 : memref<1x128x64xf32, #tpu.memory_space<vmem>> -> memref<128x64xf32, #tpu.memory_space<vmem>>
          %dma_wait3A_293 = arith.constant 0 : i32
          %dma_wait3A_294 = tpu.memref_slice %arg8[%add3A_242, %dma_wait3A_293] : memref<64x128xi32, #tpu.memory_space<vmem>> -> memref<1x128xi32, #tpu.memory_space<vmem>>
          %dma_wait3A_295 = tpu.memref_squeeze %dma_wait3A_294 : memref<1x128xi32, #tpu.memory_space<vmem>> -> memref<128xi32, #tpu.memory_space<vmem>>
          %dma_wait3A_296 = arith.constant 0 : i32
          %dma_wait3A_297 = arith.constant 0 : i32
          %dma_wait3A_298 = tpu.memref_slice %arg10[%dma_wait3A_296, %dma_wait3A_297] : memref<10240x64xf32, #tpu.memory_space<vmem_shared>> -> memref<10240x64xf32, #tpu.memory_space<vmem_shared>>
          tpu.wait_indirect_dma semaphore(%run_scoped3A_278 : memref<!tpu.dma_semaphore, #tpu.memory_space<semaphore_mem>>) src(%dma_wait3A_292 : memref<128x64xf32, #tpu.memory_space<vmem>>) dst(%dma_wait3A_298 : memref<10240x64xf32, #tpu.memory_space<vmem_shared>>)
          tpu.yield
        }) : () -> ()
        %add3A_244 = arith.constant 2 : i32
        %add3A_245 = arith.addi %add3A_180, %add3A_244 : i32
        %add3A_246 = arith.constant 4 : i32
        %add3A_247 = arith.addi %add3A_245, %add3A_246 : i32
        %lt3A_248 = arith.constant 24 : i32
        %lt3A_249 = arith.cmpi slt, %add3A_247, %lt3A_248 : i32
        %convert_element_type3A_250 = arith.extui %lt3A_249 : i1 to i32
        %cond3A_251 = arith.constant 0 : i32
        %cond3A_252 = arith.cmpi ne, %convert_element_type3A_250, %cond3A_251 : i32
        scf.if %cond3A_252 {
          %add3A_278 = arith.constant 2 : i32
          %add3A_279 = arith.addi %add3A_180, %add3A_278 : i32
          %add3A_280 = arith.constant 4 : i32
          %add3A_281 = arith.addi %add3A_279, %add3A_280 : i32
          %dma_start3A_282 = arith.constant 2 : i32
          %dma_start3A_283 = arith.constant 0 : i32
          %dma_start3A_284 = arith.constant 0 : i32
          %dma_start3A_285 = tpu.memref_slice %arg9[%dma_start3A_282, %dma_start3A_283, %dma_start3A_284] : memref<4x128x64xf32, #tpu.memory_space<vmem>> -> memref<1x128x64xf32, #tpu.memory_space<vmem>>
          %dma_start3A_286 = tpu.memref_squeeze %dma_start3A_285 : memref<1x128x64xf32, #tpu.memory_space<vmem>> -> memref<128x64xf32, #tpu.memory_space<vmem>>
          %dma_start3A_287 = arith.constant 0 : i32
          %dma_start3A_288 = tpu.memref_slice %arg7[%add3A_281, %dma_start3A_287] : memref<64x128xi32, #tpu.memory_space<vmem>> -> memref<1x128xi32, #tpu.memory_space<vmem>>
          %dma_start3A_289 = tpu.memref_squeeze %dma_start3A_288 : memref<1x128xi32, #tpu.memory_space<vmem>> -> memref<128xi32, #tpu.memory_space<vmem>>
          %dma_start3A_290 = arith.constant 0 : i32
          %dma_start3A_291 = arith.constant 0 : i32
          %dma_start3A_292 = tpu.memref_slice %arg2[%dma_start3A_290, %dma_start3A_291] : memref<10240x64xf32, #tpu.memory_space<hbm>> -> memref<10240x64xf32, #tpu.memory_space<hbm>>
          tpu.enqueue_indirect_dma source(%dma_start3A_292 : memref<10240x64xf32, #tpu.memory_space<hbm>>) target(%dma_start3A_286 : memref<128x64xf32, #tpu.memory_space<vmem>>) offsets(%dma_start3A_289 : memref<128xi32, #tpu.memory_space<vmem>>) semaphore(%arg13 : memref<!tpu.dma_semaphore, #tpu.memory_space<semaphore_mem>>)
        } else {
        }
        %add3A_253 = arith.constant 3 : i32
        %add3A_254 = arith.addi %add3A_180, %add3A_253 : i32
        %dma_wait3A_255 = arith.constant 3 : i32
        %dma_wait3A_256 = arith.constant 0 : i32
        %dma_wait3A_257 = arith.constant 0 : i32
        %dma_wait3A_258 = tpu.memref_slice %arg9[%dma_wait3A_255, %dma_wait3A_256, %dma_wait3A_257] : memref<4x128x64xf32, #tpu.memory_space<vmem>> -> memref<1x128x64xf32, #tpu.memory_space<vmem>>
        %dma_wait3A_259 = tpu.memref_squeeze %dma_wait3A_258 : memref<1x128x64xf32, #tpu.memory_space<vmem>> -> memref<128x64xf32, #tpu.memory_space<vmem>>
        %dma_wait3A_260 = arith.constant 0 : i32
        %dma_wait3A_261 = tpu.memref_slice %arg7[%add3A_254, %dma_wait3A_260] : memref<64x128xi32, #tpu.memory_space<vmem>> -> memref<1x128xi32, #tpu.memory_space<vmem>>
        %dma_wait3A_262 = tpu.memref_squeeze %dma_wait3A_261 : memref<1x128xi32, #tpu.memory_space<vmem>> -> memref<128xi32, #tpu.memory_space<vmem>>
        %dma_wait3A_263 = arith.constant 0 : i32
        %dma_wait3A_264 = arith.constant 0 : i32
        %dma_wait3A_265 = tpu.memref_slice %arg2[%dma_wait3A_263, %dma_wait3A_264] : memref<10240x64xf32, #tpu.memory_space<hbm>> -> memref<10240x64xf32, #tpu.memory_space<hbm>>
        tpu.wait_indirect_dma semaphore(%arg14 : memref<!tpu.dma_semaphore, #tpu.memory_space<semaphore_mem>>) src(%dma_wait3A_265 : memref<10240x64xf32, #tpu.memory_space<hbm>>) dst(%dma_wait3A_259 : memref<128x64xf32, #tpu.memory_space<vmem>>)
        %add3A_266 = arith.constant 3 : i32
        %add3A_267 = arith.addi %add3A_180, %add3A_266 : i32
        %run_scoped3A_268 = arith.constant 3 : i32
        "tpu.region"() ({
          %run_scoped3A_278 = tpu.sem_alloc : memref<!tpu.dma_semaphore, #tpu.memory_space<semaphore_mem>>
          %dma_start3A_279 = arith.constant 0 : i32
          %dma_start3A_280 = arith.constant 0 : i32
          %dma_start3A_281 = tpu.memref_slice %arg9[%run_scoped3A_268, %dma_start3A_279, %dma_start3A_280] : memref<4x128x64xf32, #tpu.memory_space<vmem>> -> memref<1x128x64xf32, #tpu.memory_space<vmem>>
          %dma_start3A_282 = tpu.memref_squeeze %dma_start3A_281 : memref<1x128x64xf32, #tpu.memory_space<vmem>> -> memref<128x64xf32, #tpu.memory_space<vmem>>
          %dma_start3A_283 = arith.constant 0 : i32
          %dma_start3A_284 = tpu.memref_slice %arg8[%add3A_267, %dma_start3A_283] : memref<64x128xi32, #tpu.memory_space<vmem>> -> memref<1x128xi32, #tpu.memory_space<vmem>>
          %dma_start3A_285 = tpu.memref_squeeze %dma_start3A_284 : memref<1x128xi32, #tpu.memory_space<vmem>> -> memref<128xi32, #tpu.memory_space<vmem>>
          %dma_start3A_286 = arith.constant 0 : i32
          %dma_start3A_287 = arith.constant 0 : i32
          %dma_start3A_288 = tpu.memref_slice %arg10[%dma_start3A_286, %dma_start3A_287] : memref<10240x64xf32, #tpu.memory_space<vmem_shared>> -> memref<10240x64xf32, #tpu.memory_space<vmem_shared>>
          tpu.enqueue_indirect_dma source(%dma_start3A_282 : memref<128x64xf32, #tpu.memory_space<vmem>>) target(%dma_start3A_288 : memref<10240x64xf32, #tpu.memory_space<vmem_shared>>) offsets(%dma_start3A_285 : memref<128xi32, #tpu.memory_space<vmem>>) semaphore(%run_scoped3A_278 : memref<!tpu.dma_semaphore, #tpu.memory_space<semaphore_mem>>) {add = true}
          %dma_wait3A_289 = arith.constant 0 : i32
          %dma_wait3A_290 = arith.constant 0 : i32
          %dma_wait3A_291 = tpu.memref_slice %arg9[%run_scoped3A_268, %dma_wait3A_289, %dma_wait3A_290] : memref<4x128x64xf32, #tpu.memory_space<vmem>> -> memref<1x128x64xf32, #tpu.memory_space<vmem>>
          %dma_wait3A_292 = tpu.memref_squeeze %dma_wait3A_291 : memref<1x128x64xf32, #tpu.memory_space<vmem>> -> memref<128x64xf32, #tpu.memory_space<vmem>>
          %dma_wait3A_293 = arith.constant 0 : i32
          %dma_wait3A_294 = tpu.memref_slice %arg8[%add3A_267, %dma_wait3A_293] : memref<64x128xi32, #tpu.memory_space<vmem>> -> memref<1x128xi32, #tpu.memory_space<vmem>>
          %dma_wait3A_295 = tpu.memref_squeeze %dma_wait3A_294 : memref<1x128xi32, #tpu.memory_space<vmem>> -> memref<128xi32, #tpu.memory_space<vmem>>
          %dma_wait3A_296 = arith.constant 0 : i32
          %dma_wait3A_297 = arith.constant 0 : i32
          %dma_wait3A_298 = tpu.memref_slice %arg10[%dma_wait3A_296, %dma_wait3A_297] : memref<10240x64xf32, #tpu.memory_space<vmem_shared>> -> memref<10240x64xf32, #tpu.memory_space<vmem_shared>>
          tpu.wait_indirect_dma semaphore(%run_scoped3A_278 : memref<!tpu.dma_semaphore, #tpu.memory_space<semaphore_mem>>) src(%dma_wait3A_292 : memref<128x64xf32, #tpu.memory_space<vmem>>) dst(%dma_wait3A_298 : memref<10240x64xf32, #tpu.memory_space<vmem_shared>>)
          tpu.yield
        }) : () -> ()
        %add3A_269 = arith.constant 3 : i32
        %add3A_270 = arith.addi %add3A_180, %add3A_269 : i32
        %add3A_271 = arith.constant 4 : i32
        %add3A_272 = arith.addi %add3A_270, %add3A_271 : i32
        %lt3A_273 = arith.constant 24 : i32
        %lt3A_274 = arith.cmpi slt, %add3A_272, %lt3A_273 : i32
        %convert_element_type3A_275 = arith.extui %lt3A_274 : i1 to i32
        %cond3A_276 = arith.constant 0 : i32
        %cond3A_277 = arith.cmpi ne, %convert_element_type3A_275, %cond3A_276 : i32
        scf.if %cond3A_277 {
          %add3A_278 = arith.constant 3 : i32
          %add3A_279 = arith.addi %add3A_180, %add3A_278 : i32
          %add3A_280 = arith.constant 4 : i32
          %add3A_281 = arith.addi %add3A_279, %add3A_280 : i32
          %dma_start3A_282 = arith.constant 3 : i32
          %dma_start3A_283 = arith.constant 0 : i32
          %dma_start3A_284 = arith.constant 0 : i32
          %dma_start3A_285 = tpu.memref_slice %arg9[%dma_start3A_282, %dma_start3A_283, %dma_start3A_284] : memref<4x128x64xf32, #tpu.memory_space<vmem>> -> memref<1x128x64xf32, #tpu.memory_space<vmem>>
          %dma_start3A_286 = tpu.memref_squeeze %dma_start3A_285 : memref<1x128x64xf32, #tpu.memory_space<vmem>> -> memref<128x64xf32, #tpu.memory_space<vmem>>
          %dma_start3A_287 = arith.constant 0 : i32
          %dma_start3A_288 = tpu.memref_slice %arg7[%add3A_281, %dma_start3A_287] : memref<64x128xi32, #tpu.memory_space<vmem>> -> memref<1x128xi32, #tpu.memory_space<vmem>>
          %dma_start3A_289 = tpu.memref_squeeze %dma_start3A_288 : memref<1x128xi32, #tpu.memory_space<vmem>> -> memref<128xi32, #tpu.memory_space<vmem>>
          %dma_start3A_290 = arith.constant 0 : i32
          %dma_start3A_291 = arith.constant 0 : i32
          %dma_start3A_292 = tpu.memref_slice %arg2[%dma_start3A_290, %dma_start3A_291] : memref<10240x64xf32, #tpu.memory_space<hbm>> -> memref<10240x64xf32, #tpu.memory_space<hbm>>
          tpu.enqueue_indirect_dma source(%dma_start3A_292 : memref<10240x64xf32, #tpu.memory_space<hbm>>) target(%dma_start3A_286 : memref<128x64xf32, #tpu.memory_space<vmem>>) offsets(%dma_start3A_289 : memref<128xi32, #tpu.memory_space<vmem>>) semaphore(%arg14 : memref<!tpu.dma_semaphore, #tpu.memory_space<semaphore_mem>>)
        } else {
        }
      }
      %scan3A_175 = arith.constant 6 : i32
    } else {
    }
    %eq3A_3 = arith.constant 1 : i32
    %eq3A_4 = arith.cmpi eq, %arg0, %eq3A_3 : i32
    %convert_element_type3A_5 = arith.extui %eq3A_4 : i1 to i32
    %cond3A_6 = arith.constant 0 : i32
    %cond3A_7 = arith.cmpi ne, %convert_element_type3A_5, %cond3A_6 : i32
    scf.if %cond3A_7 {
      %mul3A_12 = arith.constant 6 : i32
      %mul3A_13 = arith.muli %arg1, %mul3A_12 : i32
      %add3A = arith.constant 2432 : i32
      %add3A_14 = arith.addi %add3A, %mul3A_13 : i32
      %add3A_15 = arith.constant 0 : i32
      %add3A_16 = arith.addi %add3A_14, %add3A_15 : i32
      "tpu.region"() ({
        %run_scoped3A_194 = tpu.sem_alloc : memref<!tpu.dma_semaphore, #tpu.memory_space<semaphore_mem>>
        %dma_start3A_195 = arith.constant 0 : i32
        %dma_start3A_196 = arith.constant 0 : i32
        %dma_start3A_197 = tpu.memref_slice %arg7[%dma_start3A_195, %dma_start3A_196] : memref<64x128xi32, #tpu.memory_space<vmem>> -> memref<6x128xi32, #tpu.memory_space<vmem>>
        %dma_start3A_198 = arith.constant 0 : i32
        %dma_start3A_199 = tpu.memref_slice %arg3[%add3A_16, %dma_start3A_198] : memref<2528x128xi32, #tpu.memory_space<hbm>> -> memref<6x128xi32, #tpu.memory_space<hbm>>
        %dma_start3A_200 = arith.constant 0 : i32
        %dma_start3A_201 = arith.constant 0 : i32
        %dma_start3A_202 = tpu.memref_slice %arg7[%dma_start3A_200, %dma_start3A_201] : memref<64x128xi32, #tpu.memory_space<vmem>> -> memref<6x128xi32, #tpu.memory_space<vmem>>
        %dma_start3A_203 = arith.constant 0 : i32
        %dma_start3A_204 = tpu.memref_slice %arg3[%add3A_16, %dma_start3A_203] : memref<2528x128xi32, #tpu.memory_space<hbm>> -> memref<6x128xi32, #tpu.memory_space<hbm>>
        tpu.enqueue_dma source(%dma_start3A_204 : memref<6x128xi32, #tpu.memory_space<hbm>>) target(%dma_start3A_202 : memref<6x128xi32, #tpu.memory_space<vmem>>) target_semaphore(%run_scoped3A_194 : memref<!tpu.dma_semaphore, #tpu.memory_space<semaphore_mem>>)
        %dma_wait3A_205 = arith.constant 0 : i32
        %dma_wait3A_206 = arith.constant 0 : i32
        %dma_wait3A_207 = tpu.memref_slice %arg7[%dma_wait3A_205, %dma_wait3A_206] : memref<64x128xi32, #tpu.memory_space<vmem>> -> memref<6x128xi32, #tpu.memory_space<vmem>>
        %dma_wait3A_208 = arith.constant 0 : i32
        %dma_wait3A_209 = tpu.memref_slice %arg3[%add3A_16, %dma_wait3A_208] : memref<2528x128xi32, #tpu.memory_space<hbm>> -> memref<6x128xi32, #tpu.memory_space<hbm>>
        %dma_wait3A_210 = arith.constant 0 : i32
        %dma_wait3A_211 = arith.constant 0 : i32
        %dma_wait3A_212 = tpu.memref_slice %arg7[%dma_wait3A_210, %dma_wait3A_211] : memref<64x128xi32, #tpu.memory_space<vmem>> -> memref<6x128xi32, #tpu.memory_space<vmem>>
        %dma_wait3A_213 = arith.constant 0 : i32
        %dma_wait3A_214 = tpu.memref_slice %arg3[%add3A_16, %dma_wait3A_213] : memref<2528x128xi32, #tpu.memory_space<hbm>> -> memref<6x128xi32, #tpu.memory_space<hbm>>
        tpu.wait_dma2 semaphore(%run_scoped3A_194 : memref<!tpu.dma_semaphore, #tpu.memory_space<semaphore_mem>>) src(%dma_wait3A_214 : memref<6x128xi32, #tpu.memory_space<hbm>>) dst(%dma_wait3A_212 : memref<6x128xi32, #tpu.memory_space<vmem>>)
        tpu.yield
      }) : () -> ()
      "tpu.region"() ({
        %run_scoped3A_194 = tpu.sem_alloc : memref<!tpu.dma_semaphore, #tpu.memory_space<semaphore_mem>>
        %dma_start3A_195 = arith.constant 0 : i32
        %dma_start3A_196 = arith.constant 0 : i32
        %dma_start3A_197 = tpu.memref_slice %arg8[%dma_start3A_195, %dma_start3A_196] : memref<64x128xi32, #tpu.memory_space<vmem>> -> memref<6x128xi32, #tpu.memory_space<vmem>>
        %dma_start3A_198 = arith.constant 0 : i32
        %dma_start3A_199 = tpu.memref_slice %arg4[%add3A_16, %dma_start3A_198] : memref<2528x128xi32, #tpu.memory_space<hbm>> -> memref<6x128xi32, #tpu.memory_space<hbm>>
        %dma_start3A_200 = arith.constant 0 : i32
        %dma_start3A_201 = arith.constant 0 : i32
        %dma_start3A_202 = tpu.memref_slice %arg8[%dma_start3A_200, %dma_start3A_201] : memref<64x128xi32, #tpu.memory_space<vmem>> -> memref<6x128xi32, #tpu.memory_space<vmem>>
        %dma_start3A_203 = arith.constant 0 : i32
        %dma_start3A_204 = tpu.memref_slice %arg4[%add3A_16, %dma_start3A_203] : memref<2528x128xi32, #tpu.memory_space<hbm>> -> memref<6x128xi32, #tpu.memory_space<hbm>>
        tpu.enqueue_dma source(%dma_start3A_204 : memref<6x128xi32, #tpu.memory_space<hbm>>) target(%dma_start3A_202 : memref<6x128xi32, #tpu.memory_space<vmem>>) target_semaphore(%run_scoped3A_194 : memref<!tpu.dma_semaphore, #tpu.memory_space<semaphore_mem>>)
        %dma_wait3A_205 = arith.constant 0 : i32
        %dma_wait3A_206 = arith.constant 0 : i32
        %dma_wait3A_207 = tpu.memref_slice %arg8[%dma_wait3A_205, %dma_wait3A_206] : memref<64x128xi32, #tpu.memory_space<vmem>> -> memref<6x128xi32, #tpu.memory_space<vmem>>
        %dma_wait3A_208 = arith.constant 0 : i32
        %dma_wait3A_209 = tpu.memref_slice %arg4[%add3A_16, %dma_wait3A_208] : memref<2528x128xi32, #tpu.memory_space<hbm>> -> memref<6x128xi32, #tpu.memory_space<hbm>>
        %dma_wait3A_210 = arith.constant 0 : i32
        %dma_wait3A_211 = arith.constant 0 : i32
        %dma_wait3A_212 = tpu.memref_slice %arg8[%dma_wait3A_210, %dma_wait3A_211] : memref<64x128xi32, #tpu.memory_space<vmem>> -> memref<6x128xi32, #tpu.memory_space<vmem>>
        %dma_wait3A_213 = arith.constant 0 : i32
        %dma_wait3A_214 = tpu.memref_slice %arg4[%add3A_16, %dma_wait3A_213] : memref<2528x128xi32, #tpu.memory_space<hbm>> -> memref<6x128xi32, #tpu.memory_space<hbm>>
        tpu.wait_dma2 semaphore(%run_scoped3A_194 : memref<!tpu.dma_semaphore, #tpu.memory_space<semaphore_mem>>) src(%dma_wait3A_214 : memref<6x128xi32, #tpu.memory_space<hbm>>) dst(%dma_wait3A_212 : memref<6x128xi32, #tpu.memory_space<vmem>>)
        tpu.yield
      }) : () -> ()
      %dma_start3A = arith.constant 0 : i32
      %dma_start3A_17 = arith.constant 0 : i32
      %dma_start3A_18 = arith.constant 0 : i32
      %dma_start3A_19 = arith.constant 0 : i32
      %dma_start3A_20 = tpu.memref_slice %arg9[%dma_start3A_17, %dma_start3A_18, %dma_start3A_19] : memref<4x128x64xf32, #tpu.memory_space<vmem>> -> memref<1x128x64xf32, #tpu.memory_space<vmem>>
      %dma_start3A_21 = tpu.memref_squeeze %dma_start3A_20 : memref<1x128x64xf32, #tpu.memory_space<vmem>> -> memref<128x64xf32, #tpu.memory_space<vmem>>
      %dma_start3A_22 = arith.constant 0 : i32
      %dma_start3A_23 = tpu.memref_slice %arg7[%dma_start3A, %dma_start3A_22] : memref<64x128xi32, #tpu.memory_space<vmem>> -> memref<1x128xi32, #tpu.memory_space<vmem>>
      %dma_start3A_24 = tpu.memref_squeeze %dma_start3A_23 : memref<1x128xi32, #tpu.memory_space<vmem>> -> memref<128xi32, #tpu.memory_space<vmem>>
      %dma_start3A_25 = arith.constant 0 : i32
      %dma_start3A_26 = arith.constant 0 : i32
      %dma_start3A_27 = tpu.memref_slice %arg2[%dma_start3A_25, %dma_start3A_26] : memref<10240x64xf32, #tpu.memory_space<hbm>> -> memref<10240x64xf32, #tpu.memory_space<hbm>>
      tpu.enqueue_indirect_dma source(%dma_start3A_27 : memref<10240x64xf32, #tpu.memory_space<hbm>>) target(%dma_start3A_21 : memref<128x64xf32, #tpu.memory_space<vmem>>) offsets(%dma_start3A_24 : memref<128xi32, #tpu.memory_space<vmem>>) semaphore(%arg11 : memref<!tpu.dma_semaphore, #tpu.memory_space<semaphore_mem>>)
      %dma_start3A_28 = arith.constant 1 : i32
      %dma_start3A_29 = arith.constant 1 : i32
      %dma_start3A_30 = arith.constant 0 : i32
      %dma_start3A_31 = arith.constant 0 : i32
      %dma_start3A_32 = tpu.memref_slice %arg9[%dma_start3A_29, %dma_start3A_30, %dma_start3A_31] : memref<4x128x64xf32, #tpu.memory_space<vmem>> -> memref<1x128x64xf32, #tpu.memory_space<vmem>>
      %dma_start3A_33 = tpu.memref_squeeze %dma_start3A_32 : memref<1x128x64xf32, #tpu.memory_space<vmem>> -> memref<128x64xf32, #tpu.memory_space<vmem>>
      %dma_start3A_34 = arith.constant 0 : i32
      %dma_start3A_35 = tpu.memref_slice %arg7[%dma_start3A_28, %dma_start3A_34] : memref<64x128xi32, #tpu.memory_space<vmem>> -> memref<1x128xi32, #tpu.memory_space<vmem>>
      %dma_start3A_36 = tpu.memref_squeeze %dma_start3A_35 : memref<1x128xi32, #tpu.memory_space<vmem>> -> memref<128xi32, #tpu.memory_space<vmem>>
      %dma_start3A_37 = arith.constant 0 : i32
      %dma_start3A_38 = arith.constant 0 : i32
      %dma_start3A_39 = tpu.memref_slice %arg2[%dma_start3A_37, %dma_start3A_38] : memref<10240x64xf32, #tpu.memory_space<hbm>> -> memref<10240x64xf32, #tpu.memory_space<hbm>>
      tpu.enqueue_indirect_dma source(%dma_start3A_39 : memref<10240x64xf32, #tpu.memory_space<hbm>>) target(%dma_start3A_33 : memref<128x64xf32, #tpu.memory_space<vmem>>) offsets(%dma_start3A_36 : memref<128xi32, #tpu.memory_space<vmem>>) semaphore(%arg12 : memref<!tpu.dma_semaphore, #tpu.memory_space<semaphore_mem>>)
      %dma_start3A_40 = arith.constant 2 : i32
      %dma_start3A_41 = arith.constant 2 : i32
      %dma_start3A_42 = arith.constant 0 : i32
      %dma_start3A_43 = arith.constant 0 : i32
      %dma_start3A_44 = tpu.memref_slice %arg9[%dma_start3A_41, %dma_start3A_42, %dma_start3A_43] : memref<4x128x64xf32, #tpu.memory_space<vmem>> -> memref<1x128x64xf32, #tpu.memory_space<vmem>>
      %dma_start3A_45 = tpu.memref_squeeze %dma_start3A_44 : memref<1x128x64xf32, #tpu.memory_space<vmem>> -> memref<128x64xf32, #tpu.memory_space<vmem>>
      %dma_start3A_46 = arith.constant 0 : i32
      %dma_start3A_47 = tpu.memref_slice %arg7[%dma_start3A_40, %dma_start3A_46] : memref<64x128xi32, #tpu.memory_space<vmem>> -> memref<1x128xi32, #tpu.memory_space<vmem>>
      %dma_start3A_48 = tpu.memref_squeeze %dma_start3A_47 : memref<1x128xi32, #tpu.memory_space<vmem>> -> memref<128xi32, #tpu.memory_space<vmem>>
      %dma_start3A_49 = arith.constant 0 : i32
      %dma_start3A_50 = arith.constant 0 : i32
      %dma_start3A_51 = tpu.memref_slice %arg2[%dma_start3A_49, %dma_start3A_50] : memref<10240x64xf32, #tpu.memory_space<hbm>> -> memref<10240x64xf32, #tpu.memory_space<hbm>>
      tpu.enqueue_indirect_dma source(%dma_start3A_51 : memref<10240x64xf32, #tpu.memory_space<hbm>>) target(%dma_start3A_45 : memref<128x64xf32, #tpu.memory_space<vmem>>) offsets(%dma_start3A_48 : memref<128xi32, #tpu.memory_space<vmem>>) semaphore(%arg13 : memref<!tpu.dma_semaphore, #tpu.memory_space<semaphore_mem>>)
      %dma_start3A_52 = arith.constant 3 : i32
      %dma_start3A_53 = arith.constant 3 : i32
      %dma_start3A_54 = arith.constant 0 : i32
      %dma_start3A_55 = arith.constant 0 : i32
      %dma_start3A_56 = tpu.memref_slice %arg9[%dma_start3A_53, %dma_start3A_54, %dma_start3A_55] : memref<4x128x64xf32, #tpu.memory_space<vmem>> -> memref<1x128x64xf32, #tpu.memory_space<vmem>>
      %dma_start3A_57 = tpu.memref_squeeze %dma_start3A_56 : memref<1x128x64xf32, #tpu.memory_space<vmem>> -> memref<128x64xf32, #tpu.memory_space<vmem>>
      %dma_start3A_58 = arith.constant 0 : i32
      %dma_start3A_59 = tpu.memref_slice %arg7[%dma_start3A_52, %dma_start3A_58] : memref<64x128xi32, #tpu.memory_space<vmem>> -> memref<1x128xi32, #tpu.memory_space<vmem>>
      %dma_start3A_60 = tpu.memref_squeeze %dma_start3A_59 : memref<1x128xi32, #tpu.memory_space<vmem>> -> memref<128xi32, #tpu.memory_space<vmem>>
      %dma_start3A_61 = arith.constant 0 : i32
      %dma_start3A_62 = arith.constant 0 : i32
      %dma_start3A_63 = tpu.memref_slice %arg2[%dma_start3A_61, %dma_start3A_62] : memref<10240x64xf32, #tpu.memory_space<hbm>> -> memref<10240x64xf32, #tpu.memory_space<hbm>>
      tpu.enqueue_indirect_dma source(%dma_start3A_63 : memref<10240x64xf32, #tpu.memory_space<hbm>>) target(%dma_start3A_57 : memref<128x64xf32, #tpu.memory_space<vmem>>) offsets(%dma_start3A_60 : memref<128xi32, #tpu.memory_space<vmem>>) semaphore(%arg14 : memref<!tpu.dma_semaphore, #tpu.memory_space<semaphore_mem>>)
      %scan3A = arith.constant 0 : i32
      %mul3A_64 = arith.constant 4 : i32
      %mul3A_65 = arith.muli %scan3A, %mul3A_64 : i32
      %add3A_66 = arith.constant 0 : i32
      %add3A_67 = arith.addi %add3A_66, %mul3A_65 : i32
      %add3A_68 = arith.constant 0 : i32
      %add3A_69 = arith.addi %add3A_67, %add3A_68 : i32
      %dma_wait3A = arith.constant 0 : i32
      %dma_wait3A_70 = arith.constant 0 : i32
      %dma_wait3A_71 = arith.constant 0 : i32
      %dma_wait3A_72 = tpu.memref_slice %arg9[%dma_wait3A, %dma_wait3A_70, %dma_wait3A_71] : memref<4x128x64xf32, #tpu.memory_space<vmem>> -> memref<1x128x64xf32, #tpu.memory_space<vmem>>
      %dma_wait3A_73 = tpu.memref_squeeze %dma_wait3A_72 : memref<1x128x64xf32, #tpu.memory_space<vmem>> -> memref<128x64xf32, #tpu.memory_space<vmem>>
      %dma_wait3A_74 = arith.constant 0 : i32
      %dma_wait3A_75 = tpu.memref_slice %arg7[%add3A_69, %dma_wait3A_74] : memref<64x128xi32, #tpu.memory_space<vmem>> -> memref<1x128xi32, #tpu.memory_space<vmem>>
      %dma_wait3A_76 = tpu.memref_squeeze %dma_wait3A_75 : memref<1x128xi32, #tpu.memory_space<vmem>> -> memref<128xi32, #tpu.memory_space<vmem>>
      %dma_wait3A_77 = arith.constant 0 : i32
      %dma_wait3A_78 = arith.constant 0 : i32
      %dma_wait3A_79 = tpu.memref_slice %arg2[%dma_wait3A_77, %dma_wait3A_78] : memref<10240x64xf32, #tpu.memory_space<hbm>> -> memref<10240x64xf32, #tpu.memory_space<hbm>>
      tpu.wait_indirect_dma semaphore(%arg11 : memref<!tpu.dma_semaphore, #tpu.memory_space<semaphore_mem>>) src(%dma_wait3A_79 : memref<10240x64xf32, #tpu.memory_space<hbm>>) dst(%dma_wait3A_73 : memref<128x64xf32, #tpu.memory_space<vmem>>)
      %add3A_80 = arith.constant 0 : i32
      %add3A_81 = arith.addi %add3A_67, %add3A_80 : i32
      %run_scoped3A = arith.constant 0 : i32
      "tpu.region"() ({
        %run_scoped3A_194 = tpu.sem_alloc : memref<!tpu.dma_semaphore, #tpu.memory_space<semaphore_mem>>
        %dma_start3A_195 = arith.constant 0 : i32
        %dma_start3A_196 = arith.constant 0 : i32
        %dma_start3A_197 = tpu.memref_slice %arg9[%run_scoped3A, %dma_start3A_195, %dma_start3A_196] : memref<4x128x64xf32, #tpu.memory_space<vmem>> -> memref<1x128x64xf32, #tpu.memory_space<vmem>>
        %dma_start3A_198 = tpu.memref_squeeze %dma_start3A_197 : memref<1x128x64xf32, #tpu.memory_space<vmem>> -> memref<128x64xf32, #tpu.memory_space<vmem>>
        %dma_start3A_199 = arith.constant 0 : i32
        %dma_start3A_200 = tpu.memref_slice %arg8[%add3A_81, %dma_start3A_199] : memref<64x128xi32, #tpu.memory_space<vmem>> -> memref<1x128xi32, #tpu.memory_space<vmem>>
        %dma_start3A_201 = tpu.memref_squeeze %dma_start3A_200 : memref<1x128xi32, #tpu.memory_space<vmem>> -> memref<128xi32, #tpu.memory_space<vmem>>
        %dma_start3A_202 = arith.constant 0 : i32
        %dma_start3A_203 = arith.constant 0 : i32
        %dma_start3A_204 = tpu.memref_slice %arg10[%dma_start3A_202, %dma_start3A_203] : memref<10240x64xf32, #tpu.memory_space<vmem_shared>> -> memref<10240x64xf32, #tpu.memory_space<vmem_shared>>
        tpu.enqueue_indirect_dma source(%dma_start3A_198 : memref<128x64xf32, #tpu.memory_space<vmem>>) target(%dma_start3A_204 : memref<10240x64xf32, #tpu.memory_space<vmem_shared>>) offsets(%dma_start3A_201 : memref<128xi32, #tpu.memory_space<vmem>>) semaphore(%run_scoped3A_194 : memref<!tpu.dma_semaphore, #tpu.memory_space<semaphore_mem>>) {add = true}
        %dma_wait3A_205 = arith.constant 0 : i32
        %dma_wait3A_206 = arith.constant 0 : i32
        %dma_wait3A_207 = tpu.memref_slice %arg9[%run_scoped3A, %dma_wait3A_205, %dma_wait3A_206] : memref<4x128x64xf32, #tpu.memory_space<vmem>> -> memref<1x128x64xf32, #tpu.memory_space<vmem>>
        %dma_wait3A_208 = tpu.memref_squeeze %dma_wait3A_207 : memref<1x128x64xf32, #tpu.memory_space<vmem>> -> memref<128x64xf32, #tpu.memory_space<vmem>>
        %dma_wait3A_209 = arith.constant 0 : i32
        %dma_wait3A_210 = tpu.memref_slice %arg8[%add3A_81, %dma_wait3A_209] : memref<64x128xi32, #tpu.memory_space<vmem>> -> memref<1x128xi32, #tpu.memory_space<vmem>>
        %dma_wait3A_211 = tpu.memref_squeeze %dma_wait3A_210 : memref<1x128xi32, #tpu.memory_space<vmem>> -> memref<128xi32, #tpu.memory_space<vmem>>
        %dma_wait3A_212 = arith.constant 0 : i32
        %dma_wait3A_213 = arith.constant 0 : i32
        %dma_wait3A_214 = tpu.memref_slice %arg10[%dma_wait3A_212, %dma_wait3A_213] : memref<10240x64xf32, #tpu.memory_space<vmem_shared>> -> memref<10240x64xf32, #tpu.memory_space<vmem_shared>>
        tpu.wait_indirect_dma semaphore(%run_scoped3A_194 : memref<!tpu.dma_semaphore, #tpu.memory_space<semaphore_mem>>) src(%dma_wait3A_208 : memref<128x64xf32, #tpu.memory_space<vmem>>) dst(%dma_wait3A_214 : memref<10240x64xf32, #tpu.memory_space<vmem_shared>>)
        tpu.yield
      }) : () -> ()
      %add3A_82 = arith.constant 0 : i32
      %add3A_83 = arith.addi %add3A_67, %add3A_82 : i32
      %add3A_84 = arith.constant 4 : i32
      %add3A_85 = arith.addi %add3A_83, %add3A_84 : i32
      %lt3A = arith.constant 6 : i32
      %lt3A_86 = arith.cmpi slt, %add3A_85, %lt3A : i32
      %convert_element_type3A_87 = arith.extui %lt3A_86 : i1 to i32
      %cond3A_88 = arith.constant 0 : i32
      %cond3A_89 = arith.cmpi ne, %convert_element_type3A_87, %cond3A_88 : i32
      scf.if %cond3A_89 {
        %add3A_194 = arith.constant 0 : i32
        %add3A_195 = arith.addi %add3A_67, %add3A_194 : i32
        %add3A_196 = arith.constant 4 : i32
        %add3A_197 = arith.addi %add3A_195, %add3A_196 : i32
        %dma_start3A_198 = arith.constant 0 : i32
        %dma_start3A_199 = arith.constant 0 : i32
        %dma_start3A_200 = arith.constant 0 : i32
        %dma_start3A_201 = tpu.memref_slice %arg9[%dma_start3A_198, %dma_start3A_199, %dma_start3A_200] : memref<4x128x64xf32, #tpu.memory_space<vmem>> -> memref<1x128x64xf32, #tpu.memory_space<vmem>>
        %dma_start3A_202 = tpu.memref_squeeze %dma_start3A_201 : memref<1x128x64xf32, #tpu.memory_space<vmem>> -> memref<128x64xf32, #tpu.memory_space<vmem>>
        %dma_start3A_203 = arith.constant 0 : i32
        %dma_start3A_204 = tpu.memref_slice %arg7[%add3A_197, %dma_start3A_203] : memref<64x128xi32, #tpu.memory_space<vmem>> -> memref<1x128xi32, #tpu.memory_space<vmem>>
        %dma_start3A_205 = tpu.memref_squeeze %dma_start3A_204 : memref<1x128xi32, #tpu.memory_space<vmem>> -> memref<128xi32, #tpu.memory_space<vmem>>
        %dma_start3A_206 = arith.constant 0 : i32
        %dma_start3A_207 = arith.constant 0 : i32
        %dma_start3A_208 = tpu.memref_slice %arg2[%dma_start3A_206, %dma_start3A_207] : memref<10240x64xf32, #tpu.memory_space<hbm>> -> memref<10240x64xf32, #tpu.memory_space<hbm>>
        tpu.enqueue_indirect_dma source(%dma_start3A_208 : memref<10240x64xf32, #tpu.memory_space<hbm>>) target(%dma_start3A_202 : memref<128x64xf32, #tpu.memory_space<vmem>>) offsets(%dma_start3A_205 : memref<128xi32, #tpu.memory_space<vmem>>) semaphore(%arg11 : memref<!tpu.dma_semaphore, #tpu.memory_space<semaphore_mem>>)
      } else {
      }
      %add3A_90 = arith.constant 1 : i32
      %add3A_91 = arith.addi %add3A_67, %add3A_90 : i32
      %dma_wait3A_92 = arith.constant 1 : i32
      %dma_wait3A_93 = arith.constant 0 : i32
      %dma_wait3A_94 = arith.constant 0 : i32
      %dma_wait3A_95 = tpu.memref_slice %arg9[%dma_wait3A_92, %dma_wait3A_93, %dma_wait3A_94] : memref<4x128x64xf32, #tpu.memory_space<vmem>> -> memref<1x128x64xf32, #tpu.memory_space<vmem>>
      %dma_wait3A_96 = tpu.memref_squeeze %dma_wait3A_95 : memref<1x128x64xf32, #tpu.memory_space<vmem>> -> memref<128x64xf32, #tpu.memory_space<vmem>>
      %dma_wait3A_97 = arith.constant 0 : i32
      %dma_wait3A_98 = tpu.memref_slice %arg7[%add3A_91, %dma_wait3A_97] : memref<64x128xi32, #tpu.memory_space<vmem>> -> memref<1x128xi32, #tpu.memory_space<vmem>>
      %dma_wait3A_99 = tpu.memref_squeeze %dma_wait3A_98 : memref<1x128xi32, #tpu.memory_space<vmem>> -> memref<128xi32, #tpu.memory_space<vmem>>
      %dma_wait3A_100 = arith.constant 0 : i32
      %dma_wait3A_101 = arith.constant 0 : i32
      %dma_wait3A_102 = tpu.memref_slice %arg2[%dma_wait3A_100, %dma_wait3A_101] : memref<10240x64xf32, #tpu.memory_space<hbm>> -> memref<10240x64xf32, #tpu.memory_space<hbm>>
      tpu.wait_indirect_dma semaphore(%arg12 : memref<!tpu.dma_semaphore, #tpu.memory_space<semaphore_mem>>) src(%dma_wait3A_102 : memref<10240x64xf32, #tpu.memory_space<hbm>>) dst(%dma_wait3A_96 : memref<128x64xf32, #tpu.memory_space<vmem>>)
      %add3A_103 = arith.constant 1 : i32
      %add3A_104 = arith.addi %add3A_67, %add3A_103 : i32
      %run_scoped3A_105 = arith.constant 1 : i32
      "tpu.region"() ({
        %run_scoped3A_194 = tpu.sem_alloc : memref<!tpu.dma_semaphore, #tpu.memory_space<semaphore_mem>>
        %dma_start3A_195 = arith.constant 0 : i32
        %dma_start3A_196 = arith.constant 0 : i32
        %dma_start3A_197 = tpu.memref_slice %arg9[%run_scoped3A_105, %dma_start3A_195, %dma_start3A_196] : memref<4x128x64xf32, #tpu.memory_space<vmem>> -> memref<1x128x64xf32, #tpu.memory_space<vmem>>
        %dma_start3A_198 = tpu.memref_squeeze %dma_start3A_197 : memref<1x128x64xf32, #tpu.memory_space<vmem>> -> memref<128x64xf32, #tpu.memory_space<vmem>>
        %dma_start3A_199 = arith.constant 0 : i32
        %dma_start3A_200 = tpu.memref_slice %arg8[%add3A_104, %dma_start3A_199] : memref<64x128xi32, #tpu.memory_space<vmem>> -> memref<1x128xi32, #tpu.memory_space<vmem>>
        %dma_start3A_201 = tpu.memref_squeeze %dma_start3A_200 : memref<1x128xi32, #tpu.memory_space<vmem>> -> memref<128xi32, #tpu.memory_space<vmem>>
        %dma_start3A_202 = arith.constant 0 : i32
        %dma_start3A_203 = arith.constant 0 : i32
        %dma_start3A_204 = tpu.memref_slice %arg10[%dma_start3A_202, %dma_start3A_203] : memref<10240x64xf32, #tpu.memory_space<vmem_shared>> -> memref<10240x64xf32, #tpu.memory_space<vmem_shared>>
        tpu.enqueue_indirect_dma source(%dma_start3A_198 : memref<128x64xf32, #tpu.memory_space<vmem>>) target(%dma_start3A_204 : memref<10240x64xf32, #tpu.memory_space<vmem_shared>>) offsets(%dma_start3A_201 : memref<128xi32, #tpu.memory_space<vmem>>) semaphore(%run_scoped3A_194 : memref<!tpu.dma_semaphore, #tpu.memory_space<semaphore_mem>>) {add = true}
        %dma_wait3A_205 = arith.constant 0 : i32
        %dma_wait3A_206 = arith.constant 0 : i32
        %dma_wait3A_207 = tpu.memref_slice %arg9[%run_scoped3A_105, %dma_wait3A_205, %dma_wait3A_206] : memref<4x128x64xf32, #tpu.memory_space<vmem>> -> memref<1x128x64xf32, #tpu.memory_space<vmem>>
        %dma_wait3A_208 = tpu.memref_squeeze %dma_wait3A_207 : memref<1x128x64xf32, #tpu.memory_space<vmem>> -> memref<128x64xf32, #tpu.memory_space<vmem>>
        %dma_wait3A_209 = arith.constant 0 : i32
        %dma_wait3A_210 = tpu.memref_slice %arg8[%add3A_104, %dma_wait3A_209] : memref<64x128xi32, #tpu.memory_space<vmem>> -> memref<1x128xi32, #tpu.memory_space<vmem>>
        %dma_wait3A_211 = tpu.memref_squeeze %dma_wait3A_210 : memref<1x128xi32, #tpu.memory_space<vmem>> -> memref<128xi32, #tpu.memory_space<vmem>>
        %dma_wait3A_212 = arith.constant 0 : i32
        %dma_wait3A_213 = arith.constant 0 : i32
        %dma_wait3A_214 = tpu.memref_slice %arg10[%dma_wait3A_212, %dma_wait3A_213] : memref<10240x64xf32, #tpu.memory_space<vmem_shared>> -> memref<10240x64xf32, #tpu.memory_space<vmem_shared>>
        tpu.wait_indirect_dma semaphore(%run_scoped3A_194 : memref<!tpu.dma_semaphore, #tpu.memory_space<semaphore_mem>>) src(%dma_wait3A_208 : memref<128x64xf32, #tpu.memory_space<vmem>>) dst(%dma_wait3A_214 : memref<10240x64xf32, #tpu.memory_space<vmem_shared>>)
        tpu.yield
      }) : () -> ()
      %add3A_106 = arith.constant 1 : i32
      %add3A_107 = arith.addi %add3A_67, %add3A_106 : i32
      %add3A_108 = arith.constant 4 : i32
      %add3A_109 = arith.addi %add3A_107, %add3A_108 : i32
      %lt3A_110 = arith.constant 6 : i32
      %lt3A_111 = arith.cmpi slt, %add3A_109, %lt3A_110 : i32
      %convert_element_type3A_112 = arith.extui %lt3A_111 : i1 to i32
      %cond3A_113 = arith.constant 0 : i32
      %cond3A_114 = arith.cmpi ne, %convert_element_type3A_112, %cond3A_113 : i32
      scf.if %cond3A_114 {
        %add3A_194 = arith.constant 1 : i32
        %add3A_195 = arith.addi %add3A_67, %add3A_194 : i32
        %add3A_196 = arith.constant 4 : i32
        %add3A_197 = arith.addi %add3A_195, %add3A_196 : i32
        %dma_start3A_198 = arith.constant 1 : i32
        %dma_start3A_199 = arith.constant 0 : i32
        %dma_start3A_200 = arith.constant 0 : i32
        %dma_start3A_201 = tpu.memref_slice %arg9[%dma_start3A_198, %dma_start3A_199, %dma_start3A_200] : memref<4x128x64xf32, #tpu.memory_space<vmem>> -> memref<1x128x64xf32, #tpu.memory_space<vmem>>
        %dma_start3A_202 = tpu.memref_squeeze %dma_start3A_201 : memref<1x128x64xf32, #tpu.memory_space<vmem>> -> memref<128x64xf32, #tpu.memory_space<vmem>>
        %dma_start3A_203 = arith.constant 0 : i32
        %dma_start3A_204 = tpu.memref_slice %arg7[%add3A_197, %dma_start3A_203] : memref<64x128xi32, #tpu.memory_space<vmem>> -> memref<1x128xi32, #tpu.memory_space<vmem>>
        %dma_start3A_205 = tpu.memref_squeeze %dma_start3A_204 : memref<1x128xi32, #tpu.memory_space<vmem>> -> memref<128xi32, #tpu.memory_space<vmem>>
        %dma_start3A_206 = arith.constant 0 : i32
        %dma_start3A_207 = arith.constant 0 : i32
        %dma_start3A_208 = tpu.memref_slice %arg2[%dma_start3A_206, %dma_start3A_207] : memref<10240x64xf32, #tpu.memory_space<hbm>> -> memref<10240x64xf32, #tpu.memory_space<hbm>>
        tpu.enqueue_indirect_dma source(%dma_start3A_208 : memref<10240x64xf32, #tpu.memory_space<hbm>>) target(%dma_start3A_202 : memref<128x64xf32, #tpu.memory_space<vmem>>) offsets(%dma_start3A_205 : memref<128xi32, #tpu.memory_space<vmem>>) semaphore(%arg12 : memref<!tpu.dma_semaphore, #tpu.memory_space<semaphore_mem>>)
      } else {
      }
      %add3A_115 = arith.constant 2 : i32
      %add3A_116 = arith.addi %add3A_67, %add3A_115 : i32
      %dma_wait3A_117 = arith.constant 2 : i32
      %dma_wait3A_118 = arith.constant 0 : i32
      %dma_wait3A_119 = arith.constant 0 : i32
      %dma_wait3A_120 = tpu.memref_slice %arg9[%dma_wait3A_117, %dma_wait3A_118, %dma_wait3A_119] : memref<4x128x64xf32, #tpu.memory_space<vmem>> -> memref<1x128x64xf32, #tpu.memory_space<vmem>>
      %dma_wait3A_121 = tpu.memref_squeeze %dma_wait3A_120 : memref<1x128x64xf32, #tpu.memory_space<vmem>> -> memref<128x64xf32, #tpu.memory_space<vmem>>
      %dma_wait3A_122 = arith.constant 0 : i32
      %dma_wait3A_123 = tpu.memref_slice %arg7[%add3A_116, %dma_wait3A_122] : memref<64x128xi32, #tpu.memory_space<vmem>> -> memref<1x128xi32, #tpu.memory_space<vmem>>
      %dma_wait3A_124 = tpu.memref_squeeze %dma_wait3A_123 : memref<1x128xi32, #tpu.memory_space<vmem>> -> memref<128xi32, #tpu.memory_space<vmem>>
      %dma_wait3A_125 = arith.constant 0 : i32
      %dma_wait3A_126 = arith.constant 0 : i32
      %dma_wait3A_127 = tpu.memref_slice %arg2[%dma_wait3A_125, %dma_wait3A_126] : memref<10240x64xf32, #tpu.memory_space<hbm>> -> memref<10240x64xf32, #tpu.memory_space<hbm>>
      tpu.wait_indirect_dma semaphore(%arg13 : memref<!tpu.dma_semaphore, #tpu.memory_space<semaphore_mem>>) src(%dma_wait3A_127 : memref<10240x64xf32, #tpu.memory_space<hbm>>) dst(%dma_wait3A_121 : memref<128x64xf32, #tpu.memory_space<vmem>>)
      %add3A_128 = arith.constant 2 : i32
      %add3A_129 = arith.addi %add3A_67, %add3A_128 : i32
      %run_scoped3A_130 = arith.constant 2 : i32
      "tpu.region"() ({
        %run_scoped3A_194 = tpu.sem_alloc : memref<!tpu.dma_semaphore, #tpu.memory_space<semaphore_mem>>
        %dma_start3A_195 = arith.constant 0 : i32
        %dma_start3A_196 = arith.constant 0 : i32
        %dma_start3A_197 = tpu.memref_slice %arg9[%run_scoped3A_130, %dma_start3A_195, %dma_start3A_196] : memref<4x128x64xf32, #tpu.memory_space<vmem>> -> memref<1x128x64xf32, #tpu.memory_space<vmem>>
        %dma_start3A_198 = tpu.memref_squeeze %dma_start3A_197 : memref<1x128x64xf32, #tpu.memory_space<vmem>> -> memref<128x64xf32, #tpu.memory_space<vmem>>
        %dma_start3A_199 = arith.constant 0 : i32
        %dma_start3A_200 = tpu.memref_slice %arg8[%add3A_129, %dma_start3A_199] : memref<64x128xi32, #tpu.memory_space<vmem>> -> memref<1x128xi32, #tpu.memory_space<vmem>>
        %dma_start3A_201 = tpu.memref_squeeze %dma_start3A_200 : memref<1x128xi32, #tpu.memory_space<vmem>> -> memref<128xi32, #tpu.memory_space<vmem>>
        %dma_start3A_202 = arith.constant 0 : i32
        %dma_start3A_203 = arith.constant 0 : i32
        %dma_start3A_204 = tpu.memref_slice %arg10[%dma_start3A_202, %dma_start3A_203] : memref<10240x64xf32, #tpu.memory_space<vmem_shared>> -> memref<10240x64xf32, #tpu.memory_space<vmem_shared>>
        tpu.enqueue_indirect_dma source(%dma_start3A_198 : memref<128x64xf32, #tpu.memory_space<vmem>>) target(%dma_start3A_204 : memref<10240x64xf32, #tpu.memory_space<vmem_shared>>) offsets(%dma_start3A_201 : memref<128xi32, #tpu.memory_space<vmem>>) semaphore(%run_scoped3A_194 : memref<!tpu.dma_semaphore, #tpu.memory_space<semaphore_mem>>) {add = true}
        %dma_wait3A_205 = arith.constant 0 : i32
        %dma_wait3A_206 = arith.constant 0 : i32
        %dma_wait3A_207 = tpu.memref_slice %arg9[%run_scoped3A_130, %dma_wait3A_205, %dma_wait3A_206] : memref<4x128x64xf32, #tpu.memory_space<vmem>> -> memref<1x128x64xf32, #tpu.memory_space<vmem>>
        %dma_wait3A_208 = tpu.memref_squeeze %dma_wait3A_207 : memref<1x128x64xf32, #tpu.memory_space<vmem>> -> memref<128x64xf32, #tpu.memory_space<vmem>>
        %dma_wait3A_209 = arith.constant 0 : i32
        %dma_wait3A_210 = tpu.memref_slice %arg8[%add3A_129, %dma_wait3A_209] : memref<64x128xi32, #tpu.memory_space<vmem>> -> memref<1x128xi32, #tpu.memory_space<vmem>>
        %dma_wait3A_211 = tpu.memref_squeeze %dma_wait3A_210 : memref<1x128xi32, #tpu.memory_space<vmem>> -> memref<128xi32, #tpu.memory_space<vmem>>
        %dma_wait3A_212 = arith.constant 0 : i32
        %dma_wait3A_213 = arith.constant 0 : i32
        %dma_wait3A_214 = tpu.memref_slice %arg10[%dma_wait3A_212, %dma_wait3A_213] : memref<10240x64xf32, #tpu.memory_space<vmem_shared>> -> memref<10240x64xf32, #tpu.memory_space<vmem_shared>>
        tpu.wait_indirect_dma semaphore(%run_scoped3A_194 : memref<!tpu.dma_semaphore, #tpu.memory_space<semaphore_mem>>) src(%dma_wait3A_208 : memref<128x64xf32, #tpu.memory_space<vmem>>) dst(%dma_wait3A_214 : memref<10240x64xf32, #tpu.memory_space<vmem_shared>>)
        tpu.yield
      }) : () -> ()
      %add3A_131 = arith.constant 2 : i32
      %add3A_132 = arith.addi %add3A_67, %add3A_131 : i32
      %add3A_133 = arith.constant 4 : i32
      %add3A_134 = arith.addi %add3A_132, %add3A_133 : i32
      %lt3A_135 = arith.constant 6 : i32
      %lt3A_136 = arith.cmpi slt, %add3A_134, %lt3A_135 : i32
      %convert_element_type3A_137 = arith.extui %lt3A_136 : i1 to i32
      %cond3A_138 = arith.constant 0 : i32
      %cond3A_139 = arith.cmpi ne, %convert_element_type3A_137, %cond3A_138 : i32
      scf.if %cond3A_139 {
        %add3A_194 = arith.constant 2 : i32
        %add3A_195 = arith.addi %add3A_67, %add3A_194 : i32
        %add3A_196 = arith.constant 4 : i32
        %add3A_197 = arith.addi %add3A_195, %add3A_196 : i32
        %dma_start3A_198 = arith.constant 2 : i32
        %dma_start3A_199 = arith.constant 0 : i32
        %dma_start3A_200 = arith.constant 0 : i32
        %dma_start3A_201 = tpu.memref_slice %arg9[%dma_start3A_198, %dma_start3A_199, %dma_start3A_200] : memref<4x128x64xf32, #tpu.memory_space<vmem>> -> memref<1x128x64xf32, #tpu.memory_space<vmem>>
        %dma_start3A_202 = tpu.memref_squeeze %dma_start3A_201 : memref<1x128x64xf32, #tpu.memory_space<vmem>> -> memref<128x64xf32, #tpu.memory_space<vmem>>
        %dma_start3A_203 = arith.constant 0 : i32
        %dma_start3A_204 = tpu.memref_slice %arg7[%add3A_197, %dma_start3A_203] : memref<64x128xi32, #tpu.memory_space<vmem>> -> memref<1x128xi32, #tpu.memory_space<vmem>>
        %dma_start3A_205 = tpu.memref_squeeze %dma_start3A_204 : memref<1x128xi32, #tpu.memory_space<vmem>> -> memref<128xi32, #tpu.memory_space<vmem>>
        %dma_start3A_206 = arith.constant 0 : i32
        %dma_start3A_207 = arith.constant 0 : i32
        %dma_start3A_208 = tpu.memref_slice %arg2[%dma_start3A_206, %dma_start3A_207] : memref<10240x64xf32, #tpu.memory_space<hbm>> -> memref<10240x64xf32, #tpu.memory_space<hbm>>
        tpu.enqueue_indirect_dma source(%dma_start3A_208 : memref<10240x64xf32, #tpu.memory_space<hbm>>) target(%dma_start3A_202 : memref<128x64xf32, #tpu.memory_space<vmem>>) offsets(%dma_start3A_205 : memref<128xi32, #tpu.memory_space<vmem>>) semaphore(%arg13 : memref<!tpu.dma_semaphore, #tpu.memory_space<semaphore_mem>>)
      } else {
      }
      %add3A_140 = arith.constant 3 : i32
      %add3A_141 = arith.addi %add3A_67, %add3A_140 : i32
      %dma_wait3A_142 = arith.constant 3 : i32
      %dma_wait3A_143 = arith.constant 0 : i32
      %dma_wait3A_144 = arith.constant 0 : i32
      %dma_wait3A_145 = tpu.memref_slice %arg9[%dma_wait3A_142, %dma_wait3A_143, %dma_wait3A_144] : memref<4x128x64xf32, #tpu.memory_space<vmem>> -> memref<1x128x64xf32, #tpu.memory_space<vmem>>
      %dma_wait3A_146 = tpu.memref_squeeze %dma_wait3A_145 : memref<1x128x64xf32, #tpu.memory_space<vmem>> -> memref<128x64xf32, #tpu.memory_space<vmem>>
      %dma_wait3A_147 = arith.constant 0 : i32
      %dma_wait3A_148 = tpu.memref_slice %arg7[%add3A_141, %dma_wait3A_147] : memref<64x128xi32, #tpu.memory_space<vmem>> -> memref<1x128xi32, #tpu.memory_space<vmem>>
      %dma_wait3A_149 = tpu.memref_squeeze %dma_wait3A_148 : memref<1x128xi32, #tpu.memory_space<vmem>> -> memref<128xi32, #tpu.memory_space<vmem>>
      %dma_wait3A_150 = arith.constant 0 : i32
      %dma_wait3A_151 = arith.constant 0 : i32
      %dma_wait3A_152 = tpu.memref_slice %arg2[%dma_wait3A_150, %dma_wait3A_151] : memref<10240x64xf32, #tpu.memory_space<hbm>> -> memref<10240x64xf32, #tpu.memory_space<hbm>>
      tpu.wait_indirect_dma semaphore(%arg14 : memref<!tpu.dma_semaphore, #tpu.memory_space<semaphore_mem>>) src(%dma_wait3A_152 : memref<10240x64xf32, #tpu.memory_space<hbm>>) dst(%dma_wait3A_146 : memref<128x64xf32, #tpu.memory_space<vmem>>)
      %add3A_153 = arith.constant 3 : i32
      %add3A_154 = arith.addi %add3A_67, %add3A_153 : i32
      %run_scoped3A_155 = arith.constant 3 : i32
      "tpu.region"() ({
        %run_scoped3A_194 = tpu.sem_alloc : memref<!tpu.dma_semaphore, #tpu.memory_space<semaphore_mem>>
        %dma_start3A_195 = arith.constant 0 : i32
        %dma_start3A_196 = arith.constant 0 : i32
        %dma_start3A_197 = tpu.memref_slice %arg9[%run_scoped3A_155, %dma_start3A_195, %dma_start3A_196] : memref<4x128x64xf32, #tpu.memory_space<vmem>> -> memref<1x128x64xf32, #tpu.memory_space<vmem>>
        %dma_start3A_198 = tpu.memref_squeeze %dma_start3A_197 : memref<1x128x64xf32, #tpu.memory_space<vmem>> -> memref<128x64xf32, #tpu.memory_space<vmem>>
        %dma_start3A_199 = arith.constant 0 : i32
        %dma_start3A_200 = tpu.memref_slice %arg8[%add3A_154, %dma_start3A_199] : memref<64x128xi32, #tpu.memory_space<vmem>> -> memref<1x128xi32, #tpu.memory_space<vmem>>
        %dma_start3A_201 = tpu.memref_squeeze %dma_start3A_200 : memref<1x128xi32, #tpu.memory_space<vmem>> -> memref<128xi32, #tpu.memory_space<vmem>>
        %dma_start3A_202 = arith.constant 0 : i32
        %dma_start3A_203 = arith.constant 0 : i32
        %dma_start3A_204 = tpu.memref_slice %arg10[%dma_start3A_202, %dma_start3A_203] : memref<10240x64xf32, #tpu.memory_space<vmem_shared>> -> memref<10240x64xf32, #tpu.memory_space<vmem_shared>>
        tpu.enqueue_indirect_dma source(%dma_start3A_198 : memref<128x64xf32, #tpu.memory_space<vmem>>) target(%dma_start3A_204 : memref<10240x64xf32, #tpu.memory_space<vmem_shared>>) offsets(%dma_start3A_201 : memref<128xi32, #tpu.memory_space<vmem>>) semaphore(%run_scoped3A_194 : memref<!tpu.dma_semaphore, #tpu.memory_space<semaphore_mem>>) {add = true}
        %dma_wait3A_205 = arith.constant 0 : i32
        %dma_wait3A_206 = arith.constant 0 : i32
        %dma_wait3A_207 = tpu.memref_slice %arg9[%run_scoped3A_155, %dma_wait3A_205, %dma_wait3A_206] : memref<4x128x64xf32, #tpu.memory_space<vmem>> -> memref<1x128x64xf32, #tpu.memory_space<vmem>>
        %dma_wait3A_208 = tpu.memref_squeeze %dma_wait3A_207 : memref<1x128x64xf32, #tpu.memory_space<vmem>> -> memref<128x64xf32, #tpu.memory_space<vmem>>
        %dma_wait3A_209 = arith.constant 0 : i32
        %dma_wait3A_210 = tpu.memref_slice %arg8[%add3A_154, %dma_wait3A_209] : memref<64x128xi32, #tpu.memory_space<vmem>> -> memref<1x128xi32, #tpu.memory_space<vmem>>
        %dma_wait3A_211 = tpu.memref_squeeze %dma_wait3A_210 : memref<1x128xi32, #tpu.memory_space<vmem>> -> memref<128xi32, #tpu.memory_space<vmem>>
        %dma_wait3A_212 = arith.constant 0 : i32
        %dma_wait3A_213 = arith.constant 0 : i32
        %dma_wait3A_214 = tpu.memref_slice %arg10[%dma_wait3A_212, %dma_wait3A_213] : memref<10240x64xf32, #tpu.memory_space<vmem_shared>> -> memref<10240x64xf32, #tpu.memory_space<vmem_shared>>
        tpu.wait_indirect_dma semaphore(%run_scoped3A_194 : memref<!tpu.dma_semaphore, #tpu.memory_space<semaphore_mem>>) src(%dma_wait3A_208 : memref<128x64xf32, #tpu.memory_space<vmem>>) dst(%dma_wait3A_214 : memref<10240x64xf32, #tpu.memory_space<vmem_shared>>)
        tpu.yield
      }) : () -> ()
      %add3A_156 = arith.constant 3 : i32
      %add3A_157 = arith.addi %add3A_67, %add3A_156 : i32
      %add3A_158 = arith.constant 4 : i32
      %add3A_159 = arith.addi %add3A_157, %add3A_158 : i32
      %lt3A_160 = arith.constant 6 : i32
      %lt3A_161 = arith.cmpi slt, %add3A_159, %lt3A_160 : i32
      %convert_element_type3A_162 = arith.extui %lt3A_161 : i1 to i32
      %cond3A_163 = arith.constant 0 : i32
      %cond3A_164 = arith.cmpi ne, %convert_element_type3A_162, %cond3A_163 : i32
      scf.if %cond3A_164 {
        %add3A_194 = arith.constant 3 : i32
        %add3A_195 = arith.addi %add3A_67, %add3A_194 : i32
        %add3A_196 = arith.constant 4 : i32
        %add3A_197 = arith.addi %add3A_195, %add3A_196 : i32
        %dma_start3A_198 = arith.constant 3 : i32
        %dma_start3A_199 = arith.constant 0 : i32
        %dma_start3A_200 = arith.constant 0 : i32
        %dma_start3A_201 = tpu.memref_slice %arg9[%dma_start3A_198, %dma_start3A_199, %dma_start3A_200] : memref<4x128x64xf32, #tpu.memory_space<vmem>> -> memref<1x128x64xf32, #tpu.memory_space<vmem>>
        %dma_start3A_202 = tpu.memref_squeeze %dma_start3A_201 : memref<1x128x64xf32, #tpu.memory_space<vmem>> -> memref<128x64xf32, #tpu.memory_space<vmem>>
        %dma_start3A_203 = arith.constant 0 : i32
        %dma_start3A_204 = tpu.memref_slice %arg7[%add3A_197, %dma_start3A_203] : memref<64x128xi32, #tpu.memory_space<vmem>> -> memref<1x128xi32, #tpu.memory_space<vmem>>
        %dma_start3A_205 = tpu.memref_squeeze %dma_start3A_204 : memref<1x128xi32, #tpu.memory_space<vmem>> -> memref<128xi32, #tpu.memory_space<vmem>>
        %dma_start3A_206 = arith.constant 0 : i32
        %dma_start3A_207 = arith.constant 0 : i32
        %dma_start3A_208 = tpu.memref_slice %arg2[%dma_start3A_206, %dma_start3A_207] : memref<10240x64xf32, #tpu.memory_space<hbm>> -> memref<10240x64xf32, #tpu.memory_space<hbm>>
        tpu.enqueue_indirect_dma source(%dma_start3A_208 : memref<10240x64xf32, #tpu.memory_space<hbm>>) target(%dma_start3A_202 : memref<128x64xf32, #tpu.memory_space<vmem>>) offsets(%dma_start3A_205 : memref<128xi32, #tpu.memory_space<vmem>>) semaphore(%arg14 : memref<!tpu.dma_semaphore, #tpu.memory_space<semaphore_mem>>)
      } else {
      }
      %scan3A_165 = arith.constant 1 : i32
      %dma_wait3A_166 = arith.constant 4 : i32
      %dma_wait3A_167 = arith.constant 0 : i32
      %dma_wait3A_168 = arith.constant 0 : i32
      %dma_wait3A_169 = arith.constant 0 : i32
      %dma_wait3A_170 = tpu.memref_slice %arg9[%dma_wait3A_167, %dma_wait3A_168, %dma_wait3A_169] : memref<4x128x64xf32, #tpu.memory_space<vmem>> -> memref<1x128x64xf32, #tpu.memory_space<vmem>>
      %dma_wait3A_171 = tpu.memref_squeeze %dma_wait3A_170 : memref<1x128x64xf32, #tpu.memory_space<vmem>> -> memref<128x64xf32, #tpu.memory_space<vmem>>
      %dma_wait3A_172 = arith.constant 0 : i32
      %dma_wait3A_173 = tpu.memref_slice %arg7[%dma_wait3A_166, %dma_wait3A_172] : memref<64x128xi32, #tpu.memory_space<vmem>> -> memref<1x128xi32, #tpu.memory_space<vmem>>
      %dma_wait3A_174 = tpu.memref_squeeze %dma_wait3A_173 : memref<1x128xi32, #tpu.memory_space<vmem>> -> memref<128xi32, #tpu.memory_space<vmem>>
      %dma_wait3A_175 = arith.constant 0 : i32
      %dma_wait3A_176 = arith.constant 0 : i32
      %dma_wait3A_177 = tpu.memref_slice %arg2[%dma_wait3A_175, %dma_wait3A_176] : memref<10240x64xf32, #tpu.memory_space<hbm>> -> memref<10240x64xf32, #tpu.memory_space<hbm>>
      tpu.wait_indirect_dma semaphore(%arg11 : memref<!tpu.dma_semaphore, #tpu.memory_space<semaphore_mem>>) src(%dma_wait3A_177 : memref<10240x64xf32, #tpu.memory_space<hbm>>) dst(%dma_wait3A_171 : memref<128x64xf32, #tpu.memory_space<vmem>>)
      %run_scoped3A_178 = arith.constant 0 : i32
      %run_scoped3A_179 = arith.constant 4 : i32
      "tpu.region"() ({
        %run_scoped3A_194 = tpu.sem_alloc : memref<!tpu.dma_semaphore, #tpu.memory_space<semaphore_mem>>
        %dma_start3A_195 = arith.constant 0 : i32
        %dma_start3A_196 = arith.constant 0 : i32
        %dma_start3A_197 = tpu.memref_slice %arg9[%run_scoped3A_178, %dma_start3A_195, %dma_start3A_196] : memref<4x128x64xf32, #tpu.memory_space<vmem>> -> memref<1x128x64xf32, #tpu.memory_space<vmem>>
        %dma_start3A_198 = tpu.memref_squeeze %dma_start3A_197 : memref<1x128x64xf32, #tpu.memory_space<vmem>> -> memref<128x64xf32, #tpu.memory_space<vmem>>
        %dma_start3A_199 = arith.constant 0 : i32
        %dma_start3A_200 = tpu.memref_slice %arg8[%run_scoped3A_179, %dma_start3A_199] : memref<64x128xi32, #tpu.memory_space<vmem>> -> memref<1x128xi32, #tpu.memory_space<vmem>>
        %dma_start3A_201 = tpu.memref_squeeze %dma_start3A_200 : memref<1x128xi32, #tpu.memory_space<vmem>> -> memref<128xi32, #tpu.memory_space<vmem>>
        %dma_start3A_202 = arith.constant 0 : i32
        %dma_start3A_203 = arith.constant 0 : i32
        %dma_start3A_204 = tpu.memref_slice %arg10[%dma_start3A_202, %dma_start3A_203] : memref<10240x64xf32, #tpu.memory_space<vmem_shared>> -> memref<10240x64xf32, #tpu.memory_space<vmem_shared>>
        tpu.enqueue_indirect_dma source(%dma_start3A_198 : memref<128x64xf32, #tpu.memory_space<vmem>>) target(%dma_start3A_204 : memref<10240x64xf32, #tpu.memory_space<vmem_shared>>) offsets(%dma_start3A_201 : memref<128xi32, #tpu.memory_space<vmem>>) semaphore(%run_scoped3A_194 : memref<!tpu.dma_semaphore, #tpu.memory_space<semaphore_mem>>) {add = true}
        %dma_wait3A_205 = arith.constant 0 : i32
        %dma_wait3A_206 = arith.constant 0 : i32
        %dma_wait3A_207 = tpu.memref_slice %arg9[%run_scoped3A_178, %dma_wait3A_205, %dma_wait3A_206] : memref<4x128x64xf32, #tpu.memory_space<vmem>> -> memref<1x128x64xf32, #tpu.memory_space<vmem>>
        %dma_wait3A_208 = tpu.memref_squeeze %dma_wait3A_207 : memref<1x128x64xf32, #tpu.memory_space<vmem>> -> memref<128x64xf32, #tpu.memory_space<vmem>>
        %dma_wait3A_209 = arith.constant 0 : i32
        %dma_wait3A_210 = tpu.memref_slice %arg8[%run_scoped3A_179, %dma_wait3A_209] : memref<64x128xi32, #tpu.memory_space<vmem>> -> memref<1x128xi32, #tpu.memory_space<vmem>>
        %dma_wait3A_211 = tpu.memref_squeeze %dma_wait3A_210 : memref<1x128xi32, #tpu.memory_space<vmem>> -> memref<128xi32, #tpu.memory_space<vmem>>
        %dma_wait3A_212 = arith.constant 0 : i32
        %dma_wait3A_213 = arith.constant 0 : i32
        %dma_wait3A_214 = tpu.memref_slice %arg10[%dma_wait3A_212, %dma_wait3A_213] : memref<10240x64xf32, #tpu.memory_space<vmem_shared>> -> memref<10240x64xf32, #tpu.memory_space<vmem_shared>>
        tpu.wait_indirect_dma semaphore(%run_scoped3A_194 : memref<!tpu.dma_semaphore, #tpu.memory_space<semaphore_mem>>) src(%dma_wait3A_208 : memref<128x64xf32, #tpu.memory_space<vmem>>) dst(%dma_wait3A_214 : memref<10240x64xf32, #tpu.memory_space<vmem_shared>>)
        tpu.yield
      }) : () -> ()
      %dma_wait3A_180 = arith.constant 5 : i32
      %dma_wait3A_181 = arith.constant 1 : i32
      %dma_wait3A_182 = arith.constant 0 : i32
      %dma_wait3A_183 = arith.constant 0 : i32
      %dma_wait3A_184 = tpu.memref_slice %arg9[%dma_wait3A_181, %dma_wait3A_182, %dma_wait3A_183] : memref<4x128x64xf32, #tpu.memory_space<vmem>> -> memref<1x128x64xf32, #tpu.memory_space<vmem>>
      %dma_wait3A_185 = tpu.memref_squeeze %dma_wait3A_184 : memref<1x128x64xf32, #tpu.memory_space<vmem>> -> memref<128x64xf32, #tpu.memory_space<vmem>>
      %dma_wait3A_186 = arith.constant 0 : i32
      %dma_wait3A_187 = tpu.memref_slice %arg7[%dma_wait3A_180, %dma_wait3A_186] : memref<64x128xi32, #tpu.memory_space<vmem>> -> memref<1x128xi32, #tpu.memory_space<vmem>>
      %dma_wait3A_188 = tpu.memref_squeeze %dma_wait3A_187 : memref<1x128xi32, #tpu.memory_space<vmem>> -> memref<128xi32, #tpu.memory_space<vmem>>
      %dma_wait3A_189 = arith.constant 0 : i32
      %dma_wait3A_190 = arith.constant 0 : i32
      %dma_wait3A_191 = tpu.memref_slice %arg2[%dma_wait3A_189, %dma_wait3A_190] : memref<10240x64xf32, #tpu.memory_space<hbm>> -> memref<10240x64xf32, #tpu.memory_space<hbm>>
      tpu.wait_indirect_dma semaphore(%arg12 : memref<!tpu.dma_semaphore, #tpu.memory_space<semaphore_mem>>) src(%dma_wait3A_191 : memref<10240x64xf32, #tpu.memory_space<hbm>>) dst(%dma_wait3A_185 : memref<128x64xf32, #tpu.memory_space<vmem>>)
      %run_scoped3A_192 = arith.constant 1 : i32
      %run_scoped3A_193 = arith.constant 5 : i32
      "tpu.region"() ({
        %run_scoped3A_194 = tpu.sem_alloc : memref<!tpu.dma_semaphore, #tpu.memory_space<semaphore_mem>>
        %dma_start3A_195 = arith.constant 0 : i32
        %dma_start3A_196 = arith.constant 0 : i32
        %dma_start3A_197 = tpu.memref_slice %arg9[%run_scoped3A_192, %dma_start3A_195, %dma_start3A_196] : memref<4x128x64xf32, #tpu.memory_space<vmem>> -> memref<1x128x64xf32, #tpu.memory_space<vmem>>
        %dma_start3A_198 = tpu.memref_squeeze %dma_start3A_197 : memref<1x128x64xf32, #tpu.memory_space<vmem>> -> memref<128x64xf32, #tpu.memory_space<vmem>>
        %dma_start3A_199 = arith.constant 0 : i32
        %dma_start3A_200 = tpu.memref_slice %arg8[%run_scoped3A_193, %dma_start3A_199] : memref<64x128xi32, #tpu.memory_space<vmem>> -> memref<1x128xi32, #tpu.memory_space<vmem>>
        %dma_start3A_201 = tpu.memref_squeeze %dma_start3A_200 : memref<1x128xi32, #tpu.memory_space<vmem>> -> memref<128xi32, #tpu.memory_space<vmem>>
        %dma_start3A_202 = arith.constant 0 : i32
        %dma_start3A_203 = arith.constant 0 : i32
        %dma_start3A_204 = tpu.memref_slice %arg10[%dma_start3A_202, %dma_start3A_203] : memref<10240x64xf32, #tpu.memory_space<vmem_shared>> -> memref<10240x64xf32, #tpu.memory_space<vmem_shared>>
        tpu.enqueue_indirect_dma source(%dma_start3A_198 : memref<128x64xf32, #tpu.memory_space<vmem>>) target(%dma_start3A_204 : memref<10240x64xf32, #tpu.memory_space<vmem_shared>>) offsets(%dma_start3A_201 : memref<128xi32, #tpu.memory_space<vmem>>) semaphore(%run_scoped3A_194 : memref<!tpu.dma_semaphore, #tpu.memory_space<semaphore_mem>>) {add = true}
        %dma_wait3A_205 = arith.constant 0 : i32
        %dma_wait3A_206 = arith.constant 0 : i32
        %dma_wait3A_207 = tpu.memref_slice %arg9[%run_scoped3A_192, %dma_wait3A_205, %dma_wait3A_206] : memref<4x128x64xf32, #tpu.memory_space<vmem>> -> memref<1x128x64xf32, #tpu.memory_space<vmem>>
        %dma_wait3A_208 = tpu.memref_squeeze %dma_wait3A_207 : memref<1x128x64xf32, #tpu.memory_space<vmem>> -> memref<128x64xf32, #tpu.memory_space<vmem>>
        %dma_wait3A_209 = arith.constant 0 : i32
        %dma_wait3A_210 = tpu.memref_slice %arg8[%run_scoped3A_193, %dma_wait3A_209] : memref<64x128xi32, #tpu.memory_space<vmem>> -> memref<1x128xi32, #tpu.memory_space<vmem>>
        %dma_wait3A_211 = tpu.memref_squeeze %dma_wait3A_210 : memref<1x128xi32, #tpu.memory_space<vmem>> -> memref<128xi32, #tpu.memory_space<vmem>>
        %dma_wait3A_212 = arith.constant 0 : i32
        %dma_wait3A_213 = arith.constant 0 : i32
        %dma_wait3A_214 = tpu.memref_slice %arg10[%dma_wait3A_212, %dma_wait3A_213] : memref<10240x64xf32, #tpu.memory_space<vmem_shared>> -> memref<10240x64xf32, #tpu.memory_space<vmem_shared>>
        tpu.wait_indirect_dma semaphore(%run_scoped3A_194 : memref<!tpu.dma_semaphore, #tpu.memory_space<semaphore_mem>>) src(%dma_wait3A_208 : memref<128x64xf32, #tpu.memory_space<vmem>>) dst(%dma_wait3A_214 : memref<10240x64xf32, #tpu.memory_space<vmem_shared>>)
        tpu.yield
      }) : () -> ()
    } else {
    }
    %barrier3A = arith.constant 0 : index
    tpu.barrier barrier_id(%barrier3A)
    %mul3A_8 = arith.constant 640 : i32
    %mul3A_9 = arith.muli %arg1, %mul3A_8 : i32
    %mul3A_10 = arith.constant 640 : i32
    %mul3A_11 = arith.muli %arg1, %mul3A_10 : i32
    "tpu.region"() ({
      %run_scoped3A = tpu.sem_alloc : memref<!tpu.dma_semaphore, #tpu.memory_space<semaphore_mem>>
      %dma_start3A = arith.constant 0 : i32
      %dma_start3A_12 = tpu.memref_slice %arg6[%arg0, %mul3A_11, %dma_start3A] : memref<2x10240x64xf32, #tpu.memory_space<hbm>> -> memref<1x640x64xf32, #tpu.memory_space<hbm>>
      %dma_start3A_13 = tpu.memref_squeeze %dma_start3A_12 : memref<1x640x64xf32, #tpu.memory_space<hbm>> -> memref<640x64xf32, #tpu.memory_space<hbm>>
      %dma_start3A_14 = arith.constant 0 : i32
      %dma_start3A_15 = tpu.memref_slice %arg10[%mul3A_9, %dma_start3A_14] : memref<10240x64xf32, #tpu.memory_space<vmem_shared>> -> memref<640x64xf32, #tpu.memory_space<vmem_shared>>
      tpu.enqueue_dma source(%dma_start3A_15 : memref<640x64xf32, #tpu.memory_space<vmem_shared>>) target(%dma_start3A_13 : memref<640x64xf32, #tpu.memory_space<hbm>>) target_semaphore(%run_scoped3A : memref<!tpu.dma_semaphore, #tpu.memory_space<semaphore_mem>>)
      %dma_wait3A = arith.constant 0 : i32
      %dma_wait3A_16 = tpu.memref_slice %arg6[%arg0, %mul3A_11, %dma_wait3A] : memref<2x10240x64xf32, #tpu.memory_space<hbm>> -> memref<1x640x64xf32, #tpu.memory_space<hbm>>
      %dma_wait3A_17 = tpu.memref_squeeze %dma_wait3A_16 : memref<1x640x64xf32, #tpu.memory_space<hbm>> -> memref<640x64xf32, #tpu.memory_space<hbm>>
      %dma_wait3A_18 = arith.constant 0 : i32
      %dma_wait3A_19 = tpu.memref_slice %arg10[%mul3A_9, %dma_wait3A_18] : memref<10240x64xf32, #tpu.memory_space<vmem_shared>> -> memref<640x64xf32, #tpu.memory_space<vmem_shared>>
      tpu.wait_dma2 semaphore(%run_scoped3A : memref<!tpu.dma_semaphore, #tpu.memory_space<semaphore_mem>>) src(%dma_wait3A_19 : memref<640x64xf32, #tpu.memory_space<vmem_shared>>) dst(%dma_wait3A_17 : memref<640x64xf32, #tpu.memory_space<hbm>>)
      tpu.yield
    }) : () -> ()
    return
  }
}

#map = affine_map<(d0, d1) -> (0, 0)>
#map1 = affine_map<(d0, d1) -> (0, 0, 0)>
module attributes {stable_mosaic.version = 14 : i64} {
  func.func @_sc_hop(%arg0: i32, %arg1: i32, %arg2: memref<10240x64xf32, #tpu.memory_space<hbm>>, %arg3: memref<2528x128xi32, #tpu.memory_space<hbm>>, %arg4: memref<2528x128xi32, #tpu.memory_space<hbm>>, %arg5: memref<640x64xf32, #tpu.memory_space<hbm>>, %arg6: memref<2x10240x64xf32, #tpu.memory_space<hbm>>, %arg7: memref<64x128xi32, #tpu.memory_space<vmem>>, %arg8: memref<64x128xi32, #tpu.memory_space<vmem>>, %arg9: memref<4x128x64xf32, #tpu.memory_space<vmem>>, %arg10: memref<10240x64xf32, #tpu.memory_space<vmem_shared>>, %arg11: memref<!tpu.dma_semaphore, #tpu.memory_space<semaphore_mem>>, %arg12: memref<!tpu.dma_semaphore, #tpu.memory_space<semaphore_mem>>, %arg13: memref<!tpu.dma_semaphore, #tpu.memory_space<semaphore_mem>>, %arg14: memref<!tpu.dma_semaphore, #tpu.memory_space<semaphore_mem>>) attributes {dimension_semantics = [#tpu.dimension_semantics<core_parallel>, #tpu.dimension_semantics<subcore_parallel>], iteration_bounds = array<i64: 2, 16>, scalar_prefetch = 0 : i64, scratch_operands = 8 : i64, tpu.core_type = #tpu.core_type<sc_vector_subcore>, window_params = [{transform_indices = #map}, {transform_indices = #map}, {transform_indices = #map}, {transform_indices = #map}, {transform_indices = #map1}]} {
    %mul3A = arith.constant 640 : i32
    %mul3A_0 = arith.muli %arg1, %mul3A : i32
    "tpu.region"() ({
      %run_scoped3A = tpu.sem_alloc : memref<!tpu.dma_semaphore, #tpu.memory_space<semaphore_mem>>
      %dma_start3A = arith.constant 0 : i32
      %dma_start3A_12 = tpu.memref_slice %arg10[%mul3A_0, %dma_start3A] : memref<10240x64xf32, #tpu.memory_space<vmem_shared>> -> memref<640x64xf32, #tpu.memory_space<vmem_shared>>
      tpu.enqueue_dma source(%arg5 : memref<640x64xf32, #tpu.memory_space<hbm>>) target(%dma_start3A_12 : memref<640x64xf32, #tpu.memory_space<vmem_shared>>) target_semaphore(%run_scoped3A : memref<!tpu.dma_semaphore, #tpu.memory_space<semaphore_mem>>)
      %dma_wait3A = arith.constant 0 : i32
      %dma_wait3A_13 = tpu.memref_slice %arg10[%mul3A_0, %dma_wait3A] : memref<10240x64xf32, #tpu.memory_space<vmem_shared>> -> memref<640x64xf32, #tpu.memory_space<vmem_shared>>
      tpu.wait_dma2 semaphore(%run_scoped3A : memref<!tpu.dma_semaphore, #tpu.memory_space<semaphore_mem>>) src(%arg5 : memref<640x64xf32, #tpu.memory_space<hbm>>) dst(%dma_wait3A_13 : memref<640x64xf32, #tpu.memory_space<vmem_shared>>)
      tpu.yield
    }) : () -> ()
    %eq3A = arith.constant 0 : i32
    %eq3A_1 = arith.cmpi eq, %arg0, %eq3A : i32
    %convert_element_type3A = arith.extui %eq3A_1 : i1 to i32
    %cond3A = arith.constant 0 : i32
    %cond3A_2 = arith.cmpi ne, %convert_element_type3A, %cond3A : i32
    scf.if %cond3A_2 {
      %mul3A_12 = arith.constant 152 : i32
      %mul3A_13 = arith.muli %arg1, %mul3A_12 : i32
      %add3A = arith.constant 0 : i32
      %add3A_14 = arith.addi %mul3A_13, %add3A : i32
      "tpu.region"() ({
        %run_scoped3A = tpu.sem_alloc : memref<!tpu.dma_semaphore, #tpu.memory_space<semaphore_mem>>
        %dma_start3A_176 = arith.constant 0 : i32
        %dma_start3A_177 = arith.constant 0 : i32
        %dma_start3A_178 = tpu.memref_slice %arg7[%dma_start3A_176, %dma_start3A_177] : memref<64x128xi32, #tpu.memory_space<vmem>> -> memref<64x128xi32, #tpu.memory_space<vmem>>
        %dma_start3A_179 = arith.constant 0 : i32
        %dma_start3A_180 = tpu.memref_slice %arg3[%add3A_14, %dma_start3A_179] : memref<2528x128xi32, #tpu.memory_space<hbm>> -> memref<64x128xi32, #tpu.memory_space<hbm>>
        %dma_start3A_181 = arith.constant 0 : i32
        %dma_start3A_182 = arith.constant 0 : i32
        %dma_start3A_183 = tpu.memref_slice %arg7[%dma_start3A_181, %dma_start3A_182] : memref<64x128xi32, #tpu.memory_space<vmem>> -> memref<64x128xi32, #tpu.memory_space<vmem>>
        %dma_start3A_184 = arith.constant 0 : i32
        %dma_start3A_185 = tpu.memref_slice %arg3[%add3A_14, %dma_start3A_184] : memref<2528x128xi32, #tpu.memory_space<hbm>> -> memref<64x128xi32, #tpu.memory_space<hbm>>
        tpu.enqueue_dma source(%dma_start3A_185 : memref<64x128xi32, #tpu.memory_space<hbm>>) target(%dma_start3A_183 : memref<64x128xi32, #tpu.memory_space<vmem>>) target_semaphore(%run_scoped3A : memref<!tpu.dma_semaphore, #tpu.memory_space<semaphore_mem>>)
        %dma_wait3A = arith.constant 0 : i32
        %dma_wait3A_186 = arith.constant 0 : i32
        %dma_wait3A_187 = tpu.memref_slice %arg7[%dma_wait3A, %dma_wait3A_186] : memref<64x128xi32, #tpu.memory_space<vmem>> -> memref<64x128xi32, #tpu.memory_space<vmem>>
        %dma_wait3A_188 = arith.constant 0 : i32
        %dma_wait3A_189 = tpu.memref_slice %arg3[%add3A_14, %dma_wait3A_188] : memref<2528x128xi32, #tpu.memory_space<hbm>> -> memref<64x128xi32, #tpu.memory_space<hbm>>
        %dma_wait3A_190 = arith.constant 0 : i32
        %dma_wait3A_191 = arith.constant 0 : i32
        %dma_wait3A_192 = tpu.memref_slice %arg7[%dma_wait3A_190, %dma_wait3A_191] : memref<64x128xi32, #tpu.memory_space<vmem>> -> memref<64x128xi32, #tpu.memory_space<vmem>>
        %dma_wait3A_193 = arith.constant 0 : i32
        %dma_wait3A_194 = tpu.memref_slice %arg3[%add3A_14, %dma_wait3A_193] : memref<2528x128xi32, #tpu.memory_space<hbm>> -> memref<64x128xi32, #tpu.memory_space<hbm>>
        tpu.wait_dma2 semaphore(%run_scoped3A : memref<!tpu.dma_semaphore, #tpu.memory_space<semaphore_mem>>) src(%dma_wait3A_194 : memref<64x128xi32, #tpu.memory_space<hbm>>) dst(%dma_wait3A_192 : memref<64x128xi32, #tpu.memory_space<vmem>>)
        tpu.yield
      }) : () -> ()
      "tpu.region"() ({
        %run_scoped3A = tpu.sem_alloc : memref<!tpu.dma_semaphore, #tpu.memory_space<semaphore_mem>>
        %dma_start3A_176 = arith.constant 0 : i32
        %dma_start3A_177 = arith.constant 0 : i32
        %dma_start3A_178 = tpu.memref_slice %arg8[%dma_start3A_176, %dma_start3A_177] : memref<64x128xi32, #tpu.memory_space<vmem>> -> memref<64x128xi32, #tpu.memory_space<vmem>>
        %dma_start3A_179 = arith.constant 0 : i32
        %dma_start3A_180 = tpu.memref_slice %arg4[%add3A_14, %dma_start3A_179] : memref<2528x128xi32, #tpu.memory_space<hbm>> -> memref<64x128xi32, #tpu.memory_space<hbm>>
        %dma_start3A_181 = arith.constant 0 : i32
        %dma_start3A_182 = arith.constant 0 : i32
        %dma_start3A_183 = tpu.memref_slice %arg8[%dma_start3A_181, %dma_start3A_182] : memref<64x128xi32, #tpu.memory_space<vmem>> -> memref<64x128xi32, #tpu.memory_space<vmem>>
        %dma_start3A_184 = arith.constant 0 : i32
        %dma_start3A_185 = tpu.memref_slice %arg4[%add3A_14, %dma_start3A_184] : memref<2528x128xi32, #tpu.memory_space<hbm>> -> memref<64x128xi32, #tpu.memory_space<hbm>>
        tpu.enqueue_dma source(%dma_start3A_185 : memref<64x128xi32, #tpu.memory_space<hbm>>) target(%dma_start3A_183 : memref<64x128xi32, #tpu.memory_space<vmem>>) target_semaphore(%run_scoped3A : memref<!tpu.dma_semaphore, #tpu.memory_space<semaphore_mem>>)
        %dma_wait3A = arith.constant 0 : i32
        %dma_wait3A_186 = arith.constant 0 : i32
        %dma_wait3A_187 = tpu.memref_slice %arg8[%dma_wait3A, %dma_wait3A_186] : memref<64x128xi32, #tpu.memory_space<vmem>> -> memref<64x128xi32, #tpu.memory_space<vmem>>
        %dma_wait3A_188 = arith.constant 0 : i32
        %dma_wait3A_189 = tpu.memref_slice %arg4[%add3A_14, %dma_wait3A_188] : memref<2528x128xi32, #tpu.memory_space<hbm>> -> memref<64x128xi32, #tpu.memory_space<hbm>>
        %dma_wait3A_190 = arith.constant 0 : i32
        %dma_wait3A_191 = arith.constant 0 : i32
        %dma_wait3A_192 = tpu.memref_slice %arg8[%dma_wait3A_190, %dma_wait3A_191] : memref<64x128xi32, #tpu.memory_space<vmem>> -> memref<64x128xi32, #tpu.memory_space<vmem>>
        %dma_wait3A_193 = arith.constant 0 : i32
        %dma_wait3A_194 = tpu.memref_slice %arg4[%add3A_14, %dma_wait3A_193] : memref<2528x128xi32, #tpu.memory_space<hbm>> -> memref<64x128xi32, #tpu.memory_space<hbm>>
        tpu.wait_dma2 semaphore(%run_scoped3A : memref<!tpu.dma_semaphore, #tpu.memory_space<semaphore_mem>>) src(%dma_wait3A_194 : memref<64x128xi32, #tpu.memory_space<hbm>>) dst(%dma_wait3A_192 : memref<64x128xi32, #tpu.memory_space<vmem>>)
        tpu.yield
      }) : () -> ()
      %dma_start3A = arith.constant 0 : i32
      %dma_start3A_15 = arith.constant 0 : i32
      %dma_start3A_16 = arith.constant 0 : i32
      %dma_start3A_17 = arith.constant 0 : i32
      %dma_start3A_18 = tpu.memref_slice %arg9[%dma_start3A_15, %dma_start3A_16, %dma_start3A_17] : memref<4x128x64xf32, #tpu.memory_space<vmem>> -> memref<1x128x64xf32, #tpu.memory_space<vmem>>
      %dma_start3A_19 = tpu.memref_squeeze %dma_start3A_18 : memref<1x128x64xf32, #tpu.memory_space<vmem>> -> memref<128x64xf32, #tpu.memory_space<vmem>>
      %dma_start3A_20 = arith.constant 0 : i32
      %dma_start3A_21 = tpu.memref_slice %arg7[%dma_start3A, %dma_start3A_20] : memref<64x128xi32, #tpu.memory_space<vmem>> -> memref<1x128xi32, #tpu.memory_space<vmem>>
      %dma_start3A_22 = tpu.memref_squeeze %dma_start3A_21 : memref<1x128xi32, #tpu.memory_space<vmem>> -> memref<128xi32, #tpu.memory_space<vmem>>
      %dma_start3A_23 = arith.constant 0 : i32
      %dma_start3A_24 = arith.constant 0 : i32
      %dma_start3A_25 = tpu.memref_slice %arg2[%dma_start3A_23, %dma_start3A_24] : memref<10240x64xf32, #tpu.memory_space<hbm>> -> memref<10240x64xf32, #tpu.memory_space<hbm>>
      tpu.enqueue_indirect_dma source(%dma_start3A_25 : memref<10240x64xf32, #tpu.memory_space<hbm>>) target(%dma_start3A_19 : memref<128x64xf32, #tpu.memory_space<vmem>>) offsets(%dma_start3A_22 : memref<128xi32, #tpu.memory_space<vmem>>) semaphore(%arg11 : memref<!tpu.dma_semaphore, #tpu.memory_space<semaphore_mem>>)
      %dma_start3A_26 = arith.constant 1 : i32
      %dma_start3A_27 = arith.constant 1 : i32
      %dma_start3A_28 = arith.constant 0 : i32
      %dma_start3A_29 = arith.constant 0 : i32
      %dma_start3A_30 = tpu.memref_slice %arg9[%dma_start3A_27, %dma_start3A_28, %dma_start3A_29] : memref<4x128x64xf32, #tpu.memory_space<vmem>> -> memref<1x128x64xf32, #tpu.memory_space<vmem>>
      %dma_start3A_31 = tpu.memref_squeeze %dma_start3A_30 : memref<1x128x64xf32, #tpu.memory_space<vmem>> -> memref<128x64xf32, #tpu.memory_space<vmem>>
      %dma_start3A_32 = arith.constant 0 : i32
      %dma_start3A_33 = tpu.memref_slice %arg7[%dma_start3A_26, %dma_start3A_32] : memref<64x128xi32, #tpu.memory_space<vmem>> -> memref<1x128xi32, #tpu.memory_space<vmem>>
      %dma_start3A_34 = tpu.memref_squeeze %dma_start3A_33 : memref<1x128xi32, #tpu.memory_space<vmem>> -> memref<128xi32, #tpu.memory_space<vmem>>
      %dma_start3A_35 = arith.constant 0 : i32
      %dma_start3A_36 = arith.constant 0 : i32
      %dma_start3A_37 = tpu.memref_slice %arg2[%dma_start3A_35, %dma_start3A_36] : memref<10240x64xf32, #tpu.memory_space<hbm>> -> memref<10240x64xf32, #tpu.memory_space<hbm>>
      tpu.enqueue_indirect_dma source(%dma_start3A_37 : memref<10240x64xf32, #tpu.memory_space<hbm>>) target(%dma_start3A_31 : memref<128x64xf32, #tpu.memory_space<vmem>>) offsets(%dma_start3A_34 : memref<128xi32, #tpu.memory_space<vmem>>) semaphore(%arg12 : memref<!tpu.dma_semaphore, #tpu.memory_space<semaphore_mem>>)
      %dma_start3A_38 = arith.constant 2 : i32
      %dma_start3A_39 = arith.constant 2 : i32
      %dma_start3A_40 = arith.constant 0 : i32
      %dma_start3A_41 = arith.constant 0 : i32
      %dma_start3A_42 = tpu.memref_slice %arg9[%dma_start3A_39, %dma_start3A_40, %dma_start3A_41] : memref<4x128x64xf32, #tpu.memory_space<vmem>> -> memref<1x128x64xf32, #tpu.memory_space<vmem>>
      %dma_start3A_43 = tpu.memref_squeeze %dma_start3A_42 : memref<1x128x64xf32, #tpu.memory_space<vmem>> -> memref<128x64xf32, #tpu.memory_space<vmem>>
      %dma_start3A_44 = arith.constant 0 : i32
      %dma_start3A_45 = tpu.memref_slice %arg7[%dma_start3A_38, %dma_start3A_44] : memref<64x128xi32, #tpu.memory_space<vmem>> -> memref<1x128xi32, #tpu.memory_space<vmem>>
      %dma_start3A_46 = tpu.memref_squeeze %dma_start3A_45 : memref<1x128xi32, #tpu.memory_space<vmem>> -> memref<128xi32, #tpu.memory_space<vmem>>
      %dma_start3A_47 = arith.constant 0 : i32
      %dma_start3A_48 = arith.constant 0 : i32
      %dma_start3A_49 = tpu.memref_slice %arg2[%dma_start3A_47, %dma_start3A_48] : memref<10240x64xf32, #tpu.memory_space<hbm>> -> memref<10240x64xf32, #tpu.memory_space<hbm>>
      tpu.enqueue_indirect_dma source(%dma_start3A_49 : memref<10240x64xf32, #tpu.memory_space<hbm>>) target(%dma_start3A_43 : memref<128x64xf32, #tpu.memory_space<vmem>>) offsets(%dma_start3A_46 : memref<128xi32, #tpu.memory_space<vmem>>) semaphore(%arg13 : memref<!tpu.dma_semaphore, #tpu.memory_space<semaphore_mem>>)
      %dma_start3A_50 = arith.constant 3 : i32
      %dma_start3A_51 = arith.constant 3 : i32
      %dma_start3A_52 = arith.constant 0 : i32
      %dma_start3A_53 = arith.constant 0 : i32
      %dma_start3A_54 = tpu.memref_slice %arg9[%dma_start3A_51, %dma_start3A_52, %dma_start3A_53] : memref<4x128x64xf32, #tpu.memory_space<vmem>> -> memref<1x128x64xf32, #tpu.memory_space<vmem>>
      %dma_start3A_55 = tpu.memref_squeeze %dma_start3A_54 : memref<1x128x64xf32, #tpu.memory_space<vmem>> -> memref<128x64xf32, #tpu.memory_space<vmem>>
      %dma_start3A_56 = arith.constant 0 : i32
      %dma_start3A_57 = tpu.memref_slice %arg7[%dma_start3A_50, %dma_start3A_56] : memref<64x128xi32, #tpu.memory_space<vmem>> -> memref<1x128xi32, #tpu.memory_space<vmem>>
      %dma_start3A_58 = tpu.memref_squeeze %dma_start3A_57 : memref<1x128xi32, #tpu.memory_space<vmem>> -> memref<128xi32, #tpu.memory_space<vmem>>
      %dma_start3A_59 = arith.constant 0 : i32
      %dma_start3A_60 = arith.constant 0 : i32
      %dma_start3A_61 = tpu.memref_slice %arg2[%dma_start3A_59, %dma_start3A_60] : memref<10240x64xf32, #tpu.memory_space<hbm>> -> memref<10240x64xf32, #tpu.memory_space<hbm>>
      tpu.enqueue_indirect_dma source(%dma_start3A_61 : memref<10240x64xf32, #tpu.memory_space<hbm>>) target(%dma_start3A_55 : memref<128x64xf32, #tpu.memory_space<vmem>>) offsets(%dma_start3A_58 : memref<128xi32, #tpu.memory_space<vmem>>) semaphore(%arg14 : memref<!tpu.dma_semaphore, #tpu.memory_space<semaphore_mem>>)
      %scan3A = arith.constant 0 : i32
      %scan3A_62 = arith.constant 16 : i32
      %scan3A_63 = arith.addi %scan3A, %scan3A_62 : i32
      %scan3A_64 = arith.constant 1 : i32
      scf.for %scan3A_176 = %scan3A to %scan3A_63 step %scan3A_64  : i32 {
        %mul3A_177 = arith.constant 4 : i32
        %mul3A_178 = arith.muli %scan3A_176, %mul3A_177 : i32
        %add3A_179 = arith.constant 0 : i32
        %add3A_180 = arith.addi %add3A_179, %mul3A_178 : i32
        %add3A_181 = arith.constant 0 : i32
        %add3A_182 = arith.addi %add3A_180, %add3A_181 : i32
        %dma_wait3A = arith.constant 0 : i32
        %dma_wait3A_183 = arith.constant 0 : i32
        %dma_wait3A_184 = arith.constant 0 : i32
        %dma_wait3A_185 = tpu.memref_slice %arg9[%dma_wait3A, %dma_wait3A_183, %dma_wait3A_184] : memref<4x128x64xf32, #tpu.memory_space<vmem>> -> memref<1x128x64xf32, #tpu.memory_space<vmem>>
        %dma_wait3A_186 = tpu.memref_squeeze %dma_wait3A_185 : memref<1x128x64xf32, #tpu.memory_space<vmem>> -> memref<128x64xf32, #tpu.memory_space<vmem>>
        %dma_wait3A_187 = arith.constant 0 : i32
        %dma_wait3A_188 = tpu.memref_slice %arg7[%add3A_182, %dma_wait3A_187] : memref<64x128xi32, #tpu.memory_space<vmem>> -> memref<1x128xi32, #tpu.memory_space<vmem>>
        %dma_wait3A_189 = tpu.memref_squeeze %dma_wait3A_188 : memref<1x128xi32, #tpu.memory_space<vmem>> -> memref<128xi32, #tpu.memory_space<vmem>>
        %dma_wait3A_190 = arith.constant 0 : i32
        %dma_wait3A_191 = arith.constant 0 : i32
        %dma_wait3A_192 = tpu.memref_slice %arg2[%dma_wait3A_190, %dma_wait3A_191] : memref<10240x64xf32, #tpu.memory_space<hbm>> -> memref<10240x64xf32, #tpu.memory_space<hbm>>
        tpu.wait_indirect_dma semaphore(%arg11 : memref<!tpu.dma_semaphore, #tpu.memory_space<semaphore_mem>>) src(%dma_wait3A_192 : memref<10240x64xf32, #tpu.memory_space<hbm>>) dst(%dma_wait3A_186 : memref<128x64xf32, #tpu.memory_space<vmem>>)
        %add3A_193 = arith.constant 0 : i32
        %add3A_194 = arith.addi %add3A_180, %add3A_193 : i32
        %run_scoped3A = arith.constant 0 : i32
        "tpu.region"() ({
          %run_scoped3A_278 = tpu.sem_alloc : memref<!tpu.dma_semaphore, #tpu.memory_space<semaphore_mem>>
          %dma_start3A_279 = arith.constant 0 : i32
          %dma_start3A_280 = arith.constant 0 : i32
          %dma_start3A_281 = tpu.memref_slice %arg9[%run_scoped3A, %dma_start3A_279, %dma_start3A_280] : memref<4x128x64xf32, #tpu.memory_space<vmem>> -> memref<1x128x64xf32, #tpu.memory_space<vmem>>
          %dma_start3A_282 = tpu.memref_squeeze %dma_start3A_281 : memref<1x128x64xf32, #tpu.memory_space<vmem>> -> memref<128x64xf32, #tpu.memory_space<vmem>>
          %dma_start3A_283 = arith.constant 0 : i32
          %dma_start3A_284 = tpu.memref_slice %arg8[%add3A_194, %dma_start3A_283] : memref<64x128xi32, #tpu.memory_space<vmem>> -> memref<1x128xi32, #tpu.memory_space<vmem>>
          %dma_start3A_285 = tpu.memref_squeeze %dma_start3A_284 : memref<1x128xi32, #tpu.memory_space<vmem>> -> memref<128xi32, #tpu.memory_space<vmem>>
          %dma_start3A_286 = arith.constant 0 : i32
          %dma_start3A_287 = arith.constant 0 : i32
          %dma_start3A_288 = tpu.memref_slice %arg10[%dma_start3A_286, %dma_start3A_287] : memref<10240x64xf32, #tpu.memory_space<vmem_shared>> -> memref<10240x64xf32, #tpu.memory_space<vmem_shared>>
          tpu.enqueue_indirect_dma source(%dma_start3A_282 : memref<128x64xf32, #tpu.memory_space<vmem>>) target(%dma_start3A_288 : memref<10240x64xf32, #tpu.memory_space<vmem_shared>>) offsets(%dma_start3A_285 : memref<128xi32, #tpu.memory_space<vmem>>) semaphore(%run_scoped3A_278 : memref<!tpu.dma_semaphore, #tpu.memory_space<semaphore_mem>>) {add = true}
          %dma_wait3A_289 = arith.constant 0 : i32
          %dma_wait3A_290 = arith.constant 0 : i32
          %dma_wait3A_291 = tpu.memref_slice %arg9[%run_scoped3A, %dma_wait3A_289, %dma_wait3A_290] : memref<4x128x64xf32, #tpu.memory_space<vmem>> -> memref<1x128x64xf32, #tpu.memory_space<vmem>>
          %dma_wait3A_292 = tpu.memref_squeeze %dma_wait3A_291 : memref<1x128x64xf32, #tpu.memory_space<vmem>> -> memref<128x64xf32, #tpu.memory_space<vmem>>
          %dma_wait3A_293 = arith.constant 0 : i32
          %dma_wait3A_294 = tpu.memref_slice %arg8[%add3A_194, %dma_wait3A_293] : memref<64x128xi32, #tpu.memory_space<vmem>> -> memref<1x128xi32, #tpu.memory_space<vmem>>
          %dma_wait3A_295 = tpu.memref_squeeze %dma_wait3A_294 : memref<1x128xi32, #tpu.memory_space<vmem>> -> memref<128xi32, #tpu.memory_space<vmem>>
          %dma_wait3A_296 = arith.constant 0 : i32
          %dma_wait3A_297 = arith.constant 0 : i32
          %dma_wait3A_298 = tpu.memref_slice %arg10[%dma_wait3A_296, %dma_wait3A_297] : memref<10240x64xf32, #tpu.memory_space<vmem_shared>> -> memref<10240x64xf32, #tpu.memory_space<vmem_shared>>
          tpu.wait_indirect_dma semaphore(%run_scoped3A_278 : memref<!tpu.dma_semaphore, #tpu.memory_space<semaphore_mem>>) src(%dma_wait3A_292 : memref<128x64xf32, #tpu.memory_space<vmem>>) dst(%dma_wait3A_298 : memref<10240x64xf32, #tpu.memory_space<vmem_shared>>)
          tpu.yield
        }) : () -> ()
        %add3A_195 = arith.constant 0 : i32
        %add3A_196 = arith.addi %add3A_180, %add3A_195 : i32
        %add3A_197 = arith.constant 4 : i32
        %add3A_198 = arith.addi %add3A_196, %add3A_197 : i32
        %lt3A = arith.constant 64 : i32
        %lt3A_199 = arith.cmpi slt, %add3A_198, %lt3A : i32
        %convert_element_type3A_200 = arith.extui %lt3A_199 : i1 to i32
        %cond3A_201 = arith.constant 0 : i32
        %cond3A_202 = arith.cmpi ne, %convert_element_type3A_200, %cond3A_201 : i32
        scf.if %cond3A_202 {
          %add3A_278 = arith.constant 0 : i32
          %add3A_279 = arith.addi %add3A_180, %add3A_278 : i32
          %add3A_280 = arith.constant 4 : i32
          %add3A_281 = arith.addi %add3A_279, %add3A_280 : i32
          %dma_start3A_282 = arith.constant 0 : i32
          %dma_start3A_283 = arith.constant 0 : i32
          %dma_start3A_284 = arith.constant 0 : i32
          %dma_start3A_285 = tpu.memref_slice %arg9[%dma_start3A_282, %dma_start3A_283, %dma_start3A_284] : memref<4x128x64xf32, #tpu.memory_space<vmem>> -> memref<1x128x64xf32, #tpu.memory_space<vmem>>
          %dma_start3A_286 = tpu.memref_squeeze %dma_start3A_285 : memref<1x128x64xf32, #tpu.memory_space<vmem>> -> memref<128x64xf32, #tpu.memory_space<vmem>>
          %dma_start3A_287 = arith.constant 0 : i32
          %dma_start3A_288 = tpu.memref_slice %arg7[%add3A_281, %dma_start3A_287] : memref<64x128xi32, #tpu.memory_space<vmem>> -> memref<1x128xi32, #tpu.memory_space<vmem>>
          %dma_start3A_289 = tpu.memref_squeeze %dma_start3A_288 : memref<1x128xi32, #tpu.memory_space<vmem>> -> memref<128xi32, #tpu.memory_space<vmem>>
          %dma_start3A_290 = arith.constant 0 : i32
          %dma_start3A_291 = arith.constant 0 : i32
          %dma_start3A_292 = tpu.memref_slice %arg2[%dma_start3A_290, %dma_start3A_291] : memref<10240x64xf32, #tpu.memory_space<hbm>> -> memref<10240x64xf32, #tpu.memory_space<hbm>>
          tpu.enqueue_indirect_dma source(%dma_start3A_292 : memref<10240x64xf32, #tpu.memory_space<hbm>>) target(%dma_start3A_286 : memref<128x64xf32, #tpu.memory_space<vmem>>) offsets(%dma_start3A_289 : memref<128xi32, #tpu.memory_space<vmem>>) semaphore(%arg11 : memref<!tpu.dma_semaphore, #tpu.memory_space<semaphore_mem>>)
        } else {
        }
        %add3A_203 = arith.constant 1 : i32
        %add3A_204 = arith.addi %add3A_180, %add3A_203 : i32
        %dma_wait3A_205 = arith.constant 1 : i32
        %dma_wait3A_206 = arith.constant 0 : i32
        %dma_wait3A_207 = arith.constant 0 : i32
        %dma_wait3A_208 = tpu.memref_slice %arg9[%dma_wait3A_205, %dma_wait3A_206, %dma_wait3A_207] : memref<4x128x64xf32, #tpu.memory_space<vmem>> -> memref<1x128x64xf32, #tpu.memory_space<vmem>>
        %dma_wait3A_209 = tpu.memref_squeeze %dma_wait3A_208 : memref<1x128x64xf32, #tpu.memory_space<vmem>> -> memref<128x64xf32, #tpu.memory_space<vmem>>
        %dma_wait3A_210 = arith.constant 0 : i32
        %dma_wait3A_211 = tpu.memref_slice %arg7[%add3A_204, %dma_wait3A_210] : memref<64x128xi32, #tpu.memory_space<vmem>> -> memref<1x128xi32, #tpu.memory_space<vmem>>
        %dma_wait3A_212 = tpu.memref_squeeze %dma_wait3A_211 : memref<1x128xi32, #tpu.memory_space<vmem>> -> memref<128xi32, #tpu.memory_space<vmem>>
        %dma_wait3A_213 = arith.constant 0 : i32
        %dma_wait3A_214 = arith.constant 0 : i32
        %dma_wait3A_215 = tpu.memref_slice %arg2[%dma_wait3A_213, %dma_wait3A_214] : memref<10240x64xf32, #tpu.memory_space<hbm>> -> memref<10240x64xf32, #tpu.memory_space<hbm>>
        tpu.wait_indirect_dma semaphore(%arg12 : memref<!tpu.dma_semaphore, #tpu.memory_space<semaphore_mem>>) src(%dma_wait3A_215 : memref<10240x64xf32, #tpu.memory_space<hbm>>) dst(%dma_wait3A_209 : memref<128x64xf32, #tpu.memory_space<vmem>>)
        %add3A_216 = arith.constant 1 : i32
        %add3A_217 = arith.addi %add3A_180, %add3A_216 : i32
        %run_scoped3A_218 = arith.constant 1 : i32
        "tpu.region"() ({
          %run_scoped3A_278 = tpu.sem_alloc : memref<!tpu.dma_semaphore, #tpu.memory_space<semaphore_mem>>
          %dma_start3A_279 = arith.constant 0 : i32
          %dma_start3A_280 = arith.constant 0 : i32
          %dma_start3A_281 = tpu.memref_slice %arg9[%run_scoped3A_218, %dma_start3A_279, %dma_start3A_280] : memref<4x128x64xf32, #tpu.memory_space<vmem>> -> memref<1x128x64xf32, #tpu.memory_space<vmem>>
          %dma_start3A_282 = tpu.memref_squeeze %dma_start3A_281 : memref<1x128x64xf32, #tpu.memory_space<vmem>> -> memref<128x64xf32, #tpu.memory_space<vmem>>
          %dma_start3A_283 = arith.constant 0 : i32
          %dma_start3A_284 = tpu.memref_slice %arg8[%add3A_217, %dma_start3A_283] : memref<64x128xi32, #tpu.memory_space<vmem>> -> memref<1x128xi32, #tpu.memory_space<vmem>>
          %dma_start3A_285 = tpu.memref_squeeze %dma_start3A_284 : memref<1x128xi32, #tpu.memory_space<vmem>> -> memref<128xi32, #tpu.memory_space<vmem>>
          %dma_start3A_286 = arith.constant 0 : i32
          %dma_start3A_287 = arith.constant 0 : i32
          %dma_start3A_288 = tpu.memref_slice %arg10[%dma_start3A_286, %dma_start3A_287] : memref<10240x64xf32, #tpu.memory_space<vmem_shared>> -> memref<10240x64xf32, #tpu.memory_space<vmem_shared>>
          tpu.enqueue_indirect_dma source(%dma_start3A_282 : memref<128x64xf32, #tpu.memory_space<vmem>>) target(%dma_start3A_288 : memref<10240x64xf32, #tpu.memory_space<vmem_shared>>) offsets(%dma_start3A_285 : memref<128xi32, #tpu.memory_space<vmem>>) semaphore(%run_scoped3A_278 : memref<!tpu.dma_semaphore, #tpu.memory_space<semaphore_mem>>) {add = true}
          %dma_wait3A_289 = arith.constant 0 : i32
          %dma_wait3A_290 = arith.constant 0 : i32
          %dma_wait3A_291 = tpu.memref_slice %arg9[%run_scoped3A_218, %dma_wait3A_289, %dma_wait3A_290] : memref<4x128x64xf32, #tpu.memory_space<vmem>> -> memref<1x128x64xf32, #tpu.memory_space<vmem>>
          %dma_wait3A_292 = tpu.memref_squeeze %dma_wait3A_291 : memref<1x128x64xf32, #tpu.memory_space<vmem>> -> memref<128x64xf32, #tpu.memory_space<vmem>>
          %dma_wait3A_293 = arith.constant 0 : i32
          %dma_wait3A_294 = tpu.memref_slice %arg8[%add3A_217, %dma_wait3A_293] : memref<64x128xi32, #tpu.memory_space<vmem>> -> memref<1x128xi32, #tpu.memory_space<vmem>>
          %dma_wait3A_295 = tpu.memref_squeeze %dma_wait3A_294 : memref<1x128xi32, #tpu.memory_space<vmem>> -> memref<128xi32, #tpu.memory_space<vmem>>
          %dma_wait3A_296 = arith.constant 0 : i32
          %dma_wait3A_297 = arith.constant 0 : i32
          %dma_wait3A_298 = tpu.memref_slice %arg10[%dma_wait3A_296, %dma_wait3A_297] : memref<10240x64xf32, #tpu.memory_space<vmem_shared>> -> memref<10240x64xf32, #tpu.memory_space<vmem_shared>>
          tpu.wait_indirect_dma semaphore(%run_scoped3A_278 : memref<!tpu.dma_semaphore, #tpu.memory_space<semaphore_mem>>) src(%dma_wait3A_292 : memref<128x64xf32, #tpu.memory_space<vmem>>) dst(%dma_wait3A_298 : memref<10240x64xf32, #tpu.memory_space<vmem_shared>>)
          tpu.yield
        }) : () -> ()
        %add3A_219 = arith.constant 1 : i32
        %add3A_220 = arith.addi %add3A_180, %add3A_219 : i32
        %add3A_221 = arith.constant 4 : i32
        %add3A_222 = arith.addi %add3A_220, %add3A_221 : i32
        %lt3A_223 = arith.constant 64 : i32
        %lt3A_224 = arith.cmpi slt, %add3A_222, %lt3A_223 : i32
        %convert_element_type3A_225 = arith.extui %lt3A_224 : i1 to i32
        %cond3A_226 = arith.constant 0 : i32
        %cond3A_227 = arith.cmpi ne, %convert_element_type3A_225, %cond3A_226 : i32
        scf.if %cond3A_227 {
          %add3A_278 = arith.constant 1 : i32
          %add3A_279 = arith.addi %add3A_180, %add3A_278 : i32
          %add3A_280 = arith.constant 4 : i32
          %add3A_281 = arith.addi %add3A_279, %add3A_280 : i32
          %dma_start3A_282 = arith.constant 1 : i32
          %dma_start3A_283 = arith.constant 0 : i32
          %dma_start3A_284 = arith.constant 0 : i32
          %dma_start3A_285 = tpu.memref_slice %arg9[%dma_start3A_282, %dma_start3A_283, %dma_start3A_284] : memref<4x128x64xf32, #tpu.memory_space<vmem>> -> memref<1x128x64xf32, #tpu.memory_space<vmem>>
          %dma_start3A_286 = tpu.memref_squeeze %dma_start3A_285 : memref<1x128x64xf32, #tpu.memory_space<vmem>> -> memref<128x64xf32, #tpu.memory_space<vmem>>
          %dma_start3A_287 = arith.constant 0 : i32
          %dma_start3A_288 = tpu.memref_slice %arg7[%add3A_281, %dma_start3A_287] : memref<64x128xi32, #tpu.memory_space<vmem>> -> memref<1x128xi32, #tpu.memory_space<vmem>>
          %dma_start3A_289 = tpu.memref_squeeze %dma_start3A_288 : memref<1x128xi32, #tpu.memory_space<vmem>> -> memref<128xi32, #tpu.memory_space<vmem>>
          %dma_start3A_290 = arith.constant 0 : i32
          %dma_start3A_291 = arith.constant 0 : i32
          %dma_start3A_292 = tpu.memref_slice %arg2[%dma_start3A_290, %dma_start3A_291] : memref<10240x64xf32, #tpu.memory_space<hbm>> -> memref<10240x64xf32, #tpu.memory_space<hbm>>
          tpu.enqueue_indirect_dma source(%dma_start3A_292 : memref<10240x64xf32, #tpu.memory_space<hbm>>) target(%dma_start3A_286 : memref<128x64xf32, #tpu.memory_space<vmem>>) offsets(%dma_start3A_289 : memref<128xi32, #tpu.memory_space<vmem>>) semaphore(%arg12 : memref<!tpu.dma_semaphore, #tpu.memory_space<semaphore_mem>>)
        } else {
        }
        %add3A_228 = arith.constant 2 : i32
        %add3A_229 = arith.addi %add3A_180, %add3A_228 : i32
        %dma_wait3A_230 = arith.constant 2 : i32
        %dma_wait3A_231 = arith.constant 0 : i32
        %dma_wait3A_232 = arith.constant 0 : i32
        %dma_wait3A_233 = tpu.memref_slice %arg9[%dma_wait3A_230, %dma_wait3A_231, %dma_wait3A_232] : memref<4x128x64xf32, #tpu.memory_space<vmem>> -> memref<1x128x64xf32, #tpu.memory_space<vmem>>
        %dma_wait3A_234 = tpu.memref_squeeze %dma_wait3A_233 : memref<1x128x64xf32, #tpu.memory_space<vmem>> -> memref<128x64xf32, #tpu.memory_space<vmem>>
        %dma_wait3A_235 = arith.constant 0 : i32
        %dma_wait3A_236 = tpu.memref_slice %arg7[%add3A_229, %dma_wait3A_235] : memref<64x128xi32, #tpu.memory_space<vmem>> -> memref<1x128xi32, #tpu.memory_space<vmem>>
        %dma_wait3A_237 = tpu.memref_squeeze %dma_wait3A_236 : memref<1x128xi32, #tpu.memory_space<vmem>> -> memref<128xi32, #tpu.memory_space<vmem>>
        %dma_wait3A_238 = arith.constant 0 : i32
        %dma_wait3A_239 = arith.constant 0 : i32
        %dma_wait3A_240 = tpu.memref_slice %arg2[%dma_wait3A_238, %dma_wait3A_239] : memref<10240x64xf32, #tpu.memory_space<hbm>> -> memref<10240x64xf32, #tpu.memory_space<hbm>>
        tpu.wait_indirect_dma semaphore(%arg13 : memref<!tpu.dma_semaphore, #tpu.memory_space<semaphore_mem>>) src(%dma_wait3A_240 : memref<10240x64xf32, #tpu.memory_space<hbm>>) dst(%dma_wait3A_234 : memref<128x64xf32, #tpu.memory_space<vmem>>)
        %add3A_241 = arith.constant 2 : i32
        %add3A_242 = arith.addi %add3A_180, %add3A_241 : i32
        %run_scoped3A_243 = arith.constant 2 : i32
        "tpu.region"() ({
          %run_scoped3A_278 = tpu.sem_alloc : memref<!tpu.dma_semaphore, #tpu.memory_space<semaphore_mem>>
          %dma_start3A_279 = arith.constant 0 : i32
          %dma_start3A_280 = arith.constant 0 : i32
          %dma_start3A_281 = tpu.memref_slice %arg9[%run_scoped3A_243, %dma_start3A_279, %dma_start3A_280] : memref<4x128x64xf32, #tpu.memory_space<vmem>> -> memref<1x128x64xf32, #tpu.memory_space<vmem>>
          %dma_start3A_282 = tpu.memref_squeeze %dma_start3A_281 : memref<1x128x64xf32, #tpu.memory_space<vmem>> -> memref<128x64xf32, #tpu.memory_space<vmem>>
          %dma_start3A_283 = arith.constant 0 : i32
          %dma_start3A_284 = tpu.memref_slice %arg8[%add3A_242, %dma_start3A_283] : memref<64x128xi32, #tpu.memory_space<vmem>> -> memref<1x128xi32, #tpu.memory_space<vmem>>
          %dma_start3A_285 = tpu.memref_squeeze %dma_start3A_284 : memref<1x128xi32, #tpu.memory_space<vmem>> -> memref<128xi32, #tpu.memory_space<vmem>>
          %dma_start3A_286 = arith.constant 0 : i32
          %dma_start3A_287 = arith.constant 0 : i32
          %dma_start3A_288 = tpu.memref_slice %arg10[%dma_start3A_286, %dma_start3A_287] : memref<10240x64xf32, #tpu.memory_space<vmem_shared>> -> memref<10240x64xf32, #tpu.memory_space<vmem_shared>>
          tpu.enqueue_indirect_dma source(%dma_start3A_282 : memref<128x64xf32, #tpu.memory_space<vmem>>) target(%dma_start3A_288 : memref<10240x64xf32, #tpu.memory_space<vmem_shared>>) offsets(%dma_start3A_285 : memref<128xi32, #tpu.memory_space<vmem>>) semaphore(%run_scoped3A_278 : memref<!tpu.dma_semaphore, #tpu.memory_space<semaphore_mem>>) {add = true}
          %dma_wait3A_289 = arith.constant 0 : i32
          %dma_wait3A_290 = arith.constant 0 : i32
          %dma_wait3A_291 = tpu.memref_slice %arg9[%run_scoped3A_243, %dma_wait3A_289, %dma_wait3A_290] : memref<4x128x64xf32, #tpu.memory_space<vmem>> -> memref<1x128x64xf32, #tpu.memory_space<vmem>>
          %dma_wait3A_292 = tpu.memref_squeeze %dma_wait3A_291 : memref<1x128x64xf32, #tpu.memory_space<vmem>> -> memref<128x64xf32, #tpu.memory_space<vmem>>
          %dma_wait3A_293 = arith.constant 0 : i32
          %dma_wait3A_294 = tpu.memref_slice %arg8[%add3A_242, %dma_wait3A_293] : memref<64x128xi32, #tpu.memory_space<vmem>> -> memref<1x128xi32, #tpu.memory_space<vmem>>
          %dma_wait3A_295 = tpu.memref_squeeze %dma_wait3A_294 : memref<1x128xi32, #tpu.memory_space<vmem>> -> memref<128xi32, #tpu.memory_space<vmem>>
          %dma_wait3A_296 = arith.constant 0 : i32
          %dma_wait3A_297 = arith.constant 0 : i32
          %dma_wait3A_298 = tpu.memref_slice %arg10[%dma_wait3A_296, %dma_wait3A_297] : memref<10240x64xf32, #tpu.memory_space<vmem_shared>> -> memref<10240x64xf32, #tpu.memory_space<vmem_shared>>
          tpu.wait_indirect_dma semaphore(%run_scoped3A_278 : memref<!tpu.dma_semaphore, #tpu.memory_space<semaphore_mem>>) src(%dma_wait3A_292 : memref<128x64xf32, #tpu.memory_space<vmem>>) dst(%dma_wait3A_298 : memref<10240x64xf32, #tpu.memory_space<vmem_shared>>)
          tpu.yield
        }) : () -> ()
        %add3A_244 = arith.constant 2 : i32
        %add3A_245 = arith.addi %add3A_180, %add3A_244 : i32
        %add3A_246 = arith.constant 4 : i32
        %add3A_247 = arith.addi %add3A_245, %add3A_246 : i32
        %lt3A_248 = arith.constant 64 : i32
        %lt3A_249 = arith.cmpi slt, %add3A_247, %lt3A_248 : i32
        %convert_element_type3A_250 = arith.extui %lt3A_249 : i1 to i32
        %cond3A_251 = arith.constant 0 : i32
        %cond3A_252 = arith.cmpi ne, %convert_element_type3A_250, %cond3A_251 : i32
        scf.if %cond3A_252 {
          %add3A_278 = arith.constant 2 : i32
          %add3A_279 = arith.addi %add3A_180, %add3A_278 : i32
          %add3A_280 = arith.constant 4 : i32
          %add3A_281 = arith.addi %add3A_279, %add3A_280 : i32
          %dma_start3A_282 = arith.constant 2 : i32
          %dma_start3A_283 = arith.constant 0 : i32
          %dma_start3A_284 = arith.constant 0 : i32
          %dma_start3A_285 = tpu.memref_slice %arg9[%dma_start3A_282, %dma_start3A_283, %dma_start3A_284] : memref<4x128x64xf32, #tpu.memory_space<vmem>> -> memref<1x128x64xf32, #tpu.memory_space<vmem>>
          %dma_start3A_286 = tpu.memref_squeeze %dma_start3A_285 : memref<1x128x64xf32, #tpu.memory_space<vmem>> -> memref<128x64xf32, #tpu.memory_space<vmem>>
          %dma_start3A_287 = arith.constant 0 : i32
          %dma_start3A_288 = tpu.memref_slice %arg7[%add3A_281, %dma_start3A_287] : memref<64x128xi32, #tpu.memory_space<vmem>> -> memref<1x128xi32, #tpu.memory_space<vmem>>
          %dma_start3A_289 = tpu.memref_squeeze %dma_start3A_288 : memref<1x128xi32, #tpu.memory_space<vmem>> -> memref<128xi32, #tpu.memory_space<vmem>>
          %dma_start3A_290 = arith.constant 0 : i32
          %dma_start3A_291 = arith.constant 0 : i32
          %dma_start3A_292 = tpu.memref_slice %arg2[%dma_start3A_290, %dma_start3A_291] : memref<10240x64xf32, #tpu.memory_space<hbm>> -> memref<10240x64xf32, #tpu.memory_space<hbm>>
          tpu.enqueue_indirect_dma source(%dma_start3A_292 : memref<10240x64xf32, #tpu.memory_space<hbm>>) target(%dma_start3A_286 : memref<128x64xf32, #tpu.memory_space<vmem>>) offsets(%dma_start3A_289 : memref<128xi32, #tpu.memory_space<vmem>>) semaphore(%arg13 : memref<!tpu.dma_semaphore, #tpu.memory_space<semaphore_mem>>)
        } else {
        }
        %add3A_253 = arith.constant 3 : i32
        %add3A_254 = arith.addi %add3A_180, %add3A_253 : i32
        %dma_wait3A_255 = arith.constant 3 : i32
        %dma_wait3A_256 = arith.constant 0 : i32
        %dma_wait3A_257 = arith.constant 0 : i32
        %dma_wait3A_258 = tpu.memref_slice %arg9[%dma_wait3A_255, %dma_wait3A_256, %dma_wait3A_257] : memref<4x128x64xf32, #tpu.memory_space<vmem>> -> memref<1x128x64xf32, #tpu.memory_space<vmem>>
        %dma_wait3A_259 = tpu.memref_squeeze %dma_wait3A_258 : memref<1x128x64xf32, #tpu.memory_space<vmem>> -> memref<128x64xf32, #tpu.memory_space<vmem>>
        %dma_wait3A_260 = arith.constant 0 : i32
        %dma_wait3A_261 = tpu.memref_slice %arg7[%add3A_254, %dma_wait3A_260] : memref<64x128xi32, #tpu.memory_space<vmem>> -> memref<1x128xi32, #tpu.memory_space<vmem>>
        %dma_wait3A_262 = tpu.memref_squeeze %dma_wait3A_261 : memref<1x128xi32, #tpu.memory_space<vmem>> -> memref<128xi32, #tpu.memory_space<vmem>>
        %dma_wait3A_263 = arith.constant 0 : i32
        %dma_wait3A_264 = arith.constant 0 : i32
        %dma_wait3A_265 = tpu.memref_slice %arg2[%dma_wait3A_263, %dma_wait3A_264] : memref<10240x64xf32, #tpu.memory_space<hbm>> -> memref<10240x64xf32, #tpu.memory_space<hbm>>
        tpu.wait_indirect_dma semaphore(%arg14 : memref<!tpu.dma_semaphore, #tpu.memory_space<semaphore_mem>>) src(%dma_wait3A_265 : memref<10240x64xf32, #tpu.memory_space<hbm>>) dst(%dma_wait3A_259 : memref<128x64xf32, #tpu.memory_space<vmem>>)
        %add3A_266 = arith.constant 3 : i32
        %add3A_267 = arith.addi %add3A_180, %add3A_266 : i32
        %run_scoped3A_268 = arith.constant 3 : i32
        "tpu.region"() ({
          %run_scoped3A_278 = tpu.sem_alloc : memref<!tpu.dma_semaphore, #tpu.memory_space<semaphore_mem>>
          %dma_start3A_279 = arith.constant 0 : i32
          %dma_start3A_280 = arith.constant 0 : i32
          %dma_start3A_281 = tpu.memref_slice %arg9[%run_scoped3A_268, %dma_start3A_279, %dma_start3A_280] : memref<4x128x64xf32, #tpu.memory_space<vmem>> -> memref<1x128x64xf32, #tpu.memory_space<vmem>>
          %dma_start3A_282 = tpu.memref_squeeze %dma_start3A_281 : memref<1x128x64xf32, #tpu.memory_space<vmem>> -> memref<128x64xf32, #tpu.memory_space<vmem>>
          %dma_start3A_283 = arith.constant 0 : i32
          %dma_start3A_284 = tpu.memref_slice %arg8[%add3A_267, %dma_start3A_283] : memref<64x128xi32, #tpu.memory_space<vmem>> -> memref<1x128xi32, #tpu.memory_space<vmem>>
          %dma_start3A_285 = tpu.memref_squeeze %dma_start3A_284 : memref<1x128xi32, #tpu.memory_space<vmem>> -> memref<128xi32, #tpu.memory_space<vmem>>
          %dma_start3A_286 = arith.constant 0 : i32
          %dma_start3A_287 = arith.constant 0 : i32
          %dma_start3A_288 = tpu.memref_slice %arg10[%dma_start3A_286, %dma_start3A_287] : memref<10240x64xf32, #tpu.memory_space<vmem_shared>> -> memref<10240x64xf32, #tpu.memory_space<vmem_shared>>
          tpu.enqueue_indirect_dma source(%dma_start3A_282 : memref<128x64xf32, #tpu.memory_space<vmem>>) target(%dma_start3A_288 : memref<10240x64xf32, #tpu.memory_space<vmem_shared>>) offsets(%dma_start3A_285 : memref<128xi32, #tpu.memory_space<vmem>>) semaphore(%run_scoped3A_278 : memref<!tpu.dma_semaphore, #tpu.memory_space<semaphore_mem>>) {add = true}
          %dma_wait3A_289 = arith.constant 0 : i32
          %dma_wait3A_290 = arith.constant 0 : i32
          %dma_wait3A_291 = tpu.memref_slice %arg9[%run_scoped3A_268, %dma_wait3A_289, %dma_wait3A_290] : memref<4x128x64xf32, #tpu.memory_space<vmem>> -> memref<1x128x64xf32, #tpu.memory_space<vmem>>
          %dma_wait3A_292 = tpu.memref_squeeze %dma_wait3A_291 : memref<1x128x64xf32, #tpu.memory_space<vmem>> -> memref<128x64xf32, #tpu.memory_space<vmem>>
          %dma_wait3A_293 = arith.constant 0 : i32
          %dma_wait3A_294 = tpu.memref_slice %arg8[%add3A_267, %dma_wait3A_293] : memref<64x128xi32, #tpu.memory_space<vmem>> -> memref<1x128xi32, #tpu.memory_space<vmem>>
          %dma_wait3A_295 = tpu.memref_squeeze %dma_wait3A_294 : memref<1x128xi32, #tpu.memory_space<vmem>> -> memref<128xi32, #tpu.memory_space<vmem>>
          %dma_wait3A_296 = arith.constant 0 : i32
          %dma_wait3A_297 = arith.constant 0 : i32
          %dma_wait3A_298 = tpu.memref_slice %arg10[%dma_wait3A_296, %dma_wait3A_297] : memref<10240x64xf32, #tpu.memory_space<vmem_shared>> -> memref<10240x64xf32, #tpu.memory_space<vmem_shared>>
          tpu.wait_indirect_dma semaphore(%run_scoped3A_278 : memref<!tpu.dma_semaphore, #tpu.memory_space<semaphore_mem>>) src(%dma_wait3A_292 : memref<128x64xf32, #tpu.memory_space<vmem>>) dst(%dma_wait3A_298 : memref<10240x64xf32, #tpu.memory_space<vmem_shared>>)
          tpu.yield
        }) : () -> ()
        %add3A_269 = arith.constant 3 : i32
        %add3A_270 = arith.addi %add3A_180, %add3A_269 : i32
        %add3A_271 = arith.constant 4 : i32
        %add3A_272 = arith.addi %add3A_270, %add3A_271 : i32
        %lt3A_273 = arith.constant 64 : i32
        %lt3A_274 = arith.cmpi slt, %add3A_272, %lt3A_273 : i32
        %convert_element_type3A_275 = arith.extui %lt3A_274 : i1 to i32
        %cond3A_276 = arith.constant 0 : i32
        %cond3A_277 = arith.cmpi ne, %convert_element_type3A_275, %cond3A_276 : i32
        scf.if %cond3A_277 {
          %add3A_278 = arith.constant 3 : i32
          %add3A_279 = arith.addi %add3A_180, %add3A_278 : i32
          %add3A_280 = arith.constant 4 : i32
          %add3A_281 = arith.addi %add3A_279, %add3A_280 : i32
          %dma_start3A_282 = arith.constant 3 : i32
          %dma_start3A_283 = arith.constant 0 : i32
          %dma_start3A_284 = arith.constant 0 : i32
          %dma_start3A_285 = tpu.memref_slice %arg9[%dma_start3A_282, %dma_start3A_283, %dma_start3A_284] : memref<4x128x64xf32, #tpu.memory_space<vmem>> -> memref<1x128x64xf32, #tpu.memory_space<vmem>>
          %dma_start3A_286 = tpu.memref_squeeze %dma_start3A_285 : memref<1x128x64xf32, #tpu.memory_space<vmem>> -> memref<128x64xf32, #tpu.memory_space<vmem>>
          %dma_start3A_287 = arith.constant 0 : i32
          %dma_start3A_288 = tpu.memref_slice %arg7[%add3A_281, %dma_start3A_287] : memref<64x128xi32, #tpu.memory_space<vmem>> -> memref<1x128xi32, #tpu.memory_space<vmem>>
          %dma_start3A_289 = tpu.memref_squeeze %dma_start3A_288 : memref<1x128xi32, #tpu.memory_space<vmem>> -> memref<128xi32, #tpu.memory_space<vmem>>
          %dma_start3A_290 = arith.constant 0 : i32
          %dma_start3A_291 = arith.constant 0 : i32
          %dma_start3A_292 = tpu.memref_slice %arg2[%dma_start3A_290, %dma_start3A_291] : memref<10240x64xf32, #tpu.memory_space<hbm>> -> memref<10240x64xf32, #tpu.memory_space<hbm>>
          tpu.enqueue_indirect_dma source(%dma_start3A_292 : memref<10240x64xf32, #tpu.memory_space<hbm>>) target(%dma_start3A_286 : memref<128x64xf32, #tpu.memory_space<vmem>>) offsets(%dma_start3A_289 : memref<128xi32, #tpu.memory_space<vmem>>) semaphore(%arg14 : memref<!tpu.dma_semaphore, #tpu.memory_space<semaphore_mem>>)
        } else {
        }
      }
      %scan3A_65 = arith.constant 16 : i32
      %add3A_66 = arith.constant 64 : i32
      %add3A_67 = arith.addi %mul3A_13, %add3A_66 : i32
      "tpu.region"() ({
        %run_scoped3A = tpu.sem_alloc : memref<!tpu.dma_semaphore, #tpu.memory_space<semaphore_mem>>
        %dma_start3A_176 = arith.constant 0 : i32
        %dma_start3A_177 = arith.constant 0 : i32
        %dma_start3A_178 = tpu.memref_slice %arg7[%dma_start3A_176, %dma_start3A_177] : memref<64x128xi32, #tpu.memory_space<vmem>> -> memref<64x128xi32, #tpu.memory_space<vmem>>
        %dma_start3A_179 = arith.constant 0 : i32
        %dma_start3A_180 = tpu.memref_slice %arg3[%add3A_67, %dma_start3A_179] : memref<2528x128xi32, #tpu.memory_space<hbm>> -> memref<64x128xi32, #tpu.memory_space<hbm>>
        %dma_start3A_181 = arith.constant 0 : i32
        %dma_start3A_182 = arith.constant 0 : i32
        %dma_start3A_183 = tpu.memref_slice %arg7[%dma_start3A_181, %dma_start3A_182] : memref<64x128xi32, #tpu.memory_space<vmem>> -> memref<64x128xi32, #tpu.memory_space<vmem>>
        %dma_start3A_184 = arith.constant 0 : i32
        %dma_start3A_185 = tpu.memref_slice %arg3[%add3A_67, %dma_start3A_184] : memref<2528x128xi32, #tpu.memory_space<hbm>> -> memref<64x128xi32, #tpu.memory_space<hbm>>
        tpu.enqueue_dma source(%dma_start3A_185 : memref<64x128xi32, #tpu.memory_space<hbm>>) target(%dma_start3A_183 : memref<64x128xi32, #tpu.memory_space<vmem>>) target_semaphore(%run_scoped3A : memref<!tpu.dma_semaphore, #tpu.memory_space<semaphore_mem>>)
        %dma_wait3A = arith.constant 0 : i32
        %dma_wait3A_186 = arith.constant 0 : i32
        %dma_wait3A_187 = tpu.memref_slice %arg7[%dma_wait3A, %dma_wait3A_186] : memref<64x128xi32, #tpu.memory_space<vmem>> -> memref<64x128xi32, #tpu.memory_space<vmem>>
        %dma_wait3A_188 = arith.constant 0 : i32
        %dma_wait3A_189 = tpu.memref_slice %arg3[%add3A_67, %dma_wait3A_188] : memref<2528x128xi32, #tpu.memory_space<hbm>> -> memref<64x128xi32, #tpu.memory_space<hbm>>
        %dma_wait3A_190 = arith.constant 0 : i32
        %dma_wait3A_191 = arith.constant 0 : i32
        %dma_wait3A_192 = tpu.memref_slice %arg7[%dma_wait3A_190, %dma_wait3A_191] : memref<64x128xi32, #tpu.memory_space<vmem>> -> memref<64x128xi32, #tpu.memory_space<vmem>>
        %dma_wait3A_193 = arith.constant 0 : i32
        %dma_wait3A_194 = tpu.memref_slice %arg3[%add3A_67, %dma_wait3A_193] : memref<2528x128xi32, #tpu.memory_space<hbm>> -> memref<64x128xi32, #tpu.memory_space<hbm>>
        tpu.wait_dma2 semaphore(%run_scoped3A : memref<!tpu.dma_semaphore, #tpu.memory_space<semaphore_mem>>) src(%dma_wait3A_194 : memref<64x128xi32, #tpu.memory_space<hbm>>) dst(%dma_wait3A_192 : memref<64x128xi32, #tpu.memory_space<vmem>>)
        tpu.yield
      }) : () -> ()
      "tpu.region"() ({
        %run_scoped3A = tpu.sem_alloc : memref<!tpu.dma_semaphore, #tpu.memory_space<semaphore_mem>>
        %dma_start3A_176 = arith.constant 0 : i32
        %dma_start3A_177 = arith.constant 0 : i32
        %dma_start3A_178 = tpu.memref_slice %arg8[%dma_start3A_176, %dma_start3A_177] : memref<64x128xi32, #tpu.memory_space<vmem>> -> memref<64x128xi32, #tpu.memory_space<vmem>>
        %dma_start3A_179 = arith.constant 0 : i32
        %dma_start3A_180 = tpu.memref_slice %arg4[%add3A_67, %dma_start3A_179] : memref<2528x128xi32, #tpu.memory_space<hbm>> -> memref<64x128xi32, #tpu.memory_space<hbm>>
        %dma_start3A_181 = arith.constant 0 : i32
        %dma_start3A_182 = arith.constant 0 : i32
        %dma_start3A_183 = tpu.memref_slice %arg8[%dma_start3A_181, %dma_start3A_182] : memref<64x128xi32, #tpu.memory_space<vmem>> -> memref<64x128xi32, #tpu.memory_space<vmem>>
        %dma_start3A_184 = arith.constant 0 : i32
        %dma_start3A_185 = tpu.memref_slice %arg4[%add3A_67, %dma_start3A_184] : memref<2528x128xi32, #tpu.memory_space<hbm>> -> memref<64x128xi32, #tpu.memory_space<hbm>>
        tpu.enqueue_dma source(%dma_start3A_185 : memref<64x128xi32, #tpu.memory_space<hbm>>) target(%dma_start3A_183 : memref<64x128xi32, #tpu.memory_space<vmem>>) target_semaphore(%run_scoped3A : memref<!tpu.dma_semaphore, #tpu.memory_space<semaphore_mem>>)
        %dma_wait3A = arith.constant 0 : i32
        %dma_wait3A_186 = arith.constant 0 : i32
        %dma_wait3A_187 = tpu.memref_slice %arg8[%dma_wait3A, %dma_wait3A_186] : memref<64x128xi32, #tpu.memory_space<vmem>> -> memref<64x128xi32, #tpu.memory_space<vmem>>
        %dma_wait3A_188 = arith.constant 0 : i32
        %dma_wait3A_189 = tpu.memref_slice %arg4[%add3A_67, %dma_wait3A_188] : memref<2528x128xi32, #tpu.memory_space<hbm>> -> memref<64x128xi32, #tpu.memory_space<hbm>>
        %dma_wait3A_190 = arith.constant 0 : i32
        %dma_wait3A_191 = arith.constant 0 : i32
        %dma_wait3A_192 = tpu.memref_slice %arg8[%dma_wait3A_190, %dma_wait3A_191] : memref<64x128xi32, #tpu.memory_space<vmem>> -> memref<64x128xi32, #tpu.memory_space<vmem>>
        %dma_wait3A_193 = arith.constant 0 : i32
        %dma_wait3A_194 = tpu.memref_slice %arg4[%add3A_67, %dma_wait3A_193] : memref<2528x128xi32, #tpu.memory_space<hbm>> -> memref<64x128xi32, #tpu.memory_space<hbm>>
        tpu.wait_dma2 semaphore(%run_scoped3A : memref<!tpu.dma_semaphore, #tpu.memory_space<semaphore_mem>>) src(%dma_wait3A_194 : memref<64x128xi32, #tpu.memory_space<hbm>>) dst(%dma_wait3A_192 : memref<64x128xi32, #tpu.memory_space<vmem>>)
        tpu.yield
      }) : () -> ()
      %dma_start3A_68 = arith.constant 0 : i32
      %dma_start3A_69 = arith.constant 0 : i32
      %dma_start3A_70 = arith.constant 0 : i32
      %dma_start3A_71 = arith.constant 0 : i32
      %dma_start3A_72 = tpu.memref_slice %arg9[%dma_start3A_69, %dma_start3A_70, %dma_start3A_71] : memref<4x128x64xf32, #tpu.memory_space<vmem>> -> memref<1x128x64xf32, #tpu.memory_space<vmem>>
      %dma_start3A_73 = tpu.memref_squeeze %dma_start3A_72 : memref<1x128x64xf32, #tpu.memory_space<vmem>> -> memref<128x64xf32, #tpu.memory_space<vmem>>
      %dma_start3A_74 = arith.constant 0 : i32
      %dma_start3A_75 = tpu.memref_slice %arg7[%dma_start3A_68, %dma_start3A_74] : memref<64x128xi32, #tpu.memory_space<vmem>> -> memref<1x128xi32, #tpu.memory_space<vmem>>
      %dma_start3A_76 = tpu.memref_squeeze %dma_start3A_75 : memref<1x128xi32, #tpu.memory_space<vmem>> -> memref<128xi32, #tpu.memory_space<vmem>>
      %dma_start3A_77 = arith.constant 0 : i32
      %dma_start3A_78 = arith.constant 0 : i32
      %dma_start3A_79 = tpu.memref_slice %arg2[%dma_start3A_77, %dma_start3A_78] : memref<10240x64xf32, #tpu.memory_space<hbm>> -> memref<10240x64xf32, #tpu.memory_space<hbm>>
      tpu.enqueue_indirect_dma source(%dma_start3A_79 : memref<10240x64xf32, #tpu.memory_space<hbm>>) target(%dma_start3A_73 : memref<128x64xf32, #tpu.memory_space<vmem>>) offsets(%dma_start3A_76 : memref<128xi32, #tpu.memory_space<vmem>>) semaphore(%arg11 : memref<!tpu.dma_semaphore, #tpu.memory_space<semaphore_mem>>)
      %dma_start3A_80 = arith.constant 1 : i32
      %dma_start3A_81 = arith.constant 1 : i32
      %dma_start3A_82 = arith.constant 0 : i32
      %dma_start3A_83 = arith.constant 0 : i32
      %dma_start3A_84 = tpu.memref_slice %arg9[%dma_start3A_81, %dma_start3A_82, %dma_start3A_83] : memref<4x128x64xf32, #tpu.memory_space<vmem>> -> memref<1x128x64xf32, #tpu.memory_space<vmem>>
      %dma_start3A_85 = tpu.memref_squeeze %dma_start3A_84 : memref<1x128x64xf32, #tpu.memory_space<vmem>> -> memref<128x64xf32, #tpu.memory_space<vmem>>
      %dma_start3A_86 = arith.constant 0 : i32
      %dma_start3A_87 = tpu.memref_slice %arg7[%dma_start3A_80, %dma_start3A_86] : memref<64x128xi32, #tpu.memory_space<vmem>> -> memref<1x128xi32, #tpu.memory_space<vmem>>
      %dma_start3A_88 = tpu.memref_squeeze %dma_start3A_87 : memref<1x128xi32, #tpu.memory_space<vmem>> -> memref<128xi32, #tpu.memory_space<vmem>>
      %dma_start3A_89 = arith.constant 0 : i32
      %dma_start3A_90 = arith.constant 0 : i32
      %dma_start3A_91 = tpu.memref_slice %arg2[%dma_start3A_89, %dma_start3A_90] : memref<10240x64xf32, #tpu.memory_space<hbm>> -> memref<10240x64xf32, #tpu.memory_space<hbm>>
      tpu.enqueue_indirect_dma source(%dma_start3A_91 : memref<10240x64xf32, #tpu.memory_space<hbm>>) target(%dma_start3A_85 : memref<128x64xf32, #tpu.memory_space<vmem>>) offsets(%dma_start3A_88 : memref<128xi32, #tpu.memory_space<vmem>>) semaphore(%arg12 : memref<!tpu.dma_semaphore, #tpu.memory_space<semaphore_mem>>)
      %dma_start3A_92 = arith.constant 2 : i32
      %dma_start3A_93 = arith.constant 2 : i32
      %dma_start3A_94 = arith.constant 0 : i32
      %dma_start3A_95 = arith.constant 0 : i32
      %dma_start3A_96 = tpu.memref_slice %arg9[%dma_start3A_93, %dma_start3A_94, %dma_start3A_95] : memref<4x128x64xf32, #tpu.memory_space<vmem>> -> memref<1x128x64xf32, #tpu.memory_space<vmem>>
      %dma_start3A_97 = tpu.memref_squeeze %dma_start3A_96 : memref<1x128x64xf32, #tpu.memory_space<vmem>> -> memref<128x64xf32, #tpu.memory_space<vmem>>
      %dma_start3A_98 = arith.constant 0 : i32
      %dma_start3A_99 = tpu.memref_slice %arg7[%dma_start3A_92, %dma_start3A_98] : memref<64x128xi32, #tpu.memory_space<vmem>> -> memref<1x128xi32, #tpu.memory_space<vmem>>
      %dma_start3A_100 = tpu.memref_squeeze %dma_start3A_99 : memref<1x128xi32, #tpu.memory_space<vmem>> -> memref<128xi32, #tpu.memory_space<vmem>>
      %dma_start3A_101 = arith.constant 0 : i32
      %dma_start3A_102 = arith.constant 0 : i32
      %dma_start3A_103 = tpu.memref_slice %arg2[%dma_start3A_101, %dma_start3A_102] : memref<10240x64xf32, #tpu.memory_space<hbm>> -> memref<10240x64xf32, #tpu.memory_space<hbm>>
      tpu.enqueue_indirect_dma source(%dma_start3A_103 : memref<10240x64xf32, #tpu.memory_space<hbm>>) target(%dma_start3A_97 : memref<128x64xf32, #tpu.memory_space<vmem>>) offsets(%dma_start3A_100 : memref<128xi32, #tpu.memory_space<vmem>>) semaphore(%arg13 : memref<!tpu.dma_semaphore, #tpu.memory_space<semaphore_mem>>)
      %dma_start3A_104 = arith.constant 3 : i32
      %dma_start3A_105 = arith.constant 3 : i32
      %dma_start3A_106 = arith.constant 0 : i32
      %dma_start3A_107 = arith.constant 0 : i32
      %dma_start3A_108 = tpu.memref_slice %arg9[%dma_start3A_105, %dma_start3A_106, %dma_start3A_107] : memref<4x128x64xf32, #tpu.memory_space<vmem>> -> memref<1x128x64xf32, #tpu.memory_space<vmem>>
      %dma_start3A_109 = tpu.memref_squeeze %dma_start3A_108 : memref<1x128x64xf32, #tpu.memory_space<vmem>> -> memref<128x64xf32, #tpu.memory_space<vmem>>
      %dma_start3A_110 = arith.constant 0 : i32
      %dma_start3A_111 = tpu.memref_slice %arg7[%dma_start3A_104, %dma_start3A_110] : memref<64x128xi32, #tpu.memory_space<vmem>> -> memref<1x128xi32, #tpu.memory_space<vmem>>
      %dma_start3A_112 = tpu.memref_squeeze %dma_start3A_111 : memref<1x128xi32, #tpu.memory_space<vmem>> -> memref<128xi32, #tpu.memory_space<vmem>>
      %dma_start3A_113 = arith.constant 0 : i32
      %dma_start3A_114 = arith.constant 0 : i32
      %dma_start3A_115 = tpu.memref_slice %arg2[%dma_start3A_113, %dma_start3A_114] : memref<10240x64xf32, #tpu.memory_space<hbm>> -> memref<10240x64xf32, #tpu.memory_space<hbm>>
      tpu.enqueue_indirect_dma source(%dma_start3A_115 : memref<10240x64xf32, #tpu.memory_space<hbm>>) target(%dma_start3A_109 : memref<128x64xf32, #tpu.memory_space<vmem>>) offsets(%dma_start3A_112 : memref<128xi32, #tpu.memory_space<vmem>>) semaphore(%arg14 : memref<!tpu.dma_semaphore, #tpu.memory_space<semaphore_mem>>)
      %scan3A_116 = arith.constant 0 : i32
      %scan3A_117 = arith.constant 16 : i32
      %scan3A_118 = arith.addi %scan3A_116, %scan3A_117 : i32
      %scan3A_119 = arith.constant 1 : i32
      scf.for %scan3A_176 = %scan3A_116 to %scan3A_118 step %scan3A_119  : i32 {
        %mul3A_177 = arith.constant 4 : i32
        %mul3A_178 = arith.muli %scan3A_176, %mul3A_177 : i32
        %add3A_179 = arith.constant 0 : i32
        %add3A_180 = arith.addi %add3A_179, %mul3A_178 : i32
        %add3A_181 = arith.constant 0 : i32
        %add3A_182 = arith.addi %add3A_180, %add3A_181 : i32
        %dma_wait3A = arith.constant 0 : i32
        %dma_wait3A_183 = arith.constant 0 : i32
        %dma_wait3A_184 = arith.constant 0 : i32
        %dma_wait3A_185 = tpu.memref_slice %arg9[%dma_wait3A, %dma_wait3A_183, %dma_wait3A_184] : memref<4x128x64xf32, #tpu.memory_space<vmem>> -> memref<1x128x64xf32, #tpu.memory_space<vmem>>
        %dma_wait3A_186 = tpu.memref_squeeze %dma_wait3A_185 : memref<1x128x64xf32, #tpu.memory_space<vmem>> -> memref<128x64xf32, #tpu.memory_space<vmem>>
        %dma_wait3A_187 = arith.constant 0 : i32
        %dma_wait3A_188 = tpu.memref_slice %arg7[%add3A_182, %dma_wait3A_187] : memref<64x128xi32, #tpu.memory_space<vmem>> -> memref<1x128xi32, #tpu.memory_space<vmem>>
        %dma_wait3A_189 = tpu.memref_squeeze %dma_wait3A_188 : memref<1x128xi32, #tpu.memory_space<vmem>> -> memref<128xi32, #tpu.memory_space<vmem>>
        %dma_wait3A_190 = arith.constant 0 : i32
        %dma_wait3A_191 = arith.constant 0 : i32
        %dma_wait3A_192 = tpu.memref_slice %arg2[%dma_wait3A_190, %dma_wait3A_191] : memref<10240x64xf32, #tpu.memory_space<hbm>> -> memref<10240x64xf32, #tpu.memory_space<hbm>>
        tpu.wait_indirect_dma semaphore(%arg11 : memref<!tpu.dma_semaphore, #tpu.memory_space<semaphore_mem>>) src(%dma_wait3A_192 : memref<10240x64xf32, #tpu.memory_space<hbm>>) dst(%dma_wait3A_186 : memref<128x64xf32, #tpu.memory_space<vmem>>)
        %add3A_193 = arith.constant 0 : i32
        %add3A_194 = arith.addi %add3A_180, %add3A_193 : i32
        %run_scoped3A = arith.constant 0 : i32
        "tpu.region"() ({
          %run_scoped3A_278 = tpu.sem_alloc : memref<!tpu.dma_semaphore, #tpu.memory_space<semaphore_mem>>
          %dma_start3A_279 = arith.constant 0 : i32
          %dma_start3A_280 = arith.constant 0 : i32
          %dma_start3A_281 = tpu.memref_slice %arg9[%run_scoped3A, %dma_start3A_279, %dma_start3A_280] : memref<4x128x64xf32, #tpu.memory_space<vmem>> -> memref<1x128x64xf32, #tpu.memory_space<vmem>>
          %dma_start3A_282 = tpu.memref_squeeze %dma_start3A_281 : memref<1x128x64xf32, #tpu.memory_space<vmem>> -> memref<128x64xf32, #tpu.memory_space<vmem>>
          %dma_start3A_283 = arith.constant 0 : i32
          %dma_start3A_284 = tpu.memref_slice %arg8[%add3A_194, %dma_start3A_283] : memref<64x128xi32, #tpu.memory_space<vmem>> -> memref<1x128xi32, #tpu.memory_space<vmem>>
          %dma_start3A_285 = tpu.memref_squeeze %dma_start3A_284 : memref<1x128xi32, #tpu.memory_space<vmem>> -> memref<128xi32, #tpu.memory_space<vmem>>
          %dma_start3A_286 = arith.constant 0 : i32
          %dma_start3A_287 = arith.constant 0 : i32
          %dma_start3A_288 = tpu.memref_slice %arg10[%dma_start3A_286, %dma_start3A_287] : memref<10240x64xf32, #tpu.memory_space<vmem_shared>> -> memref<10240x64xf32, #tpu.memory_space<vmem_shared>>
          tpu.enqueue_indirect_dma source(%dma_start3A_282 : memref<128x64xf32, #tpu.memory_space<vmem>>) target(%dma_start3A_288 : memref<10240x64xf32, #tpu.memory_space<vmem_shared>>) offsets(%dma_start3A_285 : memref<128xi32, #tpu.memory_space<vmem>>) semaphore(%run_scoped3A_278 : memref<!tpu.dma_semaphore, #tpu.memory_space<semaphore_mem>>) {add = true}
          %dma_wait3A_289 = arith.constant 0 : i32
          %dma_wait3A_290 = arith.constant 0 : i32
          %dma_wait3A_291 = tpu.memref_slice %arg9[%run_scoped3A, %dma_wait3A_289, %dma_wait3A_290] : memref<4x128x64xf32, #tpu.memory_space<vmem>> -> memref<1x128x64xf32, #tpu.memory_space<vmem>>
          %dma_wait3A_292 = tpu.memref_squeeze %dma_wait3A_291 : memref<1x128x64xf32, #tpu.memory_space<vmem>> -> memref<128x64xf32, #tpu.memory_space<vmem>>
          %dma_wait3A_293 = arith.constant 0 : i32
          %dma_wait3A_294 = tpu.memref_slice %arg8[%add3A_194, %dma_wait3A_293] : memref<64x128xi32, #tpu.memory_space<vmem>> -> memref<1x128xi32, #tpu.memory_space<vmem>>
          %dma_wait3A_295 = tpu.memref_squeeze %dma_wait3A_294 : memref<1x128xi32, #tpu.memory_space<vmem>> -> memref<128xi32, #tpu.memory_space<vmem>>
          %dma_wait3A_296 = arith.constant 0 : i32
          %dma_wait3A_297 = arith.constant 0 : i32
          %dma_wait3A_298 = tpu.memref_slice %arg10[%dma_wait3A_296, %dma_wait3A_297] : memref<10240x64xf32, #tpu.memory_space<vmem_shared>> -> memref<10240x64xf32, #tpu.memory_space<vmem_shared>>
          tpu.wait_indirect_dma semaphore(%run_scoped3A_278 : memref<!tpu.dma_semaphore, #tpu.memory_space<semaphore_mem>>) src(%dma_wait3A_292 : memref<128x64xf32, #tpu.memory_space<vmem>>) dst(%dma_wait3A_298 : memref<10240x64xf32, #tpu.memory_space<vmem_shared>>)
          tpu.yield
        }) : () -> ()
        %add3A_195 = arith.constant 0 : i32
        %add3A_196 = arith.addi %add3A_180, %add3A_195 : i32
        %add3A_197 = arith.constant 4 : i32
        %add3A_198 = arith.addi %add3A_196, %add3A_197 : i32
        %lt3A = arith.constant 64 : i32
        %lt3A_199 = arith.cmpi slt, %add3A_198, %lt3A : i32
        %convert_element_type3A_200 = arith.extui %lt3A_199 : i1 to i32
        %cond3A_201 = arith.constant 0 : i32
        %cond3A_202 = arith.cmpi ne, %convert_element_type3A_200, %cond3A_201 : i32
        scf.if %cond3A_202 {
          %add3A_278 = arith.constant 0 : i32
          %add3A_279 = arith.addi %add3A_180, %add3A_278 : i32
          %add3A_280 = arith.constant 4 : i32
          %add3A_281 = arith.addi %add3A_279, %add3A_280 : i32
          %dma_start3A_282 = arith.constant 0 : i32
          %dma_start3A_283 = arith.constant 0 : i32
          %dma_start3A_284 = arith.constant 0 : i32
          %dma_start3A_285 = tpu.memref_slice %arg9[%dma_start3A_282, %dma_start3A_283, %dma_start3A_284] : memref<4x128x64xf32, #tpu.memory_space<vmem>> -> memref<1x128x64xf32, #tpu.memory_space<vmem>>
          %dma_start3A_286 = tpu.memref_squeeze %dma_start3A_285 : memref<1x128x64xf32, #tpu.memory_space<vmem>> -> memref<128x64xf32, #tpu.memory_space<vmem>>
          %dma_start3A_287 = arith.constant 0 : i32
          %dma_start3A_288 = tpu.memref_slice %arg7[%add3A_281, %dma_start3A_287] : memref<64x128xi32, #tpu.memory_space<vmem>> -> memref<1x128xi32, #tpu.memory_space<vmem>>
          %dma_start3A_289 = tpu.memref_squeeze %dma_start3A_288 : memref<1x128xi32, #tpu.memory_space<vmem>> -> memref<128xi32, #tpu.memory_space<vmem>>
          %dma_start3A_290 = arith.constant 0 : i32
          %dma_start3A_291 = arith.constant 0 : i32
          %dma_start3A_292 = tpu.memref_slice %arg2[%dma_start3A_290, %dma_start3A_291] : memref<10240x64xf32, #tpu.memory_space<hbm>> -> memref<10240x64xf32, #tpu.memory_space<hbm>>
          tpu.enqueue_indirect_dma source(%dma_start3A_292 : memref<10240x64xf32, #tpu.memory_space<hbm>>) target(%dma_start3A_286 : memref<128x64xf32, #tpu.memory_space<vmem>>) offsets(%dma_start3A_289 : memref<128xi32, #tpu.memory_space<vmem>>) semaphore(%arg11 : memref<!tpu.dma_semaphore, #tpu.memory_space<semaphore_mem>>)
        } else {
        }
        %add3A_203 = arith.constant 1 : i32
        %add3A_204 = arith.addi %add3A_180, %add3A_203 : i32
        %dma_wait3A_205 = arith.constant 1 : i32
        %dma_wait3A_206 = arith.constant 0 : i32
        %dma_wait3A_207 = arith.constant 0 : i32
        %dma_wait3A_208 = tpu.memref_slice %arg9[%dma_wait3A_205, %dma_wait3A_206, %dma_wait3A_207] : memref<4x128x64xf32, #tpu.memory_space<vmem>> -> memref<1x128x64xf32, #tpu.memory_space<vmem>>
        %dma_wait3A_209 = tpu.memref_squeeze %dma_wait3A_208 : memref<1x128x64xf32, #tpu.memory_space<vmem>> -> memref<128x64xf32, #tpu.memory_space<vmem>>
        %dma_wait3A_210 = arith.constant 0 : i32
        %dma_wait3A_211 = tpu.memref_slice %arg7[%add3A_204, %dma_wait3A_210] : memref<64x128xi32, #tpu.memory_space<vmem>> -> memref<1x128xi32, #tpu.memory_space<vmem>>
        %dma_wait3A_212 = tpu.memref_squeeze %dma_wait3A_211 : memref<1x128xi32, #tpu.memory_space<vmem>> -> memref<128xi32, #tpu.memory_space<vmem>>
        %dma_wait3A_213 = arith.constant 0 : i32
        %dma_wait3A_214 = arith.constant 0 : i32
        %dma_wait3A_215 = tpu.memref_slice %arg2[%dma_wait3A_213, %dma_wait3A_214] : memref<10240x64xf32, #tpu.memory_space<hbm>> -> memref<10240x64xf32, #tpu.memory_space<hbm>>
        tpu.wait_indirect_dma semaphore(%arg12 : memref<!tpu.dma_semaphore, #tpu.memory_space<semaphore_mem>>) src(%dma_wait3A_215 : memref<10240x64xf32, #tpu.memory_space<hbm>>) dst(%dma_wait3A_209 : memref<128x64xf32, #tpu.memory_space<vmem>>)
        %add3A_216 = arith.constant 1 : i32
        %add3A_217 = arith.addi %add3A_180, %add3A_216 : i32
        %run_scoped3A_218 = arith.constant 1 : i32
        "tpu.region"() ({
          %run_scoped3A_278 = tpu.sem_alloc : memref<!tpu.dma_semaphore, #tpu.memory_space<semaphore_mem>>
          %dma_start3A_279 = arith.constant 0 : i32
          %dma_start3A_280 = arith.constant 0 : i32
          %dma_start3A_281 = tpu.memref_slice %arg9[%run_scoped3A_218, %dma_start3A_279, %dma_start3A_280] : memref<4x128x64xf32, #tpu.memory_space<vmem>> -> memref<1x128x64xf32, #tpu.memory_space<vmem>>
          %dma_start3A_282 = tpu.memref_squeeze %dma_start3A_281 : memref<1x128x64xf32, #tpu.memory_space<vmem>> -> memref<128x64xf32, #tpu.memory_space<vmem>>
          %dma_start3A_283 = arith.constant 0 : i32
          %dma_start3A_284 = tpu.memref_slice %arg8[%add3A_217, %dma_start3A_283] : memref<64x128xi32, #tpu.memory_space<vmem>> -> memref<1x128xi32, #tpu.memory_space<vmem>>
          %dma_start3A_285 = tpu.memref_squeeze %dma_start3A_284 : memref<1x128xi32, #tpu.memory_space<vmem>> -> memref<128xi32, #tpu.memory_space<vmem>>
          %dma_start3A_286 = arith.constant 0 : i32
          %dma_start3A_287 = arith.constant 0 : i32
          %dma_start3A_288 = tpu.memref_slice %arg10[%dma_start3A_286, %dma_start3A_287] : memref<10240x64xf32, #tpu.memory_space<vmem_shared>> -> memref<10240x64xf32, #tpu.memory_space<vmem_shared>>
          tpu.enqueue_indirect_dma source(%dma_start3A_282 : memref<128x64xf32, #tpu.memory_space<vmem>>) target(%dma_start3A_288 : memref<10240x64xf32, #tpu.memory_space<vmem_shared>>) offsets(%dma_start3A_285 : memref<128xi32, #tpu.memory_space<vmem>>) semaphore(%run_scoped3A_278 : memref<!tpu.dma_semaphore, #tpu.memory_space<semaphore_mem>>) {add = true}
          %dma_wait3A_289 = arith.constant 0 : i32
          %dma_wait3A_290 = arith.constant 0 : i32
          %dma_wait3A_291 = tpu.memref_slice %arg9[%run_scoped3A_218, %dma_wait3A_289, %dma_wait3A_290] : memref<4x128x64xf32, #tpu.memory_space<vmem>> -> memref<1x128x64xf32, #tpu.memory_space<vmem>>
          %dma_wait3A_292 = tpu.memref_squeeze %dma_wait3A_291 : memref<1x128x64xf32, #tpu.memory_space<vmem>> -> memref<128x64xf32, #tpu.memory_space<vmem>>
          %dma_wait3A_293 = arith.constant 0 : i32
          %dma_wait3A_294 = tpu.memref_slice %arg8[%add3A_217, %dma_wait3A_293] : memref<64x128xi32, #tpu.memory_space<vmem>> -> memref<1x128xi32, #tpu.memory_space<vmem>>
          %dma_wait3A_295 = tpu.memref_squeeze %dma_wait3A_294 : memref<1x128xi32, #tpu.memory_space<vmem>> -> memref<128xi32, #tpu.memory_space<vmem>>
          %dma_wait3A_296 = arith.constant 0 : i32
          %dma_wait3A_297 = arith.constant 0 : i32
          %dma_wait3A_298 = tpu.memref_slice %arg10[%dma_wait3A_296, %dma_wait3A_297] : memref<10240x64xf32, #tpu.memory_space<vmem_shared>> -> memref<10240x64xf32, #tpu.memory_space<vmem_shared>>
          tpu.wait_indirect_dma semaphore(%run_scoped3A_278 : memref<!tpu.dma_semaphore, #tpu.memory_space<semaphore_mem>>) src(%dma_wait3A_292 : memref<128x64xf32, #tpu.memory_space<vmem>>) dst(%dma_wait3A_298 : memref<10240x64xf32, #tpu.memory_space<vmem_shared>>)
          tpu.yield
        }) : () -> ()
        %add3A_219 = arith.constant 1 : i32
        %add3A_220 = arith.addi %add3A_180, %add3A_219 : i32
        %add3A_221 = arith.constant 4 : i32
        %add3A_222 = arith.addi %add3A_220, %add3A_221 : i32
        %lt3A_223 = arith.constant 64 : i32
        %lt3A_224 = arith.cmpi slt, %add3A_222, %lt3A_223 : i32
        %convert_element_type3A_225 = arith.extui %lt3A_224 : i1 to i32
        %cond3A_226 = arith.constant 0 : i32
        %cond3A_227 = arith.cmpi ne, %convert_element_type3A_225, %cond3A_226 : i32
        scf.if %cond3A_227 {
          %add3A_278 = arith.constant 1 : i32
          %add3A_279 = arith.addi %add3A_180, %add3A_278 : i32
          %add3A_280 = arith.constant 4 : i32
          %add3A_281 = arith.addi %add3A_279, %add3A_280 : i32
          %dma_start3A_282 = arith.constant 1 : i32
          %dma_start3A_283 = arith.constant 0 : i32
          %dma_start3A_284 = arith.constant 0 : i32
          %dma_start3A_285 = tpu.memref_slice %arg9[%dma_start3A_282, %dma_start3A_283, %dma_start3A_284] : memref<4x128x64xf32, #tpu.memory_space<vmem>> -> memref<1x128x64xf32, #tpu.memory_space<vmem>>
          %dma_start3A_286 = tpu.memref_squeeze %dma_start3A_285 : memref<1x128x64xf32, #tpu.memory_space<vmem>> -> memref<128x64xf32, #tpu.memory_space<vmem>>
          %dma_start3A_287 = arith.constant 0 : i32
          %dma_start3A_288 = tpu.memref_slice %arg7[%add3A_281, %dma_start3A_287] : memref<64x128xi32, #tpu.memory_space<vmem>> -> memref<1x128xi32, #tpu.memory_space<vmem>>
          %dma_start3A_289 = tpu.memref_squeeze %dma_start3A_288 : memref<1x128xi32, #tpu.memory_space<vmem>> -> memref<128xi32, #tpu.memory_space<vmem>>
          %dma_start3A_290 = arith.constant 0 : i32
          %dma_start3A_291 = arith.constant 0 : i32
          %dma_start3A_292 = tpu.memref_slice %arg2[%dma_start3A_290, %dma_start3A_291] : memref<10240x64xf32, #tpu.memory_space<hbm>> -> memref<10240x64xf32, #tpu.memory_space<hbm>>
          tpu.enqueue_indirect_dma source(%dma_start3A_292 : memref<10240x64xf32, #tpu.memory_space<hbm>>) target(%dma_start3A_286 : memref<128x64xf32, #tpu.memory_space<vmem>>) offsets(%dma_start3A_289 : memref<128xi32, #tpu.memory_space<vmem>>) semaphore(%arg12 : memref<!tpu.dma_semaphore, #tpu.memory_space<semaphore_mem>>)
        } else {
        }
        %add3A_228 = arith.constant 2 : i32
        %add3A_229 = arith.addi %add3A_180, %add3A_228 : i32
        %dma_wait3A_230 = arith.constant 2 : i32
        %dma_wait3A_231 = arith.constant 0 : i32
        %dma_wait3A_232 = arith.constant 0 : i32
        %dma_wait3A_233 = tpu.memref_slice %arg9[%dma_wait3A_230, %dma_wait3A_231, %dma_wait3A_232] : memref<4x128x64xf32, #tpu.memory_space<vmem>> -> memref<1x128x64xf32, #tpu.memory_space<vmem>>
        %dma_wait3A_234 = tpu.memref_squeeze %dma_wait3A_233 : memref<1x128x64xf32, #tpu.memory_space<vmem>> -> memref<128x64xf32, #tpu.memory_space<vmem>>
        %dma_wait3A_235 = arith.constant 0 : i32
        %dma_wait3A_236 = tpu.memref_slice %arg7[%add3A_229, %dma_wait3A_235] : memref<64x128xi32, #tpu.memory_space<vmem>> -> memref<1x128xi32, #tpu.memory_space<vmem>>
        %dma_wait3A_237 = tpu.memref_squeeze %dma_wait3A_236 : memref<1x128xi32, #tpu.memory_space<vmem>> -> memref<128xi32, #tpu.memory_space<vmem>>
        %dma_wait3A_238 = arith.constant 0 : i32
        %dma_wait3A_239 = arith.constant 0 : i32
        %dma_wait3A_240 = tpu.memref_slice %arg2[%dma_wait3A_238, %dma_wait3A_239] : memref<10240x64xf32, #tpu.memory_space<hbm>> -> memref<10240x64xf32, #tpu.memory_space<hbm>>
        tpu.wait_indirect_dma semaphore(%arg13 : memref<!tpu.dma_semaphore, #tpu.memory_space<semaphore_mem>>) src(%dma_wait3A_240 : memref<10240x64xf32, #tpu.memory_space<hbm>>) dst(%dma_wait3A_234 : memref<128x64xf32, #tpu.memory_space<vmem>>)
        %add3A_241 = arith.constant 2 : i32
        %add3A_242 = arith.addi %add3A_180, %add3A_241 : i32
        %run_scoped3A_243 = arith.constant 2 : i32
        "tpu.region"() ({
          %run_scoped3A_278 = tpu.sem_alloc : memref<!tpu.dma_semaphore, #tpu.memory_space<semaphore_mem>>
          %dma_start3A_279 = arith.constant 0 : i32
          %dma_start3A_280 = arith.constant 0 : i32
          %dma_start3A_281 = tpu.memref_slice %arg9[%run_scoped3A_243, %dma_start3A_279, %dma_start3A_280] : memref<4x128x64xf32, #tpu.memory_space<vmem>> -> memref<1x128x64xf32, #tpu.memory_space<vmem>>
          %dma_start3A_282 = tpu.memref_squeeze %dma_start3A_281 : memref<1x128x64xf32, #tpu.memory_space<vmem>> -> memref<128x64xf32, #tpu.memory_space<vmem>>
          %dma_start3A_283 = arith.constant 0 : i32
          %dma_start3A_284 = tpu.memref_slice %arg8[%add3A_242, %dma_start3A_283] : memref<64x128xi32, #tpu.memory_space<vmem>> -> memref<1x128xi32, #tpu.memory_space<vmem>>
          %dma_start3A_285 = tpu.memref_squeeze %dma_start3A_284 : memref<1x128xi32, #tpu.memory_space<vmem>> -> memref<128xi32, #tpu.memory_space<vmem>>
          %dma_start3A_286 = arith.constant 0 : i32
          %dma_start3A_287 = arith.constant 0 : i32
          %dma_start3A_288 = tpu.memref_slice %arg10[%dma_start3A_286, %dma_start3A_287] : memref<10240x64xf32, #tpu.memory_space<vmem_shared>> -> memref<10240x64xf32, #tpu.memory_space<vmem_shared>>
          tpu.enqueue_indirect_dma source(%dma_start3A_282 : memref<128x64xf32, #tpu.memory_space<vmem>>) target(%dma_start3A_288 : memref<10240x64xf32, #tpu.memory_space<vmem_shared>>) offsets(%dma_start3A_285 : memref<128xi32, #tpu.memory_space<vmem>>) semaphore(%run_scoped3A_278 : memref<!tpu.dma_semaphore, #tpu.memory_space<semaphore_mem>>) {add = true}
          %dma_wait3A_289 = arith.constant 0 : i32
          %dma_wait3A_290 = arith.constant 0 : i32
          %dma_wait3A_291 = tpu.memref_slice %arg9[%run_scoped3A_243, %dma_wait3A_289, %dma_wait3A_290] : memref<4x128x64xf32, #tpu.memory_space<vmem>> -> memref<1x128x64xf32, #tpu.memory_space<vmem>>
          %dma_wait3A_292 = tpu.memref_squeeze %dma_wait3A_291 : memref<1x128x64xf32, #tpu.memory_space<vmem>> -> memref<128x64xf32, #tpu.memory_space<vmem>>
          %dma_wait3A_293 = arith.constant 0 : i32
          %dma_wait3A_294 = tpu.memref_slice %arg8[%add3A_242, %dma_wait3A_293] : memref<64x128xi32, #tpu.memory_space<vmem>> -> memref<1x128xi32, #tpu.memory_space<vmem>>
          %dma_wait3A_295 = tpu.memref_squeeze %dma_wait3A_294 : memref<1x128xi32, #tpu.memory_space<vmem>> -> memref<128xi32, #tpu.memory_space<vmem>>
          %dma_wait3A_296 = arith.constant 0 : i32
          %dma_wait3A_297 = arith.constant 0 : i32
          %dma_wait3A_298 = tpu.memref_slice %arg10[%dma_wait3A_296, %dma_wait3A_297] : memref<10240x64xf32, #tpu.memory_space<vmem_shared>> -> memref<10240x64xf32, #tpu.memory_space<vmem_shared>>
          tpu.wait_indirect_dma semaphore(%run_scoped3A_278 : memref<!tpu.dma_semaphore, #tpu.memory_space<semaphore_mem>>) src(%dma_wait3A_292 : memref<128x64xf32, #tpu.memory_space<vmem>>) dst(%dma_wait3A_298 : memref<10240x64xf32, #tpu.memory_space<vmem_shared>>)
          tpu.yield
        }) : () -> ()
        %add3A_244 = arith.constant 2 : i32
        %add3A_245 = arith.addi %add3A_180, %add3A_244 : i32
        %add3A_246 = arith.constant 4 : i32
        %add3A_247 = arith.addi %add3A_245, %add3A_246 : i32
        %lt3A_248 = arith.constant 64 : i32
        %lt3A_249 = arith.cmpi slt, %add3A_247, %lt3A_248 : i32
        %convert_element_type3A_250 = arith.extui %lt3A_249 : i1 to i32
        %cond3A_251 = arith.constant 0 : i32
        %cond3A_252 = arith.cmpi ne, %convert_element_type3A_250, %cond3A_251 : i32
        scf.if %cond3A_252 {
          %add3A_278 = arith.constant 2 : i32
          %add3A_279 = arith.addi %add3A_180, %add3A_278 : i32
          %add3A_280 = arith.constant 4 : i32
          %add3A_281 = arith.addi %add3A_279, %add3A_280 : i32
          %dma_start3A_282 = arith.constant 2 : i32
          %dma_start3A_283 = arith.constant 0 : i32
          %dma_start3A_284 = arith.constant 0 : i32
          %dma_start3A_285 = tpu.memref_slice %arg9[%dma_start3A_282, %dma_start3A_283, %dma_start3A_284] : memref<4x128x64xf32, #tpu.memory_space<vmem>> -> memref<1x128x64xf32, #tpu.memory_space<vmem>>
          %dma_start3A_286 = tpu.memref_squeeze %dma_start3A_285 : memref<1x128x64xf32, #tpu.memory_space<vmem>> -> memref<128x64xf32, #tpu.memory_space<vmem>>
          %dma_start3A_287 = arith.constant 0 : i32
          %dma_start3A_288 = tpu.memref_slice %arg7[%add3A_281, %dma_start3A_287] : memref<64x128xi32, #tpu.memory_space<vmem>> -> memref<1x128xi32, #tpu.memory_space<vmem>>
          %dma_start3A_289 = tpu.memref_squeeze %dma_start3A_288 : memref<1x128xi32, #tpu.memory_space<vmem>> -> memref<128xi32, #tpu.memory_space<vmem>>
          %dma_start3A_290 = arith.constant 0 : i32
          %dma_start3A_291 = arith.constant 0 : i32
          %dma_start3A_292 = tpu.memref_slice %arg2[%dma_start3A_290, %dma_start3A_291] : memref<10240x64xf32, #tpu.memory_space<hbm>> -> memref<10240x64xf32, #tpu.memory_space<hbm>>
          tpu.enqueue_indirect_dma source(%dma_start3A_292 : memref<10240x64xf32, #tpu.memory_space<hbm>>) target(%dma_start3A_286 : memref<128x64xf32, #tpu.memory_space<vmem>>) offsets(%dma_start3A_289 : memref<128xi32, #tpu.memory_space<vmem>>) semaphore(%arg13 : memref<!tpu.dma_semaphore, #tpu.memory_space<semaphore_mem>>)
        } else {
        }
        %add3A_253 = arith.constant 3 : i32
        %add3A_254 = arith.addi %add3A_180, %add3A_253 : i32
        %dma_wait3A_255 = arith.constant 3 : i32
        %dma_wait3A_256 = arith.constant 0 : i32
        %dma_wait3A_257 = arith.constant 0 : i32
        %dma_wait3A_258 = tpu.memref_slice %arg9[%dma_wait3A_255, %dma_wait3A_256, %dma_wait3A_257] : memref<4x128x64xf32, #tpu.memory_space<vmem>> -> memref<1x128x64xf32, #tpu.memory_space<vmem>>
        %dma_wait3A_259 = tpu.memref_squeeze %dma_wait3A_258 : memref<1x128x64xf32, #tpu.memory_space<vmem>> -> memref<128x64xf32, #tpu.memory_space<vmem>>
        %dma_wait3A_260 = arith.constant 0 : i32
        %dma_wait3A_261 = tpu.memref_slice %arg7[%add3A_254, %dma_wait3A_260] : memref<64x128xi32, #tpu.memory_space<vmem>> -> memref<1x128xi32, #tpu.memory_space<vmem>>
        %dma_wait3A_262 = tpu.memref_squeeze %dma_wait3A_261 : memref<1x128xi32, #tpu.memory_space<vmem>> -> memref<128xi32, #tpu.memory_space<vmem>>
        %dma_wait3A_263 = arith.constant 0 : i32
        %dma_wait3A_264 = arith.constant 0 : i32
        %dma_wait3A_265 = tpu.memref_slice %arg2[%dma_wait3A_263, %dma_wait3A_264] : memref<10240x64xf32, #tpu.memory_space<hbm>> -> memref<10240x64xf32, #tpu.memory_space<hbm>>
        tpu.wait_indirect_dma semaphore(%arg14 : memref<!tpu.dma_semaphore, #tpu.memory_space<semaphore_mem>>) src(%dma_wait3A_265 : memref<10240x64xf32, #tpu.memory_space<hbm>>) dst(%dma_wait3A_259 : memref<128x64xf32, #tpu.memory_space<vmem>>)
        %add3A_266 = arith.constant 3 : i32
        %add3A_267 = arith.addi %add3A_180, %add3A_266 : i32
        %run_scoped3A_268 = arith.constant 3 : i32
        "tpu.region"() ({
          %run_scoped3A_278 = tpu.sem_alloc : memref<!tpu.dma_semaphore, #tpu.memory_space<semaphore_mem>>
          %dma_start3A_279 = arith.constant 0 : i32
          %dma_start3A_280 = arith.constant 0 : i32
          %dma_start3A_281 = tpu.memref_slice %arg9[%run_scoped3A_268, %dma_start3A_279, %dma_start3A_280] : memref<4x128x64xf32, #tpu.memory_space<vmem>> -> memref<1x128x64xf32, #tpu.memory_space<vmem>>
          %dma_start3A_282 = tpu.memref_squeeze %dma_start3A_281 : memref<1x128x64xf32, #tpu.memory_space<vmem>> -> memref<128x64xf32, #tpu.memory_space<vmem>>
          %dma_start3A_283 = arith.constant 0 : i32
          %dma_start3A_284 = tpu.memref_slice %arg8[%add3A_267, %dma_start3A_283] : memref<64x128xi32, #tpu.memory_space<vmem>> -> memref<1x128xi32, #tpu.memory_space<vmem>>
          %dma_start3A_285 = tpu.memref_squeeze %dma_start3A_284 : memref<1x128xi32, #tpu.memory_space<vmem>> -> memref<128xi32, #tpu.memory_space<vmem>>
          %dma_start3A_286 = arith.constant 0 : i32
          %dma_start3A_287 = arith.constant 0 : i32
          %dma_start3A_288 = tpu.memref_slice %arg10[%dma_start3A_286, %dma_start3A_287] : memref<10240x64xf32, #tpu.memory_space<vmem_shared>> -> memref<10240x64xf32, #tpu.memory_space<vmem_shared>>
          tpu.enqueue_indirect_dma source(%dma_start3A_282 : memref<128x64xf32, #tpu.memory_space<vmem>>) target(%dma_start3A_288 : memref<10240x64xf32, #tpu.memory_space<vmem_shared>>) offsets(%dma_start3A_285 : memref<128xi32, #tpu.memory_space<vmem>>) semaphore(%run_scoped3A_278 : memref<!tpu.dma_semaphore, #tpu.memory_space<semaphore_mem>>) {add = true}
          %dma_wait3A_289 = arith.constant 0 : i32
          %dma_wait3A_290 = arith.constant 0 : i32
          %dma_wait3A_291 = tpu.memref_slice %arg9[%run_scoped3A_268, %dma_wait3A_289, %dma_wait3A_290] : memref<4x128x64xf32, #tpu.memory_space<vmem>> -> memref<1x128x64xf32, #tpu.memory_space<vmem>>
          %dma_wait3A_292 = tpu.memref_squeeze %dma_wait3A_291 : memref<1x128x64xf32, #tpu.memory_space<vmem>> -> memref<128x64xf32, #tpu.memory_space<vmem>>
          %dma_wait3A_293 = arith.constant 0 : i32
          %dma_wait3A_294 = tpu.memref_slice %arg8[%add3A_267, %dma_wait3A_293] : memref<64x128xi32, #tpu.memory_space<vmem>> -> memref<1x128xi32, #tpu.memory_space<vmem>>
          %dma_wait3A_295 = tpu.memref_squeeze %dma_wait3A_294 : memref<1x128xi32, #tpu.memory_space<vmem>> -> memref<128xi32, #tpu.memory_space<vmem>>
          %dma_wait3A_296 = arith.constant 0 : i32
          %dma_wait3A_297 = arith.constant 0 : i32
          %dma_wait3A_298 = tpu.memref_slice %arg10[%dma_wait3A_296, %dma_wait3A_297] : memref<10240x64xf32, #tpu.memory_space<vmem_shared>> -> memref<10240x64xf32, #tpu.memory_space<vmem_shared>>
          tpu.wait_indirect_dma semaphore(%run_scoped3A_278 : memref<!tpu.dma_semaphore, #tpu.memory_space<semaphore_mem>>) src(%dma_wait3A_292 : memref<128x64xf32, #tpu.memory_space<vmem>>) dst(%dma_wait3A_298 : memref<10240x64xf32, #tpu.memory_space<vmem_shared>>)
          tpu.yield
        }) : () -> ()
        %add3A_269 = arith.constant 3 : i32
        %add3A_270 = arith.addi %add3A_180, %add3A_269 : i32
        %add3A_271 = arith.constant 4 : i32
        %add3A_272 = arith.addi %add3A_270, %add3A_271 : i32
        %lt3A_273 = arith.constant 64 : i32
        %lt3A_274 = arith.cmpi slt, %add3A_272, %lt3A_273 : i32
        %convert_element_type3A_275 = arith.extui %lt3A_274 : i1 to i32
        %cond3A_276 = arith.constant 0 : i32
        %cond3A_277 = arith.cmpi ne, %convert_element_type3A_275, %cond3A_276 : i32
        scf.if %cond3A_277 {
          %add3A_278 = arith.constant 3 : i32
          %add3A_279 = arith.addi %add3A_180, %add3A_278 : i32
          %add3A_280 = arith.constant 4 : i32
          %add3A_281 = arith.addi %add3A_279, %add3A_280 : i32
          %dma_start3A_282 = arith.constant 3 : i32
          %dma_start3A_283 = arith.constant 0 : i32
          %dma_start3A_284 = arith.constant 0 : i32
          %dma_start3A_285 = tpu.memref_slice %arg9[%dma_start3A_282, %dma_start3A_283, %dma_start3A_284] : memref<4x128x64xf32, #tpu.memory_space<vmem>> -> memref<1x128x64xf32, #tpu.memory_space<vmem>>
          %dma_start3A_286 = tpu.memref_squeeze %dma_start3A_285 : memref<1x128x64xf32, #tpu.memory_space<vmem>> -> memref<128x64xf32, #tpu.memory_space<vmem>>
          %dma_start3A_287 = arith.constant 0 : i32
          %dma_start3A_288 = tpu.memref_slice %arg7[%add3A_281, %dma_start3A_287] : memref<64x128xi32, #tpu.memory_space<vmem>> -> memref<1x128xi32, #tpu.memory_space<vmem>>
          %dma_start3A_289 = tpu.memref_squeeze %dma_start3A_288 : memref<1x128xi32, #tpu.memory_space<vmem>> -> memref<128xi32, #tpu.memory_space<vmem>>
          %dma_start3A_290 = arith.constant 0 : i32
          %dma_start3A_291 = arith.constant 0 : i32
          %dma_start3A_292 = tpu.memref_slice %arg2[%dma_start3A_290, %dma_start3A_291] : memref<10240x64xf32, #tpu.memory_space<hbm>> -> memref<10240x64xf32, #tpu.memory_space<hbm>>
          tpu.enqueue_indirect_dma source(%dma_start3A_292 : memref<10240x64xf32, #tpu.memory_space<hbm>>) target(%dma_start3A_286 : memref<128x64xf32, #tpu.memory_space<vmem>>) offsets(%dma_start3A_289 : memref<128xi32, #tpu.memory_space<vmem>>) semaphore(%arg14 : memref<!tpu.dma_semaphore, #tpu.memory_space<semaphore_mem>>)
        } else {
        }
      }
      %scan3A_120 = arith.constant 16 : i32
      %add3A_121 = arith.constant 128 : i32
      %add3A_122 = arith.addi %mul3A_13, %add3A_121 : i32
      "tpu.region"() ({
        %run_scoped3A = tpu.sem_alloc : memref<!tpu.dma_semaphore, #tpu.memory_space<semaphore_mem>>
        %dma_start3A_176 = arith.constant 0 : i32
        %dma_start3A_177 = arith.constant 0 : i32
        %dma_start3A_178 = tpu.memref_slice %arg7[%dma_start3A_176, %dma_start3A_177] : memref<64x128xi32, #tpu.memory_space<vmem>> -> memref<24x128xi32, #tpu.memory_space<vmem>>
        %dma_start3A_179 = arith.constant 0 : i32
        %dma_start3A_180 = tpu.memref_slice %arg3[%add3A_122, %dma_start3A_179] : memref<2528x128xi32, #tpu.memory_space<hbm>> -> memref<24x128xi32, #tpu.memory_space<hbm>>
        %dma_start3A_181 = arith.constant 0 : i32
        %dma_start3A_182 = arith.constant 0 : i32
        %dma_start3A_183 = tpu.memref_slice %arg7[%dma_start3A_181, %dma_start3A_182] : memref<64x128xi32, #tpu.memory_space<vmem>> -> memref<24x128xi32, #tpu.memory_space<vmem>>
        %dma_start3A_184 = arith.constant 0 : i32
        %dma_start3A_185 = tpu.memref_slice %arg3[%add3A_122, %dma_start3A_184] : memref<2528x128xi32, #tpu.memory_space<hbm>> -> memref<24x128xi32, #tpu.memory_space<hbm>>
        tpu.enqueue_dma source(%dma_start3A_185 : memref<24x128xi32, #tpu.memory_space<hbm>>) target(%dma_start3A_183 : memref<24x128xi32, #tpu.memory_space<vmem>>) target_semaphore(%run_scoped3A : memref<!tpu.dma_semaphore, #tpu.memory_space<semaphore_mem>>)
        %dma_wait3A = arith.constant 0 : i32
        %dma_wait3A_186 = arith.constant 0 : i32
        %dma_wait3A_187 = tpu.memref_slice %arg7[%dma_wait3A, %dma_wait3A_186] : memref<64x128xi32, #tpu.memory_space<vmem>> -> memref<24x128xi32, #tpu.memory_space<vmem>>
        %dma_wait3A_188 = arith.constant 0 : i32
        %dma_wait3A_189 = tpu.memref_slice %arg3[%add3A_122, %dma_wait3A_188] : memref<2528x128xi32, #tpu.memory_space<hbm>> -> memref<24x128xi32, #tpu.memory_space<hbm>>
        %dma_wait3A_190 = arith.constant 0 : i32
        %dma_wait3A_191 = arith.constant 0 : i32
        %dma_wait3A_192 = tpu.memref_slice %arg7[%dma_wait3A_190, %dma_wait3A_191] : memref<64x128xi32, #tpu.memory_space<vmem>> -> memref<24x128xi32, #tpu.memory_space<vmem>>
        %dma_wait3A_193 = arith.constant 0 : i32
        %dma_wait3A_194 = tpu.memref_slice %arg3[%add3A_122, %dma_wait3A_193] : memref<2528x128xi32, #tpu.memory_space<hbm>> -> memref<24x128xi32, #tpu.memory_space<hbm>>
        tpu.wait_dma2 semaphore(%run_scoped3A : memref<!tpu.dma_semaphore, #tpu.memory_space<semaphore_mem>>) src(%dma_wait3A_194 : memref<24x128xi32, #tpu.memory_space<hbm>>) dst(%dma_wait3A_192 : memref<24x128xi32, #tpu.memory_space<vmem>>)
        tpu.yield
      }) : () -> ()
      "tpu.region"() ({
        %run_scoped3A = tpu.sem_alloc : memref<!tpu.dma_semaphore, #tpu.memory_space<semaphore_mem>>
        %dma_start3A_176 = arith.constant 0 : i32
        %dma_start3A_177 = arith.constant 0 : i32
        %dma_start3A_178 = tpu.memref_slice %arg8[%dma_start3A_176, %dma_start3A_177] : memref<64x128xi32, #tpu.memory_space<vmem>> -> memref<24x128xi32, #tpu.memory_space<vmem>>
        %dma_start3A_179 = arith.constant 0 : i32
        %dma_start3A_180 = tpu.memref_slice %arg4[%add3A_122, %dma_start3A_179] : memref<2528x128xi32, #tpu.memory_space<hbm>> -> memref<24x128xi32, #tpu.memory_space<hbm>>
        %dma_start3A_181 = arith.constant 0 : i32
        %dma_start3A_182 = arith.constant 0 : i32
        %dma_start3A_183 = tpu.memref_slice %arg8[%dma_start3A_181, %dma_start3A_182] : memref<64x128xi32, #tpu.memory_space<vmem>> -> memref<24x128xi32, #tpu.memory_space<vmem>>
        %dma_start3A_184 = arith.constant 0 : i32
        %dma_start3A_185 = tpu.memref_slice %arg4[%add3A_122, %dma_start3A_184] : memref<2528x128xi32, #tpu.memory_space<hbm>> -> memref<24x128xi32, #tpu.memory_space<hbm>>
        tpu.enqueue_dma source(%dma_start3A_185 : memref<24x128xi32, #tpu.memory_space<hbm>>) target(%dma_start3A_183 : memref<24x128xi32, #tpu.memory_space<vmem>>) target_semaphore(%run_scoped3A : memref<!tpu.dma_semaphore, #tpu.memory_space<semaphore_mem>>)
        %dma_wait3A = arith.constant 0 : i32
        %dma_wait3A_186 = arith.constant 0 : i32
        %dma_wait3A_187 = tpu.memref_slice %arg8[%dma_wait3A, %dma_wait3A_186] : memref<64x128xi32, #tpu.memory_space<vmem>> -> memref<24x128xi32, #tpu.memory_space<vmem>>
        %dma_wait3A_188 = arith.constant 0 : i32
        %dma_wait3A_189 = tpu.memref_slice %arg4[%add3A_122, %dma_wait3A_188] : memref<2528x128xi32, #tpu.memory_space<hbm>> -> memref<24x128xi32, #tpu.memory_space<hbm>>
        %dma_wait3A_190 = arith.constant 0 : i32
        %dma_wait3A_191 = arith.constant 0 : i32
        %dma_wait3A_192 = tpu.memref_slice %arg8[%dma_wait3A_190, %dma_wait3A_191] : memref<64x128xi32, #tpu.memory_space<vmem>> -> memref<24x128xi32, #tpu.memory_space<vmem>>
        %dma_wait3A_193 = arith.constant 0 : i32
        %dma_wait3A_194 = tpu.memref_slice %arg4[%add3A_122, %dma_wait3A_193] : memref<2528x128xi32, #tpu.memory_space<hbm>> -> memref<24x128xi32, #tpu.memory_space<hbm>>
        tpu.wait_dma2 semaphore(%run_scoped3A : memref<!tpu.dma_semaphore, #tpu.memory_space<semaphore_mem>>) src(%dma_wait3A_194 : memref<24x128xi32, #tpu.memory_space<hbm>>) dst(%dma_wait3A_192 : memref<24x128xi32, #tpu.memory_space<vmem>>)
        tpu.yield
      }) : () -> ()
      %dma_start3A_123 = arith.constant 0 : i32
      %dma_start3A_124 = arith.constant 0 : i32
      %dma_start3A_125 = arith.constant 0 : i32
      %dma_start3A_126 = arith.constant 0 : i32
      %dma_start3A_127 = tpu.memref_slice %arg9[%dma_start3A_124, %dma_start3A_125, %dma_start3A_126] : memref<4x128x64xf32, #tpu.memory_space<vmem>> -> memref<1x128x64xf32, #tpu.memory_space<vmem>>
      %dma_start3A_128 = tpu.memref_squeeze %dma_start3A_127 : memref<1x128x64xf32, #tpu.memory_space<vmem>> -> memref<128x64xf32, #tpu.memory_space<vmem>>
      %dma_start3A_129 = arith.constant 0 : i32
      %dma_start3A_130 = tpu.memref_slice %arg7[%dma_start3A_123, %dma_start3A_129] : memref<64x128xi32, #tpu.memory_space<vmem>> -> memref<1x128xi32, #tpu.memory_space<vmem>>
      %dma_start3A_131 = tpu.memref_squeeze %dma_start3A_130 : memref<1x128xi32, #tpu.memory_space<vmem>> -> memref<128xi32, #tpu.memory_space<vmem>>
      %dma_start3A_132 = arith.constant 0 : i32
      %dma_start3A_133 = arith.constant 0 : i32
      %dma_start3A_134 = tpu.memref_slice %arg2[%dma_start3A_132, %dma_start3A_133] : memref<10240x64xf32, #tpu.memory_space<hbm>> -> memref<10240x64xf32, #tpu.memory_space<hbm>>
      tpu.enqueue_indirect_dma source(%dma_start3A_134 : memref<10240x64xf32, #tpu.memory_space<hbm>>) target(%dma_start3A_128 : memref<128x64xf32, #tpu.memory_space<vmem>>) offsets(%dma_start3A_131 : memref<128xi32, #tpu.memory_space<vmem>>) semaphore(%arg11 : memref<!tpu.dma_semaphore, #tpu.memory_space<semaphore_mem>>)
      %dma_start3A_135 = arith.constant 1 : i32
      %dma_start3A_136 = arith.constant 1 : i32
      %dma_start3A_137 = arith.constant 0 : i32
      %dma_start3A_138 = arith.constant 0 : i32
      %dma_start3A_139 = tpu.memref_slice %arg9[%dma_start3A_136, %dma_start3A_137, %dma_start3A_138] : memref<4x128x64xf32, #tpu.memory_space<vmem>> -> memref<1x128x64xf32, #tpu.memory_space<vmem>>
      %dma_start3A_140 = tpu.memref_squeeze %dma_start3A_139 : memref<1x128x64xf32, #tpu.memory_space<vmem>> -> memref<128x64xf32, #tpu.memory_space<vmem>>
      %dma_start3A_141 = arith.constant 0 : i32
      %dma_start3A_142 = tpu.memref_slice %arg7[%dma_start3A_135, %dma_start3A_141] : memref<64x128xi32, #tpu.memory_space<vmem>> -> memref<1x128xi32, #tpu.memory_space<vmem>>
      %dma_start3A_143 = tpu.memref_squeeze %dma_start3A_142 : memref<1x128xi32, #tpu.memory_space<vmem>> -> memref<128xi32, #tpu.memory_space<vmem>>
      %dma_start3A_144 = arith.constant 0 : i32
      %dma_start3A_145 = arith.constant 0 : i32
      %dma_start3A_146 = tpu.memref_slice %arg2[%dma_start3A_144, %dma_start3A_145] : memref<10240x64xf32, #tpu.memory_space<hbm>> -> memref<10240x64xf32, #tpu.memory_space<hbm>>
      tpu.enqueue_indirect_dma source(%dma_start3A_146 : memref<10240x64xf32, #tpu.memory_space<hbm>>) target(%dma_start3A_140 : memref<128x64xf32, #tpu.memory_space<vmem>>) offsets(%dma_start3A_143 : memref<128xi32, #tpu.memory_space<vmem>>) semaphore(%arg12 : memref<!tpu.dma_semaphore, #tpu.memory_space<semaphore_mem>>)
      %dma_start3A_147 = arith.constant 2 : i32
      %dma_start3A_148 = arith.constant 2 : i32
      %dma_start3A_149 = arith.constant 0 : i32
      %dma_start3A_150 = arith.constant 0 : i32
      %dma_start3A_151 = tpu.memref_slice %arg9[%dma_start3A_148, %dma_start3A_149, %dma_start3A_150] : memref<4x128x64xf32, #tpu.memory_space<vmem>> -> memref<1x128x64xf32, #tpu.memory_space<vmem>>
      %dma_start3A_152 = tpu.memref_squeeze %dma_start3A_151 : memref<1x128x64xf32, #tpu.memory_space<vmem>> -> memref<128x64xf32, #tpu.memory_space<vmem>>
      %dma_start3A_153 = arith.constant 0 : i32
      %dma_start3A_154 = tpu.memref_slice %arg7[%dma_start3A_147, %dma_start3A_153] : memref<64x128xi32, #tpu.memory_space<vmem>> -> memref<1x128xi32, #tpu.memory_space<vmem>>
      %dma_start3A_155 = tpu.memref_squeeze %dma_start3A_154 : memref<1x128xi32, #tpu.memory_space<vmem>> -> memref<128xi32, #tpu.memory_space<vmem>>
      %dma_start3A_156 = arith.constant 0 : i32
      %dma_start3A_157 = arith.constant 0 : i32
      %dma_start3A_158 = tpu.memref_slice %arg2[%dma_start3A_156, %dma_start3A_157] : memref<10240x64xf32, #tpu.memory_space<hbm>> -> memref<10240x64xf32, #tpu.memory_space<hbm>>
      tpu.enqueue_indirect_dma source(%dma_start3A_158 : memref<10240x64xf32, #tpu.memory_space<hbm>>) target(%dma_start3A_152 : memref<128x64xf32, #tpu.memory_space<vmem>>) offsets(%dma_start3A_155 : memref<128xi32, #tpu.memory_space<vmem>>) semaphore(%arg13 : memref<!tpu.dma_semaphore, #tpu.memory_space<semaphore_mem>>)
      %dma_start3A_159 = arith.constant 3 : i32
      %dma_start3A_160 = arith.constant 3 : i32
      %dma_start3A_161 = arith.constant 0 : i32
      %dma_start3A_162 = arith.constant 0 : i32
      %dma_start3A_163 = tpu.memref_slice %arg9[%dma_start3A_160, %dma_start3A_161, %dma_start3A_162] : memref<4x128x64xf32, #tpu.memory_space<vmem>> -> memref<1x128x64xf32, #tpu.memory_space<vmem>>
      %dma_start3A_164 = tpu.memref_squeeze %dma_start3A_163 : memref<1x128x64xf32, #tpu.memory_space<vmem>> -> memref<128x64xf32, #tpu.memory_space<vmem>>
      %dma_start3A_165 = arith.constant 0 : i32
      %dma_start3A_166 = tpu.memref_slice %arg7[%dma_start3A_159, %dma_start3A_165] : memref<64x128xi32, #tpu.memory_space<vmem>> -> memref<1x128xi32, #tpu.memory_space<vmem>>
      %dma_start3A_167 = tpu.memref_squeeze %dma_start3A_166 : memref<1x128xi32, #tpu.memory_space<vmem>> -> memref<128xi32, #tpu.memory_space<vmem>>
      %dma_start3A_168 = arith.constant 0 : i32
      %dma_start3A_169 = arith.constant 0 : i32
      %dma_start3A_170 = tpu.memref_slice %arg2[%dma_start3A_168, %dma_start3A_169] : memref<10240x64xf32, #tpu.memory_space<hbm>> -> memref<10240x64xf32, #tpu.memory_space<hbm>>
      tpu.enqueue_indirect_dma source(%dma_start3A_170 : memref<10240x64xf32, #tpu.memory_space<hbm>>) target(%dma_start3A_164 : memref<128x64xf32, #tpu.memory_space<vmem>>) offsets(%dma_start3A_167 : memref<128xi32, #tpu.memory_space<vmem>>) semaphore(%arg14 : memref<!tpu.dma_semaphore, #tpu.memory_space<semaphore_mem>>)
      %scan3A_171 = arith.constant 0 : i32
      %scan3A_172 = arith.constant 6 : i32
      %scan3A_173 = arith.addi %scan3A_171, %scan3A_172 : i32
      %scan3A_174 = arith.constant 1 : i32
      scf.for %scan3A_176 = %scan3A_171 to %scan3A_173 step %scan3A_174  : i32 {
        %mul3A_177 = arith.constant 4 : i32
        %mul3A_178 = arith.muli %scan3A_176, %mul3A_177 : i32
        %add3A_179 = arith.constant 0 : i32
        %add3A_180 = arith.addi %add3A_179, %mul3A_178 : i32
        %add3A_181 = arith.constant 0 : i32
        %add3A_182 = arith.addi %add3A_180, %add3A_181 : i32
        %dma_wait3A = arith.constant 0 : i32
        %dma_wait3A_183 = arith.constant 0 : i32
        %dma_wait3A_184 = arith.constant 0 : i32
        %dma_wait3A_185 = tpu.memref_slice %arg9[%dma_wait3A, %dma_wait3A_183, %dma_wait3A_184] : memref<4x128x64xf32, #tpu.memory_space<vmem>> -> memref<1x128x64xf32, #tpu.memory_space<vmem>>
        %dma_wait3A_186 = tpu.memref_squeeze %dma_wait3A_185 : memref<1x128x64xf32, #tpu.memory_space<vmem>> -> memref<128x64xf32, #tpu.memory_space<vmem>>
        %dma_wait3A_187 = arith.constant 0 : i32
        %dma_wait3A_188 = tpu.memref_slice %arg7[%add3A_182, %dma_wait3A_187] : memref<64x128xi32, #tpu.memory_space<vmem>> -> memref<1x128xi32, #tpu.memory_space<vmem>>
        %dma_wait3A_189 = tpu.memref_squeeze %dma_wait3A_188 : memref<1x128xi32, #tpu.memory_space<vmem>> -> memref<128xi32, #tpu.memory_space<vmem>>
        %dma_wait3A_190 = arith.constant 0 : i32
        %dma_wait3A_191 = arith.constant 0 : i32
        %dma_wait3A_192 = tpu.memref_slice %arg2[%dma_wait3A_190, %dma_wait3A_191] : memref<10240x64xf32, #tpu.memory_space<hbm>> -> memref<10240x64xf32, #tpu.memory_space<hbm>>
        tpu.wait_indirect_dma semaphore(%arg11 : memref<!tpu.dma_semaphore, #tpu.memory_space<semaphore_mem>>) src(%dma_wait3A_192 : memref<10240x64xf32, #tpu.memory_space<hbm>>) dst(%dma_wait3A_186 : memref<128x64xf32, #tpu.memory_space<vmem>>)
        %add3A_193 = arith.constant 0 : i32
        %add3A_194 = arith.addi %add3A_180, %add3A_193 : i32
        %run_scoped3A = arith.constant 0 : i32
        "tpu.region"() ({
          %run_scoped3A_278 = tpu.sem_alloc : memref<!tpu.dma_semaphore, #tpu.memory_space<semaphore_mem>>
          %dma_start3A_279 = arith.constant 0 : i32
          %dma_start3A_280 = arith.constant 0 : i32
          %dma_start3A_281 = tpu.memref_slice %arg9[%run_scoped3A, %dma_start3A_279, %dma_start3A_280] : memref<4x128x64xf32, #tpu.memory_space<vmem>> -> memref<1x128x64xf32, #tpu.memory_space<vmem>>
          %dma_start3A_282 = tpu.memref_squeeze %dma_start3A_281 : memref<1x128x64xf32, #tpu.memory_space<vmem>> -> memref<128x64xf32, #tpu.memory_space<vmem>>
          %dma_start3A_283 = arith.constant 0 : i32
          %dma_start3A_284 = tpu.memref_slice %arg8[%add3A_194, %dma_start3A_283] : memref<64x128xi32, #tpu.memory_space<vmem>> -> memref<1x128xi32, #tpu.memory_space<vmem>>
          %dma_start3A_285 = tpu.memref_squeeze %dma_start3A_284 : memref<1x128xi32, #tpu.memory_space<vmem>> -> memref<128xi32, #tpu.memory_space<vmem>>
          %dma_start3A_286 = arith.constant 0 : i32
          %dma_start3A_287 = arith.constant 0 : i32
          %dma_start3A_288 = tpu.memref_slice %arg10[%dma_start3A_286, %dma_start3A_287] : memref<10240x64xf32, #tpu.memory_space<vmem_shared>> -> memref<10240x64xf32, #tpu.memory_space<vmem_shared>>
          tpu.enqueue_indirect_dma source(%dma_start3A_282 : memref<128x64xf32, #tpu.memory_space<vmem>>) target(%dma_start3A_288 : memref<10240x64xf32, #tpu.memory_space<vmem_shared>>) offsets(%dma_start3A_285 : memref<128xi32, #tpu.memory_space<vmem>>) semaphore(%run_scoped3A_278 : memref<!tpu.dma_semaphore, #tpu.memory_space<semaphore_mem>>) {add = true}
          %dma_wait3A_289 = arith.constant 0 : i32
          %dma_wait3A_290 = arith.constant 0 : i32
          %dma_wait3A_291 = tpu.memref_slice %arg9[%run_scoped3A, %dma_wait3A_289, %dma_wait3A_290] : memref<4x128x64xf32, #tpu.memory_space<vmem>> -> memref<1x128x64xf32, #tpu.memory_space<vmem>>
          %dma_wait3A_292 = tpu.memref_squeeze %dma_wait3A_291 : memref<1x128x64xf32, #tpu.memory_space<vmem>> -> memref<128x64xf32, #tpu.memory_space<vmem>>
          %dma_wait3A_293 = arith.constant 0 : i32
          %dma_wait3A_294 = tpu.memref_slice %arg8[%add3A_194, %dma_wait3A_293] : memref<64x128xi32, #tpu.memory_space<vmem>> -> memref<1x128xi32, #tpu.memory_space<vmem>>
          %dma_wait3A_295 = tpu.memref_squeeze %dma_wait3A_294 : memref<1x128xi32, #tpu.memory_space<vmem>> -> memref<128xi32, #tpu.memory_space<vmem>>
          %dma_wait3A_296 = arith.constant 0 : i32
          %dma_wait3A_297 = arith.constant 0 : i32
          %dma_wait3A_298 = tpu.memref_slice %arg10[%dma_wait3A_296, %dma_wait3A_297] : memref<10240x64xf32, #tpu.memory_space<vmem_shared>> -> memref<10240x64xf32, #tpu.memory_space<vmem_shared>>
          tpu.wait_indirect_dma semaphore(%run_scoped3A_278 : memref<!tpu.dma_semaphore, #tpu.memory_space<semaphore_mem>>) src(%dma_wait3A_292 : memref<128x64xf32, #tpu.memory_space<vmem>>) dst(%dma_wait3A_298 : memref<10240x64xf32, #tpu.memory_space<vmem_shared>>)
          tpu.yield
        }) : () -> ()
        %add3A_195 = arith.constant 0 : i32
        %add3A_196 = arith.addi %add3A_180, %add3A_195 : i32
        %add3A_197 = arith.constant 4 : i32
        %add3A_198 = arith.addi %add3A_196, %add3A_197 : i32
        %lt3A = arith.constant 24 : i32
        %lt3A_199 = arith.cmpi slt, %add3A_198, %lt3A : i32
        %convert_element_type3A_200 = arith.extui %lt3A_199 : i1 to i32
        %cond3A_201 = arith.constant 0 : i32
        %cond3A_202 = arith.cmpi ne, %convert_element_type3A_200, %cond3A_201 : i32
        scf.if %cond3A_202 {
          %add3A_278 = arith.constant 0 : i32
          %add3A_279 = arith.addi %add3A_180, %add3A_278 : i32
          %add3A_280 = arith.constant 4 : i32
          %add3A_281 = arith.addi %add3A_279, %add3A_280 : i32
          %dma_start3A_282 = arith.constant 0 : i32
          %dma_start3A_283 = arith.constant 0 : i32
          %dma_start3A_284 = arith.constant 0 : i32
          %dma_start3A_285 = tpu.memref_slice %arg9[%dma_start3A_282, %dma_start3A_283, %dma_start3A_284] : memref<4x128x64xf32, #tpu.memory_space<vmem>> -> memref<1x128x64xf32, #tpu.memory_space<vmem>>
          %dma_start3A_286 = tpu.memref_squeeze %dma_start3A_285 : memref<1x128x64xf32, #tpu.memory_space<vmem>> -> memref<128x64xf32, #tpu.memory_space<vmem>>
          %dma_start3A_287 = arith.constant 0 : i32
          %dma_start3A_288 = tpu.memref_slice %arg7[%add3A_281, %dma_start3A_287] : memref<64x128xi32, #tpu.memory_space<vmem>> -> memref<1x128xi32, #tpu.memory_space<vmem>>
          %dma_start3A_289 = tpu.memref_squeeze %dma_start3A_288 : memref<1x128xi32, #tpu.memory_space<vmem>> -> memref<128xi32, #tpu.memory_space<vmem>>
          %dma_start3A_290 = arith.constant 0 : i32
          %dma_start3A_291 = arith.constant 0 : i32
          %dma_start3A_292 = tpu.memref_slice %arg2[%dma_start3A_290, %dma_start3A_291] : memref<10240x64xf32, #tpu.memory_space<hbm>> -> memref<10240x64xf32, #tpu.memory_space<hbm>>
          tpu.enqueue_indirect_dma source(%dma_start3A_292 : memref<10240x64xf32, #tpu.memory_space<hbm>>) target(%dma_start3A_286 : memref<128x64xf32, #tpu.memory_space<vmem>>) offsets(%dma_start3A_289 : memref<128xi32, #tpu.memory_space<vmem>>) semaphore(%arg11 : memref<!tpu.dma_semaphore, #tpu.memory_space<semaphore_mem>>)
        } else {
        }
        %add3A_203 = arith.constant 1 : i32
        %add3A_204 = arith.addi %add3A_180, %add3A_203 : i32
        %dma_wait3A_205 = arith.constant 1 : i32
        %dma_wait3A_206 = arith.constant 0 : i32
        %dma_wait3A_207 = arith.constant 0 : i32
        %dma_wait3A_208 = tpu.memref_slice %arg9[%dma_wait3A_205, %dma_wait3A_206, %dma_wait3A_207] : memref<4x128x64xf32, #tpu.memory_space<vmem>> -> memref<1x128x64xf32, #tpu.memory_space<vmem>>
        %dma_wait3A_209 = tpu.memref_squeeze %dma_wait3A_208 : memref<1x128x64xf32, #tpu.memory_space<vmem>> -> memref<128x64xf32, #tpu.memory_space<vmem>>
        %dma_wait3A_210 = arith.constant 0 : i32
        %dma_wait3A_211 = tpu.memref_slice %arg7[%add3A_204, %dma_wait3A_210] : memref<64x128xi32, #tpu.memory_space<vmem>> -> memref<1x128xi32, #tpu.memory_space<vmem>>
        %dma_wait3A_212 = tpu.memref_squeeze %dma_wait3A_211 : memref<1x128xi32, #tpu.memory_space<vmem>> -> memref<128xi32, #tpu.memory_space<vmem>>
        %dma_wait3A_213 = arith.constant 0 : i32
        %dma_wait3A_214 = arith.constant 0 : i32
        %dma_wait3A_215 = tpu.memref_slice %arg2[%dma_wait3A_213, %dma_wait3A_214] : memref<10240x64xf32, #tpu.memory_space<hbm>> -> memref<10240x64xf32, #tpu.memory_space<hbm>>
        tpu.wait_indirect_dma semaphore(%arg12 : memref<!tpu.dma_semaphore, #tpu.memory_space<semaphore_mem>>) src(%dma_wait3A_215 : memref<10240x64xf32, #tpu.memory_space<hbm>>) dst(%dma_wait3A_209 : memref<128x64xf32, #tpu.memory_space<vmem>>)
        %add3A_216 = arith.constant 1 : i32
        %add3A_217 = arith.addi %add3A_180, %add3A_216 : i32
        %run_scoped3A_218 = arith.constant 1 : i32
        "tpu.region"() ({
          %run_scoped3A_278 = tpu.sem_alloc : memref<!tpu.dma_semaphore, #tpu.memory_space<semaphore_mem>>
          %dma_start3A_279 = arith.constant 0 : i32
          %dma_start3A_280 = arith.constant 0 : i32
          %dma_start3A_281 = tpu.memref_slice %arg9[%run_scoped3A_218, %dma_start3A_279, %dma_start3A_280] : memref<4x128x64xf32, #tpu.memory_space<vmem>> -> memref<1x128x64xf32, #tpu.memory_space<vmem>>
          %dma_start3A_282 = tpu.memref_squeeze %dma_start3A_281 : memref<1x128x64xf32, #tpu.memory_space<vmem>> -> memref<128x64xf32, #tpu.memory_space<vmem>>
          %dma_start3A_283 = arith.constant 0 : i32
          %dma_start3A_284 = tpu.memref_slice %arg8[%add3A_217, %dma_start3A_283] : memref<64x128xi32, #tpu.memory_space<vmem>> -> memref<1x128xi32, #tpu.memory_space<vmem>>
          %dma_start3A_285 = tpu.memref_squeeze %dma_start3A_284 : memref<1x128xi32, #tpu.memory_space<vmem>> -> memref<128xi32, #tpu.memory_space<vmem>>
          %dma_start3A_286 = arith.constant 0 : i32
          %dma_start3A_287 = arith.constant 0 : i32
          %dma_start3A_288 = tpu.memref_slice %arg10[%dma_start3A_286, %dma_start3A_287] : memref<10240x64xf32, #tpu.memory_space<vmem_shared>> -> memref<10240x64xf32, #tpu.memory_space<vmem_shared>>
          tpu.enqueue_indirect_dma source(%dma_start3A_282 : memref<128x64xf32, #tpu.memory_space<vmem>>) target(%dma_start3A_288 : memref<10240x64xf32, #tpu.memory_space<vmem_shared>>) offsets(%dma_start3A_285 : memref<128xi32, #tpu.memory_space<vmem>>) semaphore(%run_scoped3A_278 : memref<!tpu.dma_semaphore, #tpu.memory_space<semaphore_mem>>) {add = true}
          %dma_wait3A_289 = arith.constant 0 : i32
          %dma_wait3A_290 = arith.constant 0 : i32
          %dma_wait3A_291 = tpu.memref_slice %arg9[%run_scoped3A_218, %dma_wait3A_289, %dma_wait3A_290] : memref<4x128x64xf32, #tpu.memory_space<vmem>> -> memref<1x128x64xf32, #tpu.memory_space<vmem>>
          %dma_wait3A_292 = tpu.memref_squeeze %dma_wait3A_291 : memref<1x128x64xf32, #tpu.memory_space<vmem>> -> memref<128x64xf32, #tpu.memory_space<vmem>>
          %dma_wait3A_293 = arith.constant 0 : i32
          %dma_wait3A_294 = tpu.memref_slice %arg8[%add3A_217, %dma_wait3A_293] : memref<64x128xi32, #tpu.memory_space<vmem>> -> memref<1x128xi32, #tpu.memory_space<vmem>>
          %dma_wait3A_295 = tpu.memref_squeeze %dma_wait3A_294 : memref<1x128xi32, #tpu.memory_space<vmem>> -> memref<128xi32, #tpu.memory_space<vmem>>
          %dma_wait3A_296 = arith.constant 0 : i32
          %dma_wait3A_297 = arith.constant 0 : i32
          %dma_wait3A_298 = tpu.memref_slice %arg10[%dma_wait3A_296, %dma_wait3A_297] : memref<10240x64xf32, #tpu.memory_space<vmem_shared>> -> memref<10240x64xf32, #tpu.memory_space<vmem_shared>>
          tpu.wait_indirect_dma semaphore(%run_scoped3A_278 : memref<!tpu.dma_semaphore, #tpu.memory_space<semaphore_mem>>) src(%dma_wait3A_292 : memref<128x64xf32, #tpu.memory_space<vmem>>) dst(%dma_wait3A_298 : memref<10240x64xf32, #tpu.memory_space<vmem_shared>>)
          tpu.yield
        }) : () -> ()
        %add3A_219 = arith.constant 1 : i32
        %add3A_220 = arith.addi %add3A_180, %add3A_219 : i32
        %add3A_221 = arith.constant 4 : i32
        %add3A_222 = arith.addi %add3A_220, %add3A_221 : i32
        %lt3A_223 = arith.constant 24 : i32
        %lt3A_224 = arith.cmpi slt, %add3A_222, %lt3A_223 : i32
        %convert_element_type3A_225 = arith.extui %lt3A_224 : i1 to i32
        %cond3A_226 = arith.constant 0 : i32
        %cond3A_227 = arith.cmpi ne, %convert_element_type3A_225, %cond3A_226 : i32
        scf.if %cond3A_227 {
          %add3A_278 = arith.constant 1 : i32
          %add3A_279 = arith.addi %add3A_180, %add3A_278 : i32
          %add3A_280 = arith.constant 4 : i32
          %add3A_281 = arith.addi %add3A_279, %add3A_280 : i32
          %dma_start3A_282 = arith.constant 1 : i32
          %dma_start3A_283 = arith.constant 0 : i32
          %dma_start3A_284 = arith.constant 0 : i32
          %dma_start3A_285 = tpu.memref_slice %arg9[%dma_start3A_282, %dma_start3A_283, %dma_start3A_284] : memref<4x128x64xf32, #tpu.memory_space<vmem>> -> memref<1x128x64xf32, #tpu.memory_space<vmem>>
          %dma_start3A_286 = tpu.memref_squeeze %dma_start3A_285 : memref<1x128x64xf32, #tpu.memory_space<vmem>> -> memref<128x64xf32, #tpu.memory_space<vmem>>
          %dma_start3A_287 = arith.constant 0 : i32
          %dma_start3A_288 = tpu.memref_slice %arg7[%add3A_281, %dma_start3A_287] : memref<64x128xi32, #tpu.memory_space<vmem>> -> memref<1x128xi32, #tpu.memory_space<vmem>>
          %dma_start3A_289 = tpu.memref_squeeze %dma_start3A_288 : memref<1x128xi32, #tpu.memory_space<vmem>> -> memref<128xi32, #tpu.memory_space<vmem>>
          %dma_start3A_290 = arith.constant 0 : i32
          %dma_start3A_291 = arith.constant 0 : i32
          %dma_start3A_292 = tpu.memref_slice %arg2[%dma_start3A_290, %dma_start3A_291] : memref<10240x64xf32, #tpu.memory_space<hbm>> -> memref<10240x64xf32, #tpu.memory_space<hbm>>
          tpu.enqueue_indirect_dma source(%dma_start3A_292 : memref<10240x64xf32, #tpu.memory_space<hbm>>) target(%dma_start3A_286 : memref<128x64xf32, #tpu.memory_space<vmem>>) offsets(%dma_start3A_289 : memref<128xi32, #tpu.memory_space<vmem>>) semaphore(%arg12 : memref<!tpu.dma_semaphore, #tpu.memory_space<semaphore_mem>>)
        } else {
        }
        %add3A_228 = arith.constant 2 : i32
        %add3A_229 = arith.addi %add3A_180, %add3A_228 : i32
        %dma_wait3A_230 = arith.constant 2 : i32
        %dma_wait3A_231 = arith.constant 0 : i32
        %dma_wait3A_232 = arith.constant 0 : i32
        %dma_wait3A_233 = tpu.memref_slice %arg9[%dma_wait3A_230, %dma_wait3A_231, %dma_wait3A_232] : memref<4x128x64xf32, #tpu.memory_space<vmem>> -> memref<1x128x64xf32, #tpu.memory_space<vmem>>
        %dma_wait3A_234 = tpu.memref_squeeze %dma_wait3A_233 : memref<1x128x64xf32, #tpu.memory_space<vmem>> -> memref<128x64xf32, #tpu.memory_space<vmem>>
        %dma_wait3A_235 = arith.constant 0 : i32
        %dma_wait3A_236 = tpu.memref_slice %arg7[%add3A_229, %dma_wait3A_235] : memref<64x128xi32, #tpu.memory_space<vmem>> -> memref<1x128xi32, #tpu.memory_space<vmem>>
        %dma_wait3A_237 = tpu.memref_squeeze %dma_wait3A_236 : memref<1x128xi32, #tpu.memory_space<vmem>> -> memref<128xi32, #tpu.memory_space<vmem>>
        %dma_wait3A_238 = arith.constant 0 : i32
        %dma_wait3A_239 = arith.constant 0 : i32
        %dma_wait3A_240 = tpu.memref_slice %arg2[%dma_wait3A_238, %dma_wait3A_239] : memref<10240x64xf32, #tpu.memory_space<hbm>> -> memref<10240x64xf32, #tpu.memory_space<hbm>>
        tpu.wait_indirect_dma semaphore(%arg13 : memref<!tpu.dma_semaphore, #tpu.memory_space<semaphore_mem>>) src(%dma_wait3A_240 : memref<10240x64xf32, #tpu.memory_space<hbm>>) dst(%dma_wait3A_234 : memref<128x64xf32, #tpu.memory_space<vmem>>)
        %add3A_241 = arith.constant 2 : i32
        %add3A_242 = arith.addi %add3A_180, %add3A_241 : i32
        %run_scoped3A_243 = arith.constant 2 : i32
        "tpu.region"() ({
          %run_scoped3A_278 = tpu.sem_alloc : memref<!tpu.dma_semaphore, #tpu.memory_space<semaphore_mem>>
          %dma_start3A_279 = arith.constant 0 : i32
          %dma_start3A_280 = arith.constant 0 : i32
          %dma_start3A_281 = tpu.memref_slice %arg9[%run_scoped3A_243, %dma_start3A_279, %dma_start3A_280] : memref<4x128x64xf32, #tpu.memory_space<vmem>> -> memref<1x128x64xf32, #tpu.memory_space<vmem>>
          %dma_start3A_282 = tpu.memref_squeeze %dma_start3A_281 : memref<1x128x64xf32, #tpu.memory_space<vmem>> -> memref<128x64xf32, #tpu.memory_space<vmem>>
          %dma_start3A_283 = arith.constant 0 : i32
          %dma_start3A_284 = tpu.memref_slice %arg8[%add3A_242, %dma_start3A_283] : memref<64x128xi32, #tpu.memory_space<vmem>> -> memref<1x128xi32, #tpu.memory_space<vmem>>
          %dma_start3A_285 = tpu.memref_squeeze %dma_start3A_284 : memref<1x128xi32, #tpu.memory_space<vmem>> -> memref<128xi32, #tpu.memory_space<vmem>>
          %dma_start3A_286 = arith.constant 0 : i32
          %dma_start3A_287 = arith.constant 0 : i32
          %dma_start3A_288 = tpu.memref_slice %arg10[%dma_start3A_286, %dma_start3A_287] : memref<10240x64xf32, #tpu.memory_space<vmem_shared>> -> memref<10240x64xf32, #tpu.memory_space<vmem_shared>>
          tpu.enqueue_indirect_dma source(%dma_start3A_282 : memref<128x64xf32, #tpu.memory_space<vmem>>) target(%dma_start3A_288 : memref<10240x64xf32, #tpu.memory_space<vmem_shared>>) offsets(%dma_start3A_285 : memref<128xi32, #tpu.memory_space<vmem>>) semaphore(%run_scoped3A_278 : memref<!tpu.dma_semaphore, #tpu.memory_space<semaphore_mem>>) {add = true}
          %dma_wait3A_289 = arith.constant 0 : i32
          %dma_wait3A_290 = arith.constant 0 : i32
          %dma_wait3A_291 = tpu.memref_slice %arg9[%run_scoped3A_243, %dma_wait3A_289, %dma_wait3A_290] : memref<4x128x64xf32, #tpu.memory_space<vmem>> -> memref<1x128x64xf32, #tpu.memory_space<vmem>>
          %dma_wait3A_292 = tpu.memref_squeeze %dma_wait3A_291 : memref<1x128x64xf32, #tpu.memory_space<vmem>> -> memref<128x64xf32, #tpu.memory_space<vmem>>
          %dma_wait3A_293 = arith.constant 0 : i32
          %dma_wait3A_294 = tpu.memref_slice %arg8[%add3A_242, %dma_wait3A_293] : memref<64x128xi32, #tpu.memory_space<vmem>> -> memref<1x128xi32, #tpu.memory_space<vmem>>
          %dma_wait3A_295 = tpu.memref_squeeze %dma_wait3A_294 : memref<1x128xi32, #tpu.memory_space<vmem>> -> memref<128xi32, #tpu.memory_space<vmem>>
          %dma_wait3A_296 = arith.constant 0 : i32
          %dma_wait3A_297 = arith.constant 0 : i32
          %dma_wait3A_298 = tpu.memref_slice %arg10[%dma_wait3A_296, %dma_wait3A_297] : memref<10240x64xf32, #tpu.memory_space<vmem_shared>> -> memref<10240x64xf32, #tpu.memory_space<vmem_shared>>
          tpu.wait_indirect_dma semaphore(%run_scoped3A_278 : memref<!tpu.dma_semaphore, #tpu.memory_space<semaphore_mem>>) src(%dma_wait3A_292 : memref<128x64xf32, #tpu.memory_space<vmem>>) dst(%dma_wait3A_298 : memref<10240x64xf32, #tpu.memory_space<vmem_shared>>)
          tpu.yield
        }) : () -> ()
        %add3A_244 = arith.constant 2 : i32
        %add3A_245 = arith.addi %add3A_180, %add3A_244 : i32
        %add3A_246 = arith.constant 4 : i32
        %add3A_247 = arith.addi %add3A_245, %add3A_246 : i32
        %lt3A_248 = arith.constant 24 : i32
        %lt3A_249 = arith.cmpi slt, %add3A_247, %lt3A_248 : i32
        %convert_element_type3A_250 = arith.extui %lt3A_249 : i1 to i32
        %cond3A_251 = arith.constant 0 : i32
        %cond3A_252 = arith.cmpi ne, %convert_element_type3A_250, %cond3A_251 : i32
        scf.if %cond3A_252 {
          %add3A_278 = arith.constant 2 : i32
          %add3A_279 = arith.addi %add3A_180, %add3A_278 : i32
          %add3A_280 = arith.constant 4 : i32
          %add3A_281 = arith.addi %add3A_279, %add3A_280 : i32
          %dma_start3A_282 = arith.constant 2 : i32
          %dma_start3A_283 = arith.constant 0 : i32
          %dma_start3A_284 = arith.constant 0 : i32
          %dma_start3A_285 = tpu.memref_slice %arg9[%dma_start3A_282, %dma_start3A_283, %dma_start3A_284] : memref<4x128x64xf32, #tpu.memory_space<vmem>> -> memref<1x128x64xf32, #tpu.memory_space<vmem>>
          %dma_start3A_286 = tpu.memref_squeeze %dma_start3A_285 : memref<1x128x64xf32, #tpu.memory_space<vmem>> -> memref<128x64xf32, #tpu.memory_space<vmem>>
          %dma_start3A_287 = arith.constant 0 : i32
          %dma_start3A_288 = tpu.memref_slice %arg7[%add3A_281, %dma_start3A_287] : memref<64x128xi32, #tpu.memory_space<vmem>> -> memref<1x128xi32, #tpu.memory_space<vmem>>
          %dma_start3A_289 = tpu.memref_squeeze %dma_start3A_288 : memref<1x128xi32, #tpu.memory_space<vmem>> -> memref<128xi32, #tpu.memory_space<vmem>>
          %dma_start3A_290 = arith.constant 0 : i32
          %dma_start3A_291 = arith.constant 0 : i32
          %dma_start3A_292 = tpu.memref_slice %arg2[%dma_start3A_290, %dma_start3A_291] : memref<10240x64xf32, #tpu.memory_space<hbm>> -> memref<10240x64xf32, #tpu.memory_space<hbm>>
          tpu.enqueue_indirect_dma source(%dma_start3A_292 : memref<10240x64xf32, #tpu.memory_space<hbm>>) target(%dma_start3A_286 : memref<128x64xf32, #tpu.memory_space<vmem>>) offsets(%dma_start3A_289 : memref<128xi32, #tpu.memory_space<vmem>>) semaphore(%arg13 : memref<!tpu.dma_semaphore, #tpu.memory_space<semaphore_mem>>)
        } else {
        }
        %add3A_253 = arith.constant 3 : i32
        %add3A_254 = arith.addi %add3A_180, %add3A_253 : i32
        %dma_wait3A_255 = arith.constant 3 : i32
        %dma_wait3A_256 = arith.constant 0 : i32
        %dma_wait3A_257 = arith.constant 0 : i32
        %dma_wait3A_258 = tpu.memref_slice %arg9[%dma_wait3A_255, %dma_wait3A_256, %dma_wait3A_257] : memref<4x128x64xf32, #tpu.memory_space<vmem>> -> memref<1x128x64xf32, #tpu.memory_space<vmem>>
        %dma_wait3A_259 = tpu.memref_squeeze %dma_wait3A_258 : memref<1x128x64xf32, #tpu.memory_space<vmem>> -> memref<128x64xf32, #tpu.memory_space<vmem>>
        %dma_wait3A_260 = arith.constant 0 : i32
        %dma_wait3A_261 = tpu.memref_slice %arg7[%add3A_254, %dma_wait3A_260] : memref<64x128xi32, #tpu.memory_space<vmem>> -> memref<1x128xi32, #tpu.memory_space<vmem>>
        %dma_wait3A_262 = tpu.memref_squeeze %dma_wait3A_261 : memref<1x128xi32, #tpu.memory_space<vmem>> -> memref<128xi32, #tpu.memory_space<vmem>>
        %dma_wait3A_263 = arith.constant 0 : i32
        %dma_wait3A_264 = arith.constant 0 : i32
        %dma_wait3A_265 = tpu.memref_slice %arg2[%dma_wait3A_263, %dma_wait3A_264] : memref<10240x64xf32, #tpu.memory_space<hbm>> -> memref<10240x64xf32, #tpu.memory_space<hbm>>
        tpu.wait_indirect_dma semaphore(%arg14 : memref<!tpu.dma_semaphore, #tpu.memory_space<semaphore_mem>>) src(%dma_wait3A_265 : memref<10240x64xf32, #tpu.memory_space<hbm>>) dst(%dma_wait3A_259 : memref<128x64xf32, #tpu.memory_space<vmem>>)
        %add3A_266 = arith.constant 3 : i32
        %add3A_267 = arith.addi %add3A_180, %add3A_266 : i32
        %run_scoped3A_268 = arith.constant 3 : i32
        "tpu.region"() ({
          %run_scoped3A_278 = tpu.sem_alloc : memref<!tpu.dma_semaphore, #tpu.memory_space<semaphore_mem>>
          %dma_start3A_279 = arith.constant 0 : i32
          %dma_start3A_280 = arith.constant 0 : i32
          %dma_start3A_281 = tpu.memref_slice %arg9[%run_scoped3A_268, %dma_start3A_279, %dma_start3A_280] : memref<4x128x64xf32, #tpu.memory_space<vmem>> -> memref<1x128x64xf32, #tpu.memory_space<vmem>>
          %dma_start3A_282 = tpu.memref_squeeze %dma_start3A_281 : memref<1x128x64xf32, #tpu.memory_space<vmem>> -> memref<128x64xf32, #tpu.memory_space<vmem>>
          %dma_start3A_283 = arith.constant 0 : i32
          %dma_start3A_284 = tpu.memref_slice %arg8[%add3A_267, %dma_start3A_283] : memref<64x128xi32, #tpu.memory_space<vmem>> -> memref<1x128xi32, #tpu.memory_space<vmem>>
          %dma_start3A_285 = tpu.memref_squeeze %dma_start3A_284 : memref<1x128xi32, #tpu.memory_space<vmem>> -> memref<128xi32, #tpu.memory_space<vmem>>
          %dma_start3A_286 = arith.constant 0 : i32
          %dma_start3A_287 = arith.constant 0 : i32
          %dma_start3A_288 = tpu.memref_slice %arg10[%dma_start3A_286, %dma_start3A_287] : memref<10240x64xf32, #tpu.memory_space<vmem_shared>> -> memref<10240x64xf32, #tpu.memory_space<vmem_shared>>
          tpu.enqueue_indirect_dma source(%dma_start3A_282 : memref<128x64xf32, #tpu.memory_space<vmem>>) target(%dma_start3A_288 : memref<10240x64xf32, #tpu.memory_space<vmem_shared>>) offsets(%dma_start3A_285 : memref<128xi32, #tpu.memory_space<vmem>>) semaphore(%run_scoped3A_278 : memref<!tpu.dma_semaphore, #tpu.memory_space<semaphore_mem>>) {add = true}
          %dma_wait3A_289 = arith.constant 0 : i32
          %dma_wait3A_290 = arith.constant 0 : i32
          %dma_wait3A_291 = tpu.memref_slice %arg9[%run_scoped3A_268, %dma_wait3A_289, %dma_wait3A_290] : memref<4x128x64xf32, #tpu.memory_space<vmem>> -> memref<1x128x64xf32, #tpu.memory_space<vmem>>
          %dma_wait3A_292 = tpu.memref_squeeze %dma_wait3A_291 : memref<1x128x64xf32, #tpu.memory_space<vmem>> -> memref<128x64xf32, #tpu.memory_space<vmem>>
          %dma_wait3A_293 = arith.constant 0 : i32
          %dma_wait3A_294 = tpu.memref_slice %arg8[%add3A_267, %dma_wait3A_293] : memref<64x128xi32, #tpu.memory_space<vmem>> -> memref<1x128xi32, #tpu.memory_space<vmem>>
          %dma_wait3A_295 = tpu.memref_squeeze %dma_wait3A_294 : memref<1x128xi32, #tpu.memory_space<vmem>> -> memref<128xi32, #tpu.memory_space<vmem>>
          %dma_wait3A_296 = arith.constant 0 : i32
          %dma_wait3A_297 = arith.constant 0 : i32
          %dma_wait3A_298 = tpu.memref_slice %arg10[%dma_wait3A_296, %dma_wait3A_297] : memref<10240x64xf32, #tpu.memory_space<vmem_shared>> -> memref<10240x64xf32, #tpu.memory_space<vmem_shared>>
          tpu.wait_indirect_dma semaphore(%run_scoped3A_278 : memref<!tpu.dma_semaphore, #tpu.memory_space<semaphore_mem>>) src(%dma_wait3A_292 : memref<128x64xf32, #tpu.memory_space<vmem>>) dst(%dma_wait3A_298 : memref<10240x64xf32, #tpu.memory_space<vmem_shared>>)
          tpu.yield
        }) : () -> ()
        %add3A_269 = arith.constant 3 : i32
        %add3A_270 = arith.addi %add3A_180, %add3A_269 : i32
        %add3A_271 = arith.constant 4 : i32
        %add3A_272 = arith.addi %add3A_270, %add3A_271 : i32
        %lt3A_273 = arith.constant 24 : i32
        %lt3A_274 = arith.cmpi slt, %add3A_272, %lt3A_273 : i32
        %convert_element_type3A_275 = arith.extui %lt3A_274 : i1 to i32
        %cond3A_276 = arith.constant 0 : i32
        %cond3A_277 = arith.cmpi ne, %convert_element_type3A_275, %cond3A_276 : i32
        scf.if %cond3A_277 {
          %add3A_278 = arith.constant 3 : i32
          %add3A_279 = arith.addi %add3A_180, %add3A_278 : i32
          %add3A_280 = arith.constant 4 : i32
          %add3A_281 = arith.addi %add3A_279, %add3A_280 : i32
          %dma_start3A_282 = arith.constant 3 : i32
          %dma_start3A_283 = arith.constant 0 : i32
          %dma_start3A_284 = arith.constant 0 : i32
          %dma_start3A_285 = tpu.memref_slice %arg9[%dma_start3A_282, %dma_start3A_283, %dma_start3A_284] : memref<4x128x64xf32, #tpu.memory_space<vmem>> -> memref<1x128x64xf32, #tpu.memory_space<vmem>>
          %dma_start3A_286 = tpu.memref_squeeze %dma_start3A_285 : memref<1x128x64xf32, #tpu.memory_space<vmem>> -> memref<128x64xf32, #tpu.memory_space<vmem>>
          %dma_start3A_287 = arith.constant 0 : i32
          %dma_start3A_288 = tpu.memref_slice %arg7[%add3A_281, %dma_start3A_287] : memref<64x128xi32, #tpu.memory_space<vmem>> -> memref<1x128xi32, #tpu.memory_space<vmem>>
          %dma_start3A_289 = tpu.memref_squeeze %dma_start3A_288 : memref<1x128xi32, #tpu.memory_space<vmem>> -> memref<128xi32, #tpu.memory_space<vmem>>
          %dma_start3A_290 = arith.constant 0 : i32
          %dma_start3A_291 = arith.constant 0 : i32
          %dma_start3A_292 = tpu.memref_slice %arg2[%dma_start3A_290, %dma_start3A_291] : memref<10240x64xf32, #tpu.memory_space<hbm>> -> memref<10240x64xf32, #tpu.memory_space<hbm>>
          tpu.enqueue_indirect_dma source(%dma_start3A_292 : memref<10240x64xf32, #tpu.memory_space<hbm>>) target(%dma_start3A_286 : memref<128x64xf32, #tpu.memory_space<vmem>>) offsets(%dma_start3A_289 : memref<128xi32, #tpu.memory_space<vmem>>) semaphore(%arg14 : memref<!tpu.dma_semaphore, #tpu.memory_space<semaphore_mem>>)
        } else {
        }
      }
      %scan3A_175 = arith.constant 6 : i32
    } else {
    }
    %eq3A_3 = arith.constant 1 : i32
    %eq3A_4 = arith.cmpi eq, %arg0, %eq3A_3 : i32
    %convert_element_type3A_5 = arith.extui %eq3A_4 : i1 to i32
    %cond3A_6 = arith.constant 0 : i32
    %cond3A_7 = arith.cmpi ne, %convert_element_type3A_5, %cond3A_6 : i32
    scf.if %cond3A_7 {
      %mul3A_12 = arith.constant 6 : i32
      %mul3A_13 = arith.muli %arg1, %mul3A_12 : i32
      %add3A = arith.constant 2432 : i32
      %add3A_14 = arith.addi %add3A, %mul3A_13 : i32
      %add3A_15 = arith.constant 0 : i32
      %add3A_16 = arith.addi %add3A_14, %add3A_15 : i32
      "tpu.region"() ({
        %run_scoped3A_194 = tpu.sem_alloc : memref<!tpu.dma_semaphore, #tpu.memory_space<semaphore_mem>>
        %dma_start3A_195 = arith.constant 0 : i32
        %dma_start3A_196 = arith.constant 0 : i32
        %dma_start3A_197 = tpu.memref_slice %arg7[%dma_start3A_195, %dma_start3A_196] : memref<64x128xi32, #tpu.memory_space<vmem>> -> memref<6x128xi32, #tpu.memory_space<vmem>>
        %dma_start3A_198 = arith.constant 0 : i32
        %dma_start3A_199 = tpu.memref_slice %arg3[%add3A_16, %dma_start3A_198] : memref<2528x128xi32, #tpu.memory_space<hbm>> -> memref<6x128xi32, #tpu.memory_space<hbm>>
        %dma_start3A_200 = arith.constant 0 : i32
        %dma_start3A_201 = arith.constant 0 : i32
        %dma_start3A_202 = tpu.memref_slice %arg7[%dma_start3A_200, %dma_start3A_201] : memref<64x128xi32, #tpu.memory_space<vmem>> -> memref<6x128xi32, #tpu.memory_space<vmem>>
        %dma_start3A_203 = arith.constant 0 : i32
        %dma_start3A_204 = tpu.memref_slice %arg3[%add3A_16, %dma_start3A_203] : memref<2528x128xi32, #tpu.memory_space<hbm>> -> memref<6x128xi32, #tpu.memory_space<hbm>>
        tpu.enqueue_dma source(%dma_start3A_204 : memref<6x128xi32, #tpu.memory_space<hbm>>) target(%dma_start3A_202 : memref<6x128xi32, #tpu.memory_space<vmem>>) target_semaphore(%run_scoped3A_194 : memref<!tpu.dma_semaphore, #tpu.memory_space<semaphore_mem>>)
        %dma_wait3A_205 = arith.constant 0 : i32
        %dma_wait3A_206 = arith.constant 0 : i32
        %dma_wait3A_207 = tpu.memref_slice %arg7[%dma_wait3A_205, %dma_wait3A_206] : memref<64x128xi32, #tpu.memory_space<vmem>> -> memref<6x128xi32, #tpu.memory_space<vmem>>
        %dma_wait3A_208 = arith.constant 0 : i32
        %dma_wait3A_209 = tpu.memref_slice %arg3[%add3A_16, %dma_wait3A_208] : memref<2528x128xi32, #tpu.memory_space<hbm>> -> memref<6x128xi32, #tpu.memory_space<hbm>>
        %dma_wait3A_210 = arith.constant 0 : i32
        %dma_wait3A_211 = arith.constant 0 : i32
        %dma_wait3A_212 = tpu.memref_slice %arg7[%dma_wait3A_210, %dma_wait3A_211] : memref<64x128xi32, #tpu.memory_space<vmem>> -> memref<6x128xi32, #tpu.memory_space<vmem>>
        %dma_wait3A_213 = arith.constant 0 : i32
        %dma_wait3A_214 = tpu.memref_slice %arg3[%add3A_16, %dma_wait3A_213] : memref<2528x128xi32, #tpu.memory_space<hbm>> -> memref<6x128xi32, #tpu.memory_space<hbm>>
        tpu.wait_dma2 semaphore(%run_scoped3A_194 : memref<!tpu.dma_semaphore, #tpu.memory_space<semaphore_mem>>) src(%dma_wait3A_214 : memref<6x128xi32, #tpu.memory_space<hbm>>) dst(%dma_wait3A_212 : memref<6x128xi32, #tpu.memory_space<vmem>>)
        tpu.yield
      }) : () -> ()
      "tpu.region"() ({
        %run_scoped3A_194 = tpu.sem_alloc : memref<!tpu.dma_semaphore, #tpu.memory_space<semaphore_mem>>
        %dma_start3A_195 = arith.constant 0 : i32
        %dma_start3A_196 = arith.constant 0 : i32
        %dma_start3A_197 = tpu.memref_slice %arg8[%dma_start3A_195, %dma_start3A_196] : memref<64x128xi32, #tpu.memory_space<vmem>> -> memref<6x128xi32, #tpu.memory_space<vmem>>
        %dma_start3A_198 = arith.constant 0 : i32
        %dma_start3A_199 = tpu.memref_slice %arg4[%add3A_16, %dma_start3A_198] : memref<2528x128xi32, #tpu.memory_space<hbm>> -> memref<6x128xi32, #tpu.memory_space<hbm>>
        %dma_start3A_200 = arith.constant 0 : i32
        %dma_start3A_201 = arith.constant 0 : i32
        %dma_start3A_202 = tpu.memref_slice %arg8[%dma_start3A_200, %dma_start3A_201] : memref<64x128xi32, #tpu.memory_space<vmem>> -> memref<6x128xi32, #tpu.memory_space<vmem>>
        %dma_start3A_203 = arith.constant 0 : i32
        %dma_start3A_204 = tpu.memref_slice %arg4[%add3A_16, %dma_start3A_203] : memref<2528x128xi32, #tpu.memory_space<hbm>> -> memref<6x128xi32, #tpu.memory_space<hbm>>
        tpu.enqueue_dma source(%dma_start3A_204 : memref<6x128xi32, #tpu.memory_space<hbm>>) target(%dma_start3A_202 : memref<6x128xi32, #tpu.memory_space<vmem>>) target_semaphore(%run_scoped3A_194 : memref<!tpu.dma_semaphore, #tpu.memory_space<semaphore_mem>>)
        %dma_wait3A_205 = arith.constant 0 : i32
        %dma_wait3A_206 = arith.constant 0 : i32
        %dma_wait3A_207 = tpu.memref_slice %arg8[%dma_wait3A_205, %dma_wait3A_206] : memref<64x128xi32, #tpu.memory_space<vmem>> -> memref<6x128xi32, #tpu.memory_space<vmem>>
        %dma_wait3A_208 = arith.constant 0 : i32
        %dma_wait3A_209 = tpu.memref_slice %arg4[%add3A_16, %dma_wait3A_208] : memref<2528x128xi32, #tpu.memory_space<hbm>> -> memref<6x128xi32, #tpu.memory_space<hbm>>
        %dma_wait3A_210 = arith.constant 0 : i32
        %dma_wait3A_211 = arith.constant 0 : i32
        %dma_wait3A_212 = tpu.memref_slice %arg8[%dma_wait3A_210, %dma_wait3A_211] : memref<64x128xi32, #tpu.memory_space<vmem>> -> memref<6x128xi32, #tpu.memory_space<vmem>>
        %dma_wait3A_213 = arith.constant 0 : i32
        %dma_wait3A_214 = tpu.memref_slice %arg4[%add3A_16, %dma_wait3A_213] : memref<2528x128xi32, #tpu.memory_space<hbm>> -> memref<6x128xi32, #tpu.memory_space<hbm>>
        tpu.wait_dma2 semaphore(%run_scoped3A_194 : memref<!tpu.dma_semaphore, #tpu.memory_space<semaphore_mem>>) src(%dma_wait3A_214 : memref<6x128xi32, #tpu.memory_space<hbm>>) dst(%dma_wait3A_212 : memref<6x128xi32, #tpu.memory_space<vmem>>)
        tpu.yield
      }) : () -> ()
      %dma_start3A = arith.constant 0 : i32
      %dma_start3A_17 = arith.constant 0 : i32
      %dma_start3A_18 = arith.constant 0 : i32
      %dma_start3A_19 = arith.constant 0 : i32
      %dma_start3A_20 = tpu.memref_slice %arg9[%dma_start3A_17, %dma_start3A_18, %dma_start3A_19] : memref<4x128x64xf32, #tpu.memory_space<vmem>> -> memref<1x128x64xf32, #tpu.memory_space<vmem>>
      %dma_start3A_21 = tpu.memref_squeeze %dma_start3A_20 : memref<1x128x64xf32, #tpu.memory_space<vmem>> -> memref<128x64xf32, #tpu.memory_space<vmem>>
      %dma_start3A_22 = arith.constant 0 : i32
      %dma_start3A_23 = tpu.memref_slice %arg7[%dma_start3A, %dma_start3A_22] : memref<64x128xi32, #tpu.memory_space<vmem>> -> memref<1x128xi32, #tpu.memory_space<vmem>>
      %dma_start3A_24 = tpu.memref_squeeze %dma_start3A_23 : memref<1x128xi32, #tpu.memory_space<vmem>> -> memref<128xi32, #tpu.memory_space<vmem>>
      %dma_start3A_25 = arith.constant 0 : i32
      %dma_start3A_26 = arith.constant 0 : i32
      %dma_start3A_27 = tpu.memref_slice %arg2[%dma_start3A_25, %dma_start3A_26] : memref<10240x64xf32, #tpu.memory_space<hbm>> -> memref<10240x64xf32, #tpu.memory_space<hbm>>
      tpu.enqueue_indirect_dma source(%dma_start3A_27 : memref<10240x64xf32, #tpu.memory_space<hbm>>) target(%dma_start3A_21 : memref<128x64xf32, #tpu.memory_space<vmem>>) offsets(%dma_start3A_24 : memref<128xi32, #tpu.memory_space<vmem>>) semaphore(%arg11 : memref<!tpu.dma_semaphore, #tpu.memory_space<semaphore_mem>>)
      %dma_start3A_28 = arith.constant 1 : i32
      %dma_start3A_29 = arith.constant 1 : i32
      %dma_start3A_30 = arith.constant 0 : i32
      %dma_start3A_31 = arith.constant 0 : i32
      %dma_start3A_32 = tpu.memref_slice %arg9[%dma_start3A_29, %dma_start3A_30, %dma_start3A_31] : memref<4x128x64xf32, #tpu.memory_space<vmem>> -> memref<1x128x64xf32, #tpu.memory_space<vmem>>
      %dma_start3A_33 = tpu.memref_squeeze %dma_start3A_32 : memref<1x128x64xf32, #tpu.memory_space<vmem>> -> memref<128x64xf32, #tpu.memory_space<vmem>>
      %dma_start3A_34 = arith.constant 0 : i32
      %dma_start3A_35 = tpu.memref_slice %arg7[%dma_start3A_28, %dma_start3A_34] : memref<64x128xi32, #tpu.memory_space<vmem>> -> memref<1x128xi32, #tpu.memory_space<vmem>>
      %dma_start3A_36 = tpu.memref_squeeze %dma_start3A_35 : memref<1x128xi32, #tpu.memory_space<vmem>> -> memref<128xi32, #tpu.memory_space<vmem>>
      %dma_start3A_37 = arith.constant 0 : i32
      %dma_start3A_38 = arith.constant 0 : i32
      %dma_start3A_39 = tpu.memref_slice %arg2[%dma_start3A_37, %dma_start3A_38] : memref<10240x64xf32, #tpu.memory_space<hbm>> -> memref<10240x64xf32, #tpu.memory_space<hbm>>
      tpu.enqueue_indirect_dma source(%dma_start3A_39 : memref<10240x64xf32, #tpu.memory_space<hbm>>) target(%dma_start3A_33 : memref<128x64xf32, #tpu.memory_space<vmem>>) offsets(%dma_start3A_36 : memref<128xi32, #tpu.memory_space<vmem>>) semaphore(%arg12 : memref<!tpu.dma_semaphore, #tpu.memory_space<semaphore_mem>>)
      %dma_start3A_40 = arith.constant 2 : i32
      %dma_start3A_41 = arith.constant 2 : i32
      %dma_start3A_42 = arith.constant 0 : i32
      %dma_start3A_43 = arith.constant 0 : i32
      %dma_start3A_44 = tpu.memref_slice %arg9[%dma_start3A_41, %dma_start3A_42, %dma_start3A_43] : memref<4x128x64xf32, #tpu.memory_space<vmem>> -> memref<1x128x64xf32, #tpu.memory_space<vmem>>
      %dma_start3A_45 = tpu.memref_squeeze %dma_start3A_44 : memref<1x128x64xf32, #tpu.memory_space<vmem>> -> memref<128x64xf32, #tpu.memory_space<vmem>>
      %dma_start3A_46 = arith.constant 0 : i32
      %dma_start3A_47 = tpu.memref_slice %arg7[%dma_start3A_40, %dma_start3A_46] : memref<64x128xi32, #tpu.memory_space<vmem>> -> memref<1x128xi32, #tpu.memory_space<vmem>>
      %dma_start3A_48 = tpu.memref_squeeze %dma_start3A_47 : memref<1x128xi32, #tpu.memory_space<vmem>> -> memref<128xi32, #tpu.memory_space<vmem>>
      %dma_start3A_49 = arith.constant 0 : i32
      %dma_start3A_50 = arith.constant 0 : i32
      %dma_start3A_51 = tpu.memref_slice %arg2[%dma_start3A_49, %dma_start3A_50] : memref<10240x64xf32, #tpu.memory_space<hbm>> -> memref<10240x64xf32, #tpu.memory_space<hbm>>
      tpu.enqueue_indirect_dma source(%dma_start3A_51 : memref<10240x64xf32, #tpu.memory_space<hbm>>) target(%dma_start3A_45 : memref<128x64xf32, #tpu.memory_space<vmem>>) offsets(%dma_start3A_48 : memref<128xi32, #tpu.memory_space<vmem>>) semaphore(%arg13 : memref<!tpu.dma_semaphore, #tpu.memory_space<semaphore_mem>>)
      %dma_start3A_52 = arith.constant 3 : i32
      %dma_start3A_53 = arith.constant 3 : i32
      %dma_start3A_54 = arith.constant 0 : i32
      %dma_start3A_55 = arith.constant 0 : i32
      %dma_start3A_56 = tpu.memref_slice %arg9[%dma_start3A_53, %dma_start3A_54, %dma_start3A_55] : memref<4x128x64xf32, #tpu.memory_space<vmem>> -> memref<1x128x64xf32, #tpu.memory_space<vmem>>
      %dma_start3A_57 = tpu.memref_squeeze %dma_start3A_56 : memref<1x128x64xf32, #tpu.memory_space<vmem>> -> memref<128x64xf32, #tpu.memory_space<vmem>>
      %dma_start3A_58 = arith.constant 0 : i32
      %dma_start3A_59 = tpu.memref_slice %arg7[%dma_start3A_52, %dma_start3A_58] : memref<64x128xi32, #tpu.memory_space<vmem>> -> memref<1x128xi32, #tpu.memory_space<vmem>>
      %dma_start3A_60 = tpu.memref_squeeze %dma_start3A_59 : memref<1x128xi32, #tpu.memory_space<vmem>> -> memref<128xi32, #tpu.memory_space<vmem>>
      %dma_start3A_61 = arith.constant 0 : i32
      %dma_start3A_62 = arith.constant 0 : i32
      %dma_start3A_63 = tpu.memref_slice %arg2[%dma_start3A_61, %dma_start3A_62] : memref<10240x64xf32, #tpu.memory_space<hbm>> -> memref<10240x64xf32, #tpu.memory_space<hbm>>
      tpu.enqueue_indirect_dma source(%dma_start3A_63 : memref<10240x64xf32, #tpu.memory_space<hbm>>) target(%dma_start3A_57 : memref<128x64xf32, #tpu.memory_space<vmem>>) offsets(%dma_start3A_60 : memref<128xi32, #tpu.memory_space<vmem>>) semaphore(%arg14 : memref<!tpu.dma_semaphore, #tpu.memory_space<semaphore_mem>>)
      %scan3A = arith.constant 0 : i32
      %mul3A_64 = arith.constant 4 : i32
      %mul3A_65 = arith.muli %scan3A, %mul3A_64 : i32
      %add3A_66 = arith.constant 0 : i32
      %add3A_67 = arith.addi %add3A_66, %mul3A_65 : i32
      %add3A_68 = arith.constant 0 : i32
      %add3A_69 = arith.addi %add3A_67, %add3A_68 : i32
      %dma_wait3A = arith.constant 0 : i32
      %dma_wait3A_70 = arith.constant 0 : i32
      %dma_wait3A_71 = arith.constant 0 : i32
      %dma_wait3A_72 = tpu.memref_slice %arg9[%dma_wait3A, %dma_wait3A_70, %dma_wait3A_71] : memref<4x128x64xf32, #tpu.memory_space<vmem>> -> memref<1x128x64xf32, #tpu.memory_space<vmem>>
      %dma_wait3A_73 = tpu.memref_squeeze %dma_wait3A_72 : memref<1x128x64xf32, #tpu.memory_space<vmem>> -> memref<128x64xf32, #tpu.memory_space<vmem>>
      %dma_wait3A_74 = arith.constant 0 : i32
      %dma_wait3A_75 = tpu.memref_slice %arg7[%add3A_69, %dma_wait3A_74] : memref<64x128xi32, #tpu.memory_space<vmem>> -> memref<1x128xi32, #tpu.memory_space<vmem>>
      %dma_wait3A_76 = tpu.memref_squeeze %dma_wait3A_75 : memref<1x128xi32, #tpu.memory_space<vmem>> -> memref<128xi32, #tpu.memory_space<vmem>>
      %dma_wait3A_77 = arith.constant 0 : i32
      %dma_wait3A_78 = arith.constant 0 : i32
      %dma_wait3A_79 = tpu.memref_slice %arg2[%dma_wait3A_77, %dma_wait3A_78] : memref<10240x64xf32, #tpu.memory_space<hbm>> -> memref<10240x64xf32, #tpu.memory_space<hbm>>
      tpu.wait_indirect_dma semaphore(%arg11 : memref<!tpu.dma_semaphore, #tpu.memory_space<semaphore_mem>>) src(%dma_wait3A_79 : memref<10240x64xf32, #tpu.memory_space<hbm>>) dst(%dma_wait3A_73 : memref<128x64xf32, #tpu.memory_space<vmem>>)
      %add3A_80 = arith.constant 0 : i32
      %add3A_81 = arith.addi %add3A_67, %add3A_80 : i32
      %run_scoped3A = arith.constant 0 : i32
      "tpu.region"() ({
        %run_scoped3A_194 = tpu.sem_alloc : memref<!tpu.dma_semaphore, #tpu.memory_space<semaphore_mem>>
        %dma_start3A_195 = arith.constant 0 : i32
        %dma_start3A_196 = arith.constant 0 : i32
        %dma_start3A_197 = tpu.memref_slice %arg9[%run_scoped3A, %dma_start3A_195, %dma_start3A_196] : memref<4x128x64xf32, #tpu.memory_space<vmem>> -> memref<1x128x64xf32, #tpu.memory_space<vmem>>
        %dma_start3A_198 = tpu.memref_squeeze %dma_start3A_197 : memref<1x128x64xf32, #tpu.memory_space<vmem>> -> memref<128x64xf32, #tpu.memory_space<vmem>>
        %dma_start3A_199 = arith.constant 0 : i32
        %dma_start3A_200 = tpu.memref_slice %arg8[%add3A_81, %dma_start3A_199] : memref<64x128xi32, #tpu.memory_space<vmem>> -> memref<1x128xi32, #tpu.memory_space<vmem>>
        %dma_start3A_201 = tpu.memref_squeeze %dma_start3A_200 : memref<1x128xi32, #tpu.memory_space<vmem>> -> memref<128xi32, #tpu.memory_space<vmem>>
        %dma_start3A_202 = arith.constant 0 : i32
        %dma_start3A_203 = arith.constant 0 : i32
        %dma_start3A_204 = tpu.memref_slice %arg10[%dma_start3A_202, %dma_start3A_203] : memref<10240x64xf32, #tpu.memory_space<vmem_shared>> -> memref<10240x64xf32, #tpu.memory_space<vmem_shared>>
        tpu.enqueue_indirect_dma source(%dma_start3A_198 : memref<128x64xf32, #tpu.memory_space<vmem>>) target(%dma_start3A_204 : memref<10240x64xf32, #tpu.memory_space<vmem_shared>>) offsets(%dma_start3A_201 : memref<128xi32, #tpu.memory_space<vmem>>) semaphore(%run_scoped3A_194 : memref<!tpu.dma_semaphore, #tpu.memory_space<semaphore_mem>>) {add = true}
        %dma_wait3A_205 = arith.constant 0 : i32
        %dma_wait3A_206 = arith.constant 0 : i32
        %dma_wait3A_207 = tpu.memref_slice %arg9[%run_scoped3A, %dma_wait3A_205, %dma_wait3A_206] : memref<4x128x64xf32, #tpu.memory_space<vmem>> -> memref<1x128x64xf32, #tpu.memory_space<vmem>>
        %dma_wait3A_208 = tpu.memref_squeeze %dma_wait3A_207 : memref<1x128x64xf32, #tpu.memory_space<vmem>> -> memref<128x64xf32, #tpu.memory_space<vmem>>
        %dma_wait3A_209 = arith.constant 0 : i32
        %dma_wait3A_210 = tpu.memref_slice %arg8[%add3A_81, %dma_wait3A_209] : memref<64x128xi32, #tpu.memory_space<vmem>> -> memref<1x128xi32, #tpu.memory_space<vmem>>
        %dma_wait3A_211 = tpu.memref_squeeze %dma_wait3A_210 : memref<1x128xi32, #tpu.memory_space<vmem>> -> memref<128xi32, #tpu.memory_space<vmem>>
        %dma_wait3A_212 = arith.constant 0 : i32
        %dma_wait3A_213 = arith.constant 0 : i32
        %dma_wait3A_214 = tpu.memref_slice %arg10[%dma_wait3A_212, %dma_wait3A_213] : memref<10240x64xf32, #tpu.memory_space<vmem_shared>> -> memref<10240x64xf32, #tpu.memory_space<vmem_shared>>
        tpu.wait_indirect_dma semaphore(%run_scoped3A_194 : memref<!tpu.dma_semaphore, #tpu.memory_space<semaphore_mem>>) src(%dma_wait3A_208 : memref<128x64xf32, #tpu.memory_space<vmem>>) dst(%dma_wait3A_214 : memref<10240x64xf32, #tpu.memory_space<vmem_shared>>)
        tpu.yield
      }) : () -> ()
      %add3A_82 = arith.constant 0 : i32
      %add3A_83 = arith.addi %add3A_67, %add3A_82 : i32
      %add3A_84 = arith.constant 4 : i32
      %add3A_85 = arith.addi %add3A_83, %add3A_84 : i32
      %lt3A = arith.constant 6 : i32
      %lt3A_86 = arith.cmpi slt, %add3A_85, %lt3A : i32
      %convert_element_type3A_87 = arith.extui %lt3A_86 : i1 to i32
      %cond3A_88 = arith.constant 0 : i32
      %cond3A_89 = arith.cmpi ne, %convert_element_type3A_87, %cond3A_88 : i32
      scf.if %cond3A_89 {
        %add3A_194 = arith.constant 0 : i32
        %add3A_195 = arith.addi %add3A_67, %add3A_194 : i32
        %add3A_196 = arith.constant 4 : i32
        %add3A_197 = arith.addi %add3A_195, %add3A_196 : i32
        %dma_start3A_198 = arith.constant 0 : i32
        %dma_start3A_199 = arith.constant 0 : i32
        %dma_start3A_200 = arith.constant 0 : i32
        %dma_start3A_201 = tpu.memref_slice %arg9[%dma_start3A_198, %dma_start3A_199, %dma_start3A_200] : memref<4x128x64xf32, #tpu.memory_space<vmem>> -> memref<1x128x64xf32, #tpu.memory_space<vmem>>
        %dma_start3A_202 = tpu.memref_squeeze %dma_start3A_201 : memref<1x128x64xf32, #tpu.memory_space<vmem>> -> memref<128x64xf32, #tpu.memory_space<vmem>>
        %dma_start3A_203 = arith.constant 0 : i32
        %dma_start3A_204 = tpu.memref_slice %arg7[%add3A_197, %dma_start3A_203] : memref<64x128xi32, #tpu.memory_space<vmem>> -> memref<1x128xi32, #tpu.memory_space<vmem>>
        %dma_start3A_205 = tpu.memref_squeeze %dma_start3A_204 : memref<1x128xi32, #tpu.memory_space<vmem>> -> memref<128xi32, #tpu.memory_space<vmem>>
        %dma_start3A_206 = arith.constant 0 : i32
        %dma_start3A_207 = arith.constant 0 : i32
        %dma_start3A_208 = tpu.memref_slice %arg2[%dma_start3A_206, %dma_start3A_207] : memref<10240x64xf32, #tpu.memory_space<hbm>> -> memref<10240x64xf32, #tpu.memory_space<hbm>>
        tpu.enqueue_indirect_dma source(%dma_start3A_208 : memref<10240x64xf32, #tpu.memory_space<hbm>>) target(%dma_start3A_202 : memref<128x64xf32, #tpu.memory_space<vmem>>) offsets(%dma_start3A_205 : memref<128xi32, #tpu.memory_space<vmem>>) semaphore(%arg11 : memref<!tpu.dma_semaphore, #tpu.memory_space<semaphore_mem>>)
      } else {
      }
      %add3A_90 = arith.constant 1 : i32
      %add3A_91 = arith.addi %add3A_67, %add3A_90 : i32
      %dma_wait3A_92 = arith.constant 1 : i32
      %dma_wait3A_93 = arith.constant 0 : i32
      %dma_wait3A_94 = arith.constant 0 : i32
      %dma_wait3A_95 = tpu.memref_slice %arg9[%dma_wait3A_92, %dma_wait3A_93, %dma_wait3A_94] : memref<4x128x64xf32, #tpu.memory_space<vmem>> -> memref<1x128x64xf32, #tpu.memory_space<vmem>>
      %dma_wait3A_96 = tpu.memref_squeeze %dma_wait3A_95 : memref<1x128x64xf32, #tpu.memory_space<vmem>> -> memref<128x64xf32, #tpu.memory_space<vmem>>
      %dma_wait3A_97 = arith.constant 0 : i32
      %dma_wait3A_98 = tpu.memref_slice %arg7[%add3A_91, %dma_wait3A_97] : memref<64x128xi32, #tpu.memory_space<vmem>> -> memref<1x128xi32, #tpu.memory_space<vmem>>
      %dma_wait3A_99 = tpu.memref_squeeze %dma_wait3A_98 : memref<1x128xi32, #tpu.memory_space<vmem>> -> memref<128xi32, #tpu.memory_space<vmem>>
      %dma_wait3A_100 = arith.constant 0 : i32
      %dma_wait3A_101 = arith.constant 0 : i32
      %dma_wait3A_102 = tpu.memref_slice %arg2[%dma_wait3A_100, %dma_wait3A_101] : memref<10240x64xf32, #tpu.memory_space<hbm>> -> memref<10240x64xf32, #tpu.memory_space<hbm>>
      tpu.wait_indirect_dma semaphore(%arg12 : memref<!tpu.dma_semaphore, #tpu.memory_space<semaphore_mem>>) src(%dma_wait3A_102 : memref<10240x64xf32, #tpu.memory_space<hbm>>) dst(%dma_wait3A_96 : memref<128x64xf32, #tpu.memory_space<vmem>>)
      %add3A_103 = arith.constant 1 : i32
      %add3A_104 = arith.addi %add3A_67, %add3A_103 : i32
      %run_scoped3A_105 = arith.constant 1 : i32
      "tpu.region"() ({
        %run_scoped3A_194 = tpu.sem_alloc : memref<!tpu.dma_semaphore, #tpu.memory_space<semaphore_mem>>
        %dma_start3A_195 = arith.constant 0 : i32
        %dma_start3A_196 = arith.constant 0 : i32
        %dma_start3A_197 = tpu.memref_slice %arg9[%run_scoped3A_105, %dma_start3A_195, %dma_start3A_196] : memref<4x128x64xf32, #tpu.memory_space<vmem>> -> memref<1x128x64xf32, #tpu.memory_space<vmem>>
        %dma_start3A_198 = tpu.memref_squeeze %dma_start3A_197 : memref<1x128x64xf32, #tpu.memory_space<vmem>> -> memref<128x64xf32, #tpu.memory_space<vmem>>
        %dma_start3A_199 = arith.constant 0 : i32
        %dma_start3A_200 = tpu.memref_slice %arg8[%add3A_104, %dma_start3A_199] : memref<64x128xi32, #tpu.memory_space<vmem>> -> memref<1x128xi32, #tpu.memory_space<vmem>>
        %dma_start3A_201 = tpu.memref_squeeze %dma_start3A_200 : memref<1x128xi32, #tpu.memory_space<vmem>> -> memref<128xi32, #tpu.memory_space<vmem>>
        %dma_start3A_202 = arith.constant 0 : i32
        %dma_start3A_203 = arith.constant 0 : i32
        %dma_start3A_204 = tpu.memref_slice %arg10[%dma_start3A_202, %dma_start3A_203] : memref<10240x64xf32, #tpu.memory_space<vmem_shared>> -> memref<10240x64xf32, #tpu.memory_space<vmem_shared>>
        tpu.enqueue_indirect_dma source(%dma_start3A_198 : memref<128x64xf32, #tpu.memory_space<vmem>>) target(%dma_start3A_204 : memref<10240x64xf32, #tpu.memory_space<vmem_shared>>) offsets(%dma_start3A_201 : memref<128xi32, #tpu.memory_space<vmem>>) semaphore(%run_scoped3A_194 : memref<!tpu.dma_semaphore, #tpu.memory_space<semaphore_mem>>) {add = true}
        %dma_wait3A_205 = arith.constant 0 : i32
        %dma_wait3A_206 = arith.constant 0 : i32
        %dma_wait3A_207 = tpu.memref_slice %arg9[%run_scoped3A_105, %dma_wait3A_205, %dma_wait3A_206] : memref<4x128x64xf32, #tpu.memory_space<vmem>> -> memref<1x128x64xf32, #tpu.memory_space<vmem>>
        %dma_wait3A_208 = tpu.memref_squeeze %dma_wait3A_207 : memref<1x128x64xf32, #tpu.memory_space<vmem>> -> memref<128x64xf32, #tpu.memory_space<vmem>>
        %dma_wait3A_209 = arith.constant 0 : i32
        %dma_wait3A_210 = tpu.memref_slice %arg8[%add3A_104, %dma_wait3A_209] : memref<64x128xi32, #tpu.memory_space<vmem>> -> memref<1x128xi32, #tpu.memory_space<vmem>>
        %dma_wait3A_211 = tpu.memref_squeeze %dma_wait3A_210 : memref<1x128xi32, #tpu.memory_space<vmem>> -> memref<128xi32, #tpu.memory_space<vmem>>
        %dma_wait3A_212 = arith.constant 0 : i32
        %dma_wait3A_213 = arith.constant 0 : i32
        %dma_wait3A_214 = tpu.memref_slice %arg10[%dma_wait3A_212, %dma_wait3A_213] : memref<10240x64xf32, #tpu.memory_space<vmem_shared>> -> memref<10240x64xf32, #tpu.memory_space<vmem_shared>>
        tpu.wait_indirect_dma semaphore(%run_scoped3A_194 : memref<!tpu.dma_semaphore, #tpu.memory_space<semaphore_mem>>) src(%dma_wait3A_208 : memref<128x64xf32, #tpu.memory_space<vmem>>) dst(%dma_wait3A_214 : memref<10240x64xf32, #tpu.memory_space<vmem_shared>>)
        tpu.yield
      }) : () -> ()
      %add3A_106 = arith.constant 1 : i32
      %add3A_107 = arith.addi %add3A_67, %add3A_106 : i32
      %add3A_108 = arith.constant 4 : i32
      %add3A_109 = arith.addi %add3A_107, %add3A_108 : i32
      %lt3A_110 = arith.constant 6 : i32
      %lt3A_111 = arith.cmpi slt, %add3A_109, %lt3A_110 : i32
      %convert_element_type3A_112 = arith.extui %lt3A_111 : i1 to i32
      %cond3A_113 = arith.constant 0 : i32
      %cond3A_114 = arith.cmpi ne, %convert_element_type3A_112, %cond3A_113 : i32
      scf.if %cond3A_114 {
        %add3A_194 = arith.constant 1 : i32
        %add3A_195 = arith.addi %add3A_67, %add3A_194 : i32
        %add3A_196 = arith.constant 4 : i32
        %add3A_197 = arith.addi %add3A_195, %add3A_196 : i32
        %dma_start3A_198 = arith.constant 1 : i32
        %dma_start3A_199 = arith.constant 0 : i32
        %dma_start3A_200 = arith.constant 0 : i32
        %dma_start3A_201 = tpu.memref_slice %arg9[%dma_start3A_198, %dma_start3A_199, %dma_start3A_200] : memref<4x128x64xf32, #tpu.memory_space<vmem>> -> memref<1x128x64xf32, #tpu.memory_space<vmem>>
        %dma_start3A_202 = tpu.memref_squeeze %dma_start3A_201 : memref<1x128x64xf32, #tpu.memory_space<vmem>> -> memref<128x64xf32, #tpu.memory_space<vmem>>
        %dma_start3A_203 = arith.constant 0 : i32
        %dma_start3A_204 = tpu.memref_slice %arg7[%add3A_197, %dma_start3A_203] : memref<64x128xi32, #tpu.memory_space<vmem>> -> memref<1x128xi32, #tpu.memory_space<vmem>>
        %dma_start3A_205 = tpu.memref_squeeze %dma_start3A_204 : memref<1x128xi32, #tpu.memory_space<vmem>> -> memref<128xi32, #tpu.memory_space<vmem>>
        %dma_start3A_206 = arith.constant 0 : i32
        %dma_start3A_207 = arith.constant 0 : i32
        %dma_start3A_208 = tpu.memref_slice %arg2[%dma_start3A_206, %dma_start3A_207] : memref<10240x64xf32, #tpu.memory_space<hbm>> -> memref<10240x64xf32, #tpu.memory_space<hbm>>
        tpu.enqueue_indirect_dma source(%dma_start3A_208 : memref<10240x64xf32, #tpu.memory_space<hbm>>) target(%dma_start3A_202 : memref<128x64xf32, #tpu.memory_space<vmem>>) offsets(%dma_start3A_205 : memref<128xi32, #tpu.memory_space<vmem>>) semaphore(%arg12 : memref<!tpu.dma_semaphore, #tpu.memory_space<semaphore_mem>>)
      } else {
      }
      %add3A_115 = arith.constant 2 : i32
      %add3A_116 = arith.addi %add3A_67, %add3A_115 : i32
      %dma_wait3A_117 = arith.constant 2 : i32
      %dma_wait3A_118 = arith.constant 0 : i32
      %dma_wait3A_119 = arith.constant 0 : i32
      %dma_wait3A_120 = tpu.memref_slice %arg9[%dma_wait3A_117, %dma_wait3A_118, %dma_wait3A_119] : memref<4x128x64xf32, #tpu.memory_space<vmem>> -> memref<1x128x64xf32, #tpu.memory_space<vmem>>
      %dma_wait3A_121 = tpu.memref_squeeze %dma_wait3A_120 : memref<1x128x64xf32, #tpu.memory_space<vmem>> -> memref<128x64xf32, #tpu.memory_space<vmem>>
      %dma_wait3A_122 = arith.constant 0 : i32
      %dma_wait3A_123 = tpu.memref_slice %arg7[%add3A_116, %dma_wait3A_122] : memref<64x128xi32, #tpu.memory_space<vmem>> -> memref<1x128xi32, #tpu.memory_space<vmem>>
      %dma_wait3A_124 = tpu.memref_squeeze %dma_wait3A_123 : memref<1x128xi32, #tpu.memory_space<vmem>> -> memref<128xi32, #tpu.memory_space<vmem>>
      %dma_wait3A_125 = arith.constant 0 : i32
      %dma_wait3A_126 = arith.constant 0 : i32
      %dma_wait3A_127 = tpu.memref_slice %arg2[%dma_wait3A_125, %dma_wait3A_126] : memref<10240x64xf32, #tpu.memory_space<hbm>> -> memref<10240x64xf32, #tpu.memory_space<hbm>>
      tpu.wait_indirect_dma semaphore(%arg13 : memref<!tpu.dma_semaphore, #tpu.memory_space<semaphore_mem>>) src(%dma_wait3A_127 : memref<10240x64xf32, #tpu.memory_space<hbm>>) dst(%dma_wait3A_121 : memref<128x64xf32, #tpu.memory_space<vmem>>)
      %add3A_128 = arith.constant 2 : i32
      %add3A_129 = arith.addi %add3A_67, %add3A_128 : i32
      %run_scoped3A_130 = arith.constant 2 : i32
      "tpu.region"() ({
        %run_scoped3A_194 = tpu.sem_alloc : memref<!tpu.dma_semaphore, #tpu.memory_space<semaphore_mem>>
        %dma_start3A_195 = arith.constant 0 : i32
        %dma_start3A_196 = arith.constant 0 : i32
        %dma_start3A_197 = tpu.memref_slice %arg9[%run_scoped3A_130, %dma_start3A_195, %dma_start3A_196] : memref<4x128x64xf32, #tpu.memory_space<vmem>> -> memref<1x128x64xf32, #tpu.memory_space<vmem>>
        %dma_start3A_198 = tpu.memref_squeeze %dma_start3A_197 : memref<1x128x64xf32, #tpu.memory_space<vmem>> -> memref<128x64xf32, #tpu.memory_space<vmem>>
        %dma_start3A_199 = arith.constant 0 : i32
        %dma_start3A_200 = tpu.memref_slice %arg8[%add3A_129, %dma_start3A_199] : memref<64x128xi32, #tpu.memory_space<vmem>> -> memref<1x128xi32, #tpu.memory_space<vmem>>
        %dma_start3A_201 = tpu.memref_squeeze %dma_start3A_200 : memref<1x128xi32, #tpu.memory_space<vmem>> -> memref<128xi32, #tpu.memory_space<vmem>>
        %dma_start3A_202 = arith.constant 0 : i32
        %dma_start3A_203 = arith.constant 0 : i32
        %dma_start3A_204 = tpu.memref_slice %arg10[%dma_start3A_202, %dma_start3A_203] : memref<10240x64xf32, #tpu.memory_space<vmem_shared>> -> memref<10240x64xf32, #tpu.memory_space<vmem_shared>>
        tpu.enqueue_indirect_dma source(%dma_start3A_198 : memref<128x64xf32, #tpu.memory_space<vmem>>) target(%dma_start3A_204 : memref<10240x64xf32, #tpu.memory_space<vmem_shared>>) offsets(%dma_start3A_201 : memref<128xi32, #tpu.memory_space<vmem>>) semaphore(%run_scoped3A_194 : memref<!tpu.dma_semaphore, #tpu.memory_space<semaphore_mem>>) {add = true}
        %dma_wait3A_205 = arith.constant 0 : i32
        %dma_wait3A_206 = arith.constant 0 : i32
        %dma_wait3A_207 = tpu.memref_slice %arg9[%run_scoped3A_130, %dma_wait3A_205, %dma_wait3A_206] : memref<4x128x64xf32, #tpu.memory_space<vmem>> -> memref<1x128x64xf32, #tpu.memory_space<vmem>>
        %dma_wait3A_208 = tpu.memref_squeeze %dma_wait3A_207 : memref<1x128x64xf32, #tpu.memory_space<vmem>> -> memref<128x64xf32, #tpu.memory_space<vmem>>
        %dma_wait3A_209 = arith.constant 0 : i32
        %dma_wait3A_210 = tpu.memref_slice %arg8[%add3A_129, %dma_wait3A_209] : memref<64x128xi32, #tpu.memory_space<vmem>> -> memref<1x128xi32, #tpu.memory_space<vmem>>
        %dma_wait3A_211 = tpu.memref_squeeze %dma_wait3A_210 : memref<1x128xi32, #tpu.memory_space<vmem>> -> memref<128xi32, #tpu.memory_space<vmem>>
        %dma_wait3A_212 = arith.constant 0 : i32
        %dma_wait3A_213 = arith.constant 0 : i32
        %dma_wait3A_214 = tpu.memref_slice %arg10[%dma_wait3A_212, %dma_wait3A_213] : memref<10240x64xf32, #tpu.memory_space<vmem_shared>> -> memref<10240x64xf32, #tpu.memory_space<vmem_shared>>
        tpu.wait_indirect_dma semaphore(%run_scoped3A_194 : memref<!tpu.dma_semaphore, #tpu.memory_space<semaphore_mem>>) src(%dma_wait3A_208 : memref<128x64xf32, #tpu.memory_space<vmem>>) dst(%dma_wait3A_214 : memref<10240x64xf32, #tpu.memory_space<vmem_shared>>)
        tpu.yield
      }) : () -> ()
      %add3A_131 = arith.constant 2 : i32
      %add3A_132 = arith.addi %add3A_67, %add3A_131 : i32
      %add3A_133 = arith.constant 4 : i32
      %add3A_134 = arith.addi %add3A_132, %add3A_133 : i32
      %lt3A_135 = arith.constant 6 : i32
      %lt3A_136 = arith.cmpi slt, %add3A_134, %lt3A_135 : i32
      %convert_element_type3A_137 = arith.extui %lt3A_136 : i1 to i32
      %cond3A_138 = arith.constant 0 : i32
      %cond3A_139 = arith.cmpi ne, %convert_element_type3A_137, %cond3A_138 : i32
      scf.if %cond3A_139 {
        %add3A_194 = arith.constant 2 : i32
        %add3A_195 = arith.addi %add3A_67, %add3A_194 : i32
        %add3A_196 = arith.constant 4 : i32
        %add3A_197 = arith.addi %add3A_195, %add3A_196 : i32
        %dma_start3A_198 = arith.constant 2 : i32
        %dma_start3A_199 = arith.constant 0 : i32
        %dma_start3A_200 = arith.constant 0 : i32
        %dma_start3A_201 = tpu.memref_slice %arg9[%dma_start3A_198, %dma_start3A_199, %dma_start3A_200] : memref<4x128x64xf32, #tpu.memory_space<vmem>> -> memref<1x128x64xf32, #tpu.memory_space<vmem>>
        %dma_start3A_202 = tpu.memref_squeeze %dma_start3A_201 : memref<1x128x64xf32, #tpu.memory_space<vmem>> -> memref<128x64xf32, #tpu.memory_space<vmem>>
        %dma_start3A_203 = arith.constant 0 : i32
        %dma_start3A_204 = tpu.memref_slice %arg7[%add3A_197, %dma_start3A_203] : memref<64x128xi32, #tpu.memory_space<vmem>> -> memref<1x128xi32, #tpu.memory_space<vmem>>
        %dma_start3A_205 = tpu.memref_squeeze %dma_start3A_204 : memref<1x128xi32, #tpu.memory_space<vmem>> -> memref<128xi32, #tpu.memory_space<vmem>>
        %dma_start3A_206 = arith.constant 0 : i32
        %dma_start3A_207 = arith.constant 0 : i32
        %dma_start3A_208 = tpu.memref_slice %arg2[%dma_start3A_206, %dma_start3A_207] : memref<10240x64xf32, #tpu.memory_space<hbm>> -> memref<10240x64xf32, #tpu.memory_space<hbm>>
        tpu.enqueue_indirect_dma source(%dma_start3A_208 : memref<10240x64xf32, #tpu.memory_space<hbm>>) target(%dma_start3A_202 : memref<128x64xf32, #tpu.memory_space<vmem>>) offsets(%dma_start3A_205 : memref<128xi32, #tpu.memory_space<vmem>>) semaphore(%arg13 : memref<!tpu.dma_semaphore, #tpu.memory_space<semaphore_mem>>)
      } else {
      }
      %add3A_140 = arith.constant 3 : i32
      %add3A_141 = arith.addi %add3A_67, %add3A_140 : i32
      %dma_wait3A_142 = arith.constant 3 : i32
      %dma_wait3A_143 = arith.constant 0 : i32
      %dma_wait3A_144 = arith.constant 0 : i32
      %dma_wait3A_145 = tpu.memref_slice %arg9[%dma_wait3A_142, %dma_wait3A_143, %dma_wait3A_144] : memref<4x128x64xf32, #tpu.memory_space<vmem>> -> memref<1x128x64xf32, #tpu.memory_space<vmem>>
      %dma_wait3A_146 = tpu.memref_squeeze %dma_wait3A_145 : memref<1x128x64xf32, #tpu.memory_space<vmem>> -> memref<128x64xf32, #tpu.memory_space<vmem>>
      %dma_wait3A_147 = arith.constant 0 : i32
      %dma_wait3A_148 = tpu.memref_slice %arg7[%add3A_141, %dma_wait3A_147] : memref<64x128xi32, #tpu.memory_space<vmem>> -> memref<1x128xi32, #tpu.memory_space<vmem>>
      %dma_wait3A_149 = tpu.memref_squeeze %dma_wait3A_148 : memref<1x128xi32, #tpu.memory_space<vmem>> -> memref<128xi32, #tpu.memory_space<vmem>>
      %dma_wait3A_150 = arith.constant 0 : i32
      %dma_wait3A_151 = arith.constant 0 : i32
      %dma_wait3A_152 = tpu.memref_slice %arg2[%dma_wait3A_150, %dma_wait3A_151] : memref<10240x64xf32, #tpu.memory_space<hbm>> -> memref<10240x64xf32, #tpu.memory_space<hbm>>
      tpu.wait_indirect_dma semaphore(%arg14 : memref<!tpu.dma_semaphore, #tpu.memory_space<semaphore_mem>>) src(%dma_wait3A_152 : memref<10240x64xf32, #tpu.memory_space<hbm>>) dst(%dma_wait3A_146 : memref<128x64xf32, #tpu.memory_space<vmem>>)
      %add3A_153 = arith.constant 3 : i32
      %add3A_154 = arith.addi %add3A_67, %add3A_153 : i32
      %run_scoped3A_155 = arith.constant 3 : i32
      "tpu.region"() ({
        %run_scoped3A_194 = tpu.sem_alloc : memref<!tpu.dma_semaphore, #tpu.memory_space<semaphore_mem>>
        %dma_start3A_195 = arith.constant 0 : i32
        %dma_start3A_196 = arith.constant 0 : i32
        %dma_start3A_197 = tpu.memref_slice %arg9[%run_scoped3A_155, %dma_start3A_195, %dma_start3A_196] : memref<4x128x64xf32, #tpu.memory_space<vmem>> -> memref<1x128x64xf32, #tpu.memory_space<vmem>>
        %dma_start3A_198 = tpu.memref_squeeze %dma_start3A_197 : memref<1x128x64xf32, #tpu.memory_space<vmem>> -> memref<128x64xf32, #tpu.memory_space<vmem>>
        %dma_start3A_199 = arith.constant 0 : i32
        %dma_start3A_200 = tpu.memref_slice %arg8[%add3A_154, %dma_start3A_199] : memref<64x128xi32, #tpu.memory_space<vmem>> -> memref<1x128xi32, #tpu.memory_space<vmem>>
        %dma_start3A_201 = tpu.memref_squeeze %dma_start3A_200 : memref<1x128xi32, #tpu.memory_space<vmem>> -> memref<128xi32, #tpu.memory_space<vmem>>
        %dma_start3A_202 = arith.constant 0 : i32
        %dma_start3A_203 = arith.constant 0 : i32
        %dma_start3A_204 = tpu.memref_slice %arg10[%dma_start3A_202, %dma_start3A_203] : memref<10240x64xf32, #tpu.memory_space<vmem_shared>> -> memref<10240x64xf32, #tpu.memory_space<vmem_shared>>
        tpu.enqueue_indirect_dma source(%dma_start3A_198 : memref<128x64xf32, #tpu.memory_space<vmem>>) target(%dma_start3A_204 : memref<10240x64xf32, #tpu.memory_space<vmem_shared>>) offsets(%dma_start3A_201 : memref<128xi32, #tpu.memory_space<vmem>>) semaphore(%run_scoped3A_194 : memref<!tpu.dma_semaphore, #tpu.memory_space<semaphore_mem>>) {add = true}
        %dma_wait3A_205 = arith.constant 0 : i32
        %dma_wait3A_206 = arith.constant 0 : i32
        %dma_wait3A_207 = tpu.memref_slice %arg9[%run_scoped3A_155, %dma_wait3A_205, %dma_wait3A_206] : memref<4x128x64xf32, #tpu.memory_space<vmem>> -> memref<1x128x64xf32, #tpu.memory_space<vmem>>
        %dma_wait3A_208 = tpu.memref_squeeze %dma_wait3A_207 : memref<1x128x64xf32, #tpu.memory_space<vmem>> -> memref<128x64xf32, #tpu.memory_space<vmem>>
        %dma_wait3A_209 = arith.constant 0 : i32
        %dma_wait3A_210 = tpu.memref_slice %arg8[%add3A_154, %dma_wait3A_209] : memref<64x128xi32, #tpu.memory_space<vmem>> -> memref<1x128xi32, #tpu.memory_space<vmem>>
        %dma_wait3A_211 = tpu.memref_squeeze %dma_wait3A_210 : memref<1x128xi32, #tpu.memory_space<vmem>> -> memref<128xi32, #tpu.memory_space<vmem>>
        %dma_wait3A_212 = arith.constant 0 : i32
        %dma_wait3A_213 = arith.constant 0 : i32
        %dma_wait3A_214 = tpu.memref_slice %arg10[%dma_wait3A_212, %dma_wait3A_213] : memref<10240x64xf32, #tpu.memory_space<vmem_shared>> -> memref<10240x64xf32, #tpu.memory_space<vmem_shared>>
        tpu.wait_indirect_dma semaphore(%run_scoped3A_194 : memref<!tpu.dma_semaphore, #tpu.memory_space<semaphore_mem>>) src(%dma_wait3A_208 : memref<128x64xf32, #tpu.memory_space<vmem>>) dst(%dma_wait3A_214 : memref<10240x64xf32, #tpu.memory_space<vmem_shared>>)
        tpu.yield
      }) : () -> ()
      %add3A_156 = arith.constant 3 : i32
      %add3A_157 = arith.addi %add3A_67, %add3A_156 : i32
      %add3A_158 = arith.constant 4 : i32
      %add3A_159 = arith.addi %add3A_157, %add3A_158 : i32
      %lt3A_160 = arith.constant 6 : i32
      %lt3A_161 = arith.cmpi slt, %add3A_159, %lt3A_160 : i32
      %convert_element_type3A_162 = arith.extui %lt3A_161 : i1 to i32
      %cond3A_163 = arith.constant 0 : i32
      %cond3A_164 = arith.cmpi ne, %convert_element_type3A_162, %cond3A_163 : i32
      scf.if %cond3A_164 {
        %add3A_194 = arith.constant 3 : i32
        %add3A_195 = arith.addi %add3A_67, %add3A_194 : i32
        %add3A_196 = arith.constant 4 : i32
        %add3A_197 = arith.addi %add3A_195, %add3A_196 : i32
        %dma_start3A_198 = arith.constant 3 : i32
        %dma_start3A_199 = arith.constant 0 : i32
        %dma_start3A_200 = arith.constant 0 : i32
        %dma_start3A_201 = tpu.memref_slice %arg9[%dma_start3A_198, %dma_start3A_199, %dma_start3A_200] : memref<4x128x64xf32, #tpu.memory_space<vmem>> -> memref<1x128x64xf32, #tpu.memory_space<vmem>>
        %dma_start3A_202 = tpu.memref_squeeze %dma_start3A_201 : memref<1x128x64xf32, #tpu.memory_space<vmem>> -> memref<128x64xf32, #tpu.memory_space<vmem>>
        %dma_start3A_203 = arith.constant 0 : i32
        %dma_start3A_204 = tpu.memref_slice %arg7[%add3A_197, %dma_start3A_203] : memref<64x128xi32, #tpu.memory_space<vmem>> -> memref<1x128xi32, #tpu.memory_space<vmem>>
        %dma_start3A_205 = tpu.memref_squeeze %dma_start3A_204 : memref<1x128xi32, #tpu.memory_space<vmem>> -> memref<128xi32, #tpu.memory_space<vmem>>
        %dma_start3A_206 = arith.constant 0 : i32
        %dma_start3A_207 = arith.constant 0 : i32
        %dma_start3A_208 = tpu.memref_slice %arg2[%dma_start3A_206, %dma_start3A_207] : memref<10240x64xf32, #tpu.memory_space<hbm>> -> memref<10240x64xf32, #tpu.memory_space<hbm>>
        tpu.enqueue_indirect_dma source(%dma_start3A_208 : memref<10240x64xf32, #tpu.memory_space<hbm>>) target(%dma_start3A_202 : memref<128x64xf32, #tpu.memory_space<vmem>>) offsets(%dma_start3A_205 : memref<128xi32, #tpu.memory_space<vmem>>) semaphore(%arg14 : memref<!tpu.dma_semaphore, #tpu.memory_space<semaphore_mem>>)
      } else {
      }
      %scan3A_165 = arith.constant 1 : i32
      %dma_wait3A_166 = arith.constant 4 : i32
      %dma_wait3A_167 = arith.constant 0 : i32
      %dma_wait3A_168 = arith.constant 0 : i32
      %dma_wait3A_169 = arith.constant 0 : i32
      %dma_wait3A_170 = tpu.memref_slice %arg9[%dma_wait3A_167, %dma_wait3A_168, %dma_wait3A_169] : memref<4x128x64xf32, #tpu.memory_space<vmem>> -> memref<1x128x64xf32, #tpu.memory_space<vmem>>
      %dma_wait3A_171 = tpu.memref_squeeze %dma_wait3A_170 : memref<1x128x64xf32, #tpu.memory_space<vmem>> -> memref<128x64xf32, #tpu.memory_space<vmem>>
      %dma_wait3A_172 = arith.constant 0 : i32
      %dma_wait3A_173 = tpu.memref_slice %arg7[%dma_wait3A_166, %dma_wait3A_172] : memref<64x128xi32, #tpu.memory_space<vmem>> -> memref<1x128xi32, #tpu.memory_space<vmem>>
      %dma_wait3A_174 = tpu.memref_squeeze %dma_wait3A_173 : memref<1x128xi32, #tpu.memory_space<vmem>> -> memref<128xi32, #tpu.memory_space<vmem>>
      %dma_wait3A_175 = arith.constant 0 : i32
      %dma_wait3A_176 = arith.constant 0 : i32
      %dma_wait3A_177 = tpu.memref_slice %arg2[%dma_wait3A_175, %dma_wait3A_176] : memref<10240x64xf32, #tpu.memory_space<hbm>> -> memref<10240x64xf32, #tpu.memory_space<hbm>>
      tpu.wait_indirect_dma semaphore(%arg11 : memref<!tpu.dma_semaphore, #tpu.memory_space<semaphore_mem>>) src(%dma_wait3A_177 : memref<10240x64xf32, #tpu.memory_space<hbm>>) dst(%dma_wait3A_171 : memref<128x64xf32, #tpu.memory_space<vmem>>)
      %run_scoped3A_178 = arith.constant 0 : i32
      %run_scoped3A_179 = arith.constant 4 : i32
      "tpu.region"() ({
        %run_scoped3A_194 = tpu.sem_alloc : memref<!tpu.dma_semaphore, #tpu.memory_space<semaphore_mem>>
        %dma_start3A_195 = arith.constant 0 : i32
        %dma_start3A_196 = arith.constant 0 : i32
        %dma_start3A_197 = tpu.memref_slice %arg9[%run_scoped3A_178, %dma_start3A_195, %dma_start3A_196] : memref<4x128x64xf32, #tpu.memory_space<vmem>> -> memref<1x128x64xf32, #tpu.memory_space<vmem>>
        %dma_start3A_198 = tpu.memref_squeeze %dma_start3A_197 : memref<1x128x64xf32, #tpu.memory_space<vmem>> -> memref<128x64xf32, #tpu.memory_space<vmem>>
        %dma_start3A_199 = arith.constant 0 : i32
        %dma_start3A_200 = tpu.memref_slice %arg8[%run_scoped3A_179, %dma_start3A_199] : memref<64x128xi32, #tpu.memory_space<vmem>> -> memref<1x128xi32, #tpu.memory_space<vmem>>
        %dma_start3A_201 = tpu.memref_squeeze %dma_start3A_200 : memref<1x128xi32, #tpu.memory_space<vmem>> -> memref<128xi32, #tpu.memory_space<vmem>>
        %dma_start3A_202 = arith.constant 0 : i32
        %dma_start3A_203 = arith.constant 0 : i32
        %dma_start3A_204 = tpu.memref_slice %arg10[%dma_start3A_202, %dma_start3A_203] : memref<10240x64xf32, #tpu.memory_space<vmem_shared>> -> memref<10240x64xf32, #tpu.memory_space<vmem_shared>>
        tpu.enqueue_indirect_dma source(%dma_start3A_198 : memref<128x64xf32, #tpu.memory_space<vmem>>) target(%dma_start3A_204 : memref<10240x64xf32, #tpu.memory_space<vmem_shared>>) offsets(%dma_start3A_201 : memref<128xi32, #tpu.memory_space<vmem>>) semaphore(%run_scoped3A_194 : memref<!tpu.dma_semaphore, #tpu.memory_space<semaphore_mem>>) {add = true}
        %dma_wait3A_205 = arith.constant 0 : i32
        %dma_wait3A_206 = arith.constant 0 : i32
        %dma_wait3A_207 = tpu.memref_slice %arg9[%run_scoped3A_178, %dma_wait3A_205, %dma_wait3A_206] : memref<4x128x64xf32, #tpu.memory_space<vmem>> -> memref<1x128x64xf32, #tpu.memory_space<vmem>>
        %dma_wait3A_208 = tpu.memref_squeeze %dma_wait3A_207 : memref<1x128x64xf32, #tpu.memory_space<vmem>> -> memref<128x64xf32, #tpu.memory_space<vmem>>
        %dma_wait3A_209 = arith.constant 0 : i32
        %dma_wait3A_210 = tpu.memref_slice %arg8[%run_scoped3A_179, %dma_wait3A_209] : memref<64x128xi32, #tpu.memory_space<vmem>> -> memref<1x128xi32, #tpu.memory_space<vmem>>
        %dma_wait3A_211 = tpu.memref_squeeze %dma_wait3A_210 : memref<1x128xi32, #tpu.memory_space<vmem>> -> memref<128xi32, #tpu.memory_space<vmem>>
        %dma_wait3A_212 = arith.constant 0 : i32
        %dma_wait3A_213 = arith.constant 0 : i32
        %dma_wait3A_214 = tpu.memref_slice %arg10[%dma_wait3A_212, %dma_wait3A_213] : memref<10240x64xf32, #tpu.memory_space<vmem_shared>> -> memref<10240x64xf32, #tpu.memory_space<vmem_shared>>
        tpu.wait_indirect_dma semaphore(%run_scoped3A_194 : memref<!tpu.dma_semaphore, #tpu.memory_space<semaphore_mem>>) src(%dma_wait3A_208 : memref<128x64xf32, #tpu.memory_space<vmem>>) dst(%dma_wait3A_214 : memref<10240x64xf32, #tpu.memory_space<vmem_shared>>)
        tpu.yield
      }) : () -> ()
      %dma_wait3A_180 = arith.constant 5 : i32
      %dma_wait3A_181 = arith.constant 1 : i32
      %dma_wait3A_182 = arith.constant 0 : i32
      %dma_wait3A_183 = arith.constant 0 : i32
      %dma_wait3A_184 = tpu.memref_slice %arg9[%dma_wait3A_181, %dma_wait3A_182, %dma_wait3A_183] : memref<4x128x64xf32, #tpu.memory_space<vmem>> -> memref<1x128x64xf32, #tpu.memory_space<vmem>>
      %dma_wait3A_185 = tpu.memref_squeeze %dma_wait3A_184 : memref<1x128x64xf32, #tpu.memory_space<vmem>> -> memref<128x64xf32, #tpu.memory_space<vmem>>
      %dma_wait3A_186 = arith.constant 0 : i32
      %dma_wait3A_187 = tpu.memref_slice %arg7[%dma_wait3A_180, %dma_wait3A_186] : memref<64x128xi32, #tpu.memory_space<vmem>> -> memref<1x128xi32, #tpu.memory_space<vmem>>
      %dma_wait3A_188 = tpu.memref_squeeze %dma_wait3A_187 : memref<1x128xi32, #tpu.memory_space<vmem>> -> memref<128xi32, #tpu.memory_space<vmem>>
      %dma_wait3A_189 = arith.constant 0 : i32
      %dma_wait3A_190 = arith.constant 0 : i32
      %dma_wait3A_191 = tpu.memref_slice %arg2[%dma_wait3A_189, %dma_wait3A_190] : memref<10240x64xf32, #tpu.memory_space<hbm>> -> memref<10240x64xf32, #tpu.memory_space<hbm>>
      tpu.wait_indirect_dma semaphore(%arg12 : memref<!tpu.dma_semaphore, #tpu.memory_space<semaphore_mem>>) src(%dma_wait3A_191 : memref<10240x64xf32, #tpu.memory_space<hbm>>) dst(%dma_wait3A_185 : memref<128x64xf32, #tpu.memory_space<vmem>>)
      %run_scoped3A_192 = arith.constant 1 : i32
      %run_scoped3A_193 = arith.constant 5 : i32
      "tpu.region"() ({
        %run_scoped3A_194 = tpu.sem_alloc : memref<!tpu.dma_semaphore, #tpu.memory_space<semaphore_mem>>
        %dma_start3A_195 = arith.constant 0 : i32
        %dma_start3A_196 = arith.constant 0 : i32
        %dma_start3A_197 = tpu.memref_slice %arg9[%run_scoped3A_192, %dma_start3A_195, %dma_start3A_196] : memref<4x128x64xf32, #tpu.memory_space<vmem>> -> memref<1x128x64xf32, #tpu.memory_space<vmem>>
        %dma_start3A_198 = tpu.memref_squeeze %dma_start3A_197 : memref<1x128x64xf32, #tpu.memory_space<vmem>> -> memref<128x64xf32, #tpu.memory_space<vmem>>
        %dma_start3A_199 = arith.constant 0 : i32
        %dma_start3A_200 = tpu.memref_slice %arg8[%run_scoped3A_193, %dma_start3A_199] : memref<64x128xi32, #tpu.memory_space<vmem>> -> memref<1x128xi32, #tpu.memory_space<vmem>>
        %dma_start3A_201 = tpu.memref_squeeze %dma_start3A_200 : memref<1x128xi32, #tpu.memory_space<vmem>> -> memref<128xi32, #tpu.memory_space<vmem>>
        %dma_start3A_202 = arith.constant 0 : i32
        %dma_start3A_203 = arith.constant 0 : i32
        %dma_start3A_204 = tpu.memref_slice %arg10[%dma_start3A_202, %dma_start3A_203] : memref<10240x64xf32, #tpu.memory_space<vmem_shared>> -> memref<10240x64xf32, #tpu.memory_space<vmem_shared>>
        tpu.enqueue_indirect_dma source(%dma_start3A_198 : memref<128x64xf32, #tpu.memory_space<vmem>>) target(%dma_start3A_204 : memref<10240x64xf32, #tpu.memory_space<vmem_shared>>) offsets(%dma_start3A_201 : memref<128xi32, #tpu.memory_space<vmem>>) semaphore(%run_scoped3A_194 : memref<!tpu.dma_semaphore, #tpu.memory_space<semaphore_mem>>) {add = true}
        %dma_wait3A_205 = arith.constant 0 : i32
        %dma_wait3A_206 = arith.constant 0 : i32
        %dma_wait3A_207 = tpu.memref_slice %arg9[%run_scoped3A_192, %dma_wait3A_205, %dma_wait3A_206] : memref<4x128x64xf32, #tpu.memory_space<vmem>> -> memref<1x128x64xf32, #tpu.memory_space<vmem>>
        %dma_wait3A_208 = tpu.memref_squeeze %dma_wait3A_207 : memref<1x128x64xf32, #tpu.memory_space<vmem>> -> memref<128x64xf32, #tpu.memory_space<vmem>>
        %dma_wait3A_209 = arith.constant 0 : i32
        %dma_wait3A_210 = tpu.memref_slice %arg8[%run_scoped3A_193, %dma_wait3A_209] : memref<64x128xi32, #tpu.memory_space<vmem>> -> memref<1x128xi32, #tpu.memory_space<vmem>>
        %dma_wait3A_211 = tpu.memref_squeeze %dma_wait3A_210 : memref<1x128xi32, #tpu.memory_space<vmem>> -> memref<128xi32, #tpu.memory_space<vmem>>
        %dma_wait3A_212 = arith.constant 0 : i32
        %dma_wait3A_213 = arith.constant 0 : i32
        %dma_wait3A_214 = tpu.memref_slice %arg10[%dma_wait3A_212, %dma_wait3A_213] : memref<10240x64xf32, #tpu.memory_space<vmem_shared>> -> memref<10240x64xf32, #tpu.memory_space<vmem_shared>>
        tpu.wait_indirect_dma semaphore(%run_scoped3A_194 : memref<!tpu.dma_semaphore, #tpu.memory_space<semaphore_mem>>) src(%dma_wait3A_208 : memref<128x64xf32, #tpu.memory_space<vmem>>) dst(%dma_wait3A_214 : memref<10240x64xf32, #tpu.memory_space<vmem_shared>>)
        tpu.yield
      }) : () -> ()
    } else {
    }
    %barrier3A = arith.constant 0 : index
    tpu.barrier barrier_id(%barrier3A)
    %mul3A_8 = arith.constant 640 : i32
    %mul3A_9 = arith.muli %arg1, %mul3A_8 : i32
    %mul3A_10 = arith.constant 640 : i32
    %mul3A_11 = arith.muli %arg1, %mul3A_10 : i32
    "tpu.region"() ({
      %run_scoped3A = tpu.sem_alloc : memref<!tpu.dma_semaphore, #tpu.memory_space<semaphore_mem>>
      %dma_start3A = arith.constant 0 : i32
      %dma_start3A_12 = tpu.memref_slice %arg6[%arg0, %mul3A_11, %dma_start3A] : memref<2x10240x64xf32, #tpu.memory_space<hbm>> -> memref<1x640x64xf32, #tpu.memory_space<hbm>>
      %dma_start3A_13 = tpu.memref_squeeze %dma_start3A_12 : memref<1x640x64xf32, #tpu.memory_space<hbm>> -> memref<640x64xf32, #tpu.memory_space<hbm>>
      %dma_start3A_14 = arith.constant 0 : i32
      %dma_start3A_15 = tpu.memref_slice %arg10[%mul3A_9, %dma_start3A_14] : memref<10240x64xf32, #tpu.memory_space<vmem_shared>> -> memref<640x64xf32, #tpu.memory_space<vmem_shared>>
      tpu.enqueue_dma source(%dma_start3A_15 : memref<640x64xf32, #tpu.memory_space<vmem_shared>>) target(%dma_start3A_13 : memref<640x64xf32, #tpu.memory_space<hbm>>) target_semaphore(%run_scoped3A : memref<!tpu.dma_semaphore, #tpu.memory_space<semaphore_mem>>)
      %dma_wait3A = arith.constant 0 : i32
      %dma_wait3A_16 = tpu.memref_slice %arg6[%arg0, %mul3A_11, %dma_wait3A] : memref<2x10240x64xf32, #tpu.memory_space<hbm>> -> memref<1x640x64xf32, #tpu.memory_space<hbm>>
      %dma_wait3A_17 = tpu.memref_squeeze %dma_wait3A_16 : memref<1x640x64xf32, #tpu.memory_space<hbm>> -> memref<640x64xf32, #tpu.memory_space<hbm>>
      %dma_wait3A_18 = arith.constant 0 : i32
      %dma_wait3A_19 = tpu.memref_slice %arg10[%mul3A_9, %dma_wait3A_18] : memref<10240x64xf32, #tpu.memory_space<vmem_shared>> -> memref<640x64xf32, #tpu.memory_space<vmem_shared>>
      tpu.wait_dma2 semaphore(%run_scoped3A : memref<!tpu.dma_semaphore, #tpu.memory_space<semaphore_mem>>) src(%dma_wait3A_19 : memref<640x64xf32, #tpu.memory_space<vmem_shared>>) dst(%dma_wait3A_17 : memref<640x64xf32, #tpu.memory_space<hbm>>)
      tpu.yield
    }) : () -> ()
    return
  }
}

module attributes {stable_mosaic.version = 14 : i64} {
  func.func @body(%arg0: i32, %arg1: memref<1024x256xf32, #tpu.memory_space<vmem>>, %arg2: memref<256x128xf32, #tpu.memory_space<vmem>>, %arg3: memref<1024x128xf32, #tpu.memory_space<vmem>>) attributes {dimension_semantics = [#tpu.dimension_semantics<arbitrary>], iteration_bounds = array<i64: 5>, scalar_prefetch = 0 : i64, scratch_operands = 0 : i64, tpu.core_type = #tpu.core_type<tc>, window_params = [{transform_indices = @transform_0, window_bounds = array<i64: 1024, 256>}, {pipeline_mode = #tpu.pipeline_mode<synchronous>, transform_indices = @transform_1, window_bounds = array<i64: 256, 128>}, {transform_indices = @transform_2, window_bounds = array<i64: 1024, 128>}]} {
    %get3A = arith.constant 0 : index
    %get3A_0 = arith.constant 0 : index
    %get3A_1 = vector.load %arg1[%get3A, %get3A_0] : memref<1024x256xf32, #tpu.memory_space<vmem>>, vector<1024x256xf32>
    %get3A_2 = arith.constant 0 : index
    %get3A_3 = arith.constant 0 : index
    %get3A_4 = vector.load %arg2[%get3A_2, %get3A_3] : memref<256x128xf32, #tpu.memory_space<vmem>>, vector<256x128xf32>
    %dot_general3A = arith.constant dense<0.000000e+00> : vector<1024x128xf32>
    %dot_general3A_5 = tpu.matmul %get3A_1, %get3A_4, %dot_general3A {dimension_numbers = #tpu.dot_dimension_numbers<[1], [0], [0], [1], [0, 0, 1, 1], [], []>, transpose_lhs_hint = false} : vector<1024x256xf32>, vector<256x128xf32>, vector<1024x128xf32> -> vector<1024x128xf32>
    %swap3A = arith.constant 0 : index
    %swap3A_6 = arith.constant 0 : index
    %swap3A_7 = vector.load %arg3[%swap3A, %swap3A_6] : memref<1024x128xf32, #tpu.memory_space<vmem>>, vector<1024x128xf32>
    tpu.vector_store %arg3[%swap3A, %swap3A_6], %dot_general3A_5 {strides = array<i32>} : memref<1024x128xf32, #tpu.memory_space<vmem>>, vector<1024x128xf32>,
    return
  }
  func.func @transform_0(%arg0: i32) -> (i32, i32) {
    %c0_i32 = arith.constant 0 : i32
    %c0_i32_0 = arith.constant 0 : i32
    return %arg0, %c0_i32 : i32, i32
  }
  func.func @transform_1(%arg0: i32) -> (i32, i32) {
    %c0_i32 = arith.constant 0 : i32
    %c0_i32_0 = arith.constant 0 : i32
    %c0_i32_1 = arith.constant 0 : i32
    return %c0_i32, %c0_i32_0 : i32, i32
  }
  func.func @transform_2(%arg0: i32) -> (i32, i32) {
    %c0_i32 = arith.constant 0 : i32
    %c0_i32_0 = arith.constant 0 : i32
    return %arg0, %c0_i32 : i32, i32
  }
}

module attributes {stable_mosaic.version = 14 : i64} {
  func.func @body(%arg0: i32, %arg1: memref<1024x128xf32, #tpu.memory_space<vmem>>, %arg2: memref<1024x128xf32, #tpu.memory_space<vmem>>, %arg3: memref<1024x128xf32, #tpu.memory_space<vmem>>) attributes {dimension_semantics = [#tpu.dimension_semantics<arbitrary>], iteration_bounds = array<i64: 5>, scalar_prefetch = 0 : i64, scratch_operands = 0 : i64, tpu.core_type = #tpu.core_type<tc>, window_params = [{transform_indices = @transform_0, window_bounds = array<i64: 1024, 128>}, {transform_indices = @transform_1, window_bounds = array<i64: 1024, 128>}, {transform_indices = @transform_2, window_bounds = array<i64: 1024, 128>}]} {
    %get3A = arith.constant 0 : index
    %get3A_0 = arith.constant 0 : index
    %get3A_1 = vector.load %arg1[%get3A, %get3A_0] : memref<1024x128xf32, #tpu.memory_space<vmem>>, vector<1024x128xf32>
    %rsqrt3A = math.rsqrt %get3A_1 : vector<1024x128xf32>
    %get3A_2 = arith.constant 0 : index
    %get3A_3 = arith.constant 0 : index
    %get3A_4 = vector.load %arg2[%get3A_2, %get3A_3] : memref<1024x128xf32, #tpu.memory_space<vmem>>, vector<1024x128xf32>
    %mul3A = arith.mulf %rsqrt3A, %get3A_4 : vector<1024x128xf32>
    %swap3A = arith.constant 0 : index
    %swap3A_5 = arith.constant 0 : index
    %swap3A_6 = vector.load %arg3[%swap3A, %swap3A_5] : memref<1024x128xf32, #tpu.memory_space<vmem>>, vector<1024x128xf32>
    tpu.vector_store %arg3[%swap3A, %swap3A_5], %mul3A {strides = array<i32>} : memref<1024x128xf32, #tpu.memory_space<vmem>>, vector<1024x128xf32>,
    return
  }
  func.func @transform_0(%arg0: i32) -> (i32, i32) {
    %c0_i32 = arith.constant 0 : i32
    %c0_i32_0 = arith.constant 0 : i32
    return %arg0, %c0_i32 : i32, i32
  }
  func.func @transform_1(%arg0: i32) -> (i32, i32) {
    %c0_i32 = arith.constant 0 : i32
    %c0_i32_0 = arith.constant 0 : i32
    return %arg0, %c0_i32 : i32, i32
  }
  func.func @transform_2(%arg0: i32) -> (i32, i32) {
    %c0_i32 = arith.constant 0 : i32
    %c0_i32_0 = arith.constant 0 : i32
    return %arg0, %c0_i32 : i32, i32
  }
}

module attributes {stable_mosaic.version = 14 : i64} {
  func.func @body(%arg0: i32, %arg1: memref<2x1024x128xf32, #tpu.memory_space<vmem>>, %arg2: memref<1024x128xf32, #tpu.memory_space<vmem>>, %arg3: memref<1024x128xf32, #tpu.memory_space<vmem>>, %arg4: memref<1024x128xf32, #tpu.memory_space<vmem>>) attributes {dimension_semantics = [#tpu.dimension_semantics<arbitrary>], iteration_bounds = array<i64: 5>, scalar_prefetch = 0 : i64, scratch_operands = 0 : i64, tpu.core_type = #tpu.core_type<tc>, window_params = [{transform_indices = @transform_0, window_bounds = array<i64: 2, 1024, 128>}, {transform_indices = @transform_1, window_bounds = array<i64: 1024, 128>}, {transform_indices = @transform_2, window_bounds = array<i64: 1024, 128>}, {transform_indices = @transform_3, window_bounds = array<i64: 1024, 128>}]} {
    %get3A = arith.constant 0 : index
    %get3A_0 = arith.constant 0 : index
    %get3A_1 = arith.constant 0 : index
    %get3A_2 = vector.load %arg1[%get3A, %get3A_0, %get3A_1] : memref<2x1024x128xf32, #tpu.memory_space<vmem>>, vector<1x1024x128xf32>
    %get3A_3 = vector.shape_cast %get3A_2 : vector<1x1024x128xf32> to vector<1024x128xf32>
    %get3A_4 = arith.constant 1 : index
    %get3A_5 = arith.constant 0 : index
    %get3A_6 = arith.constant 0 : index
    %get3A_7 = vector.load %arg1[%get3A_4, %get3A_5, %get3A_6] : memref<2x1024x128xf32, #tpu.memory_space<vmem>>, vector<1x1024x128xf32>
    %get3A_8 = vector.shape_cast %get3A_7 : vector<1x1024x128xf32> to vector<1024x128xf32>
    %add3A = arith.addf %get3A_3, %get3A_8 : vector<1024x128xf32>
    %get3A_9 = arith.constant 0 : index
    %get3A_10 = arith.constant 0 : index
    %get3A_11 = vector.load %arg2[%get3A_9, %get3A_10] : memref<1024x128xf32, #tpu.memory_space<vmem>>, vector<1024x128xf32>
    %add3A_12 = arith.addf %add3A, %get3A_11 : vector<1024x128xf32>
    %get3A_13 = arith.constant 0 : index
    %get3A_14 = arith.constant 0 : index
    %get3A_15 = vector.load %arg3[%get3A_13, %get3A_14] : memref<1024x128xf32, #tpu.memory_space<vmem>>, vector<1024x128xf32>
    %div3A = arith.divf %add3A_12, %get3A_15 : vector<1024x128xf32>
    %swap3A = arith.constant 0 : index
    %swap3A_16 = arith.constant 0 : index
    %swap3A_17 = vector.load %arg4[%swap3A, %swap3A_16] : memref<1024x128xf32, #tpu.memory_space<vmem>>, vector<1024x128xf32>
    tpu.vector_store %arg4[%swap3A, %swap3A_16], %div3A {strides = array<i32>} : memref<1024x128xf32, #tpu.memory_space<vmem>>, vector<1024x128xf32>,
    return
  }
  func.func @transform_0(%arg0: i32) -> (i32, i32, i32) {
    %c0_i32 = arith.constant 0 : i32
    %c0_i32_0 = arith.constant 0 : i32
    %c0_i32_1 = arith.constant 0 : i32
    return %c0_i32, %arg0, %c0_i32_0 : i32, i32, i32
  }
  func.func @transform_1(%arg0: i32) -> (i32, i32) {
    %c0_i32 = arith.constant 0 : i32
    %c0_i32_0 = arith.constant 0 : i32
    return %arg0, %c0_i32 : i32, i32
  }
  func.func @transform_2(%arg0: i32) -> (i32, i32) {
    %c0_i32 = arith.constant 0 : i32
    %c0_i32_0 = arith.constant 0 : i32
    return %arg0, %c0_i32 : i32, i32
  }
  func.func @transform_3(%arg0: i32) -> (i32, i32) {
    %c0_i32 = arith.constant 0 : i32
    %c0_i32_0 = arith.constant 0 : i32
    return %arg0, %c0_i32 : i32, i32
  }
}

module attributes {stable_mosaic.version = 14 : i64} {
  func.func @body(%arg0: i32, %arg1: memref<2x1000x128xf32, #tpu.memory_space<vmem>>, %arg2: memref<1000x128xf32, #tpu.memory_space<vmem>>, %arg3: memref<1000x128xf32, #tpu.memory_space<vmem>>, %arg4: memref<1x128xf32, #tpu.memory_space<vmem>>, %arg5: memref<1000x128xf32, #tpu.memory_space<vmem>>) attributes {dimension_semantics = [#tpu.dimension_semantics<arbitrary>], iteration_bounds = array<i64: 5>, scalar_prefetch = 0 : i64, scratch_operands = 0 : i64, tpu.core_type = #tpu.core_type<tc>, window_params = [{transform_indices = @transform_0, window_bounds = array<i64: 2, 1000, 128>}, {transform_indices = @transform_1, window_bounds = array<i64: 1000, 128>}, {transform_indices = @transform_2, window_bounds = array<i64: 1000, 128>}, {pipeline_mode = #tpu.pipeline_mode<synchronous>, transform_indices = @transform_3, window_bounds = array<i64: 1, 128>}, {transform_indices = @transform_4, window_bounds = array<i64: 1000, 128>}]} {
    %get3A = arith.constant 0 : index
    %get3A_0 = arith.constant 0 : index
    %get3A_1 = vector.load %arg3[%get3A, %get3A_0] : memref<1000x128xf32, #tpu.memory_space<vmem>>, vector<1000x128xf32>
    %rsqrt3A = math.rsqrt %get3A_1 : vector<1000x128xf32>
    %get3A_2 = arith.constant 0 : index
    %get3A_3 = arith.constant 0 : index
    %get3A_4 = arith.constant 0 : index
    %get3A_5 = vector.load %arg1[%get3A_2, %get3A_3, %get3A_4] : memref<2x1000x128xf32, #tpu.memory_space<vmem>>, vector<1x1000x128xf32>
    %get3A_6 = vector.shape_cast %get3A_5 : vector<1x1000x128xf32> to vector<1000x128xf32>
    %get3A_7 = arith.constant 1 : index
    %get3A_8 = arith.constant 0 : index
    %get3A_9 = arith.constant 0 : index
    %get3A_10 = vector.load %arg1[%get3A_7, %get3A_8, %get3A_9] : memref<2x1000x128xf32, #tpu.memory_space<vmem>>, vector<1x1000x128xf32>
    %get3A_11 = vector.shape_cast %get3A_10 : vector<1x1000x128xf32> to vector<1000x128xf32>
    %add3A = arith.addf %get3A_6, %get3A_11 : vector<1000x128xf32>
    %get3A_12 = arith.constant 0 : index
    %get3A_13 = arith.constant 0 : index
    %get3A_14 = vector.load %arg2[%get3A_12, %get3A_13] : memref<1000x128xf32, #tpu.memory_space<vmem>>, vector<1000x128xf32>
    %add3A_15 = arith.addf %add3A, %get3A_14 : vector<1000x128xf32>
    %mul3A = arith.mulf %rsqrt3A, %add3A_15 : vector<1000x128xf32>
    %get3A_16 = arith.constant 0 : index
    %get3A_17 = arith.constant 0 : index
    %get3A_18 = vector.load %arg4[%get3A_16, %get3A_17] : memref<1x128xf32, #tpu.memory_space<vmem>>, vector<1x128xf32>
    %add3A_19 = vector.broadcast %get3A_18 : vector<1x128xf32> to vector<1000x128xf32>
    %add3A_20 = arith.addf %mul3A, %add3A_19 : vector<1000x128xf32>
    %slice3A = vector.extract_strided_slice %add3A_20 {offsets = [0, 0], sizes = [1000, 64], strides = [1, 1]} : vector<1000x128xf32> to vector<1000x64xf32>
    %reduce_max3A = arith.constant dense<0xFF800000> : vector<1000xf32>
    %reduce_max3A_21 = vector.multi_reduction <maximumf>, %slice3A, %reduce_max3A [1] : vector<1000x64xf32> to vector<1000xf32>
    %broadcast_in_dim3A = vector.shape_cast %reduce_max3A_21 : vector<1000xf32> to vector<1000x1xf32>
    %sub3A = vector.broadcast %broadcast_in_dim3A : vector<1000x1xf32> to vector<1000x64xf32>
    %sub3A_22 = arith.subf %slice3A, %sub3A : vector<1000x64xf32>
    %exp3A = math.exp %sub3A_22 : vector<1000x64xf32>
    %reduce_sum3A = arith.constant dense<0.000000e+00> : vector<1000xf32>
    %reduce_sum3A_23 = vector.multi_reduction <add>, %exp3A, %reduce_sum3A [1] : vector<1000x64xf32> to vector<1000xf32>
    %broadcast_in_dim3A_24 = vector.shape_cast %reduce_sum3A_23 : vector<1000xf32> to vector<1000x1xf32>
    %log3A = math.log %broadcast_in_dim3A_24 : vector<1000x1xf32>
    %sub3A_25 = vector.broadcast %broadcast_in_dim3A : vector<1000x1xf32> to vector<1000x64xf32>
    %sub3A_26 = arith.subf %slice3A, %sub3A_25 : vector<1000x64xf32>
    %sub3A_27 = vector.broadcast %log3A : vector<1000x1xf32> to vector<1000x64xf32>
    %sub3A_28 = arith.subf %sub3A_26, %sub3A_27 : vector<1000x64xf32>
    %swap3A = arith.constant 0 : index
    %swap3A_29 = arith.constant 0 : index
    %swap3A_30 = vector.load %arg5[%swap3A, %swap3A_29] : memref<1000x128xf32, #tpu.memory_space<vmem>>, vector<1000x64xf32>
    tpu.vector_store %arg5[%swap3A, %swap3A_29], %sub3A_28 {strides = array<i32>} : memref<1000x128xf32, #tpu.memory_space<vmem>>, vector<1000x64xf32>,
    %slice3A_31 = vector.extract_strided_slice %add3A_20 {offsets = [0, 64], sizes = [1000, 64], strides = [1, 1]} : vector<1000x128xf32> to vector<1000x64xf32>
    %reduce_max3A_32 = arith.constant dense<0xFF800000> : vector<1000xf32>
    %reduce_max3A_33 = vector.multi_reduction <maximumf>, %slice3A_31, %reduce_max3A_32 [1] : vector<1000x64xf32> to vector<1000xf32>
    %broadcast_in_dim3A_34 = vector.shape_cast %reduce_max3A_33 : vector<1000xf32> to vector<1000x1xf32>
    %sub3A_35 = vector.broadcast %broadcast_in_dim3A_34 : vector<1000x1xf32> to vector<1000x64xf32>
    %sub3A_36 = arith.subf %slice3A_31, %sub3A_35 : vector<1000x64xf32>
    %exp3A_37 = math.exp %sub3A_36 : vector<1000x64xf32>
    %reduce_sum3A_38 = arith.constant dense<0.000000e+00> : vector<1000xf32>
    %reduce_sum3A_39 = vector.multi_reduction <add>, %exp3A_37, %reduce_sum3A_38 [1] : vector<1000x64xf32> to vector<1000xf32>
    %broadcast_in_dim3A_40 = vector.shape_cast %reduce_sum3A_39 : vector<1000xf32> to vector<1000x1xf32>
    %log3A_41 = math.log %broadcast_in_dim3A_40 : vector<1000x1xf32>
    %sub3A_42 = vector.broadcast %broadcast_in_dim3A_34 : vector<1000x1xf32> to vector<1000x64xf32>
    %sub3A_43 = arith.subf %slice3A_31, %sub3A_42 : vector<1000x64xf32>
    %sub3A_44 = vector.broadcast %log3A_41 : vector<1000x1xf32> to vector<1000x64xf32>
    %sub3A_45 = arith.subf %sub3A_43, %sub3A_44 : vector<1000x64xf32>
    %swap3A_46 = arith.constant 0 : index
    %swap3A_47 = arith.constant 64 : index
    %swap3A_48 = vector.load %arg5[%swap3A_46, %swap3A_47] : memref<1000x128xf32, #tpu.memory_space<vmem>>, vector<1000x64xf32>
    tpu.vector_store %arg5[%swap3A_46, %swap3A_47], %sub3A_45 {strides = array<i32>} : memref<1000x128xf32, #tpu.memory_space<vmem>>, vector<1000x64xf32>,
    return
  }
  func.func @transform_0(%arg0: i32) -> (i32, i32, i32) {
    %c0_i32 = arith.constant 0 : i32
    %c0_i32_0 = arith.constant 0 : i32
    %c0_i32_1 = arith.constant 0 : i32
    return %c0_i32, %arg0, %c0_i32_0 : i32, i32, i32
  }
  func.func @transform_1(%arg0: i32) -> (i32, i32) {
    %c0_i32 = arith.constant 0 : i32
    %c0_i32_0 = arith.constant 0 : i32
    return %arg0, %c0_i32 : i32, i32
  }
  func.func @transform_2(%arg0: i32) -> (i32, i32) {
    %c0_i32 = arith.constant 0 : i32
    %c0_i32_0 = arith.constant 0 : i32
    return %arg0, %c0_i32 : i32, i32
  }
  func.func @transform_3(%arg0: i32) -> (i32, i32) {
    %c0_i32 = arith.constant 0 : i32
    %c0_i32_0 = arith.constant 0 : i32
    %c0_i32_1 = arith.constant 0 : i32
    return %c0_i32, %c0_i32_0 : i32, i32
  }
  func.func @transform_4(%arg0: i32) -> (i32, i32) {
    %c0_i32 = arith.constant 0 : i32
    %c0_i32_0 = arith.constant 0 : i32
    return %arg0, %c0_i32 : i32, i32
  }
}

</mosaic_0001>

<sc_bundles>
// kernel: kernel.12.cloned.1.call-start
scs
__scs_entry_jumppad:
0x0: {  	(pc) =	sbr.rel $0x88, $3  }
0x1: {  	(tag) =	ssettag $0x0;
	lr =	simm.s32 $0x1  }
0x2: {  	[smem:$0x3F9D] =	sst lr;
	_ =	strace $0xD0000000  }
0x3: {  	_ = 	snop  }
0x4: {  	_ = 	snop  }
0x5: {  	_ = 	snop  }
0x6: {  	_ = 	snop  }
0x7: {  	_ = 	snop  }
__scs_overlays_trampoline_lowered:
0x8: {  	[smem:$0x3FAC] =	sst s0  }
0x9: {  	[smem:$0x3FAD] =	sst s1  }
0xa: {  	[smem:$0x3FAE] =	sst s2  }
0xb: {  	[smem:$0x3FAF] =	sst s3  }
0xc: {  	[smem:$0x3FB0] =	sst s4  }
0xd: {  	[smem:$0x3FB1] =	sst s5  }
0xe: {  	[smem:$0x3FB2] =	sst s6  }
0xf: {  	[smem:$0x3FB3] =	sst s7  }
0x10: {  	[smem:$0x3FB4] =	sst s8  }
0x11: {  	[smem:$0x3FB5] =	sst s9;
	s0 =	simm.s32 @!p0 $0x0  }
0x12: {  	s1 =	sld [smem:$0x3F9B];
	s0 =	simm.s32 @p0 $0x1  }
0x13: {  	[smem:$0x3FB6] =	sst s0;
	s0 =	simm.s32 @!p1 $0x0  }
0x14: {  	s2 =	sld [smem:$0x3F9A];
	s0 =	simm.s32 @p1 $0x1  }
0x15: {  	[smem:$0x3FB7] =	sst s0;
	s0 =	simm.s32 @!p2 $0x0  }
0x16: {  	s3 =	sld [smem:$0x3FDB];
	s0 =	simm.s32 @p2 $0x1  }
0x17: {  	s4 =	simm.s32 $0x1BF5;
	[smem:$0x3FB9] =	sst s0  }
0x18: {  	s0 =	sld [smem:$0x3F9C];
	_ =	swait.ge [sflag:s4], $0x0  }
0x19: {  	s7 =	sld [smem:$0x3F9D]  }
0x1a: {  	s8 =	sadd.s32 $0xFFFFE003, lr  }
0x1b: {  	s9 =	sadd.s32 $0xFFFFFEF7, lr;
	s5 =	simm.s32 $0xFFFFFFFF;
	p2 =	slt.u32 s8, $0xFFFFF086  }
0x1c: {  	p1 =	slt.u32 s9, $0xF7A;
	s5 =	simm.s32 @!p2 $0x0  }
0x1d: {  	s5 =	simm.s32 @p1 $0x1;
	p0 =	seq.s32 s7, s2  }
0x1e: {  	s7 =	smul.u32 @!p0 $0xF7A, s2;
	p2 =	seq.s32 @!p0 s5, $0x0  }
0x1f: {  	s9 =	smul.u32 $0xF7A, s1;
	s8 =	simm.s32 @!p0 $0x1BF5;
	p2 =	por !p2, p0  }
0x20: {  	[sflag:s8] =	ssyncset.s32 @!p0 $0xFFFFF086;
	s6 =	sadd.s32 @!p0 s3, s7;
	s7 =	simm.s32 @!p0 $0x108  }
0x21: {  	s3 =	sadd.s32 s3, s9;
	s6 =	sadd.s32 @!p0 $0x88, s6;
	s7 =	simm.s32 @p2 $0x1082  }
0x22: {  	[simem:s7], [sflag:s8] =	dma.local @!p0 [hbm:s6], $0xF7A  }
0x23: {  	s9 =	sor.u32 $0xD0000000, s2;
	s6 =	simm.s32 $0x108;
	_ =	swait.ge @!p0 [sflag:s8], $0x0  }
0x24: {  	s3 =	sadd.s32 $0x88, s3;
	s6 =	simm.s32 @!p1 $0x1082;
	[sflag:s4] =	ssyncset.s32 $0xFFFFF086  }
0x25: {  	[simem:s6], [sflag:s4] =	dma.local [hbm:s3], $0xF7A  }
0x26: {  	[smem:$0x3F9D] =	sst s1;
	(tag) =	ssettag s2;
	_ =	strace s9  }
0x27: {  	s1 =	sld [smem:$0x3FAD]  }
0x28: {  	s2 =	sld [smem:$0x3FAE]  }
0x29: {  	s4 =	sld [smem:$0x3FB0]  }
0x2a: {  	p0 =	seq.s32 s5, $0x0;
	s5 =	sld [smem:$0x3FB1]  }
0x2b: {  	s6 =	sld [smem:$0x3FB2]  }
0x2c: {  	s7 =	sld [smem:$0x3FB3]  }
0x2d: {  	s3 =	simm.s32 $0x108;
	s8 =	sld [smem:$0x3FB4]  }
0x2e: {  	s3 =	simm.s32 @!p0 $0x1082;
	s9 =	sld [smem:$0x3FB5]  }
0x2f: {  	lr =	sadd.s32 s0, s3;
	s0 =	sld [smem:$0x3FAC]  }
0x30: {  	s3 =	sld [smem:$0x3FAF]  }
0x31: {  	[smem:$0x3FB8] =	sst s10  }
0x32: {  	s10 =	sld [smem:$0x3FB6];
	_ =	sdelay $0x3  }
0x33: {  	p0 =	seq.s32 s10, $0x1;
	s10 =	sld [smem:$0x3FB8];
	_ =	sdelay $0x3  }
0x34: {  	[smem:$0x3FB8] =	sst s10  }
0x35: {  	s10 =	sld [smem:$0x3FB7];
	_ =	sdelay $0x3  }
0x36: {  	p1 =	seq.s32 s10, $0x1;
	s10 =	sld [smem:$0x3FB8];
	_ =	sdelay $0x3  }
0x37: {  	[smem:$0x3FB8] =	sst s10  }
0x38: {  	s10 =	sld [smem:$0x3FB9]  }
0x39: {  	_ = 	snop;
	(pc) =	sbr.ind lr, $3  }
0x3a: {  	_ = 	snop  }
0x3b: {  	_ = 	snop  }
0x3c: {  	p2 =	seq.s32 s10, $0x1;
	s10 =	sld [smem:$0x3FB8]  }
0x3d: {  	_ =	shalt  }
0x3e: {  	_ =	shalt  }
0x3f: {  	_ =	shalt  }
0x40: {  	_ =	shalt  }
0x41: {  	_ =	shalt  }
0x42: {  	_ =	shalt  }
0x43: {  	_ =	shalt  }
0x44: {  	_ =	shalt  }
0x45: {  	_ =	shalt  }
0x46: {  	_ =	shalt  }
0x47: {  	_ =	shalt  }
0x48: {  	_ =	shalt  }
0x49: {  	_ =	shalt  }
0x4a: {  	_ =	shalt  }
0x4b: {  	_ =	shalt  }
0x4c: {  	_ =	shalt  }
0x4d: {  	_ =	shalt  }
0x4e: {  	_ =	shalt  }
0x4f: {  	_ =	shalt  }
0x50: {  	_ =	shalt  }
0x51: {  	_ =	shalt  }
0x52: {  	_ =	shalt  }
0x53: {  	_ =	shalt  }
0x54: {  	_ =	shalt  }
0x55: {  	_ =	shalt  }
0x56: {  	_ =	shalt  }
0x57: {  	_ =	shalt  }
0x58: {  	_ =	shalt  }
0x59: {  	_ =	shalt  }
0x5a: {  	_ =	shalt  }
0x5b: {  	_ =	shalt  }
0x5c: {  	_ =	shalt  }
0x5d: {  	_ =	shalt  }
0x5e: {  	_ =	shalt  }
0x5f: {  	_ =	shalt  }
0x60: {  	_ =	shalt  }
0x61: {  	_ =	shalt  }
0x62: {  	_ =	shalt  }
0x63: {  	_ =	shalt  }
0x64: {  	_ =	shalt  }
0x65: {  	_ =	shalt  }
0x66: {  	_ =	shalt  }
0x67: {  	_ =	shalt  }
0x68: {  	_ =	shalt  }
0x69: {  	_ =	shalt  }
0x6a: {  	_ =	shalt  }
0x6b: {  	_ =	shalt  }
0x6c: {  	_ =	shalt  }
0x6d: {  	_ =	shalt  }
0x6e: {  	_ =	shalt  }
0x6f: {  	_ =	shalt  }
0x70: {  	_ =	shalt  }
0x71: {  	_ =	shalt  }
0x72: {  	_ =	shalt  }
0x73: {  	_ =	shalt  }
0x74: {  	_ =	shalt  }
0x75: {  	_ =	shalt  }
0x76: {  	_ =	shalt  }
0x77: {  	_ =	shalt  }
0x78: {  	_ =	shalt  }
0x79: {  	_ =	shalt  }
0x7a: {  	_ =	shalt  }
0x7b: {  	_ =	shalt  }
0x7c: {  	_ =	shalt  }
0x7d: {  	_ =	shalt  }
0x7e: {  	_ =	shalt  }
0x7f: {  	_ =	shalt  }
0x80: {  	_ =	shalt  }
0x81: {  	_ =	shalt  }
0x82: {  	_ =	shalt  }
0x83: {  	_ =	shalt  }
0x84: {  	_ =	shalt  }
0x85: {  	_ =	shalt  }
0x86: {  	_ =	shalt  }
0x87: {  	_ =	shalt  }
.Lfunc_end0:
.L_simem_size_0:
called_computation.1_lowered:
.L_overlay_start_0:
0x88: {  	s2 =	sld [smem:$0x3FD9]  }
0x89: {  	s3 =	sld [smem:$0x3FFE];
	_ =	sdelay $0x1  }
0x8a: {  	s1 =	srdreg.scid  }
0x8b: {  	s0 =	sand.u32 $0x1, s1  }
0x8c: {  	s17 =	sshll.u32 s0, $0xA;
	s2 =	sadd.s32 s3, s2  }
0x8d: {  	s2 =	sadd.s32 s2, s17  }
0x8e: {  	[smem:$0x3FC4] =	sst s2  }
0x8f: {  	_ = 	snop  }
0x90: {  	s2 =	sld [smem:$0x3FD0];
	(tm) =	ssettm $0x1  }
0x91: {  	s18 =	sld [smem:$0x3FFB];
	_ =	sdelay $0x3  }
0x92: {  	_ =	strace s18  }
0x93: {  	s3 =	sld [smem:$0x3FFC];
	_ =	sdelay $0x3  }
0x94: {  	_ =	strace s3  }
0x95: {  	s3 =	sld [smem:$0x3FFD];
	_ =	sdelay $0x3  }
0x96: {  	_ =	strace s3  }
0x97: {  	_ =	strace $0x8FFFFFFF  }
0x98: {  	s19 =	sld [smem:$0x3FDB];
	_ =	sdelay $0x1  }
0x99: {  	s4 =	simm.s32 $_scs_section_size  }
0x9a: {  	s5 =	simm.s32 $_size__tile_overlayer_lowered;
	s6 =	simm.s32 $_tile_overlayer_lowered  }
0x9b: {  	s22 =	simm.s32 $0x1BFF;
	s21 =	sshll.u32 s6, $0x1;
	s3 =	sadd.s32 s4, s19  }
0x9c: {  	s7 =	simm.s32 $0x0;
	s20 =	sshll.u32 s5, $0x1;
	s5 =	sadd.s32 s21, s3  }
0x9d: {  	[timem:s7], [sflag:s22] =	dma.local [hbm:s5], s20  }
0x9e: {  	_ =	swait.ge [sflag:s22], s20  }
0x9f: {  	s4 =	ssub.s32 $0x0, s20;
	[sflag:s22] =	ssyncset.done $0x0  }
0xa0: {  	[sflag:s22] =	ssyncadd.s32 s4;
	_ =	sdelay $0x1  }
0xa1: {  	s23 =	simm.s32 $0x1B8B  }
0xa2: {  	_ =	swait.ge [sflag:s23], $0x1  }
0xa3: {  	[sflag:s23] =	ssyncset.done $0x0  }
0xa4: {  	s25 =	simm.s32 $0x1B8E;
	s24 =	sld [smem:$0x3FFE];
	[sflag:s23] =	ssyncadd.s32 $0xFFFFFFFF  }
0xa5: {  	s26 =	simm.s32 $execute0_lowered;
	[smem:$0x3FD2] =	sst s25  }
0xa6: {  	s5 =	sshll.u32 s26, $0x1;
	_ =	strace $0x80000049;
	[dreg:$0x1] =	wrdreg $0xFFFFFFFF  }
0xa7: {  	s28 =	simm.s32 $_size_execute0_lowered;
	s3 =	sadd.s32 s3, s5;
	[dreg:$0x0] =	wrdreg $0x0  }
0xa8: {  	s5 =	sshll.u32 s28, $0x1;
	[dreg:$0x2] =	wrdreg s3  }
0xa9: {  	[dreg:$0x3] =	wrdreg s5  }
0xaa: {  	[dreg:$0x4] =	wrdreg $0xC0  }
0xab: {  	_ =	task [dreg:s7], $0x5FFFF  }
0xac: {  	[dreg:$0x1] =	wrdreg $0xFFFFFFFF  }
0xad: {  	[dreg:$0x0] =	wrdreg $0x60  }
0xae: {  	[dreg:$0x2] =	wrdreg s24  }
0xaf: {  	[dreg:$0x3] =	wrdreg s2  }
0xb0: {  	[dreg:$0x4] =	wrdreg $0xC0000  }
0xb1: {  	[dreg:$0x5] =	wrdreg $0x9  }
0xb2: {  	_ =	task.clear_ibuf [dreg:s7], $0x6FFFF;
	_ =	strace $0x90000049  }
0xb3: {  	s29 =	simm.s32 $0x9;
	_ =	strace $0x8000004B  }
0xb4: {  	_ =	swait.ge [sflag:s29], $0x1  }
0xb5: {  	[sflag:s29] =	ssyncadd.s32 $0xFFFFFFFF  }
0xb6: {  	_ =	strace $0x9000004B  }
0xb7: {  	_ =	sfence  }
0xb8: {  	s30 =	sld [smem:$0x0];
	_ =	sdelay $0x2  }
0xb9: {  	s31 =	sshll.u32 s1, $0xD;
	s1 =	sshrl.u32 s1, $0x2  }
0xba: {  	s3 =	sand.u32 $0x4000, s31;
	s1 =	sadd.s32 s1, s30  }
0xbb: {  	s0 =	sor.u32 s3, s0;
	s1 =	sshll.u32 s1, $0x11  }
0xbc: {  	s0 =	sor.u32 s1, s0  }
0xbd: {  	s0 =	sadd.s32 $0x8F2B, s0  }
0xbe: {  	[sflag:s0] =	ssyncadd.remote.s32 $0x1  }
0xbf: {  	_ =	sfence.sel $0xFFFF  }
0xc0: {  	[dreg:$0x0] =	wrdreg $0xFFFFFFFF;
	(pc) =	sbr.abs _section_cstart, $3  }
0xc1: {  	[dreg:$0x1] =	wrdreg $0xFFFFFFFF  }
0xc2: {  	_ =	task.clear_ibuf [dreg:s7], $0x2FFFF;
	_ =	strace $0x9FFFFFFF  }
0xc3: {  	(tm) =	ssettm $0x7FFFFFFF  }
tec
execute0_lowered:
.L_overlay_start_1:
0x0: {  	(tag) =	ssettag $0x1  }
0x1: {  	s0 =	rddreg [dreg:$0x0]  }
0x2: {  	s14 =	rddreg [dreg:$0x1];
	s1 =	srdreg.scid  }
0x3: {  	s13 =	stileid.u32;
	s3 =	rddreg [dreg:$0x2];
	s4 =	simm.s32 $0x0  }
0x4: {  	s18 =	simm.s32 $0x5;
	s28 =	simm.s32 $0x1;
	s30 =	simm.s32 $0x2  }
0x5: {  	s29 =	simm.s32 $0x2280;
	s31 =	simm.s32 $0x3E80;
	s2 =	smul.u32 $0xA000, s13  }
0x6: {  	s1 =	sand.u32 $0x1, s1;
	[smem:$0x7FF] =	sst s4;
	s9 =	smul.u32 $0x980, s13  }
0x7: {  	s5 =	sadd.s32 $0x15A00, s0;
	s7 =	sadd.s32 $0xBC00, s0;
	s12 =	smul.u32 $0x4C00, s13  }
0x8: {  	s8 =	sadd.s32 $0x1600, s0;
	s11 =	sshll.u32 s13, $0x6;
	s23 =	smul.u32 $0x60, s13  }
0x9: {  	s13 =	simm.s32 $0x200;
	s6 =	smul.u32 $0xA0000, s1;
	s19 =	ssub.s32 $0x2, s1  }
0xa: {  	_ =	strace $0x8000004A;
	p0 =	seq.s32 s1, $0x1;
	s10 =	sshrl.u32 s19, $0x1  }
0xb: {  	s20 =	sadd.s32 s7, s9;
	s21 =	sshrl.u32 s12, $0x3;
	s9 =	sadd.s32 s8, s9  }
0xc: {  	s26 =	sor.u32 $0x9800, s23;
	s23 =	simm.s32 $0x100;
	s12 =	simm.s32 $0x0  }
0xd: {  	s6 =	sadd.s32 s2, s6;
	s10 =	ssub.s32 s19, s10;
	[dreg:$0x4] =	wrdreg s20  }
0xe: {  	s2 =	sadd.s32 s2, s3;
	[dreg:$0x5] =	wrdreg s9;
	s22 =	sadd.s32 $0x400, s21  }
0xf: {  	s1 =	sadd.s32 $0x800, s21;
	s19 =	simm.s32 $0x2000;
	s20 =	simm.s32 $0x80  }
0x10: {  	s21 =	simm.s32 $0x4000;
	s6 =	sshrl.u32 s6, $0x3;
	s24 =	sadd.s32 s7, s22  }
0x11: {  	s9 =	sadd.s32 s8, s22;
	s25 =	sadd.s32 s7, s1;
	s1 =	sadd.s32 s8, s1  }
0x12: {  	s7 =	sadd.s32 s7, s26;
	s16 =	smax.u32 s10, $0x1;
	[dreg:$0x6] =	wrdreg s24  }
0x13: {  	s17 =	sshrl.u32 s2, $0x3;
	s22 =	simm.s32 $0x6000;
	[dreg:$0x7] =	wrdreg s9  }
0x14: {  	s10 =	simm.s32 $0x3E00;
	s0 =	sadd.s32 s6, s0;
	[dreg:$0x8] =	wrdreg s25  }
.Ltmp0:
0x15: {  	s6 =	sor.u32 $0x1C05, s11;
	[dreg:$0x9] =	wrdreg s1;
	(pc) =	sbr.rel .LBB2_1-.Ltmp0, $4  }
0x16: {  	[dreg:$0xa] =	wrdreg s7;
	s1 =	sadd.s32 s8, s26;
	s24 =	simm.s32 $0x8000  }
0x17: {  	s25 =	simm.s32 $0x180;
	s26 =	simm.s32 $0xA000;
	s7 =	simm.s32 $0x4  }
0x18: {  	s9 =	simm.s32 $0x2200;
	s11 =	simm.s32 $0x3F00;
	[dreg:$0xb] =	wrdreg s1  }
0x19: {  	s15 =	sadd.s32 $0x29A00, s0;
	s0 =	simm.s32 $0x3;
	s1 =	simm.s32 $0x3F80  }
.LBB2_7:
0x1a: {  	s2 =	rddreg [dreg:$0xa]  }
0x1b: {  	[tilespmem:s4], [sflag:$0x5] =	stream.linear.gather [hbm4b:s2+s4], $0x300, $0x38;
	[tilespmem:$0x16000] =	vst v63  }
0x1c: {  	_ =	swait.ge [sflag:s18], $0x300  }
0x1d: {  	[sflag:s18] =	ssyncset.done $0x0  }
0x1e: {  	s8 =	rddreg [dreg:$0xb];
	[sflag:s18] =	ssyncadd.s32 $0xFFFFFD00  }
0x1f: {  	[tilespmem:s19], [sflag:$0x5] =	stream.linear.gather [hbm4b:s8+s4], $0x300, $0x38;
	[tilespmem:$0x16000] =	vst v63  }
0x20: {  	_ =	swait.ge [sflag:s18], $0x300  }
0x21: {  	[sflag:s18] =	ssyncset.done $0x0  }
0x22: {  	[sflag:s18] =	ssyncadd.s32 $0xFFFFFD00  }
0x23: {  	[tilespmem:s21], [sflag:$0x1] =	stream.indirect.gather [hbm4b:s5+s20], $0x40, s4, s20, $0xb8;
	[tilespmem:$0x16000] =	vst v63  }
0x24: {  	_ = 	snop  }
0x25: {  	[tilespmem:s22], [sflag:$0x2] =	stream.indirect.gather [hbm4b:s5+s20], $0x40, s20, s20, $0xb8;
	[tilespmem:$0x16000] =	vst v63  }
0x26: {  	_ = 	snop  }
0x27: {  	[tilespmem:s24], [sflag:$0x3] =	stream.indirect.gather [hbm4b:s5+s20], $0x40, s23, s20, $0xb8;
	[tilespmem:$0x16000] =	vst v63  }
0x28: {  	_ = 	snop  }
0x29: {  	[tilespmem:s26], [sflag:$0x4] =	stream.indirect.gather [hbm4b:s5+s20], $0x40, s25, s20, $0xb8;
	[tilespmem:$0x16000] =	vst v63  }
0x2a: {  	_ =	swait.ge [sflag:s28], $0x2000  }
0x2b: {  	[sflag:s28] =	ssyncset.done $0x0  }
0x2c: {  	[sflag:s28] =	ssyncadd.s32 $0xFFFFE000  }
0x2d: {  	[spmem:s3] =	stream.indirect.scatter.add.f32 [tilespmem:s21], [sflag:$0x5], $0x40, s19, s20, $0xb8;
	[tilespmem:$0x16000] =	vst v63  }
0x2e: {  	_ =	swait.ge [sflag:s18], $0x2000  }
0x2f: {  	[sflag:s18] =	ssyncset.done $0x0  }
0x30: {  	[sflag:s18] =	ssyncadd.s32 $0xFFFFE000  }
0x31: {  	[tilespmem:s21], [sflag:$0x1] =	stream.indirect.gather [hbm4b:s5+s20], $0x40, s13, s20, $0xb8;
	[tilespmem:$0x16000] =	vst v63  }
0x32: {  	_ =	swait.ge [sflag:s30], $0x2000  }
0x33: {  	[sflag:s30] =	ssyncset.done $0x0  }
0x34: {  	s8 =	simm.s32 $0x2080;
	[sflag:s30] =	ssyncadd.s32 $0xFFFFE000  }
0x35: {  	[spmem:s3] =	stream.indirect.scatter.add.f32 [tilespmem:s22], [sflag:$0x5], $0x40, s8, s20, $0xb8;
	[tilespmem:$0x16000] =	vst v63  }
0x36: {  	_ =	swait.ge [sflag:s18], $0x2000  }
0x37: {  	[sflag:s18] =	ssyncset.done $0x0  }
0x38: {  	s8 =	simm.s32 $0x280;
	[sflag:s18] =	ssyncadd.s32 $0xFFFFE000  }
0x39: {  	[tilespmem:s22], [sflag:$0x2] =	stream.indirect.gather [hbm4b:s5+s20], $0x40, s8, s20, $0xb8;
	[tilespmem:$0x16000] =	vst v63  }
0x3a: {  	_ =	swait.ge [sflag:s0], $0x2000  }
0x3b: {  	[sflag:s0] =	ssyncset.done $0x0  }
0x3c: {  	s8 =	simm.s32 $0x2100;
	[sflag:s0] =	ssyncadd.s32 $0xFFFFE000  }
0x3d: {  	[spmem:s3] =	stream.indirect.scatter.add.f32 [tilespmem:s24], [sflag:$0x5], $0x40, s8, s20, $0xb8;
	[tilespmem:$0x16000] =	vst v63  }
0x3e: {  	_ =	swait.ge [sflag:s18], $0x2000  }
0x3f: {  	[sflag:s18] =	ssyncset.done $0x0  }
0x40: {  	[sflag:s18] =	ssyncadd.s32 $0xFFFFE000  }
0x41: {  	_ =	swait.ge [sflag:s7], $0x2000  }
0x42: {  	[sflag:s7] =	ssyncset.done $0x0  }
0x43: {  	s8 =	simm.s32 $0x2180;
	[sflag:s7] =	ssyncadd.s32 $0xFFFFE000  }
0x44: {  	[spmem:s3] =	stream.indirect.scatter.add.f32 [tilespmem:s26], [sflag:$0x5], $0x40, s8, s20, $0xb8;
	[tilespmem:$0x16000] =	vst v63  }
0x45: {  	_ =	swait.ge [sflag:s18], $0x2000  }
0x46: {  	[sflag:s18] =	ssyncset.done $0x0  }
0x47: {  	[sflag:s18] =	ssyncadd.s32 $0xFFFFE000  }
0x48: {  	_ =	swait.ge [sflag:s28], $0x2000  }
0x49: {  	[sflag:s28] =	ssyncset.done $0x0  }
0x4a: {  	[sflag:s28] =	ssyncadd.s32 $0xFFFFE000  }
0x4b: {  	[spmem:s3] =	stream.indirect.scatter.add.f32 [tilespmem:s21], [sflag:$0x5], $0x40, s9, s20, $0xb8;
	[tilespmem:$0x16000] =	vst v63  }
0x4c: {  	_ =	swait.ge [sflag:s18], $0x2000  }
0x4d: {  	[sflag:s18] =	ssyncset.done $0x0  }
0x4e: {  	[sflag:s18] =	ssyncadd.s32 $0xFFFFE000  }
0x4f: {  	_ =	swait.ge [sflag:s30], $0x2000  }
0x50: {  	[sflag:s30] =	ssyncset.done $0x0  }
0x51: {  	[sflag:s30] =	ssyncadd.s32 $0xFFFFE000  }
0x52: {  	[spmem:s3] =	stream.indirect.scatter.add.f32 [tilespmem:s22], [sflag:$0x5], $0x40, s29, s20, $0xb8;
	[tilespmem:$0x16000] =	vst v63  }
.LBB2_8:
0x53: {  	_ =	swait.ge [sflag:s18], $0x2000  }
0x54: {  	s12 =	sadd.s32 $0x1, s12;
	[sflag:s18] =	ssyncset.done $0x0  }
0x55: {  	p1 =	sne.s32 s12, s16;
	[sflag:s18] =	ssyncadd.s32 $0xFFFFE000  }
.Ltmp1:
0x56: {  	[bflag:$0x0] =	sbarrier.arrive $0xFFFF;
	(pc) =	sbr.rel @!p1 .LBB2_9-.Ltmp1, $4  }
0x57: {  	[hbm:s15], [sflag:s6] =	dma.local [spmem:s17], $0x1400  }
0x58: {  	_ =	swait.ge [sflag:s18], $0x1400  }
0x59: {  	[sflag:s18] =	ssyncset.done $0x0  }
0x5a: {  	[sflag:s18] =	ssyncadd.s32 $0xFFFFEC00  }
.LBB2_1:
.Ltmp2:
0x5b: {  	(pc) =	sbr.rel @p0 .LBB2_7-.Ltmp2, $4  }
0x5c: {  	[spmem:s17], [sflag:s6] =	dma.local [hbm:s14], $0x1400  }
0x5d: {  	_ =	swait.ge [sflag:s18], $0x1400  }
0x5e: {  	[sflag:s18] =	ssyncset.done $0x0  }
0x5f: {  	[sflag:s18] =	ssyncadd.s32 $0xFFFFEC00  }
0x60: {  	s2 =	simm.s32 $0x0;
	s13 =	rddreg [dreg:$0x4]  }
0x61: {  	[tilespmem:s2], [sflag:$0x5] =	stream.linear.gather [hbm4b:s13+s2], $0x2000, $0x38;
	[tilespmem:$0x16000] =	vst v63  }
0x62: {  	_ =	swait.ge [sflag:s18], $0x2000  }
0x63: {  	[sflag:s18] =	ssyncset.done $0x0  }
0x64: {  	s8 =	smov.u32 s14;
	s14 =	rddreg [dreg:$0x5];
	[sflag:s18] =	ssyncadd.s32 $0xFFFFE000  }
0x65: {  	[tilespmem:s19], [sflag:$0x5] =	stream.linear.gather [hbm4b:s14+s2], $0x2000, $0x38;
	[tilespmem:$0x16000] =	vst v63  }
0x66: {  	_ =	swait.ge [sflag:s18], $0x2000  }
0x67: {  	[sflag:s18] =	ssyncset.done $0x0  }
0x68: {  	[sflag:s18] =	ssyncadd.s32 $0xFFFFE000  }
0x69: {  	[tilespmem:s21], [sflag:$0x1] =	stream.indirect.gather [hbm4b:s5+s20], $0x40, s2, s20, $0xb8;
	[tilespmem:$0x16000] =	vst v63  }
0x6a: {  	_ = 	snop  }
0x6b: {  	[tilespmem:s22], [sflag:$0x2] =	stream.indirect.gather [hbm4b:s5+s20], $0x40, s20, s20, $0xb8;
	[tilespmem:$0x16000] =	vst v63  }
0x6c: {  	_ = 	snop  }
0x6d: {  	[tilespmem:s24], [sflag:$0x3] =	stream.indirect.gather [hbm4b:s5+s20], $0x40, s23, s20, $0xb8;
	[tilespmem:$0x16000] =	vst v63  }
0x6e: {  	_ = 	snop  }
0x6f: {  	[tilespmem:s26], [sflag:$0x4] =	stream.indirect.gather [hbm4b:s5+s20], $0x40, s25, s20, $0xb8;
	[tilespmem:$0x16000] =	vst v63  }
0x70: {  	_ =	swait.ge [sflag:s28], $0x2000  }
0x71: {  	[sflag:s28] =	ssyncset.done $0x0  }
0x72: {  	s14 =	simm.s32 $0x2000;
	[sflag:s28] =	ssyncadd.s32 $0xFFFFE000  }
0x73: {  	[spmem:s3] =	stream.indirect.scatter.add.f32 [tilespmem:s21], [sflag:$0x5], $0x40, s14, s20, $0xb8;
	[tilespmem:$0x16000] =	vst v63  }
0x74: {  	_ =	swait.ge [sflag:s18], $0x2000  }
0x75: {  	[sflag:s18] =	ssyncset.done $0x0  }
0x76: {  	s13 =	simm.s32 $0x200;
	[sflag:s18] =	ssyncadd.s32 $0xFFFFE000  }
0x77: {  	[tilespmem:s21], [sflag:$0x1] =	stream.indirect.gather [hbm4b:s5+s20], $0x40, s13, s20, $0xb8;
	[tilespmem:$0x16000] =	vst v63  }
0x78: {  	_ =	swait.ge [sflag:s30], $0x2000  }
0x79: {  	[sflag:s30] =	ssyncset.done $0x0  }
0x7a: {  	s14 =	simm.s32 $0x2080;
	[sflag:s30] =	ssyncadd.s32 $0xFFFFE000  }
0x7b: {  	[spmem:s3] =	stream.indirect.scatter.add.f32 [tilespmem:s22], [sflag:$0x5], $0x40, s14, s20, $0xb8;
	[tilespmem:$0x16000] =	vst v63  }
0x7c: {  	_ =	swait.ge [sflag:s18], $0x2000  }
0x7d: {  	[sflag:s18] =	ssyncset.done $0x0  }
0x7e: {  	s13 =	simm.s32 $0x280;
	[sflag:s18] =	ssyncadd.s32 $0xFFFFE000  }
0x7f: {  	[tilespmem:s22], [sflag:$0x2] =	stream.indirect.gather [hbm4b:s5+s20], $0x40, s13, s20, $0xb8;
	[tilespmem:$0x16000] =	vst v63  }
0x80: {  	_ =	swait.ge [sflag:s0], $0x2000  }
0x81: {  	[sflag:s0] =	ssyncset.done $0x0  }
0x82: {  	s14 =	simm.s32 $0x2100;
	[sflag:s0] =	ssyncadd.s32 $0xFFFFE000  }
0x83: {  	[spmem:s3] =	stream.indirect.scatter.add.f32 [tilespmem:s24], [sflag:$0x5], $0x40, s14, s20, $0xb8;
	[tilespmem:$0x16000] =	vst v63  }
0x84: {  	_ =	swait.ge [sflag:s18], $0x2000  }
0x85: {  	[sflag:s18] =	ssyncset.done $0x0  }
0x86: {  	s13 =	simm.s32 $0x300;
	[sflag:s18] =	ssyncadd.s32 $0xFFFFE000  }
0x87: {  	[tilespmem:s24], [sflag:$0x3] =	stream.indirect.gather [hbm4b:s5+s20], $0x40, s13, s20, $0xb8;
	[tilespmem:$0x16000] =	vst v63  }
0x88: {  	_ =	swait.ge [sflag:s7], $0x2000  }
0x89: {  	[sflag:s7] =	ssyncset.done $0x0  }
0x8a: {  	s14 =	simm.s32 $0x2180;
	[sflag:s7] =	ssyncadd.s32 $0xFFFFE000  }
0x8b: {  	[spmem:s3] =	stream.indirect.scatter.add.f32 [tilespmem:s26], [sflag:$0x5], $0x40, s14, s20, $0xb8;
	[tilespmem:$0x16000] =	vst v63  }
0x8c: {  	_ =	swait.ge [sflag:s18], $0x2000  }
0x8d: {  	[sflag:s18] =	ssyncset.done $0x0  }
0x8e: {  	s2 =	simm.s32 $0x800;
	s13 =	simm.s32 $0x380;
	[sflag:s18] =	ssyncadd.s32 $0xFFFFE000  }
.LBB2_3:
0x8f: {  	[tilespmem:s26], [sflag:$0x4] =	stream.indirect.gather [hbm4b:s5+s20], $0x40, s13, s20, $0xb8;
	[tilespmem:$0x16000] =	vst v63  }
0x90: {  	s13 =	smov.u32 s2  }
0x91: {  	p1 =	sne.s32 s2, $0x7000;
	s2 =	sadd.s32 $0x800, s2;
	_ =	swait.ge [sflag:s28], $0x2000  }
0x92: {  	s13 =	sshra.s32 s13, $0x2;
	[sflag:s28] =	ssyncset.done $0x0  }
0x93: {  	s14 =	sadd.s32 $0x2000, s13;
	[sflag:s28] =	ssyncadd.s32 $0xFFFFE000  }
0x94: {  	[spmem:s3] =	stream.indirect.scatter.add.f32 [tilespmem:s21], [sflag:$0x5], $0x40, s14, s20, $0xb8;
	[tilespmem:$0x16000] =	vst v63  }
0x95: {  	_ =	swait.ge [sflag:s18], $0x2000  }
0x96: {  	[sflag:s18] =	ssyncset.done $0x0  }
0x97: {  	s14 =	sadd.s32 $0x200, s13;
	[sflag:s18] =	ssyncadd.s32 $0xFFFFE000  }
0x98: {  	[tilespmem:s21], [sflag:$0x1] =	stream.indirect.gather [hbm4b:s5+s20], $0x40, s14, s20, $0xb8;
	[tilespmem:$0x16000] =	vst v63  }
0x99: {  	_ =	swait.ge [sflag:s30], $0x2000  }
0x9a: {  	[sflag:s30] =	ssyncset.done $0x0  }
0x9b: {  	s14 =	sadd.s32 $0x2080, s13;
	[sflag:s30] =	ssyncadd.s32 $0xFFFFE000  }
0x9c: {  	[spmem:s3] =	stream.indirect.scatter.add.f32 [tilespmem:s22], [sflag:$0x5], $0x40, s14, s20, $0xb8;
	[tilespmem:$0x16000] =	vst v63  }
0x9d: {  	_ =	swait.ge [sflag:s18], $0x2000  }
0x9e: {  	[sflag:s18] =	ssyncset.done $0x0  }
0x9f: {  	s14 =	sadd.s32 $0x280, s13;
	[sflag:s18] =	ssyncadd.s32 $0xFFFFE000  }
0xa0: {  	[tilespmem:s22], [sflag:$0x2] =	stream.indirect.gather [hbm4b:s5+s20], $0x40, s14, s20, $0xb8;
	[tilespmem:$0x16000] =	vst v63  }
0xa1: {  	_ =	swait.ge [sflag:s0], $0x2000  }
0xa2: {  	[sflag:s0] =	ssyncset.done $0x0  }
0xa3: {  	s14 =	sadd.s32 $0x2100, s13;
	[sflag:s0] =	ssyncadd.s32 $0xFFFFE000  }
0xa4: {  	[spmem:s3] =	stream.indirect.scatter.add.f32 [tilespmem:s24], [sflag:$0x5], $0x40, s14, s20, $0xb8;
	[tilespmem:$0x16000] =	vst v63  }
0xa5: {  	_ =	swait.ge [sflag:s18], $0x2000  }
0xa6: {  	[sflag:s18] =	ssyncset.done $0x0  }
0xa7: {  	s14 =	sadd.s32 $0x300, s13;
	[sflag:s18] =	ssyncadd.s32 $0xFFFFE000  }
0xa8: {  	[tilespmem:s24], [sflag:$0x3] =	stream.indirect.gather [hbm4b:s5+s20], $0x40, s14, s20, $0xb8;
	[tilespmem:$0x16000] =	vst v63  }
0xa9: {  	_ =	swait.ge [sflag:s7], $0x2000  }
0xaa: {  	[sflag:s7] =	ssyncset.done $0x0  }
.Ltmp3:
0xab: {  	s14 =	sadd.s32 $0x2180, s13;
	[sflag:s7] =	ssyncadd.s32 $0xFFFFE000;
	(pc) =	sbr.rel @p1 .LBB2_3-.Ltmp3, $4  }
0xac: {  	[spmem:s3] =	stream.indirect.scatter.add.f32 [tilespmem:s26], [sflag:$0x5], $0x40, s14, s20, $0xb8;
	[tilespmem:$0x16000] =	vst v63  }
0xad: {  	_ =	swait.ge [sflag:s18], $0x2000  }
0xae: {  	[sflag:s18] =	ssyncset.done $0x0  }
0xaf: {  	s13 =	sadd.s32 $0x380, s13;
	[sflag:s18] =	ssyncadd.s32 $0xFFFFE000  }
0xb0: {  	[tilespmem:s26], [sflag:$0x4] =	stream.indirect.gather [hbm4b:s5+s20], $0x40, s13, s20, $0xb8;
	[tilespmem:$0x16000] =	vst v63  }
0xb1: {  	_ =	swait.ge [sflag:s28], $0x2000  }
0xb2: {  	[sflag:s28] =	ssyncset.done $0x0  }
0xb3: {  	[sflag:s28] =	ssyncadd.s32 $0xFFFFE000  }
0xb4: {  	[spmem:s3] =	stream.indirect.scatter.add.f32 [tilespmem:s21], [sflag:$0x5], $0x40, s10, s20, $0xb8;
	[tilespmem:$0x16000] =	vst v63  }
0xb5: {  	_ =	swait.ge [sflag:s18], $0x2000  }
0xb6: {  	[sflag:s18] =	ssyncset.done $0x0  }
0xb7: {  	[sflag:s18] =	ssyncadd.s32 $0xFFFFE000  }
0xb8: {  	_ =	swait.ge [sflag:s30], $0x2000  }
0xb9: {  	[sflag:s30] =	ssyncset.done $0x0  }
0xba: {  	[sflag:s30] =	ssyncadd.s32 $0xFFFFE000  }
0xbb: {  	[spmem:s3] =	stream.indirect.scatter.add.f32 [tilespmem:s22], [sflag:$0x5], $0x40, s31, s20, $0xb8;
	[tilespmem:$0x16000] =	vst v63  }
0xbc: {  	_ =	swait.ge [sflag:s18], $0x2000  }
0xbd: {  	[sflag:s18] =	ssyncset.done $0x0  }
0xbe: {  	[sflag:s18] =	ssyncadd.s32 $0xFFFFE000  }
0xbf: {  	_ =	swait.ge [sflag:s0], $0x2000  }
0xc0: {  	[sflag:s0] =	ssyncset.done $0x0  }
0xc1: {  	[sflag:s0] =	ssyncadd.s32 $0xFFFFE000  }
0xc2: {  	[spmem:s3] =	stream.indirect.scatter.add.f32 [tilespmem:s24], [sflag:$0x5], $0x40, s11, s20, $0xb8;
	[tilespmem:$0x16000] =	vst v63  }
0xc3: {  	_ =	swait.ge [sflag:s18], $0x2000  }
0xc4: {  	[sflag:s18] =	ssyncset.done $0x0  }
0xc5: {  	[sflag:s18] =	ssyncadd.s32 $0xFFFFE000  }
0xc6: {  	_ =	swait.ge [sflag:s7], $0x2000  }
0xc7: {  	[sflag:s7] =	ssyncset.done $0x0  }
0xc8: {  	[sflag:s7] =	ssyncadd.s32 $0xFFFFE000  }
0xc9: {  	[spmem:s3] =	stream.indirect.scatter.add.f32 [tilespmem:s26], [sflag:$0x5], $0x40, s1, s20, $0xb8;
	[tilespmem:$0x16000] =	vst v63  }
0xca: {  	_ =	swait.ge [sflag:s18], $0x2000  }
0xcb: {  	[sflag:s18] =	ssyncset.done $0x0  }
0xcc: {  	s2 =	simm.s32 $0x0;
	s14 =	rddreg [dreg:$0x6];
	[sflag:s18] =	ssyncadd.s32 $0xFFFFE000  }
0xcd: {  	[tilespmem:s2], [sflag:$0x5] =	stream.linear.gather [hbm4b:s14+s2], $0x2000, $0x38;
	[tilespmem:$0x16000] =	vst v63  }
0xce: {  	_ =	swait.ge [sflag:s18], $0x2000  }
0xcf: {  	[sflag:s18] =	ssyncset.done $0x0  }
0xd0: {  	s14 =	rddreg [dreg:$0x7];
	[sflag:s18] =	ssyncadd.s32 $0xFFFFE000  }
0xd1: {  	[tilespmem:s19], [sflag:$0x5] =	stream.linear.gather [hbm4b:s14+s2], $0x2000, $0x38;
	[tilespmem:$0x16000] =	vst v63  }
0xd2: {  	_ =	swait.ge [sflag:s18], $0x2000  }
0xd3: {  	[sflag:s18] =	ssyncset.done $0x0  }
0xd4: {  	[sflag:s18] =	ssyncadd.s32 $0xFFFFE000  }
0xd5: {  	[tilespmem:s21], [sflag:$0x1] =	stream.indirect.gather [hbm4b:s5+s20], $0x40, s2, s20, $0xb8;
	[tilespmem:$0x16000] =	vst v63  }
0xd6: {  	_ = 	snop  }
0xd7: {  	[tilespmem:s22], [sflag:$0x2] =	stream.indirect.gather [hbm4b:s5+s20], $0x40, s20, s20, $0xb8;
	[tilespmem:$0x16000] =	vst v63  }
0xd8: {  	_ = 	snop  }
0xd9: {  	[tilespmem:s24], [sflag:$0x3] =	stream.indirect.gather [hbm4b:s5+s20], $0x40, s23, s20, $0xb8;
	[tilespmem:$0x16000] =	vst v63  }
0xda: {  	_ = 	snop  }
0xdb: {  	[tilespmem:s26], [sflag:$0x4] =	stream.indirect.gather [hbm4b:s5+s20], $0x40, s25, s20, $0xb8;
	[tilespmem:$0x16000] =	vst v63  }
0xdc: {  	_ =	swait.ge [sflag:s28], $0x2000  }
0xdd: {  	[sflag:s28] =	ssyncset.done $0x0  }
0xde: {  	s14 =	simm.s32 $0x2000;
	[sflag:s28] =	ssyncadd.s32 $0xFFFFE000  }
0xdf: {  	[spmem:s3] =	stream.indirect.scatter.add.f32 [tilespmem:s21], [sflag:$0x5], $0x40, s14, s20, $0xb8;
	[tilespmem:$0x16000] =	vst v63  }
0xe0: {  	_ =	swait.ge [sflag:s18], $0x2000  }
0xe1: {  	[sflag:s18] =	ssyncset.done $0x0  }
0xe2: {  	s13 =	simm.s32 $0x200;
	[sflag:s18] =	ssyncadd.s32 $0xFFFFE000  }
0xe3: {  	[tilespmem:s21], [sflag:$0x1] =	stream.indirect.gather [hbm4b:s5+s20], $0x40, s13, s20, $0xb8;
	[tilespmem:$0x16000] =	vst v63  }
0xe4: {  	_ =	swait.ge [sflag:s30], $0x2000  }
0xe5: {  	[sflag:s30] =	ssyncset.done $0x0  }
0xe6: {  	s14 =	simm.s32 $0x2080;
	[sflag:s30] =	ssyncadd.s32 $0xFFFFE000  }
0xe7: {  	[spmem:s3] =	stream.indirect.scatter.add.f32 [tilespmem:s22], [sflag:$0x5], $0x40, s14, s20, $0xb8;
	[tilespmem:$0x16000] =	vst v63  }
0xe8: {  	_ =	swait.ge [sflag:s18], $0x2000  }
0xe9: {  	[sflag:s18] =	ssyncset.done $0x0  }
0xea: {  	s13 =	simm.s32 $0x280;
	[sflag:s18] =	ssyncadd.s32 $0xFFFFE000  }
0xeb: {  	[tilespmem:s22], [sflag:$0x2] =	stream.indirect.gather [hbm4b:s5+s20], $0x40, s13, s20, $0xb8;
	[tilespmem:$0x16000] =	vst v63  }
0xec: {  	_ =	swait.ge [sflag:s0], $0x2000  }
0xed: {  	[sflag:s0] =	ssyncset.done $0x0  }
0xee: {  	s14 =	simm.s32 $0x2100;
	[sflag:s0] =	ssyncadd.s32 $0xFFFFE000  }
0xef: {  	[spmem:s3] =	stream.indirect.scatter.add.f32 [tilespmem:s24], [sflag:$0x5], $0x40, s14, s20, $0xb8;
	[tilespmem:$0x16000] =	vst v63  }
0xf0: {  	_ =	swait.ge [sflag:s18], $0x2000  }
0xf1: {  	[sflag:s18] =	ssyncset.done $0x0  }
0xf2: {  	s13 =	simm.s32 $0x300;
	[sflag:s18] =	ssyncadd.s32 $0xFFFFE000  }
0xf3: {  	[tilespmem:s24], [sflag:$0x3] =	stream.indirect.gather [hbm4b:s5+s20], $0x40, s13, s20, $0xb8;
	[tilespmem:$0x16000] =	vst v63  }
0xf4: {  	_ =	swait.ge [sflag:s7], $0x2000  }
0xf5: {  	[sflag:s7] =	ssyncset.done $0x0  }
0xf6: {  	s14 =	simm.s32 $0x2180;
	[sflag:s7] =	ssyncadd.s32 $0xFFFFE000  }
0xf7: {  	[spmem:s3] =	stream.indirect.scatter.add.f32 [tilespmem:s26], [sflag:$0x5], $0x40, s14, s20, $0xb8;
	[tilespmem:$0x16000] =	vst v63  }
0xf8: {  	_ =	swait.ge [sflag:s18], $0x2000  }
0xf9: {  	[sflag:s18] =	ssyncset.done $0x0  }
0xfa: {  	s2 =	simm.s32 $0x800;
	s13 =	simm.s32 $0x380;
	[sflag:s18] =	ssyncadd.s32 $0xFFFFE000  }
.LBB2_5:
0xfb: {  	[tilespmem:s26], [sflag:$0x4] =	stream.indirect.gather [hbm4b:s5+s20], $0x40, s13, s20, $0xb8;
	[tilespmem:$0x16000] =	vst v63  }
0xfc: {  	s13 =	smov.u32 s2  }
0xfd: {  	p1 =	sne.s32 s2, $0x7000;
	s2 =	sadd.s32 $0x800, s2;
	_ =	swait.ge [sflag:s28], $0x2000  }
0xfe: {  	s13 =	sshra.s32 s13, $0x2;
	[sflag:s28] =	ssyncset.done $0x0  }
0xff: {  	s14 =	sadd.s32 $0x2000, s13;
	[sflag:s28] =	ssyncadd.s32 $0xFFFFE000  }
0x100: {  	[spmem:s3] =	stream.indirect.scatter.add.f32 [tilespmem:s21], [sflag:$0x5], $0x40, s14, s20, $0xb8;
	[tilespmem:$0x16000] =	vst v63  }
0x101: {  	_ =	swait.ge [sflag:s18], $0x2000  }
0x102: {  	[sflag:s18] =	ssyncset.done $0x0  }
0x103: {  	s14 =	sadd.s32 $0x200, s13;
	[sflag:s18] =	ssyncadd.s32 $0xFFFFE000  }
0x104: {  	[tilespmem:s21], [sflag:$0x1] =	stream.indirect.gather [hbm4b:s5+s20], $0x40, s14, s20, $0xb8;
	[tilespmem:$0x16000] =	vst v63  }
0x105: {  	_ =	swait.ge [sflag:s30], $0x2000  }
0x106: {  	[sflag:s30] =	ssyncset.done $0x0  }
0x107: {  	s14 =	sadd.s32 $0x2080, s13;
	[sflag:s30] =	ssyncadd.s32 $0xFFFFE000  }
0x108: {  	[spmem:s3] =	stream.indirect.scatter.add.f32 [tilespmem:s22], [sflag:$0x5], $0x40, s14, s20, $0xb8;
	[tilespmem:$0x16000] =	vst v63  }
0x109: {  	_ =	swait.ge [sflag:s18], $0x2000  }
0x10a: {  	[sflag:s18] =	ssyncset.done $0x0  }
0x10b: {  	s14 =	sadd.s32 $0x280, s13;
	[sflag:s18] =	ssyncadd.s32 $0xFFFFE000  }
0x10c: {  	[tilespmem:s22], [sflag:$0x2] =	stream.indirect.gather [hbm4b:s5+s20], $0x40, s14, s20, $0xb8;
	[tilespmem:$0x16000] =	vst v63  }
0x10d: {  	_ =	swait.ge [sflag:s0], $0x2000  }
0x10e: {  	[sflag:s0] =	ssyncset.done $0x0  }
0x10f: {  	s14 =	sadd.s32 $0x2100, s13;
	[sflag:s0] =	ssyncadd.s32 $0xFFFFE000  }
0x110: {  	[spmem:s3] =	stream.indirect.scatter.add.f32 [tilespmem:s24], [sflag:$0x5], $0x40, s14, s20, $0xb8;
	[tilespmem:$0x16000] =	vst v63  }
0x111: {  	_ =	swait.ge [sflag:s18], $0x2000  }
0x112: {  	[sflag:s18] =	ssyncset.done $0x0  }
0x113: {  	s14 =	sadd.s32 $0x300, s13;
	[sflag:s18] =	ssyncadd.s32 $0xFFFFE000  }
0x114: {  	[tilespmem:s24], [sflag:$0x3] =	stream.indirect.gather [hbm4b:s5+s20], $0x40, s14, s20, $0xb8;
	[tilespmem:$0x16000] =	vst v63  }
0x115: {  	_ =	swait.ge [sflag:s7], $0x2000  }
0x116: {  	[sflag:s7] =	ssyncset.done $0x0  }
.Ltmp4:
0x117: {  	s14 =	sadd.s32 $0x2180, s13;
	[sflag:s7] =	ssyncadd.s32 $0xFFFFE000;
	(pc) =	sbr.rel @p1 .LBB2_5-.Ltmp4, $4  }
0x118: {  	[spmem:s3] =	stream.indirect.scatter.add.f32 [tilespmem:s26], [sflag:$0x5], $0x40, s14, s20, $0xb8;
	[tilespmem:$0x16000] =	vst v63  }
0x119: {  	_ =	swait.ge [sflag:s18], $0x2000  }
0x11a: {  	[sflag:s18] =	ssyncset.done $0x0  }
0x11b: {  	s13 =	sadd.s32 $0x380, s13;
	[sflag:s18] =	ssyncadd.s32 $0xFFFFE000  }
0x11c: {  	[tilespmem:s26], [sflag:$0x4] =	stream.indirect.gather [hbm4b:s5+s20], $0x40, s13, s20, $0xb8;
	[tilespmem:$0x16000] =	vst v63  }
0x11d: {  	_ =	swait.ge [sflag:s28], $0x2000  }
0x11e: {  	[sflag:s28] =	ssyncset.done $0x0  }
0x11f: {  	[sflag:s28] =	ssyncadd.s32 $0xFFFFE000  }
0x120: {  	[spmem:s3] =	stream.indirect.scatter.add.f32 [tilespmem:s21], [sflag:$0x5], $0x40, s10, s20, $0xb8;
	[tilespmem:$0x16000] =	vst v63  }
0x121: {  	_ =	swait.ge [sflag:s18], $0x2000  }
0x122: {  	[sflag:s18] =	ssyncset.done $0x0  }
0x123: {  	[sflag:s18] =	ssyncadd.s32 $0xFFFFE000  }
0x124: {  	_ =	swait.ge [sflag:s30], $0x2000  }
0x125: {  	[sflag:s30] =	ssyncset.done $0x0  }
0x126: {  	[sflag:s30] =	ssyncadd.s32 $0xFFFFE000  }
0x127: {  	[spmem:s3] =	stream.indirect.scatter.add.f32 [tilespmem:s22], [sflag:$0x5], $0x40, s31, s20, $0xb8;
	[tilespmem:$0x16000] =	vst v63  }
0x128: {  	_ =	swait.ge [sflag:s18], $0x2000  }
0x129: {  	[sflag:s18] =	ssyncset.done $0x0  }
0x12a: {  	[sflag:s18] =	ssyncadd.s32 $0xFFFFE000  }
0x12b: {  	_ =	swait.ge [sflag:s0], $0x2000  }
0x12c: {  	[sflag:s0] =	ssyncset.done $0x0  }
0x12d: {  	[sflag:s0] =	ssyncadd.s32 $0xFFFFE000  }
0x12e: {  	[spmem:s3] =	stream.indirect.scatter.add.f32 [tilespmem:s24], [sflag:$0x5], $0x40, s11, s20, $0xb8;
	[tilespmem:$0x16000] =	vst v63  }
0x12f: {  	_ =	swait.ge [sflag:s18], $0x2000  }
0x130: {  	[sflag:s18] =	ssyncset.done $0x0  }
0x131: {  	[sflag:s18] =	ssyncadd.s32 $0xFFFFE000  }
0x132: {  	_ =	swait.ge [sflag:s7], $0x2000  }
0x133: {  	[sflag:s7] =	ssyncset.done $0x0  }
0x134: {  	[sflag:s7] =	ssyncadd.s32 $0xFFFFE000  }
0x135: {  	[spmem:s3] =	stream.indirect.scatter.add.f32 [tilespmem:s26], [sflag:$0x5], $0x40, s1, s20, $0xb8;
	[tilespmem:$0x16000] =	vst v63  }
0x136: {  	_ =	swait.ge [sflag:s18], $0x2000  }
0x137: {  	[sflag:s18] =	ssyncset.done $0x0  }
0x138: {  	s2 =	rddreg [dreg:$0x8];
	[sflag:s18] =	ssyncadd.s32 $0xFFFFE000  }
0x139: {  	[tilespmem:s4], [sflag:$0x5] =	stream.linear.gather [hbm4b:s2+s4], $0xC00, $0x38;
	[tilespmem:$0x16000] =	vst v63  }
0x13a: {  	_ =	swait.ge [sflag:s18], $0xC00  }
0x13b: {  	[sflag:s18] =	ssyncset.done $0x0  }
0x13c: {  	s13 =	rddreg [dreg:$0x9];
	[sflag:s18] =	ssyncadd.s32 $0xFFFFF400  }
0x13d: {  	[tilespmem:s19], [sflag:$0x5] =	stream.linear.gather [hbm4b:s13+s4], $0xC00, $0x38;
	[tilespmem:$0x16000] =	vst v63  }
0x13e: {  	_ =	swait.ge [sflag:s18], $0xC00  }
0x13f: {  	[sflag:s18] =	ssyncset.done $0x0  }
0x140: {  	[sflag:s18] =	ssyncadd.s32 $0xFFFFF400  }
0x141: {  	[tilespmem:s21], [sflag:$0x1] =	stream.indirect.gather [hbm4b:s5+s20], $0x40, s4, s20, $0xb8;
	[tilespmem:$0x16000] =	vst v63  }
0x142: {  	_ = 	snop  }
0x143: {  	[tilespmem:s22], [sflag:$0x2] =	stream.indirect.gather [hbm4b:s5+s20], $0x40, s20, s20, $0xb8;
	[tilespmem:$0x16000] =	vst v63  }
0x144: {  	_ = 	snop  }
0x145: {  	[tilespmem:s24], [sflag:$0x3] =	stream.indirect.gather [hbm4b:s5+s20], $0x40, s23, s20, $0xb8;
	[tilespmem:$0x16000] =	vst v63  }
0x146: {  	_ = 	snop  }
0x147: {  	[tilespmem:s26], [sflag:$0x4] =	stream.indirect.gather [hbm4b:s5+s20], $0x40, s25, s20, $0xb8;
	[tilespmem:$0x16000] =	vst v63  }
0x148: {  	_ =	swait.ge [sflag:s28], $0x2000  }
0x149: {  	[sflag:s28] =	ssyncset.done $0x0  }
0x14a: {  	[sflag:s28] =	ssyncadd.s32 $0xFFFFE000  }
0x14b: {  	[spmem:s3] =	stream.indirect.scatter.add.f32 [tilespmem:s21], [sflag:$0x5], $0x40, s19, s20, $0xb8;
	[tilespmem:$0x16000] =	vst v63  }
0x14c: {  	_ =	swait.ge [sflag:s18], $0x2000  }
0x14d: {  	[sflag:s18] =	ssyncset.done $0x0  }
0x14e: {  	s13 =	simm.s32 $0x200;
	[sflag:s18] =	ssyncadd.s32 $0xFFFFE000  }
0x14f: {  	[tilespmem:s21], [sflag:$0x1] =	stream.indirect.gather [hbm4b:s5+s20], $0x40, s13, s20, $0xb8;
	[tilespmem:$0x16000] =	vst v63  }
0x150: {  	_ =	swait.ge [sflag:s30], $0x2000  }
0x151: {  	[sflag:s30] =	ssyncset.done $0x0  }
0x152: {  	s14 =	simm.s32 $0x2080;
	[sflag:s30] =	ssyncadd.s32 $0xFFFFE000  }
0x153: {  	[spmem:s3] =	stream.indirect.scatter.add.f32 [tilespmem:s22], [sflag:$0x5], $0x40, s14, s20, $0xb8;
	[tilespmem:$0x16000] =	vst v63  }
0x154: {  	_ =	swait.ge [sflag:s18], $0x2000  }
0x155: {  	[sflag:s18] =	ssyncset.done $0x0  }
0x156: {  	s14 =	simm.s32 $0x280;
	[sflag:s18] =	ssyncadd.s32 $0xFFFFE000  }
0x157: {  	[tilespmem:s22], [sflag:$0x2] =	stream.indirect.gather [hbm4b:s5+s20], $0x40, s14, s20, $0xb8;
	[tilespmem:$0x16000] =	vst v63  }
0x158: {  	_ =	swait.ge [sflag:s0], $0x2000  }
0x159: {  	[sflag:s0] =	ssyncset.done $0x0  }
0x15a: {  	s14 =	simm.s32 $0x2100;
	[sflag:s0] =	ssyncadd.s32 $0xFFFFE000  }
0x15b: {  	[spmem:s3] =	stream.indirect.scatter.add.f32 [tilespmem:s24], [sflag:$0x5], $0x40, s14, s20, $0xb8;
	[tilespmem:$0x16000] =	vst v63  }
0x15c: {  	_ =	swait.ge [sflag:s18], $0x2000  }
0x15d: {  	[sflag:s18] =	ssyncset.done $0x0  }
0x15e: {  	s14 =	simm.s32 $0x300;
	[sflag:s18] =	ssyncadd.s32 $0xFFFFE000  }
0x15f: {  	[tilespmem:s24], [sflag:$0x3] =	stream.indirect.gather [hbm4b:s5+s20], $0x40, s14, s20, $0xb8;
	[tilespmem:$0x16000] =	vst v63  }
0x160: {  	_ =	swait.ge [sflag:s7], $0x2000  }
0x161: {  	[sflag:s7] =	ssyncset.done $0x0  }
0x162: {  	s14 =	simm.s32 $0x2180;
	[sflag:s7] =	ssyncadd.s32 $0xFFFFE000  }
0x163: {  	[spmem:s3] =	stream.indirect.scatter.add.f32 [tilespmem:s26], [sflag:$0x5], $0x40, s14, s20, $0xb8;
	[tilespmem:$0x16000] =	vst v63  }
0x164: {  	_ =	swait.ge [sflag:s18], $0x2000  }
0x165: {  	[sflag:s18] =	ssyncset.done $0x0  }
0x166: {  	s14 =	simm.s32 $0x380;
	[sflag:s18] =	ssyncadd.s32 $0xFFFFE000  }
0x167: {  	[tilespmem:s26], [sflag:$0x4] =	stream.indirect.gather [hbm4b:s5+s20], $0x40, s14, s20, $0xb8;
	[tilespmem:$0x16000] =	vst v63  }
0x168: {  	_ =	swait.ge [sflag:s28], $0x2000  }
0x169: {  	[sflag:s28] =	ssyncset.done $0x0  }
0x16a: {  	[sflag:s28] =	ssyncadd.s32 $0xFFFFE000  }
0x16b: {  	[spmem:s3] =	stream.indirect.scatter.add.f32 [tilespmem:s21], [sflag:$0x5], $0x40, s9, s20, $0xb8;
	[tilespmem:$0x16000] =	vst v63  }
0x16c: {  	_ =	swait.ge [sflag:s18], $0x2000  }
0x16d: {  	[sflag:s18] =	ssyncset.done $0x0  }
0x16e: {  	s14 =	simm.s32 $0x400;
	[sflag:s18] =	ssyncadd.s32 $0xFFFFE000  }
0x16f: {  	[tilespmem:s21], [sflag:$0x1] =	stream.indirect.gather [hbm4b:s5+s20], $0x40, s14, s20, $0xb8;
	[tilespmem:$0x16000] =	vst v63  }
0x170: {  	_ =	swait.ge [sflag:s30], $0x2000  }
0x171: {  	[sflag:s30] =	ssyncset.done $0x0  }
0x172: {  	[sflag:s30] =	ssyncadd.s32 $0xFFFFE000  }
0x173: {  	[spmem:s3] =	stream.indirect.scatter.add.f32 [tilespmem:s22], [sflag:$0x5], $0x40, s29, s20, $0xb8;
	[tilespmem:$0x16000] =	vst v63  }
0x174: {  	_ =	swait.ge [sflag:s18], $0x2000  }
0x175: {  	[sflag:s18] =	ssyncset.done $0x0  }
0x176: {  	s14 =	simm.s32 $0x480;
	[sflag:s18] =	ssyncadd.s32 $0xFFFFE000  }
0x177: {  	[tilespmem:s22], [sflag:$0x2] =	stream.indirect.gather [hbm4b:s5+s20], $0x40, s14, s20, $0xb8;
	[tilespmem:$0x16000] =	vst v63  }
0x178: {  	_ =	swait.ge [sflag:s0], $0x2000  }
0x179: {  	[sflag:s0] =	ssyncset.done $0x0  }
0x17a: {  	s14 =	simm.s32 $0x2300;
	[sflag:s0] =	ssyncadd.s32 $0xFFFFE000  }
0x17b: {  	[spmem:s3] =	stream.indirect.scatter.add.f32 [tilespmem:s24], [sflag:$0x5], $0x40, s14, s20, $0xb8;
	[tilespmem:$0x16000] =	vst v63  }
0x17c: {  	_ =	swait.ge [sflag:s18], $0x2000  }
0x17d: {  	[sflag:s18] =	ssyncset.done $0x0  }
0x17e: {  	s14 =	simm.s32 $0x500;
	[sflag:s18] =	ssyncadd.s32 $0xFFFFE000  }
0x17f: {  	[tilespmem:s24], [sflag:$0x3] =	stream.indirect.gather [hbm4b:s5+s20], $0x40, s14, s20, $0xb8;
	[tilespmem:$0x16000] =	vst v63  }
0x180: {  	_ =	swait.ge [sflag:s7], $0x2000  }
0x181: {  	[sflag:s7] =	ssyncset.done $0x0  }
0x182: {  	s14 =	simm.s32 $0x2380;
	[sflag:s7] =	ssyncadd.s32 $0xFFFFE000  }
0x183: {  	[spmem:s3] =	stream.indirect.scatter.add.f32 [tilespmem:s26], [sflag:$0x5], $0x40, s14, s20, $0xb8;
	[tilespmem:$0x16000] =	vst v63  }
0x184: {  	_ =	swait.ge [sflag:s18], $0x2000  }
0x185: {  	[sflag:s18] =	ssyncset.done $0x0  }
0x186: {  	s14 =	simm.s32 $0x580;
	[sflag:s18] =	ssyncadd.s32 $0xFFFFE000  }
0x187: {  	[tilespmem:s26], [sflag:$0x4] =	stream.indirect.gather [hbm4b:s5+s20], $0x40, s14, s20, $0xb8;
	[tilespmem:$0x16000] =	vst v63  }
0x188: {  	_ =	swait.ge [sflag:s28], $0x2000  }
0x189: {  	[sflag:s28] =	ssyncset.done $0x0  }
0x18a: {  	s14 =	simm.s32 $0x2400;
	[sflag:s28] =	ssyncadd.s32 $0xFFFFE000  }
0x18b: {  	[spmem:s3] =	stream.indirect.scatter.add.f32 [tilespmem:s21], [sflag:$0x5], $0x40, s14, s20, $0xb8;
	[tilespmem:$0x16000] =	vst v63  }
0x18c: {  	_ =	swait.ge [sflag:s18], $0x2000  }
0x18d: {  	[sflag:s18] =	ssyncset.done $0x0  }
0x18e: {  	s14 =	simm.s32 $0x600;
	[sflag:s18] =	ssyncadd.s32 $0xFFFFE000  }
0x18f: {  	[tilespmem:s21], [sflag:$0x1] =	stream.indirect.gather [hbm4b:s5+s20], $0x40, s14, s20, $0xb8;
	[tilespmem:$0x16000] =	vst v63  }
0x190: {  	_ =	swait.ge [sflag:s30], $0x2000  }
0x191: {  	[sflag:s30] =	ssyncset.done $0x0  }
0x192: {  	s14 =	simm.s32 $0x2480;
	[sflag:s30] =	ssyncadd.s32 $0xFFFFE000  }
0x193: {  	[spmem:s3] =	stream.indirect.scatter.add.f32 [tilespmem:s22], [sflag:$0x5], $0x40, s14, s20, $0xb8;
	[tilespmem:$0x16000] =	vst v63  }
0x194: {  	_ =	swait.ge [sflag:s18], $0x2000  }
0x195: {  	[sflag:s18] =	ssyncset.done $0x0  }
0x196: {  	s14 =	simm.s32 $0x680;
	[sflag:s18] =	ssyncadd.s32 $0xFFFFE000  }
0x197: {  	[tilespmem:s22], [sflag:$0x2] =	stream.indirect.gather [hbm4b:s5+s20], $0x40, s14, s20, $0xb8;
	[tilespmem:$0x16000] =	vst v63  }
0x198: {  	_ =	swait.ge [sflag:s0], $0x2000  }
0x199: {  	[sflag:s0] =	ssyncset.done $0x0  }
0x19a: {  	s14 =	simm.s32 $0x2500;
	[sflag:s0] =	ssyncadd.s32 $0xFFFFE000  }
0x19b: {  	[spmem:s3] =	stream.indirect.scatter.add.f32 [tilespmem:s24], [sflag:$0x5], $0x40, s14, s20, $0xb8;
	[tilespmem:$0x16000] =	vst v63  }
0x19c: {  	_ =	swait.ge [sflag:s18], $0x2000  }
0x19d: {  	[sflag:s18] =	ssyncset.done $0x0  }
0x19e: {  	s14 =	simm.s32 $0x700;
	[sflag:s18] =	ssyncadd.s32 $0xFFFFE000  }
0x19f: {  	[tilespmem:s24], [sflag:$0x3] =	stream.indirect.gather [hbm4b:s5+s20], $0x40, s14, s20, $0xb8;
	[tilespmem:$0x16000] =	vst v63  }
0x1a0: {  	_ =	swait.ge [sflag:s7], $0x2000  }
0x1a1: {  	[sflag:s7] =	ssyncset.done $0x0  }
0x1a2: {  	s14 =	simm.s32 $0x2580;
	[sflag:s7] =	ssyncadd.s32 $0xFFFFE000  }
0x1a3: {  	[spmem:s3] =	stream.indirect.scatter.add.f32 [tilespmem:s26], [sflag:$0x5], $0x40, s14, s20, $0xb8;
	[tilespmem:$0x16000] =	vst v63  }
0x1a4: {  	_ =	swait.ge [sflag:s18], $0x2000  }
0x1a5: {  	[sflag:s18] =	ssyncset.done $0x0  }
0x1a6: {  	s14 =	simm.s32 $0x780;
	[sflag:s18] =	ssyncadd.s32 $0xFFFFE000  }
0x1a7: {  	[tilespmem:s26], [sflag:$0x4] =	stream.indirect.gather [hbm4b:s5+s20], $0x40, s14, s20, $0xb8;
	[tilespmem:$0x16000] =	vst v63  }
0x1a8: {  	_ =	swait.ge [sflag:s28], $0x2000  }
0x1a9: {  	[sflag:s28] =	ssyncset.done $0x0  }
0x1aa: {  	s14 =	simm.s32 $0x2600;
	[sflag:s28] =	ssyncadd.s32 $0xFFFFE000  }
0x1ab: {  	[spmem:s3] =	stream.indirect.scatter.add.f32 [tilespmem:s21], [sflag:$0x5], $0x40, s14, s20, $0xb8;
	[tilespmem:$0x16000] =	vst v63  }
0x1ac: {  	_ =	swait.ge [sflag:s18], $0x2000  }
0x1ad: {  	[sflag:s18] =	ssyncset.done $0x0  }
0x1ae: {  	s14 =	simm.s32 $0x800;
	[sflag:s18] =	ssyncadd.s32 $0xFFFFE000  }
0x1af: {  	[tilespmem:s21], [sflag:$0x1] =	stream.indirect.gather [hbm4b:s5+s20], $0x40, s14, s20, $0xb8;
	[tilespmem:$0x16000] =	vst v63  }
0x1b0: {  	_ =	swait.ge [sflag:s30], $0x2000  }
0x1b1: {  	[sflag:s30] =	ssyncset.done $0x0  }
0x1b2: {  	s14 =	simm.s32 $0x2680;
	[sflag:s30] =	ssyncadd.s32 $0xFFFFE000  }
0x1b3: {  	[spmem:s3] =	stream.indirect.scatter.add.f32 [tilespmem:s22], [sflag:$0x5], $0x40, s14, s20, $0xb8;
	[tilespmem:$0x16000] =	vst v63  }
0x1b4: {  	_ =	swait.ge [sflag:s18], $0x2000  }
0x1b5: {  	[sflag:s18] =	ssyncset.done $0x0  }
0x1b6: {  	s14 =	simm.s32 $0x880;
	[sflag:s18] =	ssyncadd.s32 $0xFFFFE000  }
0x1b7: {  	[tilespmem:s22], [sflag:$0x2] =	stream.indirect.gather [hbm4b:s5+s20], $0x40, s14, s20, $0xb8;
	[tilespmem:$0x16000] =	vst v63  }
0x1b8: {  	_ =	swait.ge [sflag:s0], $0x2000  }
0x1b9: {  	[sflag:s0] =	ssyncset.done $0x0  }
0x1ba: {  	s14 =	simm.s32 $0x2700;
	[sflag:s0] =	ssyncadd.s32 $0xFFFFE000  }
0x1bb: {  	[spmem:s3] =	stream.indirect.scatter.add.f32 [tilespmem:s24], [sflag:$0x5], $0x40, s14, s20, $0xb8;
	[tilespmem:$0x16000] =	vst v63  }
0x1bc: {  	_ =	swait.ge [sflag:s18], $0x2000  }
0x1bd: {  	[sflag:s18] =	ssyncset.done $0x0  }
0x1be: {  	s14 =	simm.s32 $0x900;
	[sflag:s18] =	ssyncadd.s32 $0xFFFFE000  }
0x1bf: {  	[tilespmem:s24], [sflag:$0x3] =	stream.indirect.gather [hbm4b:s5+s20], $0x40, s14, s20, $0xb8;
	[tilespmem:$0x16000] =	vst v63  }
0x1c0: {  	_ =	swait.ge [sflag:s7], $0x2000  }
0x1c1: {  	[sflag:s7] =	ssyncset.done $0x0  }
0x1c2: {  	s14 =	simm.s32 $0x2780;
	[sflag:s7] =	ssyncadd.s32 $0xFFFFE000  }
0x1c3: {  	[spmem:s3] =	stream.indirect.scatter.add.f32 [tilespmem:s26], [sflag:$0x5], $0x40, s14, s20, $0xb8;
	[tilespmem:$0x16000] =	vst v63  }
0x1c4: {  	_ =	swait.ge [sflag:s18], $0x2000  }
0x1c5: {  	[sflag:s18] =	ssyncset.done $0x0  }
0x1c6: {  	s14 =	simm.s32 $0x980;
	[sflag:s18] =	ssyncadd.s32 $0xFFFFE000  }
0x1c7: {  	[tilespmem:s26], [sflag:$0x4] =	stream.indirect.gather [hbm4b:s5+s20], $0x40, s14, s20, $0xb8;
	[tilespmem:$0x16000] =	vst v63  }
0x1c8: {  	_ =	swait.ge [sflag:s28], $0x2000  }
0x1c9: {  	[sflag:s28] =	ssyncset.done $0x0  }
0x1ca: {  	s14 =	simm.s32 $0x2800;
	[sflag:s28] =	ssyncadd.s32 $0xFFFFE000  }
0x1cb: {  	[spmem:s3] =	stream.indirect.scatter.add.f32 [tilespmem:s21], [sflag:$0x5], $0x40, s14, s20, $0xb8;
	[tilespmem:$0x16000] =	vst v63  }
0x1cc: {  	_ =	swait.ge [sflag:s18], $0x2000  }
0x1cd: {  	[sflag:s18] =	ssyncset.done $0x0  }
0x1ce: {  	s14 =	simm.s32 $0xA00;
	[sflag:s18] =	ssyncadd.s32 $0xFFFFE000  }
0x1cf: {  	[tilespmem:s21], [sflag:$0x1] =	stream.indirect.gather [hbm4b:s5+s20], $0x40, s14, s20, $0xb8;
	[tilespmem:$0x16000] =	vst v63  }
0x1d0: {  	_ =	swait.ge [sflag:s30], $0x2000  }
0x1d1: {  	[sflag:s30] =	ssyncset.done $0x0  }
0x1d2: {  	s14 =	simm.s32 $0x2880;
	[sflag:s30] =	ssyncadd.s32 $0xFFFFE000  }
0x1d3: {  	[spmem:s3] =	stream.indirect.scatter.add.f32 [tilespmem:s22], [sflag:$0x5], $0x40, s14, s20, $0xb8;
	[tilespmem:$0x16000] =	vst v63  }
0x1d4: {  	_ =	swait.ge [sflag:s18], $0x2000  }
0x1d5: {  	[sflag:s18] =	ssyncset.done $0x0  }
0x1d6: {  	s14 =	simm.s32 $0xA80;
	[sflag:s18] =	ssyncadd.s32 $0xFFFFE000  }
0x1d7: {  	[tilespmem:s22], [sflag:$0x2] =	stream.indirect.gather [hbm4b:s5+s20], $0x40, s14, s20, $0xb8;
	[tilespmem:$0x16000] =	vst v63  }
0x1d8: {  	_ =	swait.ge [sflag:s0], $0x2000  }
0x1d9: {  	[sflag:s0] =	ssyncset.done $0x0  }
0x1da: {  	s14 =	simm.s32 $0x2900;
	[sflag:s0] =	ssyncadd.s32 $0xFFFFE000  }
0x1db: {  	[spmem:s3] =	stream.indirect.scatter.add.f32 [tilespmem:s24], [sflag:$0x5], $0x40, s14, s20, $0xb8;
	[tilespmem:$0x16000] =	vst v63  }
0x1dc: {  	_ =	swait.ge [sflag:s18], $0x2000  }
0x1dd: {  	[sflag:s18] =	ssyncset.done $0x0  }
0x1de: {  	s14 =	simm.s32 $0xB00;
	[sflag:s18] =	ssyncadd.s32 $0xFFFFE000  }
0x1df: {  	[tilespmem:s24], [sflag:$0x3] =	stream.indirect.gather [hbm4b:s5+s20], $0x40, s14, s20, $0xb8;
	[tilespmem:$0x16000] =	vst v63  }
0x1e0: {  	_ =	swait.ge [sflag:s7], $0x2000  }
0x1e1: {  	[sflag:s7] =	ssyncset.done $0x0  }
0x1e2: {  	s14 =	simm.s32 $0x2980;
	[sflag:s7] =	ssyncadd.s32 $0xFFFFE000  }
0x1e3: {  	[spmem:s3] =	stream.indirect.scatter.add.f32 [tilespmem:s26], [sflag:$0x5], $0x40, s14, s20, $0xb8;
	[tilespmem:$0x16000] =	vst v63  }
0x1e4: {  	_ =	swait.ge [sflag:s18], $0x2000  }
0x1e5: {  	[sflag:s18] =	ssyncset.done $0x0  }
0x1e6: {  	s14 =	simm.s32 $0xB80;
	[sflag:s18] =	ssyncadd.s32 $0xFFFFE000  }
0x1e7: {  	[tilespmem:s26], [sflag:$0x4] =	stream.indirect.gather [hbm4b:s5+s20], $0x40, s14, s20, $0xb8;
	[tilespmem:$0x16000] =	vst v63  }
0x1e8: {  	_ =	swait.ge [sflag:s28], $0x2000  }
0x1e9: {  	[sflag:s28] =	ssyncset.done $0x0  }
0x1ea: {  	s14 =	simm.s32 $0x2A00;
	[sflag:s28] =	ssyncadd.s32 $0xFFFFE000  }
0x1eb: {  	[spmem:s3] =	stream.indirect.scatter.add.f32 [tilespmem:s21], [sflag:$0x5], $0x40, s14, s20, $0xb8;
	[tilespmem:$0x16000] =	vst v63  }
0x1ec: {  	_ =	swait.ge [sflag:s18], $0x2000  }
0x1ed: {  	[sflag:s18] =	ssyncset.done $0x0  }
0x1ee: {  	[sflag:s18] =	ssyncadd.s32 $0xFFFFE000  }
0x1ef: {  	_ =	swait.ge [sflag:s30], $0x2000  }
0x1f0: {  	[sflag:s30] =	ssyncset.done $0x0  }
0x1f1: {  	s14 =	simm.s32 $0x2A80;
	[sflag:s30] =	ssyncadd.s32 $0xFFFFE000  }
0x1f2: {  	[spmem:s3] =	stream.indirect.scatter.add.f32 [tilespmem:s22], [sflag:$0x5], $0x40, s14, s20, $0xb8;
	[tilespmem:$0x16000] =	vst v63  }
0x1f3: {  	_ =	swait.ge [sflag:s18], $0x2000  }
0x1f4: {  	[sflag:s18] =	ssyncset.done $0x0  }
0x1f5: {  	[sflag:s18] =	ssyncadd.s32 $0xFFFFE000  }
0x1f6: {  	_ =	swait.ge [sflag:s0], $0x2000  }
0x1f7: {  	[sflag:s0] =	ssyncset.done $0x0  }
0x1f8: {  	s14 =	simm.s32 $0x2B00;
	[sflag:s0] =	ssyncadd.s32 $0xFFFFE000  }
0x1f9: {  	[spmem:s3] =	stream.indirect.scatter.add.f32 [tilespmem:s24], [sflag:$0x5], $0x40, s14, s20, $0xb8;
	[tilespmem:$0x16000] =	vst v63  }
0x1fa: {  	_ =	swait.ge [sflag:s18], $0x2000  }
0x1fb: {  	[sflag:s18] =	ssyncset.done $0x0  }
0x1fc: {  	[sflag:s18] =	ssyncadd.s32 $0xFFFFE000  }
.Ltmp5:
0x1fd: {  	_ =	swait.ge [sflag:s7], $0x2000;
	(pc) =	sbr.rel .LBB2_8-.Ltmp5, $4  }
0x1fe: {  	[sflag:s7] =	ssyncset.done $0x0  }
0x1ff: {  	s14 =	simm.s32 $0x2B80;
	[sflag:s7] =	ssyncadd.s32 $0xFFFFE000  }
0x200: {  	[spmem:s3] =	stream.indirect.scatter.add.f32 [tilespmem:s26], [sflag:$0x5], $0x40, s14, s20, $0xb8;
	[tilespmem:$0x16000] =	vst v63  }
0x201: {  	s14 =	smov.u32 s8  }
.LBB2_9:
0x202: {  	_ =	sfence.sel $0x180000  }
0x203: {  	[bflag:$0x0] =	sbarrier.arrive $0xFFFF  }
0x204: {  	_ =	strace $0x9000004A  }
0x205: {  	s0 =	stileid.u32;
	[bflag:$0x2] =	sbarrier.arrive $0xFFFF  }
0x206: {  	p0 =	sne.s32 s0, $0x0;
	s0 =	rddreg [dreg:$0x3]  }
0x207: {  	s0 =	sadd.s32 @!p0 $0x100000, s0  }
0x208: {  	[sflag:s0] =	ssyncadd.tile.s32 @!p0 $0x1;
	_ =	shalt  }
.Lfunc_end2:
_tile_overlayer_lowered:
.L_overlay_start_2:
0x209: {  	(tag) =	ssettag $0x2  }
0x20a: {  	s0 =	rddreg [dreg:$0x0];
	s2 =	stileid.u32  }
0x20b: {  	s1 =	rddreg [dreg:$0x1];
	p0 =	sne.s32 s2, $0x0  }
0x20c: {  	s3 =	rddreg [dreg:$0x2];
	[bflag:$0x3] =	sbarrier.arrive $0xFFFF;
	s2 =	simm.s32 @!p0 $0x1C05  }
0x20d: {  	[timem:s3], [sflag:s2] =	dma.local @!p0 [hbm:s0], s1  }
0x20e: {  	s0 =	simm.s32 @!p0 $0x5  }
0x20f: {  	_ =	swait.ge @!p0 [sflag:s0], s1  }
0x210: {  	s1 =	ssub.s32 @!p0 $0x0, s1;
	[sflag:s0] =	ssyncset.done @!p0 $0x0  }
0x211: {  	[sflag:s0] =	ssyncadd.s32 @!p0 s1  }
0x212: {  	[bflag:$0x3] =	sbarrier.arrive $0xFFFF  }
0x213: {  	_ =	shalt  }

// kernel: kernel.15.cloned.1.call-start
scs
__scs_entry_jumppad:
0x0: {  	(pc) =	sbr.rel $0x88, $3  }
0x1: {  	(tag) =	ssettag $0x0;
	lr =	simm.s32 $0x1  }
0x2: {  	[smem:$0x3F9D] =	sst lr;
	_ =	strace $0xD0000000  }
0x3: {  	_ = 	snop  }
0x4: {  	_ = 	snop  }
0x5: {  	_ = 	snop  }
0x6: {  	_ = 	snop  }
0x7: {  	_ = 	snop  }
__scs_overlays_trampoline_lowered:
0x8: {  	[smem:$0x3FAC] =	sst s0  }
0x9: {  	[smem:$0x3FAD] =	sst s1  }
0xa: {  	[smem:$0x3FAE] =	sst s2  }
0xb: {  	[smem:$0x3FAF] =	sst s3  }
0xc: {  	[smem:$0x3FB0] =	sst s4  }
0xd: {  	[smem:$0x3FB1] =	sst s5  }
0xe: {  	[smem:$0x3FB2] =	sst s6  }
0xf: {  	[smem:$0x3FB3] =	sst s7  }
0x10: {  	[smem:$0x3FB4] =	sst s8  }
0x11: {  	[smem:$0x3FB5] =	sst s9;
	s0 =	simm.s32 @!p0 $0x0  }
0x12: {  	s1 =	sld [smem:$0x3F9B];
	s0 =	simm.s32 @p0 $0x1  }
0x13: {  	[smem:$0x3FB6] =	sst s0;
	s0 =	simm.s32 @!p1 $0x0  }
0x14: {  	s2 =	sld [smem:$0x3F9A];
	s0 =	simm.s32 @p1 $0x1  }
0x15: {  	[smem:$0x3FB7] =	sst s0;
	s0 =	simm.s32 @!p2 $0x0  }
0x16: {  	s3 =	sld [smem:$0x3FDB];
	s0 =	simm.s32 @p2 $0x1  }
0x17: {  	s4 =	simm.s32 $0x1BF5;
	[smem:$0x3FB9] =	sst s0  }
0x18: {  	s0 =	sld [smem:$0x3F9C];
	_ =	swait.ge [sflag:s4], $0x0  }
0x19: {  	s7 =	sld [smem:$0x3F9D]  }
0x1a: {  	s8 =	sadd.s32 $0xFFFFE003, lr  }
0x1b: {  	s9 =	sadd.s32 $0xFFFFFEF7, lr;
	s5 =	simm.s32 $0xFFFFFFFF;
	p2 =	slt.u32 s8, $0xFFFFF086  }
0x1c: {  	p1 =	slt.u32 s9, $0xF7A;
	s5 =	simm.s32 @!p2 $0x0  }
0x1d: {  	s5 =	simm.s32 @p1 $0x1;
	p0 =	seq.s32 s7, s2  }
0x1e: {  	s7 =	smul.u32 @!p0 $0xF7A, s2;
	p2 =	seq.s32 @!p0 s5, $0x0  }
0x1f: {  	s9 =	smul.u32 $0xF7A, s1;
	s8 =	simm.s32 @!p0 $0x1BF5;
	p2 =	por !p2, p0  }
0x20: {  	[sflag:s8] =	ssyncset.s32 @!p0 $0xFFFFF086;
	s6 =	sadd.s32 @!p0 s3, s7;
	s7 =	simm.s32 @!p0 $0x108  }
0x21: {  	s3 =	sadd.s32 s3, s9;
	s6 =	sadd.s32 @!p0 $0x88, s6;
	s7 =	simm.s32 @p2 $0x1082  }
0x22: {  	[simem:s7], [sflag:s8] =	dma.local @!p0 [hbm:s6], $0xF7A  }
0x23: {  	s9 =	sor.u32 $0xD0000000, s2;
	s6 =	simm.s32 $0x108;
	_ =	swait.ge @!p0 [sflag:s8], $0x0  }
0x24: {  	s3 =	sadd.s32 $0x88, s3;
	s6 =	simm.s32 @!p1 $0x1082;
	[sflag:s4] =	ssyncset.s32 $0xFFFFF086  }
0x25: {  	[simem:s6], [sflag:s4] =	dma.local [hbm:s3], $0xF7A  }
0x26: {  	[smem:$0x3F9D] =	sst s1;
	(tag) =	ssettag s2;
	_ =	strace s9  }
0x27: {  	s1 =	sld [smem:$0x3FAD]  }
0x28: {  	s2 =	sld [smem:$0x3FAE]  }
0x29: {  	s4 =	sld [smem:$0x3FB0]  }
0x2a: {  	p0 =	seq.s32 s5, $0x0;
	s5 =	sld [smem:$0x3FB1]  }
0x2b: {  	s6 =	sld [smem:$0x3FB2]  }
0x2c: {  	s7 =	sld [smem:$0x3FB3]  }
0x2d: {  	s3 =	simm.s32 $0x108;
	s8 =	sld [smem:$0x3FB4]  }
0x2e: {  	s3 =	simm.s32 @!p0 $0x1082;
	s9 =	sld [smem:$0x3FB5]  }
0x2f: {  	lr =	sadd.s32 s0, s3;
	s0 =	sld [smem:$0x3FAC]  }
0x30: {  	s3 =	sld [smem:$0x3FAF]  }
0x31: {  	[smem:$0x3FB8] =	sst s10  }
0x32: {  	s10 =	sld [smem:$0x3FB6];
	_ =	sdelay $0x3  }
0x33: {  	p0 =	seq.s32 s10, $0x1;
	s10 =	sld [smem:$0x3FB8];
	_ =	sdelay $0x3  }
0x34: {  	[smem:$0x3FB8] =	sst s10  }
0x35: {  	s10 =	sld [smem:$0x3FB7];
	_ =	sdelay $0x3  }
0x36: {  	p1 =	seq.s32 s10, $0x1;
	s10 =	sld [smem:$0x3FB8];
	_ =	sdelay $0x3  }
0x37: {  	[smem:$0x3FB8] =	sst s10  }
0x38: {  	s10 =	sld [smem:$0x3FB9]  }
0x39: {  	_ = 	snop;
	(pc) =	sbr.ind lr, $3  }
0x3a: {  	_ = 	snop  }
0x3b: {  	_ = 	snop  }
0x3c: {  	p2 =	seq.s32 s10, $0x1;
	s10 =	sld [smem:$0x3FB8]  }
0x3d: {  	_ =	shalt  }
0x3e: {  	_ =	shalt  }
0x3f: {  	_ =	shalt  }
0x40: {  	_ =	shalt  }
0x41: {  	_ =	shalt  }
0x42: {  	_ =	shalt  }
0x43: {  	_ =	shalt  }
0x44: {  	_ =	shalt  }
0x45: {  	_ =	shalt  }
0x46: {  	_ =	shalt  }
0x47: {  	_ =	shalt  }
0x48: {  	_ =	shalt  }
0x49: {  	_ =	shalt  }
0x4a: {  	_ =	shalt  }
0x4b: {  	_ =	shalt  }
0x4c: {  	_ =	shalt  }
0x4d: {  	_ =	shalt  }
0x4e: {  	_ =	shalt  }
0x4f: {  	_ =	shalt  }
0x50: {  	_ =	shalt  }
0x51: {  	_ =	shalt  }
0x52: {  	_ =	shalt  }
0x53: {  	_ =	shalt  }
0x54: {  	_ =	shalt  }
0x55: {  	_ =	shalt  }
0x56: {  	_ =	shalt  }
0x57: {  	_ =	shalt  }
0x58: {  	_ =	shalt  }
0x59: {  	_ =	shalt  }
0x5a: {  	_ =	shalt  }
0x5b: {  	_ =	shalt  }
0x5c: {  	_ =	shalt  }
0x5d: {  	_ =	shalt  }
0x5e: {  	_ =	shalt  }
0x5f: {  	_ =	shalt  }
0x60: {  	_ =	shalt  }
0x61: {  	_ =	shalt  }
0x62: {  	_ =	shalt  }
0x63: {  	_ =	shalt  }
0x64: {  	_ =	shalt  }
0x65: {  	_ =	shalt  }
0x66: {  	_ =	shalt  }
0x67: {  	_ =	shalt  }
0x68: {  	_ =	shalt  }
0x69: {  	_ =	shalt  }
0x6a: {  	_ =	shalt  }
0x6b: {  	_ =	shalt  }
0x6c: {  	_ =	shalt  }
0x6d: {  	_ =	shalt  }
0x6e: {  	_ =	shalt  }
0x6f: {  	_ =	shalt  }
0x70: {  	_ =	shalt  }
0x71: {  	_ =	shalt  }
0x72: {  	_ =	shalt  }
0x73: {  	_ =	shalt  }
0x74: {  	_ =	shalt  }
0x75: {  	_ =	shalt  }
0x76: {  	_ =	shalt  }
0x77: {  	_ =	shalt  }
0x78: {  	_ =	shalt  }
0x79: {  	_ =	shalt  }
0x7a: {  	_ =	shalt  }
0x7b: {  	_ =	shalt  }
0x7c: {  	_ =	shalt  }
0x7d: {  	_ =	shalt  }
0x7e: {  	_ =	shalt  }
0x7f: {  	_ =	shalt  }
0x80: {  	_ =	shalt  }
0x81: {  	_ =	shalt  }
0x82: {  	_ =	shalt  }
0x83: {  	_ =	shalt  }
0x84: {  	_ =	shalt  }
0x85: {  	_ =	shalt  }
0x86: {  	_ =	shalt  }
0x87: {  	_ =	shalt  }
.Lfunc_end0:
.L_simem_size_0:
called_computation.2_lowered:
.L_overlay_start_0:
0x88: {  	s2 =	sld [smem:$0x3FD9]  }
0x89: {  	s3 =	sld [smem:$0x3FFE];
	_ =	sdelay $0x1  }
0x8a: {  	s1 =	srdreg.scid  }
0x8b: {  	s0 =	sand.u32 $0x1, s1  }
0x8c: {  	s17 =	sshll.u32 s0, $0xA;
	s2 =	sadd.s32 s3, s2  }
0x8d: {  	s2 =	sadd.s32 s2, s17  }
0x8e: {  	[smem:$0x3FC4] =	sst s2  }
0x8f: {  	_ = 	snop  }
0x90: {  	s2 =	sld [smem:$0x3FD0];
	(tm) =	ssettm $0x1  }
0x91: {  	s18 =	sld [smem:$0x3FFB];
	_ =	sdelay $0x3  }
0x92: {  	_ =	strace s18  }
0x93: {  	s3 =	sld [smem:$0x3FFC];
	_ =	sdelay $0x3  }
0x94: {  	_ =	strace s3  }
0x95: {  	s3 =	sld [smem:$0x3FFD];
	_ =	sdelay $0x3  }
0x96: {  	_ =	strace s3  }
0x97: {  	_ =	strace $0x8FFFFFFF  }
0x98: {  	s19 =	sld [smem:$0x3FDB];
	_ =	sdelay $0x1  }
0x99: {  	s4 =	simm.s32 $_scs_section_size  }
0x9a: {  	s5 =	simm.s32 $_size__tile_overlayer_lowered;
	s6 =	simm.s32 $_tile_overlayer_lowered  }
0x9b: {  	s22 =	simm.s32 $0x1BFF;
	s21 =	sshll.u32 s6, $0x1;
	s3 =	sadd.s32 s4, s19  }
0x9c: {  	s7 =	simm.s32 $0x0;
	s20 =	sshll.u32 s5, $0x1;
	s5 =	sadd.s32 s21, s3  }
0x9d: {  	[timem:s7], [sflag:s22] =	dma.local [hbm:s5], s20  }
0x9e: {  	_ =	swait.ge [sflag:s22], s20  }
0x9f: {  	s4 =	ssub.s32 $0x0, s20;
	[sflag:s22] =	ssyncset.done $0x0  }
0xa0: {  	[sflag:s22] =	ssyncadd.s32 s4;
	_ =	sdelay $0x1  }
0xa1: {  	s23 =	simm.s32 $0x1B8B  }
0xa2: {  	_ =	swait.ge [sflag:s23], $0x1  }
0xa3: {  	[sflag:s23] =	ssyncset.done $0x0  }
0xa4: {  	s25 =	simm.s32 $0x1B8E;
	s24 =	sld [smem:$0x3FFE];
	[sflag:s23] =	ssyncadd.s32 $0xFFFFFFFF  }
0xa5: {  	s26 =	simm.s32 $execute0_lowered;
	[smem:$0x3FD2] =	sst s25  }
0xa6: {  	s5 =	sshll.u32 s26, $0x1;
	_ =	strace $0x8000004C;
	[dreg:$0x1] =	wrdreg $0xFFFFFFFF  }
0xa7: {  	s28 =	simm.s32 $_size_execute0_lowered;
	s3 =	sadd.s32 s3, s5;
	[dreg:$0x0] =	wrdreg $0x0  }
0xa8: {  	s5 =	sshll.u32 s28, $0x1;
	[dreg:$0x2] =	wrdreg s3  }
0xa9: {  	[dreg:$0x3] =	wrdreg s5  }
0xaa: {  	[dreg:$0x4] =	wrdreg $0xC0  }
0xab: {  	_ =	task [dreg:s7], $0x5FFFF  }
0xac: {  	[dreg:$0x1] =	wrdreg $0xFFFFFFFF  }
0xad: {  	[dreg:$0x0] =	wrdreg $0x60  }
0xae: {  	[dreg:$0x2] =	wrdreg s24  }
0xaf: {  	[dreg:$0x3] =	wrdreg s2  }
0xb0: {  	[dreg:$0x4] =	wrdreg $0xC0000  }
0xb1: {  	[dreg:$0x5] =	wrdreg $0x9  }
0xb2: {  	_ =	task.clear_ibuf [dreg:s7], $0x6FFFF;
	_ =	strace $0x9000004C  }
0xb3: {  	s29 =	simm.s32 $0x9;
	_ =	strace $0x8000004E  }
0xb4: {  	_ =	swait.ge [sflag:s29], $0x1  }
0xb5: {  	[sflag:s29] =	ssyncadd.s32 $0xFFFFFFFF  }
0xb6: {  	_ =	strace $0x9000004E  }
0xb7: {  	_ =	sfence  }
0xb8: {  	s30 =	sld [smem:$0x0];
	_ =	sdelay $0x2  }
0xb9: {  	s31 =	sshll.u32 s1, $0xD;
	s1 =	sshrl.u32 s1, $0x2  }
0xba: {  	s3 =	sand.u32 $0x4000, s31;
	s1 =	sadd.s32 s1, s30  }
0xbb: {  	s0 =	sor.u32 s3, s0;
	s1 =	sshll.u32 s1, $0x11  }
0xbc: {  	s0 =	sor.u32 s1, s0  }
0xbd: {  	s0 =	sadd.s32 $0x8F2B, s0  }
0xbe: {  	[sflag:s0] =	ssyncadd.remote.s32 $0x1  }
0xbf: {  	_ =	sfence.sel $0xFFFF  }
0xc0: {  	[dreg:$0x0] =	wrdreg $0xFFFFFFFF;
	(pc) =	sbr.abs _section_cstart, $3  }
0xc1: {  	[dreg:$0x1] =	wrdreg $0xFFFFFFFF  }
0xc2: {  	_ =	task.clear_ibuf [dreg:s7], $0x2FFFF;
	_ =	strace $0x9FFFFFFF  }
0xc3: {  	(tm) =	ssettm $0x7FFFFFFF  }
tec
execute0_lowered:
.L_overlay_start_1:
0x0: {  	(tag) =	ssettag $0x1  }
0x1: {  	s0 =	rddreg [dreg:$0x0]  }
0x2: {  	s14 =	rddreg [dreg:$0x1];
	s1 =	srdreg.scid  }
0x3: {  	s13 =	stileid.u32;
	s3 =	rddreg [dreg:$0x2];
	s4 =	simm.s32 $0x0  }
0x4: {  	s18 =	simm.s32 $0x5;
	s28 =	simm.s32 $0x1;
	s30 =	simm.s32 $0x2  }
0x5: {  	s29 =	simm.s32 $0x2280;
	s31 =	simm.s32 $0x3E80;
	s2 =	smul.u32 $0xA000, s13  }
0x6: {  	s1 =	sand.u32 $0x1, s1;
	[smem:$0x7FF] =	sst s4;
	s9 =	smul.u32 $0x980, s13  }
0x7: {  	s5 =	sadd.s32 $0x15A00, s0;
	s7 =	sadd.s32 $0xBC00, s0;
	s12 =	smul.u32 $0x4C00, s13  }
0x8: {  	s8 =	sadd.s32 $0x1600, s0;
	s11 =	sshll.u32 s13, $0x6;
	s23 =	smul.u32 $0x60, s13  }
0x9: {  	s13 =	simm.s32 $0x200;
	s6 =	smul.u32 $0xA0000, s1;
	s19 =	ssub.s32 $0x2, s1  }
0xa: {  	_ =	strace $0x8000004D;
	p0 =	seq.s32 s1, $0x1;
	s10 =	sshrl.u32 s19, $0x1  }
0xb: {  	s20 =	sadd.s32 s7, s9;
	s21 =	sshrl.u32 s12, $0x3;
	s9 =	sadd.s32 s8, s9  }
0xc: {  	s26 =	sor.u32 $0x9800, s23;
	s23 =	simm.s32 $0x100;
	s12 =	simm.s32 $0x0  }
0xd: {  	s6 =	sadd.s32 s2, s6;
	s10 =	ssub.s32 s19, s10;
	[dreg:$0x4] =	wrdreg s20  }
0xe: {  	s2 =	sadd.s32 s2, s3;
	[dreg:$0x5] =	wrdreg s9;
	s22 =	sadd.s32 $0x400, s21  }
0xf: {  	s1 =	sadd.s32 $0x800, s21;
	s19 =	simm.s32 $0x2000;
	s20 =	simm.s32 $0x80  }
0x10: {  	s21 =	simm.s32 $0x4000;
	s6 =	sshrl.u32 s6, $0x3;
	s24 =	sadd.s32 s7, s22  }
0x11: {  	s9 =	sadd.s32 s8, s22;
	s25 =	sadd.s32 s7, s1;
	s1 =	sadd.s32 s8, s1  }
0x12: {  	s7 =	sadd.s32 s7, s26;
	s16 =	smax.u32 s10, $0x1;
	[dreg:$0x6] =	wrdreg s24  }
0x13: {  	s17 =	sshrl.u32 s2, $0x3;
	s22 =	simm.s32 $0x6000;
	[dreg:$0x7] =	wrdreg s9  }
0x14: {  	s10 =	simm.s32 $0x3E00;
	s0 =	sadd.s32 s6, s0;
	[dreg:$0x8] =	wrdreg s25  }
.Ltmp0:
0x15: {  	s6 =	sor.u32 $0x1C05, s11;
	[dreg:$0x9] =	wrdreg s1;
	(pc) =	sbr.rel .LBB2_1-.Ltmp0, $4  }
0x16: {  	[dreg:$0xa] =	wrdreg s7;
	s1 =	sadd.s32 s8, s26;
	s24 =	simm.s32 $0x8000  }
0x17: {  	s25 =	simm.s32 $0x180;
	s26 =	simm.s32 $0xA000;
	s7 =	simm.s32 $0x4  }
0x18: {  	s9 =	simm.s32 $0x2200;
	s11 =	simm.s32 $0x3F00;
	[dreg:$0xb] =	wrdreg s1  }
0x19: {  	s15 =	sadd.s32 $0x29A00, s0;
	s0 =	simm.s32 $0x3;
	s1 =	simm.s32 $0x3F80  }
.LBB2_7:
0x1a: {  	s2 =	rddreg [dreg:$0xa]  }
0x1b: {  	[tilespmem:s4], [sflag:$0x5] =	stream.linear.gather [hbm4b:s2+s4], $0x300, $0x38;
	[tilespmem:$0x16000] =	vst v63  }
0x1c: {  	_ =	swait.ge [sflag:s18], $0x300  }
0x1d: {  	[sflag:s18] =	ssyncset.done $0x0  }
0x1e: {  	s8 =	rddreg [dreg:$0xb];
	[sflag:s18] =	ssyncadd.s32 $0xFFFFFD00  }
0x1f: {  	[tilespmem:s19], [sflag:$0x5] =	stream.linear.gather [hbm4b:s8+s4], $0x300, $0x38;
	[tilespmem:$0x16000] =	vst v63  }
0x20: {  	_ =	swait.ge [sflag:s18], $0x300  }
0x21: {  	[sflag:s18] =	ssyncset.done $0x0  }
0x22: {  	[sflag:s18] =	ssyncadd.s32 $0xFFFFFD00  }
0x23: {  	[tilespmem:s21], [sflag:$0x1] =	stream.indirect.gather [hbm4b:s5+s20], $0x40, s4, s20, $0xb8;
	[tilespmem:$0x16000] =	vst v63  }
0x24: {  	_ = 	snop  }
0x25: {  	[tilespmem:s22], [sflag:$0x2] =	stream.indirect.gather [hbm4b:s5+s20], $0x40, s20, s20, $0xb8;
	[tilespmem:$0x16000] =	vst v63  }
0x26: {  	_ = 	snop  }
0x27: {  	[tilespmem:s24], [sflag:$0x3] =	stream.indirect.gather [hbm4b:s5+s20], $0x40, s23, s20, $0xb8;
	[tilespmem:$0x16000] =	vst v63  }
0x28: {  	_ = 	snop  }
0x29: {  	[tilespmem:s26], [sflag:$0x4] =	stream.indirect.gather [hbm4b:s5+s20], $0x40, s25, s20, $0xb8;
	[tilespmem:$0x16000] =	vst v63  }
0x2a: {  	_ =	swait.ge [sflag:s28], $0x2000  }
0x2b: {  	[sflag:s28] =	ssyncset.done $0x0  }
0x2c: {  	[sflag:s28] =	ssyncadd.s32 $0xFFFFE000  }
0x2d: {  	[spmem:s3] =	stream.indirect.scatter.add.f32 [tilespmem:s21], [sflag:$0x5], $0x40, s19, s20, $0xb8;
	[tilespmem:$0x16000] =	vst v63  }
0x2e: {  	_ =	swait.ge [sflag:s18], $0x2000  }
0x2f: {  	[sflag:s18] =	ssyncset.done $0x0  }
0x30: {  	[sflag:s18] =	ssyncadd.s32 $0xFFFFE000  }
0x31: {  	[tilespmem:s21], [sflag:$0x1] =	stream.indirect.gather [hbm4b:s5+s20], $0x40, s13, s20, $0xb8;
	[tilespmem:$0x16000] =	vst v63  }
0x32: {  	_ =	swait.ge [sflag:s30], $0x2000  }
0x33: {  	[sflag:s30] =	ssyncset.done $0x0  }
0x34: {  	s8 =	simm.s32 $0x2080;
	[sflag:s30] =	ssyncadd.s32 $0xFFFFE000  }
0x35: {  	[spmem:s3] =	stream.indirect.scatter.add.f32 [tilespmem:s22], [sflag:$0x5], $0x40, s8, s20, $0xb8;
	[tilespmem:$0x16000] =	vst v63  }
0x36: {  	_ =	swait.ge [sflag:s18], $0x2000  }
0x37: {  	[sflag:s18] =	ssyncset.done $0x0  }
0x38: {  	s8 =	simm.s32 $0x280;
	[sflag:s18] =	ssyncadd.s32 $0xFFFFE000  }
0x39: {  	[tilespmem:s22], [sflag:$0x2] =	stream.indirect.gather [hbm4b:s5+s20], $0x40, s8, s20, $0xb8;
	[tilespmem:$0x16000] =	vst v63  }
0x3a: {  	_ =	swait.ge [sflag:s0], $0x2000  }
0x3b: {  	[sflag:s0] =	ssyncset.done $0x0  }
0x3c: {  	s8 =	simm.s32 $0x2100;
	[sflag:s0] =	ssyncadd.s32 $0xFFFFE000  }
0x3d: {  	[spmem:s3] =	stream.indirect.scatter.add.f32 [tilespmem:s24], [sflag:$0x5], $0x40, s8, s20, $0xb8;
	[tilespmem:$0x16000] =	vst v63  }
0x3e: {  	_ =	swait.ge [sflag:s18], $0x2000  }
0x3f: {  	[sflag:s18] =	ssyncset.done $0x0  }
0x40: {  	[sflag:s18] =	ssyncadd.s32 $0xFFFFE000  }
0x41: {  	_ =	swait.ge [sflag:s7], $0x2000  }
0x42: {  	[sflag:s7] =	ssyncset.done $0x0  }
0x43: {  	s8 =	simm.s32 $0x2180;
	[sflag:s7] =	ssyncadd.s32 $0xFFFFE000  }
0x44: {  	[spmem:s3] =	stream.indirect.scatter.add.f32 [tilespmem:s26], [sflag:$0x5], $0x40, s8, s20, $0xb8;
	[tilespmem:$0x16000] =	vst v63  }
0x45: {  	_ =	swait.ge [sflag:s18], $0x2000  }
0x46: {  	[sflag:s18] =	ssyncset.done $0x0  }
0x47: {  	[sflag:s18] =	ssyncadd.s32 $0xFFFFE000  }
0x48: {  	_ =	swait.ge [sflag:s28], $0x2000  }
0x49: {  	[sflag:s28] =	ssyncset.done $0x0  }
0x4a: {  	[sflag:s28] =	ssyncadd.s32 $0xFFFFE000  }
0x4b: {  	[spmem:s3] =	stream.indirect.scatter.add.f32 [tilespmem:s21], [sflag:$0x5], $0x40, s9, s20, $0xb8;
	[tilespmem:$0x16000] =	vst v63  }
0x4c: {  	_ =	swait.ge [sflag:s18], $0x2000  }
0x4d: {  	[sflag:s18] =	ssyncset.done $0x0  }
0x4e: {  	[sflag:s18] =	ssyncadd.s32 $0xFFFFE000  }
0x4f: {  	_ =	swait.ge [sflag:s30], $0x2000  }
0x50: {  	[sflag:s30] =	ssyncset.done $0x0  }
0x51: {  	[sflag:s30] =	ssyncadd.s32 $0xFFFFE000  }
0x52: {  	[spmem:s3] =	stream.indirect.scatter.add.f32 [tilespmem:s22], [sflag:$0x5], $0x40, s29, s20, $0xb8;
	[tilespmem:$0x16000] =	vst v63  }
.LBB2_8:
0x53: {  	_ =	swait.ge [sflag:s18], $0x2000  }
0x54: {  	s12 =	sadd.s32 $0x1, s12;
	[sflag:s18] =	ssyncset.done $0x0  }
0x55: {  	p1 =	sne.s32 s12, s16;
	[sflag:s18] =	ssyncadd.s32 $0xFFFFE000  }
.Ltmp1:
0x56: {  	[bflag:$0x0] =	sbarrier.arrive $0xFFFF;
	(pc) =	sbr.rel @!p1 .LBB2_9-.Ltmp1, $4  }
0x57: {  	[hbm:s15], [sflag:s6] =	dma.local [spmem:s17], $0x1400  }
0x58: {  	_ =	swait.ge [sflag:s18], $0x1400  }
0x59: {  	[sflag:s18] =	ssyncset.done $0x0  }
0x5a: {  	[sflag:s18] =	ssyncadd.s32 $0xFFFFEC00  }
.LBB2_1:
.Ltmp2:
0x5b: {  	(pc) =	sbr.rel @p0 .LBB2_7-.Ltmp2, $4  }
0x5c: {  	[spmem:s17], [sflag:s6] =	dma.local [hbm:s14], $0x1400  }
0x5d: {  	_ =	swait.ge [sflag:s18], $0x1400  }
0x5e: {  	[sflag:s18] =	ssyncset.done $0x0  }
0x5f: {  	[sflag:s18] =	ssyncadd.s32 $0xFFFFEC00  }
0x60: {  	s2 =	simm.s32 $0x0;
	s13 =	rddreg [dreg:$0x4]  }
0x61: {  	[tilespmem:s2], [sflag:$0x5] =	stream.linear.gather [hbm4b:s13+s2], $0x2000, $0x38;
	[tilespmem:$0x16000] =	vst v63  }
0x62: {  	_ =	swait.ge [sflag:s18], $0x2000  }
0x63: {  	[sflag:s18] =	ssyncset.done $0x0  }
0x64: {  	s8 =	smov.u32 s14;
	s14 =	rddreg [dreg:$0x5];
	[sflag:s18] =	ssyncadd.s32 $0xFFFFE000  }
0x65: {  	[tilespmem:s19], [sflag:$0x5] =	stream.linear.gather [hbm4b:s14+s2], $0x2000, $0x38;
	[tilespmem:$0x16000] =	vst v63  }
0x66: {  	_ =	swait.ge [sflag:s18], $0x2000  }
0x67: {  	[sflag:s18] =	ssyncset.done $0x0  }
0x68: {  	[sflag:s18] =	ssyncadd.s32 $0xFFFFE000  }
0x69: {  	[tilespmem:s21], [sflag:$0x1] =	stream.indirect.gather [hbm4b:s5+s20], $0x40, s2, s20, $0xb8;
	[tilespmem:$0x16000] =	vst v63  }
0x6a: {  	_ = 	snop  }
0x6b: {  	[tilespmem:s22], [sflag:$0x2] =	stream.indirect.gather [hbm4b:s5+s20], $0x40, s20, s20, $0xb8;
	[tilespmem:$0x16000] =	vst v63  }
0x6c: {  	_ = 	snop  }
0x6d: {  	[tilespmem:s24], [sflag:$0x3] =	stream.indirect.gather [hbm4b:s5+s20], $0x40, s23, s20, $0xb8;
	[tilespmem:$0x16000] =	vst v63  }
0x6e: {  	_ = 	snop  }
0x6f: {  	[tilespmem:s26], [sflag:$0x4] =	stream.indirect.gather [hbm4b:s5+s20], $0x40, s25, s20, $0xb8;
	[tilespmem:$0x16000] =	vst v63  }
0x70: {  	_ =	swait.ge [sflag:s28], $0x2000  }
0x71: {  	[sflag:s28] =	ssyncset.done $0x0  }
0x72: {  	s14 =	simm.s32 $0x2000;
	[sflag:s28] =	ssyncadd.s32 $0xFFFFE000  }
0x73: {  	[spmem:s3] =	stream.indirect.scatter.add.f32 [tilespmem:s21], [sflag:$0x5], $0x40, s14, s20, $0xb8;
	[tilespmem:$0x16000] =	vst v63  }
0x74: {  	_ =	swait.ge [sflag:s18], $0x2000  }
0x75: {  	[sflag:s18] =	ssyncset.done $0x0  }
0x76: {  	s13 =	simm.s32 $0x200;
	[sflag:s18] =	ssyncadd.s32 $0xFFFFE000  }
0x77: {  	[tilespmem:s21], [sflag:$0x1] =	stream.indirect.gather [hbm4b:s5+s20], $0x40, s13, s20, $0xb8;
	[tilespmem:$0x16000] =	vst v63  }
0x78: {  	_ =	swait.ge [sflag:s30], $0x2000  }
0x79: {  	[sflag:s30] =	ssyncset.done $0x0  }
0x7a: {  	s14 =	simm.s32 $0x2080;
	[sflag:s30] =	ssyncadd.s32 $0xFFFFE000  }
0x7b: {  	[spmem:s3] =	stream.indirect.scatter.add.f32 [tilespmem:s22], [sflag:$0x5], $0x40, s14, s20, $0xb8;
	[tilespmem:$0x16000] =	vst v63  }
0x7c: {  	_ =	swait.ge [sflag:s18], $0x2000  }
0x7d: {  	[sflag:s18] =	ssyncset.done $0x0  }
0x7e: {  	s13 =	simm.s32 $0x280;
	[sflag:s18] =	ssyncadd.s32 $0xFFFFE000  }
0x7f: {  	[tilespmem:s22], [sflag:$0x2] =	stream.indirect.gather [hbm4b:s5+s20], $0x40, s13, s20, $0xb8;
	[tilespmem:$0x16000] =	vst v63  }
0x80: {  	_ =	swait.ge [sflag:s0], $0x2000  }
0x81: {  	[sflag:s0] =	ssyncset.done $0x0  }
0x82: {  	s14 =	simm.s32 $0x2100;
	[sflag:s0] =	ssyncadd.s32 $0xFFFFE000  }
0x83: {  	[spmem:s3] =	stream.indirect.scatter.add.f32 [tilespmem:s24], [sflag:$0x5], $0x40, s14, s20, $0xb8;
	[tilespmem:$0x16000] =	vst v63  }
0x84: {  	_ =	swait.ge [sflag:s18], $0x2000  }
0x85: {  	[sflag:s18] =	ssyncset.done $0x0  }
0x86: {  	s13 =	simm.s32 $0x300;
	[sflag:s18] =	ssyncadd.s32 $0xFFFFE000  }
0x87: {  	[tilespmem:s24], [sflag:$0x3] =	stream.indirect.gather [hbm4b:s5+s20], $0x40, s13, s20, $0xb8;
	[tilespmem:$0x16000] =	vst v63  }
0x88: {  	_ =	swait.ge [sflag:s7], $0x2000  }
0x89: {  	[sflag:s7] =	ssyncset.done $0x0  }
0x8a: {  	s14 =	simm.s32 $0x2180;
	[sflag:s7] =	ssyncadd.s32 $0xFFFFE000  }
0x8b: {  	[spmem:s3] =	stream.indirect.scatter.add.f32 [tilespmem:s26], [sflag:$0x5], $0x40, s14, s20, $0xb8;
	[tilespmem:$0x16000] =	vst v63  }
0x8c: {  	_ =	swait.ge [sflag:s18], $0x2000  }
0x8d: {  	[sflag:s18] =	ssyncset.done $0x0  }
0x8e: {  	s2 =	simm.s32 $0x800;
	s13 =	simm.s32 $0x380;
	[sflag:s18] =	ssyncadd.s32 $0xFFFFE000  }
.LBB2_3:
0x8f: {  	[tilespmem:s26], [sflag:$0x4] =	stream.indirect.gather [hbm4b:s5+s20], $0x40, s13, s20, $0xb8;
	[tilespmem:$0x16000] =	vst v63  }
0x90: {  	s13 =	smov.u32 s2  }
0x91: {  	p1 =	sne.s32 s2, $0x7000;
	s2 =	sadd.s32 $0x800, s2;
	_ =	swait.ge [sflag:s28], $0x2000  }
0x92: {  	s13 =	sshra.s32 s13, $0x2;
	[sflag:s28] =	ssyncset.done $0x0  }
0x93: {  	s14 =	sadd.s32 $0x2000, s13;
	[sflag:s28] =	ssyncadd.s32 $0xFFFFE000  }
0x94: {  	[spmem:s3] =	stream.indirect.scatter.add.f32 [tilespmem:s21], [sflag:$0x5], $0x40, s14, s20, $0xb8;
	[tilespmem:$0x16000] =	vst v63  }
0x95: {  	_ =	swait.ge [sflag:s18], $0x2000  }
0x96: {  	[sflag:s18] =	ssyncset.done $0x0  }
0x97: {  	s14 =	sadd.s32 $0x200, s13;
	[sflag:s18] =	ssyncadd.s32 $0xFFFFE000  }
0x98: {  	[tilespmem:s21], [sflag:$0x1] =	stream.indirect.gather [hbm4b:s5+s20], $0x40, s14, s20, $0xb8;
	[tilespmem:$0x16000] =	vst v63  }
0x99: {  	_ =	swait.ge [sflag:s30], $0x2000  }
0x9a: {  	[sflag:s30] =	ssyncset.done $0x0  }
0x9b: {  	s14 =	sadd.s32 $0x2080, s13;
	[sflag:s30] =	ssyncadd.s32 $0xFFFFE000  }
0x9c: {  	[spmem:s3] =	stream.indirect.scatter.add.f32 [tilespmem:s22], [sflag:$0x5], $0x40, s14, s20, $0xb8;
	[tilespmem:$0x16000] =	vst v63  }
0x9d: {  	_ =	swait.ge [sflag:s18], $0x2000  }
0x9e: {  	[sflag:s18] =	ssyncset.done $0x0  }
0x9f: {  	s14 =	sadd.s32 $0x280, s13;
	[sflag:s18] =	ssyncadd.s32 $0xFFFFE000  }
0xa0: {  	[tilespmem:s22], [sflag:$0x2] =	stream.indirect.gather [hbm4b:s5+s20], $0x40, s14, s20, $0xb8;
	[tilespmem:$0x16000] =	vst v63  }
0xa1: {  	_ =	swait.ge [sflag:s0], $0x2000  }
0xa2: {  	[sflag:s0] =	ssyncset.done $0x0  }
0xa3: {  	s14 =	sadd.s32 $0x2100, s13;
	[sflag:s0] =	ssyncadd.s32 $0xFFFFE000  }
0xa4: {  	[spmem:s3] =	stream.indirect.scatter.add.f32 [tilespmem:s24], [sflag:$0x5], $0x40, s14, s20, $0xb8;
	[tilespmem:$0x16000] =	vst v63  }
0xa5: {  	_ =	swait.ge [sflag:s18], $0x2000  }
0xa6: {  	[sflag:s18] =	ssyncset.done $0x0  }
0xa7: {  	s14 =	sadd.s32 $0x300, s13;
	[sflag:s18] =	ssyncadd.s32 $0xFFFFE000  }
0xa8: {  	[tilespmem:s24], [sflag:$0x3] =	stream.indirect.gather [hbm4b:s5+s20], $0x40, s14, s20, $0xb8;
	[tilespmem:$0x16000] =	vst v63  }
0xa9: {  	_ =	swait.ge [sflag:s7], $0x2000  }
0xaa: {  	[sflag:s7] =	ssyncset.done $0x0  }
.Ltmp3:
0xab: {  	s14 =	sadd.s32 $0x2180, s13;
	[sflag:s7] =	ssyncadd.s32 $0xFFFFE000;
	(pc) =	sbr.rel @p1 .LBB2_3-.Ltmp3, $4  }
0xac: {  	[spmem:s3] =	stream.indirect.scatter.add.f32 [tilespmem:s26], [sflag:$0x5], $0x40, s14, s20, $0xb8;
	[tilespmem:$0x16000] =	vst v63  }
0xad: {  	_ =	swait.ge [sflag:s18], $0x2000  }
0xae: {  	[sflag:s18] =	ssyncset.done $0x0  }
0xaf: {  	s13 =	sadd.s32 $0x380, s13;
	[sflag:s18] =	ssyncadd.s32 $0xFFFFE000  }
0xb0: {  	[tilespmem:s26], [sflag:$0x4] =	stream.indirect.gather [hbm4b:s5+s20], $0x40, s13, s20, $0xb8;
	[tilespmem:$0x16000] =	vst v63  }
0xb1: {  	_ =	swait.ge [sflag:s28], $0x2000  }
0xb2: {  	[sflag:s28] =	ssyncset.done $0x0  }
0xb3: {  	[sflag:s28] =	ssyncadd.s32 $0xFFFFE000  }
0xb4: {  	[spmem:s3] =	stream.indirect.scatter.add.f32 [tilespmem:s21], [sflag:$0x5], $0x40, s10, s20, $0xb8;
	[tilespmem:$0x16000] =	vst v63  }
0xb5: {  	_ =	swait.ge [sflag:s18], $0x2000  }
0xb6: {  	[sflag:s18] =	ssyncset.done $0x0  }
0xb7: {  	[sflag:s18] =	ssyncadd.s32 $0xFFFFE000  }
0xb8: {  	_ =	swait.ge [sflag:s30], $0x2000  }
0xb9: {  	[sflag:s30] =	ssyncset.done $0x0  }
0xba: {  	[sflag:s30] =	ssyncadd.s32 $0xFFFFE000  }
0xbb: {  	[spmem:s3] =	stream.indirect.scatter.add.f32 [tilespmem:s22], [sflag:$0x5], $0x40, s31, s20, $0xb8;
	[tilespmem:$0x16000] =	vst v63  }
0xbc: {  	_ =	swait.ge [sflag:s18], $0x2000  }
0xbd: {  	[sflag:s18] =	ssyncset.done $0x0  }
0xbe: {  	[sflag:s18] =	ssyncadd.s32 $0xFFFFE000  }
0xbf: {  	_ =	swait.ge [sflag:s0], $0x2000  }
0xc0: {  	[sflag:s0] =	ssyncset.done $0x0  }
0xc1: {  	[sflag:s0] =	ssyncadd.s32 $0xFFFFE000  }
0xc2: {  	[spmem:s3] =	stream.indirect.scatter.add.f32 [tilespmem:s24], [sflag:$0x5], $0x40, s11, s20, $0xb8;
	[tilespmem:$0x16000] =	vst v63  }
0xc3: {  	_ =	swait.ge [sflag:s18], $0x2000  }
0xc4: {  	[sflag:s18] =	ssyncset.done $0x0  }
0xc5: {  	[sflag:s18] =	ssyncadd.s32 $0xFFFFE000  }
0xc6: {  	_ =	swait.ge [sflag:s7], $0x2000  }
0xc7: {  	[sflag:s7] =	ssyncset.done $0x0  }
0xc8: {  	[sflag:s7] =	ssyncadd.s32 $0xFFFFE000  }
0xc9: {  	[spmem:s3] =	stream.indirect.scatter.add.f32 [tilespmem:s26], [sflag:$0x5], $0x40, s1, s20, $0xb8;
	[tilespmem:$0x16000] =	vst v63  }
0xca: {  	_ =	swait.ge [sflag:s18], $0x2000  }
0xcb: {  	[sflag:s18] =	ssyncset.done $0x0  }
0xcc: {  	s2 =	simm.s32 $0x0;
	s14 =	rddreg [dreg:$0x6];
	[sflag:s18] =	ssyncadd.s32 $0xFFFFE000  }
0xcd: {  	[tilespmem:s2], [sflag:$0x5] =	stream.linear.gather [hbm4b:s14+s2], $0x2000, $0x38;
	[tilespmem:$0x16000] =	vst v63  }
0xce: {  	_ =	swait.ge [sflag:s18], $0x2000  }
0xcf: {  	[sflag:s18] =	ssyncset.done $0x0  }
0xd0: {  	s14 =	rddreg [dreg:$0x7];
	[sflag:s18] =	ssyncadd.s32 $0xFFFFE000  }
0xd1: {  	[tilespmem:s19], [sflag:$0x5] =	stream.linear.gather [hbm4b:s14+s2], $0x2000, $0x38;
	[tilespmem:$0x16000] =	vst v63  }
0xd2: {  	_ =	swait.ge [sflag:s18], $0x2000  }
0xd3: {  	[sflag:s18] =	ssyncset.done $0x0  }
0xd4: {  	[sflag:s18] =	ssyncadd.s32 $0xFFFFE000  }
0xd5: {  	[tilespmem:s21], [sflag:$0x1] =	stream.indirect.gather [hbm4b:s5+s20], $0x40, s2, s20, $0xb8;
	[tilespmem:$0x16000] =	vst v63  }
0xd6: {  	_ = 	snop  }
0xd7: {  	[tilespmem:s22], [sflag:$0x2] =	stream.indirect.gather [hbm4b:s5+s20], $0x40, s20, s20, $0xb8;
	[tilespmem:$0x16000] =	vst v63  }
0xd8: {  	_ = 	snop  }
0xd9: {  	[tilespmem:s24], [sflag:$0x3] =	stream.indirect.gather [hbm4b:s5+s20], $0x40, s23, s20, $0xb8;
	[tilespmem:$0x16000] =	vst v63  }
0xda: {  	_ = 	snop  }
0xdb: {  	[tilespmem:s26], [sflag:$0x4] =	stream.indirect.gather [hbm4b:s5+s20], $0x40, s25, s20, $0xb8;
	[tilespmem:$0x16000] =	vst v63  }
0xdc: {  	_ =	swait.ge [sflag:s28], $0x2000  }
0xdd: {  	[sflag:s28] =	ssyncset.done $0x0  }
0xde: {  	s14 =	simm.s32 $0x2000;
	[sflag:s28] =	ssyncadd.s32 $0xFFFFE000  }
0xdf: {  	[spmem:s3] =	stream.indirect.scatter.add.f32 [tilespmem:s21], [sflag:$0x5], $0x40, s14, s20, $0xb8;
	[tilespmem:$0x16000] =	vst v63  }
0xe0: {  	_ =	swait.ge [sflag:s18], $0x2000  }
0xe1: {  	[sflag:s18] =	ssyncset.done $0x0  }
0xe2: {  	s13 =	simm.s32 $0x200;
	[sflag:s18] =	ssyncadd.s32 $0xFFFFE000  }
0xe3: {  	[tilespmem:s21], [sflag:$0x1] =	stream.indirect.gather [hbm4b:s5+s20], $0x40, s13, s20, $0xb8;
	[tilespmem:$0x16000] =	vst v63  }
0xe4: {  	_ =	swait.ge [sflag:s30], $0x2000  }
0xe5: {  	[sflag:s30] =	ssyncset.done $0x0  }
0xe6: {  	s14 =	simm.s32 $0x2080;
	[sflag:s30] =	ssyncadd.s32 $0xFFFFE000  }
0xe7: {  	[spmem:s3] =	stream.indirect.scatter.add.f32 [tilespmem:s22], [sflag:$0x5], $0x40, s14, s20, $0xb8;
	[tilespmem:$0x16000] =	vst v63  }
0xe8: {  	_ =	swait.ge [sflag:s18], $0x2000  }
0xe9: {  	[sflag:s18] =	ssyncset.done $0x0  }
0xea: {  	s13 =	simm.s32 $0x280;
	[sflag:s18] =	ssyncadd.s32 $0xFFFFE000  }
0xeb: {  	[tilespmem:s22], [sflag:$0x2] =	stream.indirect.gather [hbm4b:s5+s20], $0x40, s13, s20, $0xb8;
	[tilespmem:$0x16000] =	vst v63  }
0xec: {  	_ =	swait.ge [sflag:s0], $0x2000  }
0xed: {  	[sflag:s0] =	ssyncset.done $0x0  }
0xee: {  	s14 =	simm.s32 $0x2100;
	[sflag:s0] =	ssyncadd.s32 $0xFFFFE000  }
0xef: {  	[spmem:s3] =	stream.indirect.scatter.add.f32 [tilespmem:s24], [sflag:$0x5], $0x40, s14, s20, $0xb8;
	[tilespmem:$0x16000] =	vst v63  }
0xf0: {  	_ =	swait.ge [sflag:s18], $0x2000  }
0xf1: {  	[sflag:s18] =	ssyncset.done $0x0  }
0xf2: {  	s13 =	simm.s32 $0x300;
	[sflag:s18] =	ssyncadd.s32 $0xFFFFE000  }
0xf3: {  	[tilespmem:s24], [sflag:$0x3] =	stream.indirect.gather [hbm4b:s5+s20], $0x40, s13, s20, $0xb8;
	[tilespmem:$0x16000] =	vst v63  }
0xf4: {  	_ =	swait.ge [sflag:s7], $0x2000  }
0xf5: {  	[sflag:s7] =	ssyncset.done $0x0  }
0xf6: {  	s14 =	simm.s32 $0x2180;
	[sflag:s7] =	ssyncadd.s32 $0xFFFFE000  }
0xf7: {  	[spmem:s3] =	stream.indirect.scatter.add.f32 [tilespmem:s26], [sflag:$0x5], $0x40, s14, s20, $0xb8;
	[tilespmem:$0x16000] =	vst v63  }
0xf8: {  	_ =	swait.ge [sflag:s18], $0x2000  }
0xf9: {  	[sflag:s18] =	ssyncset.done $0x0  }
0xfa: {  	s2 =	simm.s32 $0x800;
	s13 =	simm.s32 $0x380;
	[sflag:s18] =	ssyncadd.s32 $0xFFFFE000  }
.LBB2_5:
0xfb: {  	[tilespmem:s26], [sflag:$0x4] =	stream.indirect.gather [hbm4b:s5+s20], $0x40, s13, s20, $0xb8;
	[tilespmem:$0x16000] =	vst v63  }
0xfc: {  	s13 =	smov.u32 s2  }
0xfd: {  	p1 =	sne.s32 s2, $0x7000;
	s2 =	sadd.s32 $0x800, s2;
	_ =	swait.ge [sflag:s28], $0x2000  }
0xfe: {  	s13 =	sshra.s32 s13, $0x2;
	[sflag:s28] =	ssyncset.done $0x0  }
0xff: {  	s14 =	sadd.s32 $0x2000, s13;
	[sflag:s28] =	ssyncadd.s32 $0xFFFFE000  }
0x100: {  	[spmem:s3] =	stream.indirect.scatter.add.f32 [tilespmem:s21], [sflag:$0x5], $0x40, s14, s20, $0xb8;
	[tilespmem:$0x16000] =	vst v63  }
0x101: {  	_ =	swait.ge [sflag:s18], $0x2000  }
0x102: {  	[sflag:s18] =	ssyncset.done $0x0  }
0x103: {  	s14 =	sadd.s32 $0x200, s13;
	[sflag:s18] =	ssyncadd.s32 $0xFFFFE000  }
0x104: {  	[tilespmem:s21], [sflag:$0x1] =	stream.indirect.gather [hbm4b:s5+s20], $0x40, s14, s20, $0xb8;
	[tilespmem:$0x16000] =	vst v63  }
0x105: {  	_ =	swait.ge [sflag:s30], $0x2000  }
0x106: {  	[sflag:s30] =	ssyncset.done $0x0  }
0x107: {  	s14 =	sadd.s32 $0x2080, s13;
	[sflag:s30] =	ssyncadd.s32 $0xFFFFE000  }
0x108: {  	[spmem:s3] =	stream.indirect.scatter.add.f32 [tilespmem:s22], [sflag:$0x5], $0x40, s14, s20, $0xb8;
	[tilespmem:$0x16000] =	vst v63  }
0x109: {  	_ =	swait.ge [sflag:s18], $0x2000  }
0x10a: {  	[sflag:s18] =	ssyncset.done $0x0  }
0x10b: {  	s14 =	sadd.s32 $0x280, s13;
	[sflag:s18] =	ssyncadd.s32 $0xFFFFE000  }
0x10c: {  	[tilespmem:s22], [sflag:$0x2] =	stream.indirect.gather [hbm4b:s5+s20], $0x40, s14, s20, $0xb8;
	[tilespmem:$0x16000] =	vst v63  }
0x10d: {  	_ =	swait.ge [sflag:s0], $0x2000  }
0x10e: {  	[sflag:s0] =	ssyncset.done $0x0  }
0x10f: {  	s14 =	sadd.s32 $0x2100, s13;
	[sflag:s0] =	ssyncadd.s32 $0xFFFFE000  }
0x110: {  	[spmem:s3] =	stream.indirect.scatter.add.f32 [tilespmem:s24], [sflag:$0x5], $0x40, s14, s20, $0xb8;
	[tilespmem:$0x16000] =	vst v63  }
0x111: {  	_ =	swait.ge [sflag:s18], $0x2000  }
0x112: {  	[sflag:s18] =	ssyncset.done $0x0  }
0x113: {  	s14 =	sadd.s32 $0x300, s13;
	[sflag:s18] =	ssyncadd.s32 $0xFFFFE000  }
0x114: {  	[tilespmem:s24], [sflag:$0x3] =	stream.indirect.gather [hbm4b:s5+s20], $0x40, s14, s20, $0xb8;
	[tilespmem:$0x16000] =	vst v63  }
0x115: {  	_ =	swait.ge [sflag:s7], $0x2000  }
0x116: {  	[sflag:s7] =	ssyncset.done $0x0  }
.Ltmp4:
0x117: {  	s14 =	sadd.s32 $0x2180, s13;
	[sflag:s7] =	ssyncadd.s32 $0xFFFFE000;
	(pc) =	sbr.rel @p1 .LBB2_5-.Ltmp4, $4  }
0x118: {  	[spmem:s3] =	stream.indirect.scatter.add.f32 [tilespmem:s26], [sflag:$0x5], $0x40, s14, s20, $0xb8;
	[tilespmem:$0x16000] =	vst v63  }
0x119: {  	_ =	swait.ge [sflag:s18], $0x2000  }
0x11a: {  	[sflag:s18] =	ssyncset.done $0x0  }
0x11b: {  	s13 =	sadd.s32 $0x380, s13;
	[sflag:s18] =	ssyncadd.s32 $0xFFFFE000  }
0x11c: {  	[tilespmem:s26], [sflag:$0x4] =	stream.indirect.gather [hbm4b:s5+s20], $0x40, s13, s20, $0xb8;
	[tilespmem:$0x16000] =	vst v63  }
0x11d: {  	_ =	swait.ge [sflag:s28], $0x2000  }
0x11e: {  	[sflag:s28] =	ssyncset.done $0x0  }
0x11f: {  	[sflag:s28] =	ssyncadd.s32 $0xFFFFE000  }
0x120: {  	[spmem:s3] =	stream.indirect.scatter.add.f32 [tilespmem:s21], [sflag:$0x5], $0x40, s10, s20, $0xb8;
	[tilespmem:$0x16000] =	vst v63  }
0x121: {  	_ =	swait.ge [sflag:s18], $0x2000  }
0x122: {  	[sflag:s18] =	ssyncset.done $0x0  }
0x123: {  	[sflag:s18] =	ssyncadd.s32 $0xFFFFE000  }
0x124: {  	_ =	swait.ge [sflag:s30], $0x2000  }
0x125: {  	[sflag:s30] =	ssyncset.done $0x0  }
0x126: {  	[sflag:s30] =	ssyncadd.s32 $0xFFFFE000  }
0x127: {  	[spmem:s3] =	stream.indirect.scatter.add.f32 [tilespmem:s22], [sflag:$0x5], $0x40, s31, s20, $0xb8;
	[tilespmem:$0x16000] =	vst v63  }
0x128: {  	_ =	swait.ge [sflag:s18], $0x2000  }
0x129: {  	[sflag:s18] =	ssyncset.done $0x0  }
0x12a: {  	[sflag:s18] =	ssyncadd.s32 $0xFFFFE000  }
0x12b: {  	_ =	swait.ge [sflag:s0], $0x2000  }
0x12c: {  	[sflag:s0] =	ssyncset.done $0x0  }
0x12d: {  	[sflag:s0] =	ssyncadd.s32 $0xFFFFE000  }
0x12e: {  	[spmem:s3] =	stream.indirect.scatter.add.f32 [tilespmem:s24], [sflag:$0x5], $0x40, s11, s20, $0xb8;
	[tilespmem:$0x16000] =	vst v63  }
0x12f: {  	_ =	swait.ge [sflag:s18], $0x2000  }
0x130: {  	[sflag:s18] =	ssyncset.done $0x0  }
0x131: {  	[sflag:s18] =	ssyncadd.s32 $0xFFFFE000  }
0x132: {  	_ =	swait.ge [sflag:s7], $0x2000  }
0x133: {  	[sflag:s7] =	ssyncset.done $0x0  }
0x134: {  	[sflag:s7] =	ssyncadd.s32 $0xFFFFE000  }
0x135: {  	[spmem:s3] =	stream.indirect.scatter.add.f32 [tilespmem:s26], [sflag:$0x5], $0x40, s1, s20, $0xb8;
	[tilespmem:$0x16000] =	vst v63  }
0x136: {  	_ =	swait.ge [sflag:s18], $0x2000  }
0x137: {  	[sflag:s18] =	ssyncset.done $0x0  }
0x138: {  	s2 =	rddreg [dreg:$0x8];
	[sflag:s18] =	ssyncadd.s32 $0xFFFFE000  }
0x139: {  	[tilespmem:s4], [sflag:$0x5] =	stream.linear.gather [hbm4b:s2+s4], $0xC00, $0x38;
	[tilespmem:$0x16000] =	vst v63  }
0x13a: {  	_ =	swait.ge [sflag:s18], $0xC00  }
0x13b: {  	[sflag:s18] =	ssyncset.done $0x0  }
0x13c: {  	s13 =	rddreg [dreg:$0x9];
	[sflag:s18] =	ssyncadd.s32 $0xFFFFF400  }
0x13d: {  	[tilespmem:s19], [sflag:$0x5] =	stream.linear.gather [hbm4b:s13+s4], $0xC00, $0x38;
	[tilespmem:$0x16000] =	vst v63  }
0x13e: {  	_ =	swait.ge [sflag:s18], $0xC00  }
0x13f: {  	[sflag:s18] =	ssyncset.done $0x0  }
0x140: {  	[sflag:s18] =	ssyncadd.s32 $0xFFFFF400  }
0x141: {  	[tilespmem:s21], [sflag:$0x1] =	stream.indirect.gather [hbm4b:s5+s20], $0x40, s4, s20, $0xb8;
	[tilespmem:$0x16000] =	vst v63  }
0x142: {  	_ = 	snop  }
0x143: {  	[tilespmem:s22], [sflag:$0x2] =	stream.indirect.gather [hbm4b:s5+s20], $0x40, s20, s20, $0xb8;
	[tilespmem:$0x16000] =	vst v63  }
0x144: {  	_ = 	snop  }
0x145: {  	[tilespmem:s24], [sflag:$0x3] =	stream.indirect.gather [hbm4b:s5+s20], $0x40, s23, s20, $0xb8;
	[tilespmem:$0x16000] =	vst v63  }
0x146: {  	_ = 	snop  }
0x147: {  	[tilespmem:s26], [sflag:$0x4] =	stream.indirect.gather [hbm4b:s5+s20], $0x40, s25, s20, $0xb8;
	[tilespmem:$0x16000] =	vst v63  }
0x148: {  	_ =	swait.ge [sflag:s28], $0x2000  }
0x149: {  	[sflag:s28] =	ssyncset.done $0x0  }
0x14a: {  	[sflag:s28] =	ssyncadd.s32 $0xFFFFE000  }
0x14b: {  	[spmem:s3] =	stream.indirect.scatter.add.f32 [tilespmem:s21], [sflag:$0x5], $0x40, s19, s20, $0xb8;
	[tilespmem:$0x16000] =	vst v63  }
0x14c: {  	_ =	swait.ge [sflag:s18], $0x2000  }
0x14d: {  	[sflag:s18] =	ssyncset.done $0x0  }
0x14e: {  	s13 =	simm.s32 $0x200;
	[sflag:s18] =	ssyncadd.s32 $0xFFFFE000  }
0x14f: {  	[tilespmem:s21], [sflag:$0x1] =	stream.indirect.gather [hbm4b:s5+s20], $0x40, s13, s20, $0xb8;
	[tilespmem:$0x16000] =	vst v63  }
0x150: {  	_ =	swait.ge [sflag:s30], $0x2000  }
0x151: {  	[sflag:s30] =	ssyncset.done $0x0  }
0x152: {  	s14 =	simm.s32 $0x2080;
	[sflag:s30] =	ssyncadd.s32 $0xFFFFE000  }
0x153: {  	[spmem:s3] =	stream.indirect.scatter.add.f32 [tilespmem:s22], [sflag:$0x5], $0x40, s14, s20, $0xb8;
	[tilespmem:$0x16000] =	vst v63  }
0x154: {  	_ =	swait.ge [sflag:s18], $0x2000  }
0x155: {  	[sflag:s18] =	ssyncset.done $0x0  }
0x156: {  	s14 =	simm.s32 $0x280;
	[sflag:s18] =	ssyncadd.s32 $0xFFFFE000  }
0x157: {  	[tilespmem:s22], [sflag:$0x2] =	stream.indirect.gather [hbm4b:s5+s20], $0x40, s14, s20, $0xb8;
	[tilespmem:$0x16000] =	vst v63  }
0x158: {  	_ =	swait.ge [sflag:s0], $0x2000  }
0x159: {  	[sflag:s0] =	ssyncset.done $0x0  }
0x15a: {  	s14 =	simm.s32 $0x2100;
	[sflag:s0] =	ssyncadd.s32 $0xFFFFE000  }
0x15b: {  	[spmem:s3] =	stream.indirect.scatter.add.f32 [tilespmem:s24], [sflag:$0x5], $0x40, s14, s20, $0xb8;
	[tilespmem:$0x16000] =	vst v63  }
0x15c: {  	_ =	swait.ge [sflag:s18], $0x2000  }
0x15d: {  	[sflag:s18] =	ssyncset.done $0x0  }
0x15e: {  	s14 =	simm.s32 $0x300;
	[sflag:s18] =	ssyncadd.s32 $0xFFFFE000  }
0x15f: {  	[tilespmem:s24], [sflag:$0x3] =	stream.indirect.gather [hbm4b:s5+s20], $0x40, s14, s20, $0xb8;
	[tilespmem:$0x16000] =	vst v63  }
0x160: {  	_ =	swait.ge [sflag:s7], $0x2000  }
0x161: {  	[sflag:s7] =	ssyncset.done $0x0  }
0x162: {  	s14 =	simm.s32 $0x2180;
	[sflag:s7] =	ssyncadd.s32 $0xFFFFE000  }
0x163: {  	[spmem:s3] =	stream.indirect.scatter.add.f32 [tilespmem:s26], [sflag:$0x5], $0x40, s14, s20, $0xb8;
	[tilespmem:$0x16000] =	vst v63  }
0x164: {  	_ =	swait.ge [sflag:s18], $0x2000  }
0x165: {  	[sflag:s18] =	ssyncset.done $0x0  }
0x166: {  	s14 =	simm.s32 $0x380;
	[sflag:s18] =	ssyncadd.s32 $0xFFFFE000  }
0x167: {  	[tilespmem:s26], [sflag:$0x4] =	stream.indirect.gather [hbm4b:s5+s20], $0x40, s14, s20, $0xb8;
	[tilespmem:$0x16000] =	vst v63  }
0x168: {  	_ =	swait.ge [sflag:s28], $0x2000  }
0x169: {  	[sflag:s28] =	ssyncset.done $0x0  }
0x16a: {  	[sflag:s28] =	ssyncadd.s32 $0xFFFFE000  }
0x16b: {  	[spmem:s3] =	stream.indirect.scatter.add.f32 [tilespmem:s21], [sflag:$0x5], $0x40, s9, s20, $0xb8;
	[tilespmem:$0x16000] =	vst v63  }
0x16c: {  	_ =	swait.ge [sflag:s18], $0x2000  }
0x16d: {  	[sflag:s18] =	ssyncset.done $0x0  }
0x16e: {  	s14 =	simm.s32 $0x400;
	[sflag:s18] =	ssyncadd.s32 $0xFFFFE000  }
0x16f: {  	[tilespmem:s21], [sflag:$0x1] =	stream.indirect.gather [hbm4b:s5+s20], $0x40, s14, s20, $0xb8;
	[tilespmem:$0x16000] =	vst v63  }
0x170: {  	_ =	swait.ge [sflag:s30], $0x2000  }
0x171: {  	[sflag:s30] =	ssyncset.done $0x0  }
0x172: {  	[sflag:s30] =	ssyncadd.s32 $0xFFFFE000  }
0x173: {  	[spmem:s3] =	stream.indirect.scatter.add.f32 [tilespmem:s22], [sflag:$0x5], $0x40, s29, s20, $0xb8;
	[tilespmem:$0x16000] =	vst v63  }
0x174: {  	_ =	swait.ge [sflag:s18], $0x2000  }
0x175: {  	[sflag:s18] =	ssyncset.done $0x0  }
0x176: {  	s14 =	simm.s32 $0x480;
	[sflag:s18] =	ssyncadd.s32 $0xFFFFE000  }
0x177: {  	[tilespmem:s22], [sflag:$0x2] =	stream.indirect.gather [hbm4b:s5+s20], $0x40, s14, s20, $0xb8;
	[tilespmem:$0x16000] =	vst v63  }
0x178: {  	_ =	swait.ge [sflag:s0], $0x2000  }
0x179: {  	[sflag:s0] =	ssyncset.done $0x0  }
0x17a: {  	s14 =	simm.s32 $0x2300;
	[sflag:s0] =	ssyncadd.s32 $0xFFFFE000  }
0x17b: {  	[spmem:s3] =	stream.indirect.scatter.add.f32 [tilespmem:s24], [sflag:$0x5], $0x40, s14, s20, $0xb8;
	[tilespmem:$0x16000] =	vst v63  }
0x17c: {  	_ =	swait.ge [sflag:s18], $0x2000  }
0x17d: {  	[sflag:s18] =	ssyncset.done $0x0  }
0x17e: {  	s14 =	simm.s32 $0x500;
	[sflag:s18] =	ssyncadd.s32 $0xFFFFE000  }
0x17f: {  	[tilespmem:s24], [sflag:$0x3] =	stream.indirect.gather [hbm4b:s5+s20], $0x40, s14, s20, $0xb8;
	[tilespmem:$0x16000] =	vst v63  }
0x180: {  	_ =	swait.ge [sflag:s7], $0x2000  }
0x181: {  	[sflag:s7] =	ssyncset.done $0x0  }
0x182: {  	s14 =	simm.s32 $0x2380;
	[sflag:s7] =	ssyncadd.s32 $0xFFFFE000  }
0x183: {  	[spmem:s3] =	stream.indirect.scatter.add.f32 [tilespmem:s26], [sflag:$0x5], $0x40, s14, s20, $0xb8;
	[tilespmem:$0x16000] =	vst v63  }
0x184: {  	_ =	swait.ge [sflag:s18], $0x2000  }
0x185: {  	[sflag:s18] =	ssyncset.done $0x0  }
0x186: {  	s14 =	simm.s32 $0x580;
	[sflag:s18] =	ssyncadd.s32 $0xFFFFE000  }
0x187: {  	[tilespmem:s26], [sflag:$0x4] =	stream.indirect.gather [hbm4b:s5+s20], $0x40, s14, s20, $0xb8;
	[tilespmem:$0x16000] =	vst v63  }
0x188: {  	_ =	swait.ge [sflag:s28], $0x2000  }
0x189: {  	[sflag:s28] =	ssyncset.done $0x0  }
0x18a: {  	s14 =	simm.s32 $0x2400;
	[sflag:s28] =	ssyncadd.s32 $0xFFFFE000  }
0x18b: {  	[spmem:s3] =	stream.indirect.scatter.add.f32 [tilespmem:s21], [sflag:$0x5], $0x40, s14, s20, $0xb8;
	[tilespmem:$0x16000] =	vst v63  }
0x18c: {  	_ =	swait.ge [sflag:s18], $0x2000  }
0x18d: {  	[sflag:s18] =	ssyncset.done $0x0  }
0x18e: {  	s14 =	simm.s32 $0x600;
	[sflag:s18] =	ssyncadd.s32 $0xFFFFE000  }
0x18f: {  	[tilespmem:s21], [sflag:$0x1] =	stream.indirect.gather [hbm4b:s5+s20], $0x40, s14, s20, $0xb8;
	[tilespmem:$0x16000] =	vst v63  }
0x190: {  	_ =	swait.ge [sflag:s30], $0x2000  }
0x191: {  	[sflag:s30] =	ssyncset.done $0x0  }
0x192: {  	s14 =	simm.s32 $0x2480;
	[sflag:s30] =	ssyncadd.s32 $0xFFFFE000  }
0x193: {  	[spmem:s3] =	stream.indirect.scatter.add.f32 [tilespmem:s22], [sflag:$0x5], $0x40, s14, s20, $0xb8;
	[tilespmem:$0x16000] =	vst v63  }
0x194: {  	_ =	swait.ge [sflag:s18], $0x2000  }
0x195: {  	[sflag:s18] =	ssyncset.done $0x0  }
0x196: {  	s14 =	simm.s32 $0x680;
	[sflag:s18] =	ssyncadd.s32 $0xFFFFE000  }
0x197: {  	[tilespmem:s22], [sflag:$0x2] =	stream.indirect.gather [hbm4b:s5+s20], $0x40, s14, s20, $0xb8;
	[tilespmem:$0x16000] =	vst v63  }
0x198: {  	_ =	swait.ge [sflag:s0], $0x2000  }
0x199: {  	[sflag:s0] =	ssyncset.done $0x0  }
0x19a: {  	s14 =	simm.s32 $0x2500;
	[sflag:s0] =	ssyncadd.s32 $0xFFFFE000  }
0x19b: {  	[spmem:s3] =	stream.indirect.scatter.add.f32 [tilespmem:s24], [sflag:$0x5], $0x40, s14, s20, $0xb8;
	[tilespmem:$0x16000] =	vst v63  }
0x19c: {  	_ =	swait.ge [sflag:s18], $0x2000  }
0x19d: {  	[sflag:s18] =	ssyncset.done $0x0  }
0x19e: {  	s14 =	simm.s32 $0x700;
	[sflag:s18] =	ssyncadd.s32 $0xFFFFE000  }
0x19f: {  	[tilespmem:s24], [sflag:$0x3] =	stream.indirect.gather [hbm4b:s5+s20], $0x40, s14, s20, $0xb8;
	[tilespmem:$0x16000] =	vst v63  }
0x1a0: {  	_ =	swait.ge [sflag:s7], $0x2000  }
0x1a1: {  	[sflag:s7] =	ssyncset.done $0x0  }
0x1a2: {  	s14 =	simm.s32 $0x2580;
	[sflag:s7] =	ssyncadd.s32 $0xFFFFE000  }
0x1a3: {  	[spmem:s3] =	stream.indirect.scatter.add.f32 [tilespmem:s26], [sflag:$0x5], $0x40, s14, s20, $0xb8;
	[tilespmem:$0x16000] =	vst v63  }
0x1a4: {  	_ =	swait.ge [sflag:s18], $0x2000  }
0x1a5: {  	[sflag:s18] =	ssyncset.done $0x0  }
0x1a6: {  	s14 =	simm.s32 $0x780;
	[sflag:s18] =	ssyncadd.s32 $0xFFFFE000  }
0x1a7: {  	[tilespmem:s26], [sflag:$0x4] =	stream.indirect.gather [hbm4b:s5+s20], $0x40, s14, s20, $0xb8;
	[tilespmem:$0x16000] =	vst v63  }
0x1a8: {  	_ =	swait.ge [sflag:s28], $0x2000  }
0x1a9: {  	[sflag:s28] =	ssyncset.done $0x0  }
0x1aa: {  	s14 =	simm.s32 $0x2600;
	[sflag:s28] =	ssyncadd.s32 $0xFFFFE000  }
0x1ab: {  	[spmem:s3] =	stream.indirect.scatter.add.f32 [tilespmem:s21], [sflag:$0x5], $0x40, s14, s20, $0xb8;
	[tilespmem:$0x16000] =	vst v63  }
0x1ac: {  	_ =	swait.ge [sflag:s18], $0x2000  }
0x1ad: {  	[sflag:s18] =	ssyncset.done $0x0  }
0x1ae: {  	s14 =	simm.s32 $0x800;
	[sflag:s18] =	ssyncadd.s32 $0xFFFFE000  }
0x1af: {  	[tilespmem:s21], [sflag:$0x1] =	stream.indirect.gather [hbm4b:s5+s20], $0x40, s14, s20, $0xb8;
	[tilespmem:$0x16000] =	vst v63  }
0x1b0: {  	_ =	swait.ge [sflag:s30], $0x2000  }
0x1b1: {  	[sflag:s30] =	ssyncset.done $0x0  }
0x1b2: {  	s14 =	simm.s32 $0x2680;
	[sflag:s30] =	ssyncadd.s32 $0xFFFFE000  }
0x1b3: {  	[spmem:s3] =	stream.indirect.scatter.add.f32 [tilespmem:s22], [sflag:$0x5], $0x40, s14, s20, $0xb8;
	[tilespmem:$0x16000] =	vst v63  }
0x1b4: {  	_ =	swait.ge [sflag:s18], $0x2000  }
0x1b5: {  	[sflag:s18] =	ssyncset.done $0x0  }
0x1b6: {  	s14 =	simm.s32 $0x880;
	[sflag:s18] =	ssyncadd.s32 $0xFFFFE000  }
0x1b7: {  	[tilespmem:s22], [sflag:$0x2] =	stream.indirect.gather [hbm4b:s5+s20], $0x40, s14, s20, $0xb8;
	[tilespmem:$0x16000] =	vst v63  }
0x1b8: {  	_ =	swait.ge [sflag:s0], $0x2000  }
0x1b9: {  	[sflag:s0] =	ssyncset.done $0x0  }
0x1ba: {  	s14 =	simm.s32 $0x2700;
	[sflag:s0] =	ssyncadd.s32 $0xFFFFE000  }
0x1bb: {  	[spmem:s3] =	stream.indirect.scatter.add.f32 [tilespmem:s24], [sflag:$0x5], $0x40, s14, s20, $0xb8;
	[tilespmem:$0x16000] =	vst v63  }
0x1bc: {  	_ =	swait.ge [sflag:s18], $0x2000  }
0x1bd: {  	[sflag:s18] =	ssyncset.done $0x0  }
0x1be: {  	s14 =	simm.s32 $0x900;
	[sflag:s18] =	ssyncadd.s32 $0xFFFFE000  }
0x1bf: {  	[tilespmem:s24], [sflag:$0x3] =	stream.indirect.gather [hbm4b:s5+s20], $0x40, s14, s20, $0xb8;
	[tilespmem:$0x16000] =	vst v63  }
0x1c0: {  	_ =	swait.ge [sflag:s7], $0x2000  }
0x1c1: {  	[sflag:s7] =	ssyncset.done $0x0  }
0x1c2: {  	s14 =	simm.s32 $0x2780;
	[sflag:s7] =	ssyncadd.s32 $0xFFFFE000  }
0x1c3: {  	[spmem:s3] =	stream.indirect.scatter.add.f32 [tilespmem:s26], [sflag:$0x5], $0x40, s14, s20, $0xb8;
	[tilespmem:$0x16000] =	vst v63  }
0x1c4: {  	_ =	swait.ge [sflag:s18], $0x2000  }
0x1c5: {  	[sflag:s18] =	ssyncset.done $0x0  }
0x1c6: {  	s14 =	simm.s32 $0x980;
	[sflag:s18] =	ssyncadd.s32 $0xFFFFE000  }
0x1c7: {  	[tilespmem:s26], [sflag:$0x4] =	stream.indirect.gather [hbm4b:s5+s20], $0x40, s14, s20, $0xb8;
	[tilespmem:$0x16000] =	vst v63  }
0x1c8: {  	_ =	swait.ge [sflag:s28], $0x2000  }
0x1c9: {  	[sflag:s28] =	ssyncset.done $0x0  }
0x1ca: {  	s14 =	simm.s32 $0x2800;
	[sflag:s28] =	ssyncadd.s32 $0xFFFFE000  }
0x1cb: {  	[spmem:s3] =	stream.indirect.scatter.add.f32 [tilespmem:s21], [sflag:$0x5], $0x40, s14, s20, $0xb8;
	[tilespmem:$0x16000] =	vst v63  }
0x1cc: {  	_ =	swait.ge [sflag:s18], $0x2000  }
0x1cd: {  	[sflag:s18] =	ssyncset.done $0x0  }
0x1ce: {  	s14 =	simm.s32 $0xA00;
	[sflag:s18] =	ssyncadd.s32 $0xFFFFE000  }
0x1cf: {  	[tilespmem:s21], [sflag:$0x1] =	stream.indirect.gather [hbm4b:s5+s20], $0x40, s14, s20, $0xb8;
	[tilespmem:$0x16000] =	vst v63  }
0x1d0: {  	_ =	swait.ge [sflag:s30], $0x2000  }
0x1d1: {  	[sflag:s30] =	ssyncset.done $0x0  }
0x1d2: {  	s14 =	simm.s32 $0x2880;
	[sflag:s30] =	ssyncadd.s32 $0xFFFFE000  }
0x1d3: {  	[spmem:s3] =	stream.indirect.scatter.add.f32 [tilespmem:s22], [sflag:$0x5], $0x40, s14, s20, $0xb8;
	[tilespmem:$0x16000] =	vst v63  }
0x1d4: {  	_ =	swait.ge [sflag:s18], $0x2000  }
0x1d5: {  	[sflag:s18] =	ssyncset.done $0x0  }
0x1d6: {  	s14 =	simm.s32 $0xA80;
	[sflag:s18] =	ssyncadd.s32 $0xFFFFE000  }
0x1d7: {  	[tilespmem:s22], [sflag:$0x2] =	stream.indirect.gather [hbm4b:s5+s20], $0x40, s14, s20, $0xb8;
	[tilespmem:$0x16000] =	vst v63  }
0x1d8: {  	_ =	swait.ge [sflag:s0], $0x2000  }
0x1d9: {  	[sflag:s0] =	ssyncset.done $0x0  }
0x1da: {  	s14 =	simm.s32 $0x2900;
	[sflag:s0] =	ssyncadd.s32 $0xFFFFE000  }
0x1db: {  	[spmem:s3] =	stream.indirect.scatter.add.f32 [tilespmem:s24], [sflag:$0x5], $0x40, s14, s20, $0xb8;
	[tilespmem:$0x16000] =	vst v63  }
0x1dc: {  	_ =	swait.ge [sflag:s18], $0x2000  }
0x1dd: {  	[sflag:s18] =	ssyncset.done $0x0  }
0x1de: {  	s14 =	simm.s32 $0xB00;
	[sflag:s18] =	ssyncadd.s32 $0xFFFFE000  }
0x1df: {  	[tilespmem:s24], [sflag:$0x3] =	stream.indirect.gather [hbm4b:s5+s20], $0x40, s14, s20, $0xb8;
	[tilespmem:$0x16000] =	vst v63  }
0x1e0: {  	_ =	swait.ge [sflag:s7], $0x2000  }
0x1e1: {  	[sflag:s7] =	ssyncset.done $0x0  }
0x1e2: {  	s14 =	simm.s32 $0x2980;
	[sflag:s7] =	ssyncadd.s32 $0xFFFFE000  }
0x1e3: {  	[spmem:s3] =	stream.indirect.scatter.add.f32 [tilespmem:s26], [sflag:$0x5], $0x40, s14, s20, $0xb8;
	[tilespmem:$0x16000] =	vst v63  }
0x1e4: {  	_ =	swait.ge [sflag:s18], $0x2000  }
0x1e5: {  	[sflag:s18] =	ssyncset.done $0x0  }
0x1e6: {  	s14 =	simm.s32 $0xB80;
	[sflag:s18] =	ssyncadd.s32 $0xFFFFE000  }
0x1e7: {  	[tilespmem:s26], [sflag:$0x4] =	stream.indirect.gather [hbm4b:s5+s20], $0x40, s14, s20, $0xb8;
	[tilespmem:$0x16000] =	vst v63  }
0x1e8: {  	_ =	swait.ge [sflag:s28], $0x2000  }
0x1e9: {  	[sflag:s28] =	ssyncset.done $0x0  }
0x1ea: {  	s14 =	simm.s32 $0x2A00;
	[sflag:s28] =	ssyncadd.s32 $0xFFFFE000  }
0x1eb: {  	[spmem:s3] =	stream.indirect.scatter.add.f32 [tilespmem:s21], [sflag:$0x5], $0x40, s14, s20, $0xb8;
	[tilespmem:$0x16000] =	vst v63  }
0x1ec: {  	_ =	swait.ge [sflag:s18], $0x2000  }
0x1ed: {  	[sflag:s18] =	ssyncset.done $0x0  }
0x1ee: {  	[sflag:s18] =	ssyncadd.s32 $0xFFFFE000  }
0x1ef: {  	_ =	swait.ge [sflag:s30], $0x2000  }
0x1f0: {  	[sflag:s30] =	ssyncset.done $0x0  }
0x1f1: {  	s14 =	simm.s32 $0x2A80;
	[sflag:s30] =	ssyncadd.s32 $0xFFFFE000  }
0x1f2: {  	[spmem:s3] =	stream.indirect.scatter.add.f32 [tilespmem:s22], [sflag:$0x5], $0x40, s14, s20, $0xb8;
	[tilespmem:$0x16000] =	vst v63  }
0x1f3: {  	_ =	swait.ge [sflag:s18], $0x2000  }
0x1f4: {  	[sflag:s18] =	ssyncset.done $0x0  }
0x1f5: {  	[sflag:s18] =	ssyncadd.s32 $0xFFFFE000  }
0x1f6: {  	_ =	swait.ge [sflag:s0], $0x2000  }
0x1f7: {  	[sflag:s0] =	ssyncset.done $0x0  }
0x1f8: {  	s14 =	simm.s32 $0x2B00;
	[sflag:s0] =	ssyncadd.s32 $0xFFFFE000  }
0x1f9: {  	[spmem:s3] =	stream.indirect.scatter.add.f32 [tilespmem:s24], [sflag:$0x5], $0x40, s14, s20, $0xb8;
	[tilespmem:$0x16000] =	vst v63  }
0x1fa: {  	_ =	swait.ge [sflag:s18], $0x2000  }
0x1fb: {  	[sflag:s18] =	ssyncset.done $0x0  }
0x1fc: {  	[sflag:s18] =	ssyncadd.s32 $0xFFFFE000  }
.Ltmp5:
0x1fd: {  	_ =	swait.ge [sflag:s7], $0x2000;
	(pc) =	sbr.rel .LBB2_8-.Ltmp5, $4  }
0x1fe: {  	[sflag:s7] =	ssyncset.done $0x0  }
0x1ff: {  	s14 =	simm.s32 $0x2B80;
	[sflag:s7] =	ssyncadd.s32 $0xFFFFE000  }
0x200: {  	[spmem:s3] =	stream.indirect.scatter.add.f32 [tilespmem:s26], [sflag:$0x5], $0x40, s14, s20, $0xb8;
	[tilespmem:$0x16000] =	vst v63  }
0x201: {  	s14 =	smov.u32 s8  }
.LBB2_9:
0x202: {  	_ =	sfence.sel $0x180000  }
0x203: {  	[bflag:$0x0] =	sbarrier.arrive $0xFFFF  }
0x204: {  	_ =	strace $0x9000004D  }
0x205: {  	s0 =	stileid.u32;
	[bflag:$0x2] =	sbarrier.arrive $0xFFFF  }
0x206: {  	p0 =	sne.s32 s0, $0x0;
	s0 =	rddreg [dreg:$0x3]  }
0x207: {  	s0 =	sadd.s32 @!p0 $0x100000, s0  }
0x208: {  	[sflag:s0] =	ssyncadd.tile.s32 @!p0 $0x1;
	_ =	shalt  }
.Lfunc_end2:
_tile_overlayer_lowered:
.L_overlay_start_2:
0x209: {  	(tag) =	ssettag $0x2  }
0x20a: {  	s0 =	rddreg [dreg:$0x0];
	s2 =	stileid.u32  }
0x20b: {  	s1 =	rddreg [dreg:$0x1];
	p0 =	sne.s32 s2, $0x0  }
0x20c: {  	s3 =	rddreg [dreg:$0x2];
	[bflag:$0x3] =	sbarrier.arrive $0xFFFF;
	s2 =	simm.s32 @!p0 $0x1C05  }
0x20d: {  	[timem:s3], [sflag:s2] =	dma.local @!p0 [hbm:s0], s1  }
0x20e: {  	s0 =	simm.s32 @!p0 $0x5  }
0x20f: {  	_ =	swait.ge @!p0 [sflag:s0], s1  }
0x210: {  	s1 =	ssub.s32 @!p0 $0x0, s1;
	[sflag:s0] =	ssyncset.done @!p0 $0x0  }
0x211: {  	[sflag:s0] =	ssyncadd.s32 @!p0 s1  }
0x212: {  	[bflag:$0x3] =	sbarrier.arrive $0xFFFF  }
0x213: {  	_ =	shalt  }

// kernel: kernel.9.cloned.1.call-start
scs
__scs_entry_jumppad:
0x0: {  	(pc) =	sbr.rel $0x88, $3  }
0x1: {  	(tag) =	ssettag $0x0;
	lr =	simm.s32 $0x1  }
0x2: {  	[smem:$0x3F9D] =	sst lr;
	_ =	strace $0xD0000000  }
0x3: {  	_ = 	snop  }
0x4: {  	_ = 	snop  }
0x5: {  	_ = 	snop  }
0x6: {  	_ = 	snop  }
0x7: {  	_ = 	snop  }
__scs_overlays_trampoline_lowered:
0x8: {  	[smem:$0x3FAC] =	sst s0  }
0x9: {  	[smem:$0x3FAD] =	sst s1  }
0xa: {  	[smem:$0x3FAE] =	sst s2  }
0xb: {  	[smem:$0x3FAF] =	sst s3  }
0xc: {  	[smem:$0x3FB0] =	sst s4  }
0xd: {  	[smem:$0x3FB1] =	sst s5  }
0xe: {  	[smem:$0x3FB2] =	sst s6  }
0xf: {  	[smem:$0x3FB3] =	sst s7  }
0x10: {  	[smem:$0x3FB4] =	sst s8  }
0x11: {  	[smem:$0x3FB5] =	sst s9;
	s0 =	simm.s32 @!p0 $0x0  }
0x12: {  	s1 =	sld [smem:$0x3F9B];
	s0 =	simm.s32 @p0 $0x1  }
0x13: {  	[smem:$0x3FB6] =	sst s0;
	s0 =	simm.s32 @!p1 $0x0  }
0x14: {  	s2 =	sld [smem:$0x3F9A];
	s0 =	simm.s32 @p1 $0x1  }
0x15: {  	[smem:$0x3FB7] =	sst s0;
	s0 =	simm.s32 @!p2 $0x0  }
0x16: {  	s3 =	sld [smem:$0x3FDB];
	s0 =	simm.s32 @p2 $0x1  }
0x17: {  	s4 =	simm.s32 $0x1BF5;
	[smem:$0x3FB9] =	sst s0  }
0x18: {  	s0 =	sld [smem:$0x3F9C];
	_ =	swait.ge [sflag:s4], $0x0  }
0x19: {  	s7 =	sld [smem:$0x3F9D]  }
0x1a: {  	s8 =	sadd.s32 $0xFFFFE003, lr  }
0x1b: {  	s9 =	sadd.s32 $0xFFFFFEF7, lr;
	s5 =	simm.s32 $0xFFFFFFFF;
	p2 =	slt.u32 s8, $0xFFFFF086  }
0x1c: {  	p1 =	slt.u32 s9, $0xF7A;
	s5 =	simm.s32 @!p2 $0x0  }
0x1d: {  	s5 =	simm.s32 @p1 $0x1;
	p0 =	seq.s32 s7, s2  }
0x1e: {  	s7 =	smul.u32 @!p0 $0xF7A, s2;
	p2 =	seq.s32 @!p0 s5, $0x0  }
0x1f: {  	s9 =	smul.u32 $0xF7A, s1;
	s8 =	simm.s32 @!p0 $0x1BF5;
	p2 =	por !p2, p0  }
0x20: {  	[sflag:s8] =	ssyncset.s32 @!p0 $0xFFFFF086;
	s6 =	sadd.s32 @!p0 s3, s7;
	s7 =	simm.s32 @!p0 $0x108  }
0x21: {  	s3 =	sadd.s32 s3, s9;
	s6 =	sadd.s32 @!p0 $0x88, s6;
	s7 =	simm.s32 @p2 $0x1082  }
0x22: {  	[simem:s7], [sflag:s8] =	dma.local @!p0 [hbm:s6], $0xF7A  }
0x23: {  	s9 =	sor.u32 $0xD0000000, s2;
	s6 =	simm.s32 $0x108;
	_ =	swait.ge @!p0 [sflag:s8], $0x0  }
0x24: {  	s3 =	sadd.s32 $0x88, s3;
	s6 =	simm.s32 @!p1 $0x1082;
	[sflag:s4] =	ssyncset.s32 $0xFFFFF086  }
0x25: {  	[simem:s6], [sflag:s4] =	dma.local [hbm:s3], $0xF7A  }
0x26: {  	[smem:$0x3F9D] =	sst s1;
	(tag) =	ssettag s2;
	_ =	strace s9  }
0x27: {  	s1 =	sld [smem:$0x3FAD]  }
0x28: {  	s2 =	sld [smem:$0x3FAE]  }
0x29: {  	s4 =	sld [smem:$0x3FB0]  }
0x2a: {  	p0 =	seq.s32 s5, $0x0;
	s5 =	sld [smem:$0x3FB1]  }
0x2b: {  	s6 =	sld [smem:$0x3FB2]  }
0x2c: {  	s7 =	sld [smem:$0x3FB3]  }
0x2d: {  	s3 =	simm.s32 $0x108;
	s8 =	sld [smem:$0x3FB4]  }
0x2e: {  	s3 =	simm.s32 @!p0 $0x1082;
	s9 =	sld [smem:$0x3FB5]  }
0x2f: {  	lr =	sadd.s32 s0, s3;
	s0 =	sld [smem:$0x3FAC]  }
0x30: {  	s3 =	sld [smem:$0x3FAF]  }
0x31: {  	[smem:$0x3FB8] =	sst s10  }
0x32: {  	s10 =	sld [smem:$0x3FB6];
	_ =	sdelay $0x3  }
0x33: {  	p0 =	seq.s32 s10, $0x1;
	s10 =	sld [smem:$0x3FB8];
	_ =	sdelay $0x3  }
0x34: {  	[smem:$0x3FB8] =	sst s10  }
0x35: {  	s10 =	sld [smem:$0x3FB7];
	_ =	sdelay $0x3  }
0x36: {  	p1 =	seq.s32 s10, $0x1;
	s10 =	sld [smem:$0x3FB8];
	_ =	sdelay $0x3  }
0x37: {  	[smem:$0x3FB8] =	sst s10  }
0x38: {  	s10 =	sld [smem:$0x3FB9]  }
0x39: {  	_ = 	snop;
	(pc) =	sbr.ind lr, $3  }
0x3a: {  	_ = 	snop  }
0x3b: {  	_ = 	snop  }
0x3c: {  	p2 =	seq.s32 s10, $0x1;
	s10 =	sld [smem:$0x3FB8]  }
0x3d: {  	_ =	shalt  }
0x3e: {  	_ =	shalt  }
0x3f: {  	_ =	shalt  }
0x40: {  	_ =	shalt  }
0x41: {  	_ =	shalt  }
0x42: {  	_ =	shalt  }
0x43: {  	_ =	shalt  }
0x44: {  	_ =	shalt  }
0x45: {  	_ =	shalt  }
0x46: {  	_ =	shalt  }
0x47: {  	_ =	shalt  }
0x48: {  	_ =	shalt  }
0x49: {  	_ =	shalt  }
0x4a: {  	_ =	shalt  }
0x4b: {  	_ =	shalt  }
0x4c: {  	_ =	shalt  }
0x4d: {  	_ =	shalt  }
0x4e: {  	_ =	shalt  }
0x4f: {  	_ =	shalt  }
0x50: {  	_ =	shalt  }
0x51: {  	_ =	shalt  }
0x52: {  	_ =	shalt  }
0x53: {  	_ =	shalt  }
0x54: {  	_ =	shalt  }
0x55: {  	_ =	shalt  }
0x56: {  	_ =	shalt  }
0x57: {  	_ =	shalt  }
0x58: {  	_ =	shalt  }
0x59: {  	_ =	shalt  }
0x5a: {  	_ =	shalt  }
0x5b: {  	_ =	shalt  }
0x5c: {  	_ =	shalt  }
0x5d: {  	_ =	shalt  }
0x5e: {  	_ =	shalt  }
0x5f: {  	_ =	shalt  }
0x60: {  	_ =	shalt  }
0x61: {  	_ =	shalt  }
0x62: {  	_ =	shalt  }
0x63: {  	_ =	shalt  }
0x64: {  	_ =	shalt  }
0x65: {  	_ =	shalt  }
0x66: {  	_ =	shalt  }
0x67: {  	_ =	shalt  }
0x68: {  	_ =	shalt  }
0x69: {  	_ =	shalt  }
0x6a: {  	_ =	shalt  }
0x6b: {  	_ =	shalt  }
0x6c: {  	_ =	shalt  }
0x6d: {  	_ =	shalt  }
0x6e: {  	_ =	shalt  }
0x6f: {  	_ =	shalt  }
0x70: {  	_ =	shalt  }
0x71: {  	_ =	shalt  }
0x72: {  	_ =	shalt  }
0x73: {  	_ =	shalt  }
0x74: {  	_ =	shalt  }
0x75: {  	_ =	shalt  }
0x76: {  	_ =	shalt  }
0x77: {  	_ =	shalt  }
0x78: {  	_ =	shalt  }
0x79: {  	_ =	shalt  }
0x7a: {  	_ =	shalt  }
0x7b: {  	_ =	shalt  }
0x7c: {  	_ =	shalt  }
0x7d: {  	_ =	shalt  }
0x7e: {  	_ =	shalt  }
0x7f: {  	_ =	shalt  }
0x80: {  	_ =	shalt  }
0x81: {  	_ =	shalt  }
0x82: {  	_ =	shalt  }
0x83: {  	_ =	shalt  }
0x84: {  	_ =	shalt  }
0x85: {  	_ =	shalt  }
0x86: {  	_ =	shalt  }
0x87: {  	_ =	shalt  }
.Lfunc_end0:
.L_simem_size_0:
called_computation_lowered:
.L_overlay_start_0:
0x88: {  	s2 =	sld [smem:$0x3FD9]  }
0x89: {  	s3 =	sld [smem:$0x3FFE];
	_ =	sdelay $0x1  }
0x8a: {  	s1 =	srdreg.scid  }
0x8b: {  	s0 =	sand.u32 $0x1, s1  }
0x8c: {  	s17 =	sshll.u32 s0, $0xA;
	s2 =	sadd.s32 s3, s2  }
0x8d: {  	s2 =	sadd.s32 s2, s17  }
0x8e: {  	[smem:$0x3FC4] =	sst s2  }
0x8f: {  	_ = 	snop  }
0x90: {  	s2 =	sld [smem:$0x3FD0];
	(tm) =	ssettm $0x1  }
0x91: {  	s18 =	sld [smem:$0x3FFB];
	_ =	sdelay $0x3  }
0x92: {  	_ =	strace s18  }
0x93: {  	s3 =	sld [smem:$0x3FFC];
	_ =	sdelay $0x3  }
0x94: {  	_ =	strace s3  }
0x95: {  	s3 =	sld [smem:$0x3FFD];
	_ =	sdelay $0x3  }
0x96: {  	_ =	strace s3  }
0x97: {  	_ =	strace $0x8FFFFFFF  }
0x98: {  	s19 =	sld [smem:$0x3FDB];
	_ =	sdelay $0x1  }
0x99: {  	s4 =	simm.s32 $_scs_section_size  }
0x9a: {  	s5 =	simm.s32 $_size__tile_overlayer_lowered;
	s6 =	simm.s32 $_tile_overlayer_lowered  }
0x9b: {  	s22 =	simm.s32 $0x1BFF;
	s21 =	sshll.u32 s6, $0x1;
	s3 =	sadd.s32 s4, s19  }
0x9c: {  	s7 =	simm.s32 $0x0;
	s20 =	sshll.u32 s5, $0x1;
	s5 =	sadd.s32 s21, s3  }
0x9d: {  	[timem:s7], [sflag:s22] =	dma.local [hbm:s5], s20  }
0x9e: {  	_ =	swait.ge [sflag:s22], s20  }
0x9f: {  	s4 =	ssub.s32 $0x0, s20;
	[sflag:s22] =	ssyncset.done $0x0  }
0xa0: {  	[sflag:s22] =	ssyncadd.s32 s4;
	_ =	sdelay $0x1  }
0xa1: {  	s23 =	simm.s32 $0x1B8B  }
0xa2: {  	_ =	swait.ge [sflag:s23], $0x1  }
0xa3: {  	[sflag:s23] =	ssyncset.done $0x0  }
0xa4: {  	s25 =	simm.s32 $0x1B8E;
	s24 =	sld [smem:$0x3FFE];
	[sflag:s23] =	ssyncadd.s32 $0xFFFFFFFF  }
0xa5: {  	s26 =	simm.s32 $execute0_lowered;
	[smem:$0x3FD2] =	sst s25  }
0xa6: {  	s5 =	sshll.u32 s26, $0x1;
	_ =	strace $0x80000046;
	[dreg:$0x1] =	wrdreg $0xFFFFFFFF  }
0xa7: {  	s28 =	simm.s32 $_size_execute0_lowered;
	s3 =	sadd.s32 s3, s5;
	[dreg:$0x0] =	wrdreg $0x0  }
0xa8: {  	s5 =	sshll.u32 s28, $0x1;
	[dreg:$0x2] =	wrdreg s3  }
0xa9: {  	[dreg:$0x3] =	wrdreg s5  }
0xaa: {  	[dreg:$0x4] =	wrdreg $0xC0  }
0xab: {  	_ =	task [dreg:s7], $0x5FFFF  }
0xac: {  	[dreg:$0x1] =	wrdreg $0xFFFFFFFF  }
0xad: {  	[dreg:$0x0] =	wrdreg $0x60  }
0xae: {  	[dreg:$0x2] =	wrdreg s24  }
0xaf: {  	[dreg:$0x3] =	wrdreg s2  }
0xb0: {  	[dreg:$0x4] =	wrdreg $0x2F800  }
0xb1: {  	[dreg:$0x5] =	wrdreg $0x9  }
0xb2: {  	_ =	task.clear_ibuf [dreg:s7], $0x6FFFF;
	_ =	strace $0x90000046  }
0xb3: {  	s29 =	simm.s32 $0x9;
	_ =	strace $0x80000048  }
0xb4: {  	_ =	swait.ge [sflag:s29], $0x1  }
0xb5: {  	[sflag:s29] =	ssyncadd.s32 $0xFFFFFFFF  }
0xb6: {  	_ =	strace $0x90000048  }
0xb7: {  	_ =	sfence  }
0xb8: {  	s30 =	sld [smem:$0x0];
	_ =	sdelay $0x2  }
0xb9: {  	s31 =	sshll.u32 s1, $0xD;
	s1 =	sshrl.u32 s1, $0x2  }
0xba: {  	s3 =	sand.u32 $0x4000, s31;
	s1 =	sadd.s32 s1, s30  }
0xbb: {  	s0 =	sor.u32 s3, s0;
	s1 =	sshll.u32 s1, $0x11  }
0xbc: {  	s0 =	sor.u32 s1, s0  }
0xbd: {  	s0 =	sadd.s32 $0x8F2B, s0  }
0xbe: {  	[sflag:s0] =	ssyncadd.remote.s32 $0x1  }
0xbf: {  	_ =	sfence.sel $0xFFFF  }
0xc0: {  	[dreg:$0x0] =	wrdreg $0xFFFFFFFF;
	(pc) =	sbr.abs _section_cstart, $3  }
0xc1: {  	[dreg:$0x1] =	wrdreg $0xFFFFFFFF  }
0xc2: {  	_ =	task.clear_ibuf [dreg:s7], $0x2FFFF;
	_ =	strace $0x9FFFFFFF  }
0xc3: {  	(tm) =	ssettm $0x7FFFFFFF  }
tec
execute0_lowered:
.L_overlay_start_1:
0x0: {  	(tag) =	ssettag $0x1  }
0x1: {  	s5 =	rddreg [dreg:$0x0]  }
0x2: {  	s8 =	rddreg [dreg:$0x1]  }
0x3: {  	s0 =	srdreg.scid;
	s2 =	rddreg [dreg:$0x2]  }
0x4: {  	s3 =	simm.s32 $0x0;
	s13 =	simm.s32 $0x80;
	s14 =	simm.s32 $0x0  }
0x5: {  	s4 =	sand.u32 $0x1, s0;
	s0 =	stileid.u32;
	[smem:$0x7FF] =	sst s3  }
0x6: {  	s1 =	sshll.u32 s4, $0x4;
	s7 =	smul.u32 $0x2800, s0;
	s9 =	ssub.s32 $0x2, s4  }
0x7: {  	s10 =	smul.u32 $0x28000, s4;
	s4 =	sadd.s32 $0xBA00, s5;
	s31 =	sshll.u32 s0, $0x6  }
0x8: {  	s6 =	sor.u32 s0, s1;
	s1 =	rddreg [dreg:$0x3];
	_ =	strace $0x80000047  }
0x9: {  	s28 =	sshrl.u32 s9, $0x1;
	s6 =	smul.u32 $0x4F0, s6;
	s29 =	sadd.s32 s7, s10  }
0xa: {  	s9 =	ssub.s32 s9, s28;
	s30 =	sadd.s32 s7, s2;
	s12 =	sshrl.u32 s29, $0x3  }
0xb: {  	s9 =	smax.u32 s9, $0x1;
	s10 =	sshrl.u32 s30, $0x3;
	s11 =	sadd.s32 s6, s5  }
0xc: {  	s5 =	sadd.s32 $0xB400, s5;
	s6 =	sor.u32 $0x1C01, s31;
	s8 =	sadd.s32 s8, s12  }
0xd: {  	s12 =	simm.s32 $0x2780;
	s7 =	sadd.s32 $0x1600, s11;
	s11 =	simm.s32 $0x1  }
.LBB2_1:
0xe: {  	[spmem:s10], [sflag:s6] =	dma.local [hbm:s5], $0x500  }
0xf: {  	_ =	swait.ge [sflag:s11], $0x500  }
0x10: {  	[sflag:s11] =	ssyncset.done $0x0  }
0x11: {  	[sflag:s11] =	ssyncadd.s32 $0xFFFFFB00  }
0x12: {  	[tilespmem:s12], [sflag:$0x1] =	stream.linear.gather [hbm4b:s4+s3], $0x800, $0x38;
	[tilespmem:$0x5780] =	vst v63  }
0x13: {  	_ =	swait.ge [sflag:s11], $0x800  }
0x14: {  	[sflag:s11] =	ssyncset.done $0x0  }
0x15: {  	[sflag:s11] =	ssyncadd.s32 $0xFFFFF800  }
0x16: {  	[tilespmem:s3], [sflag:$0x1] =	stream.linear.gather [hbm4b:s7+s3], $0x2780, $0x38;
	[tilespmem:$0x5780] =	vst v63  }
0x17: {  	_ =	swait.ge [sflag:s11], $0x2780  }
0x18: {  	[sflag:s11] =	ssyncset.done $0x0  }
0x19: {  	[sflag:s11] =	ssyncadd.s32 $0xFFFFD880  }
0x1a: {  	s15 =	simm.s32 $0x0;
	[bflag:$0x0] =	sbarrier.arrive $0xFFFF  }
0x1b: {  	[spmem:s2] =	stream.indirect.scatter.add.f32 [tilespmem:s12], [sflag:$0x1], $0x10, s15, s13, $0xb8;
	[tilespmem:$0x5780] =	vst v63  }
0x1c: {  	_ =	swait.ge [sflag:s11], $0x800  }
0x1d: {  	s15 =	simm.s32 $0x200;
	[sflag:s11] =	ssyncset.done $0x0  }
.LBB2_2:
0x1e: {  	s16 =	sshra.s32 s15, $0x2;
	[sflag:s11] =	ssyncadd.s32 $0xFFFFF800;
	p0 =	sne.s32 s15, $0x9C00  }
0x1f: {  	[spmem:s2] =	stream.indirect.scatter.add.f32 [tilespmem:s12], [sflag:$0x1], $0x10, s16, s13, $0xb8;
	[tilespmem:$0x5780] =	vst v63  }
.Ltmp0:
0x20: {  	_ = 	snop;
	(pc) =	sbr.rel @p0 .LBB2_2-.Ltmp0, $4  }
0x21: {  	_ = 	snop  }
0x22: {  	s15 =	sadd.s32 $0x200, s15  }
0x23: {  	_ =	swait.ge [sflag:s11], $0x800  }
0x24: {  	[sflag:s11] =	ssyncset.done $0x0  }
0x25: {  	s14 =	sadd.s32 $0x1, s14  }
0x26: {  	[sflag:s11] =	ssyncadd.s32 $0xFFFFF800;
	p0 =	sne.s32 s14, s9  }
.Ltmp1:
0x27: {  	[bflag:$0x0] =	sbarrier.arrive $0xFFFF;
	(pc) =	sbr.rel @p0 .LBB2_1-.Ltmp1, $4  }
0x28: {  	[hbm:s8], [sflag:s6] =	dma.local [spmem:s10], $0x500  }
0x29: {  	_ =	swait.ge [sflag:s11], $0x500  }
0x2a: {  	[sflag:s11] =	ssyncset.done $0x0  }
0x2b: {  	[sflag:s11] =	ssyncadd.s32 $0xFFFFFB00  }
0x2c: {  	_ =	sfence.sel $0x180000  }
0x2d: {  	[bflag:$0x0] =	sbarrier.arrive $0xFFFF  }
0x2e: {  	p0 =	sne.s32 s0, $0x0;
	_ =	strace $0x90000047  }
0x2f: {  	s0 =	sadd.s32 @!p0 $0x100000, s1;
	[bflag:$0x2] =	sbarrier.arrive $0xFFFF  }
0x30: {  	[sflag:s0] =	ssyncadd.tile.s32 @!p0 $0x1;
	_ =	shalt  }
.Lfunc_end2:
_tile_overlayer_lowered:
.L_overlay_start_2:
0x31: {  	(tag) =	ssettag $0x2  }
0x32: {  	s0 =	rddreg [dreg:$0x0];
	s2 =	stileid.u32  }
0x33: {  	s1 =	rddreg [dreg:$0x1];
	p0 =	sne.s32 s2, $0x0  }
0x34: {  	s3 =	rddreg [dreg:$0x2];
	[bflag:$0x3] =	sbarrier.arrive $0xFFFF;
	s2 =	simm.s32 @!p0 $0x1C01  }
0x35: {  	[timem:s3], [sflag:s2] =	dma.local @!p0 [hbm:s0], s1  }
0x36: {  	s0 =	simm.s32 @!p0 $0x1  }
0x37: {  	_ =	swait.ge @!p0 [sflag:s0], s1  }
0x38: {  	s1 =	ssub.s32 @!p0 $0x0, s1;
	[sflag:s0] =	ssyncset.done @!p0 $0x0  }
0x39: {  	[sflag:s0] =	ssyncadd.s32 @!p0 s1  }
0x3a: {  	[bflag:$0x3] =	sbarrier.arrive $0xFFFF  }
0x3b: {  	_ =	shalt  }

</sc_bundles>
